<compile_context>
chip_gen: v7x
topology: tpu7x:2x2x1
jax: 0.10.2.dev20260603
libtpu: 0.0.44.dev20260713+nightly
codegen_flags: <defaults>
</compile_context>

<pallas_src>
import functools

import jax
import jax.numpy as jnp
from jax import lax
from jax.experimental import pallas as pl
from jax.experimental.pallas import tpu as pltpu
from jax.experimental.pallas import tpu_sc as plsc

_B = 4
_L = 4096
_D = 1024
_NW = 32
_LW = _L // _NW
_CH = 16
_NP = _LW // _CH
_T = _NP * _B
_VPR = _D // 16
_NR = 5
_LA = 3


def _sc_body(x_hbm, pos_hbm, out_hbm,
             xb0, xb1, xb2, xb3, xb4, pb0, pb1, xsem, osem, psem):
    wid = lax.axis_index("s") * 2 + lax.axis_index("c")
    l0 = wid * _LW
    xb = [xb0, xb1, xb2, xb3, xb4]
    pb = [pb0, pb1]

    def rows(t):
        p, b = divmod(t, _B)
        return b * _L + l0 + p * _CH

    x_d, o_d, p_d = {}, {}, {}
    p_d[0] = pltpu.async_copy(pos_hbm.at[pl.ds(l0, _CH)], pb[0], psem)
    for s in range(_LA):
        x_d[s] = pltpu.async_copy(x_hbm.at[pl.ds(rows(s), _CH)], xb[s % _NR], xsem)
    for t in range(_T):
        p, b = divmod(t, _B)
        if b == 0:
            p_d[p].wait()
            if p + 1 < _NP:
                p_d[p + 1] = pltpu.async_copy(
                    pos_hbm.at[pl.ds(l0 + (p + 1) * _CH, _CH)], pb[(p + 1) % 2], psem)
        x_d[t].wait()
        if t >= 2:
            o_d[t - 2].wait()
        if t + _LA < _T:
            x_d[t + _LA] = pltpu.async_copy(
                x_hbm.at[pl.ds(rows(t + _LA), _CH)], xb[(t + _LA) % _NR], xsem)

        xcur, pcur = xb[t % _NR], pb[p % 2]

        @plsc.parallel_loop(0, _CH * _VPR, unroll=8)
        def _(i):
            r = i // _VPR
            c = (i % _VPR) * 16
            plsc.addupdate(xcur.at[r, pl.ds(c, 16)], pcur[r, pl.ds(c, 16)])

        o_d[t] = pltpu.async_copy(xcur, out_hbm.at[pl.ds(rows(t), _CH)], osem)
    o_d[_T - 2].wait()
    o_d[_T - 1].wait()


def _sc_add(xf, posf):
    mesh = plsc.VectorSubcoreMesh(core_axis_name="c", subcore_axis_name="s")
    k = functools.partial(
        pl.kernel,
        mesh=mesh,
        out_type=jax.ShapeDtypeStruct((_B * _L, _D), jnp.float32),
        scratch_types=[
            pltpu.VMEM((_CH, _D), jnp.float32),
            pltpu.VMEM((_CH, _D), jnp.float32),
            pltpu.VMEM((_CH, _D), jnp.float32),
            pltpu.VMEM((_CH, _D), jnp.float32),
            pltpu.VMEM((_CH, _D), jnp.float32),
            pltpu.VMEM((_CH, _D), jnp.float32),
            pltpu.VMEM((_CH, _D), jnp.float32),
            pltpu.SemaphoreType.DMA,
            pltpu.SemaphoreType.DMA,
            pltpu.SemaphoreType.DMA,
        ],
    )(_sc_body)
    return k(xf, posf)


def kernel(x, pos_table):
    b, seq_len, d = x.shape
    out = _sc_add(x.reshape(b * seq_len, d), pos_table)
    return out.reshape(b, seq_len, d)

# --- scband reference (transcript-rebuilt; emitter-appended) ---
"""Pipeline reference for scband-outer-position-embedding-24627342475328 (READ-ONLY COPY).

The authoritative reference and input builder live on the scoring server;
editing this copy changes nothing except your own understanding.
"""

import jax, jax.numpy as jnp
import numpy as np

MAXLEN = 4096
EMBED_DIM = 1024

def setup_inputs(seed: int = 0) -> dict:
    key = jax.random.key(seed)
    k1, k2 = jax.random.split(key)
    x = jax.random.normal(k1, (4, 4096, EMBED_DIM), dtype=jnp.float32)
    # Keras Embedding default init: uniform(-0.05, 0.05)
    pos_table = jax.random.uniform(k2, (MAXLEN, EMBED_DIM), dtype=jnp.float32, minval=-0.05, maxval=0.05)
    return {"x": x, "pos_table": pos_table}

def reference(x, pos_table):
    seq_len = x.shape[1]
    positions = jnp.arange(0, seq_len, dtype=jnp.int32)
    pos_emb = jnp.take(pos_table, positions, axis=0)  # [L, D]
    return x + pos_emb[None, :, :]

if __name__ == "__main__":
    import jax
    _d = setup_inputs()
    print(jax.jit(kernel)(*tuple(_d.values())))

</pallas_src>

<mosaic_0001>
#map = affine_map<(d0, d1) -> (0, 0)>
module attributes {stable_mosaic.version = 14 : i64} {
  func.func @_sc_body(%arg0: i32, %arg1: i32, %arg2: memref<16384x1024xf32, #tpu.memory_space<hbm>>, %arg3: memref<4096x1024xf32, #tpu.memory_space<hbm>>, %arg4: memref<16384x1024xf32, #tpu.memory_space<hbm>>, %arg5: memref<16x1024xf32, #tpu.memory_space<vmem>>, %arg6: memref<16x1024xf32, #tpu.memory_space<vmem>>, %arg7: memref<16x1024xf32, #tpu.memory_space<vmem>>, %arg8: memref<16x1024xf32, #tpu.memory_space<vmem>>, %arg9: memref<16x1024xf32, #tpu.memory_space<vmem>>, %arg10: memref<16x1024xf32, #tpu.memory_space<vmem>>, %arg11: memref<16x1024xf32, #tpu.memory_space<vmem>>, %arg12: memref<!tpu.dma_semaphore, #tpu.memory_space<semaphore_mem>>, %arg13: memref<!tpu.dma_semaphore, #tpu.memory_space<semaphore_mem>>, %arg14: memref<!tpu.dma_semaphore, #tpu.memory_space<semaphore_mem>>) attributes {dimension_semantics = [#tpu.dimension_semantics<core_parallel>, #tpu.dimension_semantics<subcore_parallel>], iteration_bounds = array<i64: 2, 16>, scalar_prefetch = 0 : i64, scratch_operands = 10 : i64, tpu.core_type = #tpu.core_type<sc_vector_subcore>, window_params = [{transform_indices = #map}, {transform_indices = #map}, {transform_indices = #map}]} {
    %mul3A = arith.constant 2 : i32
    %mul3A_0 = arith.muli %arg1, %mul3A : i32
    %add3A = arith.addi %mul3A_0, %arg0 : i32
    %mul3A_1 = arith.constant 128 : i32
    %mul3A_2 = arith.muli %add3A, %mul3A_1 : i32
    %dma_start3A = arith.constant 0 : i32
    %dma_start3A_3 = tpu.memref_slice %arg3[%mul3A_2, %dma_start3A] : memref<4096x1024xf32, #tpu.memory_space<hbm>> -> memref<16x1024xf32, #tpu.memory_space<hbm>>
    %dma_start3A_4 = arith.constant 0 : i32
    %dma_start3A_5 = tpu.memref_slice %arg3[%mul3A_2, %dma_start3A_4] : memref<4096x1024xf32, #tpu.memory_space<hbm>> -> memref<16x1024xf32, #tpu.memory_space<hbm>>
    tpu.enqueue_dma source(%dma_start3A_5 : memref<16x1024xf32, #tpu.memory_space<hbm>>) target(%arg10 : memref<16x1024xf32, #tpu.memory_space<vmem>>) target_semaphore(%arg14 : memref<!tpu.dma_semaphore, #tpu.memory_space<semaphore_mem>>)
    %add3A_6 = arith.constant 0 : i32
    %add3A_7 = arith.addi %add3A_6, %mul3A_2 : i32
    %add3A_8 = arith.constant 0 : i32
    %add3A_9 = arith.addi %add3A_7, %add3A_8 : i32
    %dma_start3A_10 = arith.constant 0 : i32
    %dma_start3A_11 = tpu.memref_slice %arg2[%add3A_9, %dma_start3A_10] : memref<16384x1024xf32, #tpu.memory_space<hbm>> -> memref<16x1024xf32, #tpu.memory_space<hbm>>
    %dma_start3A_12 = arith.constant 0 : i32
    %dma_start3A_13 = tpu.memref_slice %arg2[%add3A_9, %dma_start3A_12] : memref<16384x1024xf32, #tpu.memory_space<hbm>> -> memref<16x1024xf32, #tpu.memory_space<hbm>>
    tpu.enqueue_dma source(%dma_start3A_13 : memref<16x1024xf32, #tpu.memory_space<hbm>>) target(%arg5 : memref<16x1024xf32, #tpu.memory_space<vmem>>) target_semaphore(%arg12 : memref<!tpu.dma_semaphore, #tpu.memory_space<semaphore_mem>>)
    %add3A_14 = arith.constant 4096 : i32
    %add3A_15 = arith.addi %add3A_14, %mul3A_2 : i32
    %add3A_16 = arith.constant 0 : i32
    %add3A_17 = arith.addi %add3A_15, %add3A_16 : i32
    %dma_start3A_18 = arith.constant 0 : i32
    %dma_start3A_19 = tpu.memref_slice %arg2[%add3A_17, %dma_start3A_18] : memref<16384x1024xf32, #tpu.memory_space<hbm>> -> memref<16x1024xf32, #tpu.memory_space<hbm>>
    %dma_start3A_20 = arith.constant 0 : i32
    %dma_start3A_21 = tpu.memref_slice %arg2[%add3A_17, %dma_start3A_20] : memref<16384x1024xf32, #tpu.memory_space<hbm>> -> memref<16x1024xf32, #tpu.memory_space<hbm>>
    tpu.enqueue_dma source(%dma_start3A_21 : memref<16x1024xf32, #tpu.memory_space<hbm>>) target(%arg6 : memref<16x1024xf32, #tpu.memory_space<vmem>>) target_semaphore(%arg12 : memref<!tpu.dma_semaphore, #tpu.memory_space<semaphore_mem>>)
    %add3A_22 = arith.constant 8192 : i32
    %add3A_23 = arith.addi %add3A_22, %mul3A_2 : i32
    %add3A_24 = arith.constant 0 : i32
    %add3A_25 = arith.addi %add3A_23, %add3A_24 : i32
    %dma_start3A_26 = arith.constant 0 : i32
    %dma_start3A_27 = tpu.memref_slice %arg2[%add3A_25, %dma_start3A_26] : memref<16384x1024xf32, #tpu.memory_space<hbm>> -> memref<16x1024xf32, #tpu.memory_space<hbm>>
    %dma_start3A_28 = arith.constant 0 : i32
    %dma_start3A_29 = tpu.memref_slice %arg2[%add3A_25, %dma_start3A_28] : memref<16384x1024xf32, #tpu.memory_space<hbm>> -> memref<16x1024xf32, #tpu.memory_space<hbm>>
    tpu.enqueue_dma source(%dma_start3A_29 : memref<16x1024xf32, #tpu.memory_space<hbm>>) target(%arg7 : memref<16x1024xf32, #tpu.memory_space<vmem>>) target_semaphore(%arg12 : memref<!tpu.dma_semaphore, #tpu.memory_space<semaphore_mem>>)
    %dma_wait3A = arith.constant 0 : i32
    %dma_wait3A_30 = tpu.memref_slice %arg3[%mul3A_2, %dma_wait3A] : memref<4096x1024xf32, #tpu.memory_space<hbm>> -> memref<16x1024xf32, #tpu.memory_space<hbm>>
    %dma_wait3A_31 = arith.constant 0 : i32
    %dma_wait3A_32 = tpu.memref_slice %arg3[%mul3A_2, %dma_wait3A_31] : memref<4096x1024xf32, #tpu.memory_space<hbm>> -> memref<16x1024xf32, #tpu.memory_space<hbm>>
    tpu.wait_dma2 semaphore(%arg14 : memref<!tpu.dma_semaphore, #tpu.memory_space<semaphore_mem>>) src(%dma_wait3A_32 : memref<16x1024xf32, #tpu.memory_space<hbm>>) dst(%arg10 : memref<16x1024xf32, #tpu.memory_space<vmem>>)
    %add3A_33 = arith.constant 16 : i32
    %add3A_34 = arith.addi %mul3A_2, %add3A_33 : i32
    %dma_start3A_35 = arith.constant 0 : i32
    %dma_start3A_36 = tpu.memref_slice %arg3[%add3A_34, %dma_start3A_35] : memref<4096x1024xf32, #tpu.memory_space<hbm>> -> memref<16x1024xf32, #tpu.memory_space<hbm>>
    %dma_start3A_37 = arith.constant 0 : i32
    %dma_start3A_38 = tpu.memref_slice %arg3[%add3A_34, %dma_start3A_37] : memref<4096x1024xf32, #tpu.memory_space<hbm>> -> memref<16x1024xf32, #tpu.memory_space<hbm>>
    tpu.enqueue_dma source(%dma_start3A_38 : memref<16x1024xf32, #tpu.memory_space<hbm>>) target(%arg11 : memref<16x1024xf32, #tpu.memory_space<vmem>>) target_semaphore(%arg14 : memref<!tpu.dma_semaphore, #tpu.memory_space<semaphore_mem>>)
    %dma_wait3A_39 = arith.constant 0 : i32
    %dma_wait3A_40 = tpu.memref_slice %arg2[%add3A_9, %dma_wait3A_39] : memref<16384x1024xf32, #tpu.memory_space<hbm>> -> memref<16x1024xf32, #tpu.memory_space<hbm>>
    %dma_wait3A_41 = arith.constant 0 : i32
    %dma_wait3A_42 = tpu.memref_slice %arg2[%add3A_9, %dma_wait3A_41] : memref<16384x1024xf32, #tpu.memory_space<hbm>> -> memref<16x1024xf32, #tpu.memory_space<hbm>>
    tpu.wait_dma2 semaphore(%arg12 : memref<!tpu.dma_semaphore, #tpu.memory_space<semaphore_mem>>) src(%dma_wait3A_42 : memref<16x1024xf32, #tpu.memory_space<hbm>>) dst(%arg5 : memref<16x1024xf32, #tpu.memory_space<vmem>>)
    %add3A_43 = arith.constant 12288 : i32
    %add3A_44 = arith.addi %add3A_43, %mul3A_2 : i32
    %add3A_45 = arith.constant 0 : i32
    %add3A_46 = arith.addi %add3A_44, %add3A_45 : i32
    %dma_start3A_47 = arith.constant 0 : i32
    %dma_start3A_48 = tpu.memref_slice %arg2[%add3A_46, %dma_start3A_47] : memref<16384x1024xf32, #tpu.memory_space<hbm>> -> memref<16x1024xf32, #tpu.memory_space<hbm>>
    %dma_start3A_49 = arith.constant 0 : i32
    %dma_start3A_50 = tpu.memref_slice %arg2[%add3A_46, %dma_start3A_49] : memref<16384x1024xf32, #tpu.memory_space<hbm>> -> memref<16x1024xf32, #tpu.memory_space<hbm>>
    tpu.enqueue_dma source(%dma_start3A_50 : memref<16x1024xf32, #tpu.memory_space<hbm>>) target(%arg8 : memref<16x1024xf32, #tpu.memory_space<vmem>>) target_semaphore(%arg12 : memref<!tpu.dma_semaphore, #tpu.memory_space<semaphore_mem>>)
    %parallel_loop3A = arith.constant 0 : i32
    %parallel_loop3A_51 = arith.constant 1024 : i32
    %parallel_loop3A_52 = arith.constant 1 : i32
    scf.for %parallel_loop3A_942 = %parallel_loop3A to %parallel_loop3A_51 step %parallel_loop3A_52  : i32 {
      %parallel_loop3A_943 = arith.constant 64 : i32
      %parallel_loop3A_944 = arith.divsi %parallel_loop3A_942, %parallel_loop3A_943 : i32
      %parallel_loop3A_945 = arith.constant 0 : i32
      %parallel_loop3A_946 = arith.cmpi sgt, %parallel_loop3A_942, %parallel_loop3A_945 : i32
      %parallel_loop3A_947 = arith.extui %parallel_loop3A_946 : i1 to i32
      %parallel_loop3A_948 = arith.constant 0 : i32
      %parallel_loop3A_949 = arith.cmpi slt, %parallel_loop3A_942, %parallel_loop3A_948 : i32
      %parallel_loop3A_950 = arith.extui %parallel_loop3A_949 : i1 to i32
      %parallel_loop3A_951 = arith.subi %parallel_loop3A_947, %parallel_loop3A_950 : i32
      %parallel_loop3A_952 = arith.constant 0 : i32
      %parallel_loop3A_953 = arith.cmpi sgt, %parallel_loop3A_943, %parallel_loop3A_952 : i32
      %parallel_loop3A_954 = arith.extui %parallel_loop3A_953 : i1 to i32
      %parallel_loop3A_955 = arith.constant 0 : i32
      %parallel_loop3A_956 = arith.cmpi slt, %parallel_loop3A_943, %parallel_loop3A_955 : i32
      %parallel_loop3A_957 = arith.extui %parallel_loop3A_956 : i1 to i32
      %parallel_loop3A_958 = arith.subi %parallel_loop3A_954, %parallel_loop3A_957 : i32
      %parallel_loop3A_959 = arith.cmpi ne, %parallel_loop3A_951, %parallel_loop3A_958 : i32
      %parallel_loop3A_960 = arith.remsi %parallel_loop3A_942, %parallel_loop3A_943 : i32
      %parallel_loop3A_961 = arith.constant 0 : i32
      %parallel_loop3A_962 = arith.cmpi ne, %parallel_loop3A_960, %parallel_loop3A_961 : i32
      %parallel_loop3A_963 = arith.andi %parallel_loop3A_959, %parallel_loop3A_962 : i1
      %parallel_loop3A_964 = arith.constant 1 : i32
      %parallel_loop3A_965 = arith.subi %parallel_loop3A_944, %parallel_loop3A_964 : i32
      %parallel_loop3A_966 = arith.select %parallel_loop3A_963, %parallel_loop3A_965, %parallel_loop3A_944 : i32
      %parallel_loop3A_967 = arith.constant 64 : i32
      %parallel_loop3A_968 = arith.constant 0 : i32
      %parallel_loop3A_969 = arith.cmpi eq, %parallel_loop3A_967, %parallel_loop3A_968 : i32
      %parallel_loop3A_970 = arith.constant 1 : i32
      %parallel_loop3A_971 = arith.select %parallel_loop3A_969, %parallel_loop3A_970, %parallel_loop3A_967 : i32
      %parallel_loop3A_972 = arith.remsi %parallel_loop3A_942, %parallel_loop3A_971 : i32
      %parallel_loop3A_973 = arith.constant 0 : i32
      %parallel_loop3A_974 = arith.cmpi ne, %parallel_loop3A_972, %parallel_loop3A_973 : i32
      %parallel_loop3A_975 = arith.constant 0 : i32
      %parallel_loop3A_976 = arith.cmpi slt, %parallel_loop3A_972, %parallel_loop3A_975 : i32
      %parallel_loop3A_977 = arith.constant 0 : i32
      %parallel_loop3A_978 = arith.cmpi slt, %parallel_loop3A_971, %parallel_loop3A_977 : i32
      %parallel_loop3A_979 = arith.xori %parallel_loop3A_976, %parallel_loop3A_978 : i1
      %parallel_loop3A_980 = arith.andi %parallel_loop3A_979, %parallel_loop3A_974 : i1
      %parallel_loop3A_981 = arith.addi %parallel_loop3A_972, %parallel_loop3A_971 : i32
      %parallel_loop3A_982 = arith.select %parallel_loop3A_980, %parallel_loop3A_981, %parallel_loop3A_972 : i32
      %parallel_loop3A_983 = arith.constant 16 : i32
      %parallel_loop3A_984 = arith.muli %parallel_loop3A_982, %parallel_loop3A_983 : i32
      %parallel_loop3A_985 = arith.index_cast %parallel_loop3A_966 : i32 to index
      %parallel_loop3A_986 = arith.index_cast %parallel_loop3A_984 : i32 to index
      %parallel_loop3A_987 = tpu.vector_load %arg10[%parallel_loop3A_985, %parallel_loop3A_986] {strides = array<i32>} : memref<16x1024xf32, #tpu.memory_space<vmem>>, vector<1x16xf32>,
      %parallel_loop3A_988 = vector.shape_cast %parallel_loop3A_987 : vector<1x16xf32> to vector<16xf32>
      %parallel_loop3A_989 = arith.index_cast %parallel_loop3A_966 : i32 to index
      %parallel_loop3A_990 = arith.index_cast %parallel_loop3A_984 : i32 to index
      %parallel_loop3A_991 = tpu.vector_load %arg5[%parallel_loop3A_989, %parallel_loop3A_990] {strides = array<i32>} : memref<16x1024xf32, #tpu.memory_space<vmem>>, vector<1x16xf32>,
      %parallel_loop3A_992 = vector.shape_cast %parallel_loop3A_991 : vector<1x16xf32> to vector<16xf32>
      %parallel_loop3A_993 = vector.shape_cast %parallel_loop3A_988 : vector<16xf32> to vector<1x16xf32>
      tpu.vector_store %arg5[%parallel_loop3A_989, %parallel_loop3A_990], %parallel_loop3A_993 {add = true, strides = array<i32>} : memref<16x1024xf32, #tpu.memory_space<vmem>>, vector<1x16xf32>,
    } {sc.loop_unroll_factor = 8 : i64, sc.parallel_access}
    %add3A_53 = arith.constant 0 : i32
    %add3A_54 = arith.addi %add3A_53, %mul3A_2 : i32
    %add3A_55 = arith.constant 0 : i32
    %add3A_56 = arith.addi %add3A_54, %add3A_55 : i32
    %dma_start3A_57 = arith.constant 0 : i32
    %dma_start3A_58 = tpu.memref_slice %arg4[%add3A_56, %dma_start3A_57] : memref<16384x1024xf32, #tpu.memory_space<hbm>> -> memref<16x1024xf32, #tpu.memory_space<hbm>>
    %dma_start3A_59 = arith.constant 0 : i32
    %dma_start3A_60 = tpu.memref_slice %arg4[%add3A_56, %dma_start3A_59] : memref<16384x1024xf32, #tpu.memory_space<hbm>> -> memref<16x1024xf32, #tpu.memory_space<hbm>>
    tpu.enqueue_dma source(%arg5 : memref<16x1024xf32, #tpu.memory_space<vmem>>) target(%dma_start3A_60 : memref<16x1024xf32, #tpu.memory_space<hbm>>) target_semaphore(%arg13 : memref<!tpu.dma_semaphore, #tpu.memory_space<semaphore_mem>>)
    %dma_wait3A_61 = arith.constant 0 : i32
    %dma_wait3A_62 = tpu.memref_slice %arg2[%add3A_17, %dma_wait3A_61] : memref<16384x1024xf32, #tpu.memory_space<hbm>> -> memref<16x1024xf32, #tpu.memory_space<hbm>>
    %dma_wait3A_63 = arith.constant 0 : i32
    %dma_wait3A_64 = tpu.memref_slice %arg2[%add3A_17, %dma_wait3A_63] : memref<16384x1024xf32, #tpu.memory_space<hbm>> -> memref<16x1024xf32, #tpu.memory_space<hbm>>
    tpu.wait_dma2 semaphore(%arg12 : memref<!tpu.dma_semaphore, #tpu.memory_space<semaphore_mem>>) src(%dma_wait3A_64 : memref<16x1024xf32, #tpu.memory_space<hbm>>) dst(%arg6 : memref<16x1024xf32, #tpu.memory_space<vmem>>)
    %add3A_65 = arith.constant 0 : i32
    %add3A_66 = arith.addi %add3A_65, %mul3A_2 : i32
    %add3A_67 = arith.constant 16 : i32
    %add3A_68 = arith.addi %add3A_66, %add3A_67 : i32
    %dma_start3A_69 = arith.constant 0 : i32
    %dma_start3A_70 = tpu.memref_slice %arg2[%add3A_68, %dma_start3A_69] : memref<16384x1024xf32, #tpu.memory_space<hbm>> -> memref<16x1024xf32, #tpu.memory_space<hbm>>
    %dma_start3A_71 = arith.constant 0 : i32
    %dma_start3A_72 = tpu.memref_slice %arg2[%add3A_68, %dma_start3A_71] : memref<16384x1024xf32, #tpu.memory_space<hbm>> -> memref<16x1024xf32, #tpu.memory_space<hbm>>
    tpu.enqueue_dma source(%dma_start3A_72 : memref<16x1024xf32, #tpu.memory_space<hbm>>) target(%arg9 : memref<16x1024xf32, #tpu.memory_space<vmem>>) target_semaphore(%arg12 : memref<!tpu.dma_semaphore, #tpu.memory_space<semaphore_mem>>)
    %parallel_loop3A_73 = arith.constant 0 : i32
    %parallel_loop3A_74 = arith.constant 1024 : i32
    %parallel_loop3A_75 = arith.constant 1 : i32
    scf.for %parallel_loop3A_942 = %parallel_loop3A_73 to %parallel_loop3A_74 step %parallel_loop3A_75  : i32 {
      %parallel_loop3A_943 = arith.constant 64 : i32
      %parallel_loop3A_944 = arith.divsi %parallel_loop3A_942, %parallel_loop3A_943 : i32
      %parallel_loop3A_945 = arith.constant 0 : i32
      %parallel_loop3A_946 = arith.cmpi sgt, %parallel_loop3A_942, %parallel_loop3A_945 : i32
      %parallel_loop3A_947 = arith.extui %parallel_loop3A_946 : i1 to i32
      %parallel_loop3A_948 = arith.constant 0 : i32
      %parallel_loop3A_949 = arith.cmpi slt, %parallel_loop3A_942, %parallel_loop3A_948 : i32
      %parallel_loop3A_950 = arith.extui %parallel_loop3A_949 : i1 to i32
      %parallel_loop3A_951 = arith.subi %parallel_loop3A_947, %parallel_loop3A_950 : i32
      %parallel_loop3A_952 = arith.constant 0 : i32
      %parallel_loop3A_953 = arith.cmpi sgt, %parallel_loop3A_943, %parallel_loop3A_952 : i32
      %parallel_loop3A_954 = arith.extui %parallel_loop3A_953 : i1 to i32
      %parallel_loop3A_955 = arith.constant 0 : i32
      %parallel_loop3A_956 = arith.cmpi slt, %parallel_loop3A_943, %parallel_loop3A_955 : i32
      %parallel_loop3A_957 = arith.extui %parallel_loop3A_956 : i1 to i32
      %parallel_loop3A_958 = arith.subi %parallel_loop3A_954, %parallel_loop3A_957 : i32
      %parallel_loop3A_959 = arith.cmpi ne, %parallel_loop3A_951, %parallel_loop3A_958 : i32
      %parallel_loop3A_960 = arith.remsi %parallel_loop3A_942, %parallel_loop3A_943 : i32
      %parallel_loop3A_961 = arith.constant 0 : i32
      %parallel_loop3A_962 = arith.cmpi ne, %parallel_loop3A_960, %parallel_loop3A_961 : i32
      %parallel_loop3A_963 = arith.andi %parallel_loop3A_959, %parallel_loop3A_962 : i1
      %parallel_loop3A_964 = arith.constant 1 : i32
      %parallel_loop3A_965 = arith.subi %parallel_loop3A_944, %parallel_loop3A_964 : i32
      %parallel_loop3A_966 = arith.select %parallel_loop3A_963, %parallel_loop3A_965, %parallel_loop3A_944 : i32
      %parallel_loop3A_967 = arith.constant 64 : i32
      %parallel_loop3A_968 = arith.constant 0 : i32
      %parallel_loop3A_969 = arith.cmpi eq, %parallel_loop3A_967, %parallel_loop3A_968 : i32
      %parallel_loop3A_970 = arith.constant 1 : i32
      %parallel_loop3A_971 = arith.select %parallel_loop3A_969, %parallel_loop3A_970, %parallel_loop3A_967 : i32
      %parallel_loop3A_972 = arith.remsi %parallel_loop3A_942, %parallel_loop3A_971 : i32
      %parallel_loop3A_973 = arith.constant 0 : i32
      %parallel_loop3A_974 = arith.cmpi ne, %parallel_loop3A_972, %parallel_loop3A_973 : i32
      %parallel_loop3A_975 = arith.constant 0 : i32
      %parallel_loop3A_976 = arith.cmpi slt, %parallel_loop3A_972, %parallel_loop3A_975 : i32
      %parallel_loop3A_977 = arith.constant 0 : i32
      %parallel_loop3A_978 = arith.cmpi slt, %parallel_loop3A_971, %parallel_loop3A_977 : i32
      %parallel_loop3A_979 = arith.xori %parallel_loop3A_976, %parallel_loop3A_978 : i1
      %parallel_loop3A_980 = arith.andi %parallel_loop3A_979, %parallel_loop3A_974 : i1
      %parallel_loop3A_981 = arith.addi %parallel_loop3A_972, %parallel_loop3A_971 : i32
      %parallel_loop3A_982 = arith.select %parallel_loop3A_980, %parallel_loop3A_981, %parallel_loop3A_972 : i32
      %parallel_loop3A_983 = arith.constant 16 : i32
      %parallel_loop3A_984 = arith.muli %parallel_loop3A_982, %parallel_loop3A_983 : i32
      %parallel_loop3A_985 = arith.index_cast %parallel_loop3A_966 : i32 to index
      %parallel_loop3A_986 = arith.index_cast %parallel_loop3A_984 : i32 to index
      %parallel_loop3A_987 = tpu.vector_load %arg10[%parallel_loop3A_985, %parallel_loop3A_986] {strides = array<i32>} : memref<16x1024xf32, #tpu.memory_space<vmem>>, vector<1x16xf32>,
      %parallel_loop3A_988 = vector.shape_cast %parallel_loop3A_987 : vector<1x16xf32> to vector<16xf32>
      %parallel_loop3A_989 = arith.index_cast %parallel_loop3A_966 : i32 to index
      %parallel_loop3A_990 = arith.index_cast %parallel_loop3A_984 : i32 to index
      %parallel_loop3A_991 = tpu.vector_load %arg6[%parallel_loop3A_989, %parallel_loop3A_990] {strides = array<i32>} : memref<16x1024xf32, #tpu.memory_space<vmem>>, vector<1x16xf32>,
      %parallel_loop3A_992 = vector.shape_cast %parallel_loop3A_991 : vector<1x16xf32> to vector<16xf32>
      %parallel_loop3A_993 = vector.shape_cast %parallel_loop3A_988 : vector<16xf32> to vector<1x16xf32>
      tpu.vector_store %arg6[%parallel_loop3A_989, %parallel_loop3A_990], %parallel_loop3A_993 {add = true, strides = array<i32>} : memref<16x1024xf32, #tpu.memory_space<vmem>>, vector<1x16xf32>,
    } {sc.loop_unroll_factor = 8 : i64, sc.parallel_access}
    %add3A_76 = arith.constant 4096 : i32
    %add3A_77 = arith.addi %add3A_76, %mul3A_2 : i32
    %add3A_78 = arith.constant 0 : i32
    %add3A_79 = arith.addi %add3A_77, %add3A_78 : i32
    %dma_start3A_80 = arith.constant 0 : i32
    %dma_start3A_81 = tpu.memref_slice %arg4[%add3A_79, %dma_start3A_80] : memref<16384x1024xf32, #tpu.memory_space<hbm>> -> memref<16x1024xf32, #tpu.memory_space<hbm>>
    %dma_start3A_82 = arith.constant 0 : i32
    %dma_start3A_83 = tpu.memref_slice %arg4[%add3A_79, %dma_start3A_82] : memref<16384x1024xf32, #tpu.memory_space<hbm>> -> memref<16x1024xf32, #tpu.memory_space<hbm>>
    tpu.enqueue_dma source(%arg6 : memref<16x1024xf32, #tpu.memory_space<vmem>>) target(%dma_start3A_83 : memref<16x1024xf32, #tpu.memory_space<hbm>>) target_semaphore(%arg13 : memref<!tpu.dma_semaphore, #tpu.memory_space<semaphore_mem>>)
    %dma_wait3A_84 = arith.constant 0 : i32
    %dma_wait3A_85 = tpu.memref_slice %arg2[%add3A_25, %dma_wait3A_84] : memref<16384x1024xf32, #tpu.memory_space<hbm>> -> memref<16x1024xf32, #tpu.memory_space<hbm>>
    %dma_wait3A_86 = arith.constant 0 : i32
    %dma_wait3A_87 = tpu.memref_slice %arg2[%add3A_25, %dma_wait3A_86] : memref<16384x1024xf32, #tpu.memory_space<hbm>> -> memref<16x1024xf32, #tpu.memory_space<hbm>>
    tpu.wait_dma2 semaphore(%arg12 : memref<!tpu.dma_semaphore, #tpu.memory_space<semaphore_mem>>) src(%dma_wait3A_87 : memref<16x1024xf32, #tpu.memory_space<hbm>>) dst(%arg7 : memref<16x1024xf32, #tpu.memory_space<vmem>>)
    %dma_wait3A_88 = arith.constant 0 : i32
    %dma_wait3A_89 = tpu.memref_slice %arg4[%add3A_56, %dma_wait3A_88] : memref<16384x1024xf32, #tpu.memory_space<hbm>> -> memref<16x1024xf32, #tpu.memory_space<hbm>>
    %dma_wait3A_90 = arith.constant 0 : i32
    %dma_wait3A_91 = tpu.memref_slice %arg4[%add3A_56, %dma_wait3A_90] : memref<16384x1024xf32, #tpu.memory_space<hbm>> -> memref<16x1024xf32, #tpu.memory_space<hbm>>
    tpu.wait_dma2 semaphore(%arg13 : memref<!tpu.dma_semaphore, #tpu.memory_space<semaphore_mem>>) src(%arg5 : memref<16x1024xf32, #tpu.memory_space<vmem>>) dst(%dma_wait3A_91 : memref<16x1024xf32, #tpu.memory_space<hbm>>)
    %add3A_92 = arith.constant 4096 : i32
    %add3A_93 = arith.addi %add3A_92, %mul3A_2 : i32
    %add3A_94 = arith.constant 16 : i32
    %add3A_95 = arith.addi %add3A_93, %add3A_94 : i32
    %dma_start3A_96 = arith.constant 0 : i32
    %dma_start3A_97 = tpu.memref_slice %arg2[%add3A_95, %dma_start3A_96] : memref<16384x1024xf32, #tpu.memory_space<hbm>> -> memref<16x1024xf32, #tpu.memory_space<hbm>>
    %dma_start3A_98 = arith.constant 0 : i32
    %dma_start3A_99 = tpu.memref_slice %arg2[%add3A_95, %dma_start3A_98] : memref<16384x1024xf32, #tpu.memory_space<hbm>> -> memref<16x1024xf32, #tpu.memory_space<hbm>>
    tpu.enqueue_dma source(%dma_start3A_99 : memref<16x1024xf32, #tpu.memory_space<hbm>>) target(%arg5 : memref<16x1024xf32, #tpu.memory_space<vmem>>) target_semaphore(%arg12 : memref<!tpu.dma_semaphore, #tpu.memory_space<semaphore_mem>>)
    %parallel_loop3A_100 = arith.constant 0 : i32
    %parallel_loop3A_101 = arith.constant 1024 : i32
    %parallel_loop3A_102 = arith.constant 1 : i32
    scf.for %parallel_loop3A_942 = %parallel_loop3A_100 to %parallel_loop3A_101 step %parallel_loop3A_102  : i32 {
      %parallel_loop3A_943 = arith.constant 64 : i32
      %parallel_loop3A_944 = arith.divsi %parallel_loop3A_942, %parallel_loop3A_943 : i32
      %parallel_loop3A_945 = arith.constant 0 : i32
      %parallel_loop3A_946 = arith.cmpi sgt, %parallel_loop3A_942, %parallel_loop3A_945 : i32
      %parallel_loop3A_947 = arith.extui %parallel_loop3A_946 : i1 to i32
      %parallel_loop3A_948 = arith.constant 0 : i32
      %parallel_loop3A_949 = arith.cmpi slt, %parallel_loop3A_942, %parallel_loop3A_948 : i32
      %parallel_loop3A_950 = arith.extui %parallel_loop3A_949 : i1 to i32
      %parallel_loop3A_951 = arith.subi %parallel_loop3A_947, %parallel_loop3A_950 : i32
      %parallel_loop3A_952 = arith.constant 0 : i32
      %parallel_loop3A_953 = arith.cmpi sgt, %parallel_loop3A_943, %parallel_loop3A_952 : i32
      %parallel_loop3A_954 = arith.extui %parallel_loop3A_953 : i1 to i32
      %parallel_loop3A_955 = arith.constant 0 : i32
      %parallel_loop3A_956 = arith.cmpi slt, %parallel_loop3A_943, %parallel_loop3A_955 : i32
      %parallel_loop3A_957 = arith.extui %parallel_loop3A_956 : i1 to i32
      %parallel_loop3A_958 = arith.subi %parallel_loop3A_954, %parallel_loop3A_957 : i32
      %parallel_loop3A_959 = arith.cmpi ne, %parallel_loop3A_951, %parallel_loop3A_958 : i32
      %parallel_loop3A_960 = arith.remsi %parallel_loop3A_942, %parallel_loop3A_943 : i32
      %parallel_loop3A_961 = arith.constant 0 : i32
      %parallel_loop3A_962 = arith.cmpi ne, %parallel_loop3A_960, %parallel_loop3A_961 : i32
      %parallel_loop3A_963 = arith.andi %parallel_loop3A_959, %parallel_loop3A_962 : i1
      %parallel_loop3A_964 = arith.constant 1 : i32
      %parallel_loop3A_965 = arith.subi %parallel_loop3A_944, %parallel_loop3A_964 : i32
      %parallel_loop3A_966 = arith.select %parallel_loop3A_963, %parallel_loop3A_965, %parallel_loop3A_944 : i32
      %parallel_loop3A_967 = arith.constant 64 : i32
      %parallel_loop3A_968 = arith.constant 0 : i32
      %parallel_loop3A_969 = arith.cmpi eq, %parallel_loop3A_967, %parallel_loop3A_968 : i32
      %parallel_loop3A_970 = arith.constant 1 : i32
      %parallel_loop3A_971 = arith.select %parallel_loop3A_969, %parallel_loop3A_970, %parallel_loop3A_967 : i32
      %parallel_loop3A_972 = arith.remsi %parallel_loop3A_942, %parallel_loop3A_971 : i32
      %parallel_loop3A_973 = arith.constant 0 : i32
      %parallel_loop3A_974 = arith.cmpi ne, %parallel_loop3A_972, %parallel_loop3A_973 : i32
      %parallel_loop3A_975 = arith.constant 0 : i32
      %parallel_loop3A_976 = arith.cmpi slt, %parallel_loop3A_972, %parallel_loop3A_975 : i32
      %parallel_loop3A_977 = arith.constant 0 : i32
      %parallel_loop3A_978 = arith.cmpi slt, %parallel_loop3A_971, %parallel_loop3A_977 : i32
      %parallel_loop3A_979 = arith.xori %parallel_loop3A_976, %parallel_loop3A_978 : i1
      %parallel_loop3A_980 = arith.andi %parallel_loop3A_979, %parallel_loop3A_974 : i1
      %parallel_loop3A_981 = arith.addi %parallel_loop3A_972, %parallel_loop3A_971 : i32
      %parallel_loop3A_982 = arith.select %parallel_loop3A_980, %parallel_loop3A_981, %parallel_loop3A_972 : i32
      %parallel_loop3A_983 = arith.constant 16 : i32
      %parallel_loop3A_984 = arith.muli %parallel_loop3A_982, %parallel_loop3A_983 : i32
      %parallel_loop3A_985 = arith.index_cast %parallel_loop3A_966 : i32 to index
      %parallel_loop3A_986 = arith.index_cast %parallel_loop3A_984 : i32 to index
      %parallel_loop3A_987 = tpu.vector_load %arg10[%parallel_loop3A_985, %parallel_loop3A_986] {strides = array<i32>} : memref<16x1024xf32, #tpu.memory_space<vmem>>, vector<1x16xf32>,
      %parallel_loop3A_988 = vector.shape_cast %parallel_loop3A_987 : vector<1x16xf32> to vector<16xf32>
      %parallel_loop3A_989 = arith.index_cast %parallel_loop3A_966 : i32 to index
      %parallel_loop3A_990 = arith.index_cast %parallel_loop3A_984 : i32 to index
      %parallel_loop3A_991 = tpu.vector_load %arg7[%parallel_loop3A_989, %parallel_loop3A_990] {strides = array<i32>} : memref<16x1024xf32, #tpu.memory_space<vmem>>, vector<1x16xf32>,
      %parallel_loop3A_992 = vector.shape_cast %parallel_loop3A_991 : vector<1x16xf32> to vector<16xf32>
      %parallel_loop3A_993 = vector.shape_cast %parallel_loop3A_988 : vector<16xf32> to vector<1x16xf32>
      tpu.vector_store %arg7[%parallel_loop3A_989, %parallel_loop3A_990], %parallel_loop3A_993 {add = true, strides = array<i32>} : memref<16x1024xf32, #tpu.memory_space<vmem>>, vector<1x16xf32>,
    } {sc.loop_unroll_factor = 8 : i64, sc.parallel_access}
    %add3A_103 = arith.constant 8192 : i32
    %add3A_104 = arith.addi %add3A_103, %mul3A_2 : i32
    %add3A_105 = arith.constant 0 : i32
    %add3A_106 = arith.addi %add3A_104, %add3A_105 : i32
    %dma_start3A_107 = arith.constant 0 : i32
    %dma_start3A_108 = tpu.memref_slice %arg4[%add3A_106, %dma_start3A_107] : memref<16384x1024xf32, #tpu.memory_space<hbm>> -> memref<16x1024xf32, #tpu.memory_space<hbm>>
    %dma_start3A_109 = arith.constant 0 : i32
    %dma_start3A_110 = tpu.memref_slice %arg4[%add3A_106, %dma_start3A_109] : memref<16384x1024xf32, #tpu.memory_space<hbm>> -> memref<16x1024xf32, #tpu.memory_space<hbm>>
    tpu.enqueue_dma source(%arg7 : memref<16x1024xf32, #tpu.memory_space<vmem>>) target(%dma_start3A_110 : memref<16x1024xf32, #tpu.memory_space<hbm>>) target_semaphore(%arg13 : memref<!tpu.dma_semaphore, #tpu.memory_space<semaphore_mem>>)
    %dma_wait3A_111 = arith.constant 0 : i32
    %dma_wait3A_112 = tpu.memref_slice %arg2[%add3A_46, %dma_wait3A_111] : memref<16384x1024xf32, #tpu.memory_space<hbm>> -> memref<16x1024xf32, #tpu.memory_space<hbm>>
    %dma_wait3A_113 = arith.constant 0 : i32
    %dma_wait3A_114 = tpu.memref_slice %arg2[%add3A_46, %dma_wait3A_113] : memref<16384x1024xf32, #tpu.memory_space<hbm>> -> memref<16x1024xf32, #tpu.memory_space<hbm>>
    tpu.wait_dma2 semaphore(%arg12 : memref<!tpu.dma_semaphore, #tpu.memory_space<semaphore_mem>>) src(%dma_wait3A_114 : memref<16x1024xf32, #tpu.memory_space<hbm>>) dst(%arg8 : memref<16x1024xf32, #tpu.memory_space<vmem>>)
    %dma_wait3A_115 = arith.constant 0 : i32
    %dma_wait3A_116 = tpu.memref_slice %arg4[%add3A_79, %dma_wait3A_115] : memref<16384x1024xf32, #tpu.memory_space<hbm>> -> memref<16x1024xf32, #tpu.memory_space<hbm>>
    %dma_wait3A_117 = arith.constant 0 : i32
    %dma_wait3A_118 = tpu.memref_slice %arg4[%add3A_79, %dma_wait3A_117] : memref<16384x1024xf32, #tpu.memory_space<hbm>> -> memref<16x1024xf32, #tpu.memory_space<hbm>>
    tpu.wait_dma2 semaphore(%arg13 : memref<!tpu.dma_semaphore, #tpu.memory_space<semaphore_mem>>) src(%arg6 : memref<16x1024xf32, #tpu.memory_space<vmem>>) dst(%dma_wait3A_118 : memref<16x1024xf32, #tpu.memory_space<hbm>>)
    %add3A_119 = arith.constant 8192 : i32
    %add3A_120 = arith.addi %add3A_119, %mul3A_2 : i32
    %add3A_121 = arith.constant 16 : i32
    %add3A_122 = arith.addi %add3A_120, %add3A_121 : i32
    %dma_start3A_123 = arith.constant 0 : i32
    %dma_start3A_124 = tpu.memref_slice %arg2[%add3A_122, %dma_start3A_123] : memref<16384x1024xf32, #tpu.memory_space<hbm>> -> memref<16x1024xf32, #tpu.memory_space<hbm>>
    %dma_start3A_125 = arith.constant 0 : i32
    %dma_start3A_126 = tpu.memref_slice %arg2[%add3A_122, %dma_start3A_125] : memref<16384x1024xf32, #tpu.memory_space<hbm>> -> memref<16x1024xf32, #tpu.memory_space<hbm>>
    tpu.enqueue_dma source(%dma_start3A_126 : memref<16x1024xf32, #tpu.memory_space<hbm>>) target(%arg6 : memref<16x1024xf32, #tpu.memory_space<vmem>>) target_semaphore(%arg12 : memref<!tpu.dma_semaphore, #tpu.memory_space<semaphore_mem>>)
    %parallel_loop3A_127 = arith.constant 0 : i32
    %parallel_loop3A_128 = arith.constant 1024 : i32
    %parallel_loop3A_129 = arith.constant 1 : i32
    scf.for %parallel_loop3A_942 = %parallel_loop3A_127 to %parallel_loop3A_128 step %parallel_loop3A_129  : i32 {
      %parallel_loop3A_943 = arith.constant 64 : i32
      %parallel_loop3A_944 = arith.divsi %parallel_loop3A_942, %parallel_loop3A_943 : i32
      %parallel_loop3A_945 = arith.constant 0 : i32
      %parallel_loop3A_946 = arith.cmpi sgt, %parallel_loop3A_942, %parallel_loop3A_945 : i32
      %parallel_loop3A_947 = arith.extui %parallel_loop3A_946 : i1 to i32
      %parallel_loop3A_948 = arith.constant 0 : i32
      %parallel_loop3A_949 = arith.cmpi slt, %parallel_loop3A_942, %parallel_loop3A_948 : i32
      %parallel_loop3A_950 = arith.extui %parallel_loop3A_949 : i1 to i32
      %parallel_loop3A_951 = arith.subi %parallel_loop3A_947, %parallel_loop3A_950 : i32
      %parallel_loop3A_952 = arith.constant 0 : i32
      %parallel_loop3A_953 = arith.cmpi sgt, %parallel_loop3A_943, %parallel_loop3A_952 : i32
      %parallel_loop3A_954 = arith.extui %parallel_loop3A_953 : i1 to i32
      %parallel_loop3A_955 = arith.constant 0 : i32
      %parallel_loop3A_956 = arith.cmpi slt, %parallel_loop3A_943, %parallel_loop3A_955 : i32
      %parallel_loop3A_957 = arith.extui %parallel_loop3A_956 : i1 to i32
      %parallel_loop3A_958 = arith.subi %parallel_loop3A_954, %parallel_loop3A_957 : i32
      %parallel_loop3A_959 = arith.cmpi ne, %parallel_loop3A_951, %parallel_loop3A_958 : i32
      %parallel_loop3A_960 = arith.remsi %parallel_loop3A_942, %parallel_loop3A_943 : i32
      %parallel_loop3A_961 = arith.constant 0 : i32
      %parallel_loop3A_962 = arith.cmpi ne, %parallel_loop3A_960, %parallel_loop3A_961 : i32
      %parallel_loop3A_963 = arith.andi %parallel_loop3A_959, %parallel_loop3A_962 : i1
      %parallel_loop3A_964 = arith.constant 1 : i32
      %parallel_loop3A_965 = arith.subi %parallel_loop3A_944, %parallel_loop3A_964 : i32
      %parallel_loop3A_966 = arith.select %parallel_loop3A_963, %parallel_loop3A_965, %parallel_loop3A_944 : i32
      %parallel_loop3A_967 = arith.constant 64 : i32
      %parallel_loop3A_968 = arith.constant 0 : i32
      %parallel_loop3A_969 = arith.cmpi eq, %parallel_loop3A_967, %parallel_loop3A_968 : i32
      %parallel_loop3A_970 = arith.constant 1 : i32
      %parallel_loop3A_971 = arith.select %parallel_loop3A_969, %parallel_loop3A_970, %parallel_loop3A_967 : i32
      %parallel_loop3A_972 = arith.remsi %parallel_loop3A_942, %parallel_loop3A_971 : i32
      %parallel_loop3A_973 = arith.constant 0 : i32
      %parallel_loop3A_974 = arith.cmpi ne, %parallel_loop3A_972, %parallel_loop3A_973 : i32
      %parallel_loop3A_975 = arith.constant 0 : i32
      %parallel_loop3A_976 = arith.cmpi slt, %parallel_loop3A_972, %parallel_loop3A_975 : i32
      %parallel_loop3A_977 = arith.constant 0 : i32
      %parallel_loop3A_978 = arith.cmpi slt, %parallel_loop3A_971, %parallel_loop3A_977 : i32
      %parallel_loop3A_979 = arith.xori %parallel_loop3A_976, %parallel_loop3A_978 : i1
      %parallel_loop3A_980 = arith.andi %parallel_loop3A_979, %parallel_loop3A_974 : i1
      %parallel_loop3A_981 = arith.addi %parallel_loop3A_972, %parallel_loop3A_971 : i32
      %parallel_loop3A_982 = arith.select %parallel_loop3A_980, %parallel_loop3A_981, %parallel_loop3A_972 : i32
      %parallel_loop3A_983 = arith.constant 16 : i32
      %parallel_loop3A_984 = arith.muli %parallel_loop3A_982, %parallel_loop3A_983 : i32
      %parallel_loop3A_985 = arith.index_cast %parallel_loop3A_966 : i32 to index
      %parallel_loop3A_986 = arith.index_cast %parallel_loop3A_984 : i32 to index
      %parallel_loop3A_987 = tpu.vector_load %arg10[%parallel_loop3A_985, %parallel_loop3A_986] {strides = array<i32>} : memref<16x1024xf32, #tpu.memory_space<vmem>>, vector<1x16xf32>,
      %parallel_loop3A_988 = vector.shape_cast %parallel_loop3A_987 : vector<1x16xf32> to vector<16xf32>
      %parallel_loop3A_989 = arith.index_cast %parallel_loop3A_966 : i32 to index
      %parallel_loop3A_990 = arith.index_cast %parallel_loop3A_984 : i32 to index
      %parallel_loop3A_991 = tpu.vector_load %arg8[%parallel_loop3A_989, %parallel_loop3A_990] {strides = array<i32>} : memref<16x1024xf32, #tpu.memory_space<vmem>>, vector<1x16xf32>,
      %parallel_loop3A_992 = vector.shape_cast %parallel_loop3A_991 : vector<1x16xf32> to vector<16xf32>
      %parallel_loop3A_993 = vector.shape_cast %parallel_loop3A_988 : vector<16xf32> to vector<1x16xf32>
      tpu.vector_store %arg8[%parallel_loop3A_989, %parallel_loop3A_990], %parallel_loop3A_993 {add = true, strides = array<i32>} : memref<16x1024xf32, #tpu.memory_space<vmem>>, vector<1x16xf32>,
    } {sc.loop_unroll_factor = 8 : i64, sc.parallel_access}
    %add3A_130 = arith.constant 12288 : i32
    %add3A_131 = arith.addi %add3A_130, %mul3A_2 : i32
    %add3A_132 = arith.constant 0 : i32
    %add3A_133 = arith.addi %add3A_131, %add3A_132 : i32
    %dma_start3A_134 = arith.constant 0 : i32
    %dma_start3A_135 = tpu.memref_slice %arg4[%add3A_133, %dma_start3A_134] : memref<16384x1024xf32, #tpu.memory_space<hbm>> -> memref<16x1024xf32, #tpu.memory_space<hbm>>
    %dma_start3A_136 = arith.constant 0 : i32
    %dma_start3A_137 = tpu.memref_slice %arg4[%add3A_133, %dma_start3A_136] : memref<16384x1024xf32, #tpu.memory_space<hbm>> -> memref<16x1024xf32, #tpu.memory_space<hbm>>
    tpu.enqueue_dma source(%arg8 : memref<16x1024xf32, #tpu.memory_space<vmem>>) target(%dma_start3A_137 : memref<16x1024xf32, #tpu.memory_space<hbm>>) target_semaphore(%arg13 : memref<!tpu.dma_semaphore, #tpu.memory_space<semaphore_mem>>)
    %dma_wait3A_138 = arith.constant 0 : i32
    %dma_wait3A_139 = tpu.memref_slice %arg3[%add3A_34, %dma_wait3A_138] : memref<4096x1024xf32, #tpu.memory_space<hbm>> -> memref<16x1024xf32, #tpu.memory_space<hbm>>
    %dma_wait3A_140 = arith.constant 0 : i32
    %dma_wait3A_141 = tpu.memref_slice %arg3[%add3A_34, %dma_wait3A_140] : memref<4096x1024xf32, #tpu.memory_space<hbm>> -> memref<16x1024xf32, #tpu.memory_space<hbm>>
    tpu.wait_dma2 semaphore(%arg14 : memref<!tpu.dma_semaphore, #tpu.memory_space<semaphore_mem>>) src(%dma_wait3A_141 : memref<16x1024xf32, #tpu.memory_space<hbm>>) dst(%arg11 : memref<16x1024xf32, #tpu.memory_space<vmem>>)
    %add3A_142 = arith.constant 32 : i32
    %add3A_143 = arith.addi %mul3A_2, %add3A_142 : i32
    %dma_start3A_144 = arith.constant 0 : i32
    %dma_start3A_145 = tpu.memref_slice %arg3[%add3A_143, %dma_start3A_144] : memref<4096x1024xf32, #tpu.memory_space<hbm>> -> memref<16x1024xf32, #tpu.memory_space<hbm>>
    %dma_start3A_146 = arith.constant 0 : i32
    %dma_start3A_147 = tpu.memref_slice %arg3[%add3A_143, %dma_start3A_146] : memref<4096x1024xf32, #tpu.memory_space<hbm>> -> memref<16x1024xf32, #tpu.memory_space<hbm>>
    tpu.enqueue_dma source(%dma_start3A_147 : memref<16x1024xf32, #tpu.memory_space<hbm>>) target(%arg10 : memref<16x1024xf32, #tpu.memory_space<vmem>>) target_semaphore(%arg14 : memref<!tpu.dma_semaphore, #tpu.memory_space<semaphore_mem>>)
    %dma_wait3A_148 = arith.constant 0 : i32
    %dma_wait3A_149 = tpu.memref_slice %arg2[%add3A_68, %dma_wait3A_148] : memref<16384x1024xf32, #tpu.memory_space<hbm>> -> memref<16x1024xf32, #tpu.memory_space<hbm>>
    %dma_wait3A_150 = arith.constant 0 : i32
    %dma_wait3A_151 = tpu.memref_slice %arg2[%add3A_68, %dma_wait3A_150] : memref<16384x1024xf32, #tpu.memory_space<hbm>> -> memref<16x1024xf32, #tpu.memory_space<hbm>>
    tpu.wait_dma2 semaphore(%arg12 : memref<!tpu.dma_semaphore, #tpu.memory_space<semaphore_mem>>) src(%dma_wait3A_151 : memref<16x1024xf32, #tpu.memory_space<hbm>>) dst(%arg9 : memref<16x1024xf32, #tpu.memory_space<vmem>>)
    %dma_wait3A_152 = arith.constant 0 : i32
    %dma_wait3A_153 = tpu.memref_slice %arg4[%add3A_106, %dma_wait3A_152] : memref<16384x1024xf32, #tpu.memory_space<hbm>> -> memref<16x1024xf32, #tpu.memory_space<hbm>>
    %dma_wait3A_154 = arith.constant 0 : i32
    %dma_wait3A_155 = tpu.memref_slice %arg4[%add3A_106, %dma_wait3A_154] : memref<16384x1024xf32, #tpu.memory_space<hbm>> -> memref<16x1024xf32, #tpu.memory_space<hbm>>
    tpu.wait_dma2 semaphore(%arg13 : memref<!tpu.dma_semaphore, #tpu.memory_space<semaphore_mem>>) src(%arg7 : memref<16x1024xf32, #tpu.memory_space<vmem>>) dst(%dma_wait3A_155 : memref<16x1024xf32, #tpu.memory_space<hbm>>)
    %add3A_156 = arith.constant 12288 : i32
    %add3A_157 = arith.addi %add3A_156, %mul3A_2 : i32
    %add3A_158 = arith.constant 16 : i32
    %add3A_159 = arith.addi %add3A_157, %add3A_158 : i32
    %dma_start3A_160 = arith.constant 0 : i32
    %dma_start3A_161 = tpu.memref_slice %arg2[%add3A_159, %dma_start3A_160] : memref<16384x1024xf32, #tpu.memory_space<hbm>> -> memref<16x1024xf32, #tpu.memory_space<hbm>>
    %dma_start3A_162 = arith.constant 0 : i32
    %dma_start3A_163 = tpu.memref_slice %arg2[%add3A_159, %dma_start3A_162] : memref<16384x1024xf32, #tpu.memory_space<hbm>> -> memref<16x1024xf32, #tpu.memory_space<hbm>>
    tpu.enqueue_dma source(%dma_start3A_163 : memref<16x1024xf32, #tpu.memory_space<hbm>>) target(%arg7 : memref<16x1024xf32, #tpu.memory_space<vmem>>) target_semaphore(%arg12 : memref<!tpu.dma_semaphore, #tpu.memory_space<semaphore_mem>>)
    %parallel_loop3A_164 = arith.constant 0 : i32
    %parallel_loop3A_165 = arith.constant 1024 : i32
    %parallel_loop3A_166 = arith.constant 1 : i32
    scf.for %parallel_loop3A_942 = %parallel_loop3A_164 to %parallel_loop3A_165 step %parallel_loop3A_166  : i32 {
      %parallel_loop3A_943 = arith.constant 64 : i32
      %parallel_loop3A_944 = arith.divsi %parallel_loop3A_942, %parallel_loop3A_943 : i32
      %parallel_loop3A_945 = arith.constant 0 : i32
      %parallel_loop3A_946 = arith.cmpi sgt, %parallel_loop3A_942, %parallel_loop3A_945 : i32
      %parallel_loop3A_947 = arith.extui %parallel_loop3A_946 : i1 to i32
      %parallel_loop3A_948 = arith.constant 0 : i32
      %parallel_loop3A_949 = arith.cmpi slt, %parallel_loop3A_942, %parallel_loop3A_948 : i32
      %parallel_loop3A_950 = arith.extui %parallel_loop3A_949 : i1 to i32
      %parallel_loop3A_951 = arith.subi %parallel_loop3A_947, %parallel_loop3A_950 : i32
      %parallel_loop3A_952 = arith.constant 0 : i32
      %parallel_loop3A_953 = arith.cmpi sgt, %parallel_loop3A_943, %parallel_loop3A_952 : i32
      %parallel_loop3A_954 = arith.extui %parallel_loop3A_953 : i1 to i32
      %parallel_loop3A_955 = arith.constant 0 : i32
      %parallel_loop3A_956 = arith.cmpi slt, %parallel_loop3A_943, %parallel_loop3A_955 : i32
      %parallel_loop3A_957 = arith.extui %parallel_loop3A_956 : i1 to i32
      %parallel_loop3A_958 = arith.subi %parallel_loop3A_954, %parallel_loop3A_957 : i32
      %parallel_loop3A_959 = arith.cmpi ne, %parallel_loop3A_951, %parallel_loop3A_958 : i32
      %parallel_loop3A_960 = arith.remsi %parallel_loop3A_942, %parallel_loop3A_943 : i32
      %parallel_loop3A_961 = arith.constant 0 : i32
      %parallel_loop3A_962 = arith.cmpi ne, %parallel_loop3A_960, %parallel_loop3A_961 : i32
      %parallel_loop3A_963 = arith.andi %parallel_loop3A_959, %parallel_loop3A_962 : i1
      %parallel_loop3A_964 = arith.constant 1 : i32
      %parallel_loop3A_965 = arith.subi %parallel_loop3A_944, %parallel_loop3A_964 : i32
      %parallel_loop3A_966 = arith.select %parallel_loop3A_963, %parallel_loop3A_965, %parallel_loop3A_944 : i32
      %parallel_loop3A_967 = arith.constant 64 : i32
      %parallel_loop3A_968 = arith.constant 0 : i32
      %parallel_loop3A_969 = arith.cmpi eq, %parallel_loop3A_967, %parallel_loop3A_968 : i32
      %parallel_loop3A_970 = arith.constant 1 : i32
      %parallel_loop3A_971 = arith.select %parallel_loop3A_969, %parallel_loop3A_970, %parallel_loop3A_967 : i32
      %parallel_loop3A_972 = arith.remsi %parallel_loop3A_942, %parallel_loop3A_971 : i32
      %parallel_loop3A_973 = arith.constant 0 : i32
      %parallel_loop3A_974 = arith.cmpi ne, %parallel_loop3A_972, %parallel_loop3A_973 : i32
      %parallel_loop3A_975 = arith.constant 0 : i32
      %parallel_loop3A_976 = arith.cmpi slt, %parallel_loop3A_972, %parallel_loop3A_975 : i32
      %parallel_loop3A_977 = arith.constant 0 : i32
      %parallel_loop3A_978 = arith.cmpi slt, %parallel_loop3A_971, %parallel_loop3A_977 : i32
      %parallel_loop3A_979 = arith.xori %parallel_loop3A_976, %parallel_loop3A_978 : i1
      %parallel_loop3A_980 = arith.andi %parallel_loop3A_979, %parallel_loop3A_974 : i1
      %parallel_loop3A_981 = arith.addi %parallel_loop3A_972, %parallel_loop3A_971 : i32
      %parallel_loop3A_982 = arith.select %parallel_loop3A_980, %parallel_loop3A_981, %parallel_loop3A_972 : i32
      %parallel_loop3A_983 = arith.constant 16 : i32
      %parallel_loop3A_984 = arith.muli %parallel_loop3A_982, %parallel_loop3A_983 : i32
      %parallel_loop3A_985 = arith.index_cast %parallel_loop3A_966 : i32 to index
      %parallel_loop3A_986 = arith.index_cast %parallel_loop3A_984 : i32 to index
      %parallel_loop3A_987 = tpu.vector_load %arg11[%parallel_loop3A_985, %parallel_loop3A_986] {strides = array<i32>} : memref<16x1024xf32, #tpu.memory_space<vmem>>, vector<1x16xf32>,
      %parallel_loop3A_988 = vector.shape_cast %parallel_loop3A_987 : vector<1x16xf32> to vector<16xf32>
      %parallel_loop3A_989 = arith.index_cast %parallel_loop3A_966 : i32 to index
      %parallel_loop3A_990 = arith.index_cast %parallel_loop3A_984 : i32 to index
      %parallel_loop3A_991 = tpu.vector_load %arg9[%parallel_loop3A_989, %parallel_loop3A_990] {strides = array<i32>} : memref<16x1024xf32, #tpu.memory_space<vmem>>, vector<1x16xf32>,
      %parallel_loop3A_992 = vector.shape_cast %parallel_loop3A_991 : vector<1x16xf32> to vector<16xf32>
      %parallel_loop3A_993 = vector.shape_cast %parallel_loop3A_988 : vector<16xf32> to vector<1x16xf32>
      tpu.vector_store %arg9[%parallel_loop3A_989, %parallel_loop3A_990], %parallel_loop3A_993 {add = true, strides = array<i32>} : memref<16x1024xf32, #tpu.memory_space<vmem>>, vector<1x16xf32>,
    } {sc.loop_unroll_factor = 8 : i64, sc.parallel_access}
    %add3A_167 = arith.constant 0 : i32
    %add3A_168 = arith.addi %add3A_167, %mul3A_2 : i32
    %add3A_169 = arith.constant 16 : i32
    %add3A_170 = arith.addi %add3A_168, %add3A_169 : i32
    %dma_start3A_171 = arith.constant 0 : i32
    %dma_start3A_172 = tpu.memref_slice %arg4[%add3A_170, %dma_start3A_171] : memref<16384x1024xf32, #tpu.memory_space<hbm>> -> memref<16x1024xf32, #tpu.memory_space<hbm>>
    %dma_start3A_173 = arith.constant 0 : i32
    %dma_start3A_174 = tpu.memref_slice %arg4[%add3A_170, %dma_start3A_173] : memref<16384x1024xf32, #tpu.memory_space<hbm>> -> memref<16x1024xf32, #tpu.memory_space<hbm>>
    tpu.enqueue_dma source(%arg9 : memref<16x1024xf32, #tpu.memory_space<vmem>>) target(%dma_start3A_174 : memref<16x1024xf32, #tpu.memory_space<hbm>>) target_semaphore(%arg13 : memref<!tpu.dma_semaphore, #tpu.memory_space<semaphore_mem>>)
    %dma_wait3A_175 = arith.constant 0 : i32
    %dma_wait3A_176 = tpu.memref_slice %arg2[%add3A_95, %dma_wait3A_175] : memref<16384x1024xf32, #tpu.memory_space<hbm>> -> memref<16x1024xf32, #tpu.memory_space<hbm>>
    %dma_wait3A_177 = arith.constant 0 : i32
    %dma_wait3A_178 = tpu.memref_slice %arg2[%add3A_95, %dma_wait3A_177] : memref<16384x1024xf32, #tpu.memory_space<hbm>> -> memref<16x1024xf32, #tpu.memory_space<hbm>>
    tpu.wait_dma2 semaphore(%arg12 : memref<!tpu.dma_semaphore, #tpu.memory_space<semaphore_mem>>) src(%dma_wait3A_178 : memref<16x1024xf32, #tpu.memory_space<hbm>>) dst(%arg5 : memref<16x1024xf32, #tpu.memory_space<vmem>>)
    %dma_wait3A_179 = arith.constant 0 : i32
    %dma_wait3A_180 = tpu.memref_slice %arg4[%add3A_133, %dma_wait3A_179] : memref<16384x1024xf32, #tpu.memory_space<hbm>> -> memref<16x1024xf32, #tpu.memory_space<hbm>>
    %dma_wait3A_181 = arith.constant 0 : i32
    %dma_wait3A_182 = tpu.memref_slice %arg4[%add3A_133, %dma_wait3A_181] : memref<16384x1024xf32, #tpu.memory_space<hbm>> -> memref<16x1024xf32, #tpu.memory_space<hbm>>
    tpu.wait_dma2 semaphore(%arg13 : memref<!tpu.dma_semaphore, #tpu.memory_space<semaphore_mem>>) src(%arg8 : memref<16x1024xf32, #tpu.memory_space<vmem>>) dst(%dma_wait3A_182 : memref<16x1024xf32, #tpu.memory_space<hbm>>)
    %add3A_183 = arith.constant 0 : i32
    %add3A_184 = arith.addi %add3A_183, %mul3A_2 : i32
    %add3A_185 = arith.constant 32 : i32
    %add3A_186 = arith.addi %add3A_184, %add3A_185 : i32
    %dma_start3A_187 = arith.constant 0 : i32
    %dma_start3A_188 = tpu.memref_slice %arg2[%add3A_186, %dma_start3A_187] : memref<16384x1024xf32, #tpu.memory_space<hbm>> -> memref<16x1024xf32, #tpu.memory_space<hbm>>
    %dma_start3A_189 = arith.constant 0 : i32
    %dma_start3A_190 = tpu.memref_slice %arg2[%add3A_186, %dma_start3A_189] : memref<16384x1024xf32, #tpu.memory_space<hbm>> -> memref<16x1024xf32, #tpu.memory_space<hbm>>
    tpu.enqueue_dma source(%dma_start3A_190 : memref<16x1024xf32, #tpu.memory_space<hbm>>) target(%arg8 : memref<16x1024xf32, #tpu.memory_space<vmem>>) target_semaphore(%arg12 : memref<!tpu.dma_semaphore, #tpu.memory_space<semaphore_mem>>)
    %parallel_loop3A_191 = arith.constant 0 : i32
    %parallel_loop3A_192 = arith.constant 1024 : i32
    %parallel_loop3A_193 = arith.constant 1 : i32
    scf.for %parallel_loop3A_942 = %parallel_loop3A_191 to %parallel_loop3A_192 step %parallel_loop3A_193  : i32 {
      %parallel_loop3A_943 = arith.constant 64 : i32
      %parallel_loop3A_944 = arith.divsi %parallel_loop3A_942, %parallel_loop3A_943 : i32
      %parallel_loop3A_945 = arith.constant 0 : i32
      %parallel_loop3A_946 = arith.cmpi sgt, %parallel_loop3A_942, %parallel_loop3A_945 : i32
      %parallel_loop3A_947 = arith.extui %parallel_loop3A_946 : i1 to i32
      %parallel_loop3A_948 = arith.constant 0 : i32
      %parallel_loop3A_949 = arith.cmpi slt, %parallel_loop3A_942, %parallel_loop3A_948 : i32
      %parallel_loop3A_950 = arith.extui %parallel_loop3A_949 : i1 to i32
      %parallel_loop3A_951 = arith.subi %parallel_loop3A_947, %parallel_loop3A_950 : i32
      %parallel_loop3A_952 = arith.constant 0 : i32
      %parallel_loop3A_953 = arith.cmpi sgt, %parallel_loop3A_943, %parallel_loop3A_952 : i32
      %parallel_loop3A_954 = arith.extui %parallel_loop3A_953 : i1 to i32
      %parallel_loop3A_955 = arith.constant 0 : i32
      %parallel_loop3A_956 = arith.cmpi slt, %parallel_loop3A_943, %parallel_loop3A_955 : i32
      %parallel_loop3A_957 = arith.extui %parallel_loop3A_956 : i1 to i32
      %parallel_loop3A_958 = arith.subi %parallel_loop3A_954, %parallel_loop3A_957 : i32
      %parallel_loop3A_959 = arith.cmpi ne, %parallel_loop3A_951, %parallel_loop3A_958 : i32
      %parallel_loop3A_960 = arith.remsi %parallel_loop3A_942, %parallel_loop3A_943 : i32
      %parallel_loop3A_961 = arith.constant 0 : i32
      %parallel_loop3A_962 = arith.cmpi ne, %parallel_loop3A_960, %parallel_loop3A_961 : i32
      %parallel_loop3A_963 = arith.andi %parallel_loop3A_959, %parallel_loop3A_962 : i1
      %parallel_loop3A_964 = arith.constant 1 : i32
      %parallel_loop3A_965 = arith.subi %parallel_loop3A_944, %parallel_loop3A_964 : i32
      %parallel_loop3A_966 = arith.select %parallel_loop3A_963, %parallel_loop3A_965, %parallel_loop3A_944 : i32
      %parallel_loop3A_967 = arith.constant 64 : i32
      %parallel_loop3A_968 = arith.constant 0 : i32
      %parallel_loop3A_969 = arith.cmpi eq, %parallel_loop3A_967, %parallel_loop3A_968 : i32
      %parallel_loop3A_970 = arith.constant 1 : i32
      %parallel_loop3A_971 = arith.select %parallel_loop3A_969, %parallel_loop3A_970, %parallel_loop3A_967 : i32
      %parallel_loop3A_972 = arith.remsi %parallel_loop3A_942, %parallel_loop3A_971 : i32
      %parallel_loop3A_973 = arith.constant 0 : i32
      %parallel_loop3A_974 = arith.cmpi ne, %parallel_loop3A_972, %parallel_loop3A_973 : i32
      %parallel_loop3A_975 = arith.constant 0 : i32
      %parallel_loop3A_976 = arith.cmpi slt, %parallel_loop3A_972, %parallel_loop3A_975 : i32
      %parallel_loop3A_977 = arith.constant 0 : i32
      %parallel_loop3A_978 = arith.cmpi slt, %parallel_loop3A_971, %parallel_loop3A_977 : i32
      %parallel_loop3A_979 = arith.xori %parallel_loop3A_976, %parallel_loop3A_978 : i1
      %parallel_loop3A_980 = arith.andi %parallel_loop3A_979, %parallel_loop3A_974 : i1
      %parallel_loop3A_981 = arith.addi %parallel_loop3A_972, %parallel_loop3A_971 : i32
      %parallel_loop3A_982 = arith.select %parallel_loop3A_980, %parallel_loop3A_981, %parallel_loop3A_972 : i32
      %parallel_loop3A_983 = arith.constant 16 : i32
      %parallel_loop3A_984 = arith.muli %parallel_loop3A_982, %parallel_loop3A_983 : i32
      %parallel_loop3A_985 = arith.index_cast %parallel_loop3A_966 : i32 to index
      %parallel_loop3A_986 = arith.index_cast %parallel_loop3A_984 : i32 to index
      %parallel_loop3A_987 = tpu.vector_load %arg11[%parallel_loop3A_985, %parallel_loop3A_986] {strides = array<i32>} : memref<16x1024xf32, #tpu.memory_space<vmem>>, vector<1x16xf32>,
      %parallel_loop3A_988 = vector.shape_cast %parallel_loop3A_987 : vector<1x16xf32> to vector<16xf32>
      %parallel_loop3A_989 = arith.index_cast %parallel_loop3A_966 : i32 to index
      %parallel_loop3A_990 = arith.index_cast %parallel_loop3A_984 : i32 to index
      %parallel_loop3A_991 = tpu.vector_load %arg5[%parallel_loop3A_989, %parallel_loop3A_990] {strides = array<i32>} : memref<16x1024xf32, #tpu.memory_space<vmem>>, vector<1x16xf32>,
      %parallel_loop3A_992 = vector.shape_cast %parallel_loop3A_991 : vector<1x16xf32> to vector<16xf32>
      %parallel_loop3A_993 = vector.shape_cast %parallel_loop3A_988 : vector<16xf32> to vector<1x16xf32>
      tpu.vector_store %arg5[%parallel_loop3A_989, %parallel_loop3A_990], %parallel_loop3A_993 {add = true, strides = array<i32>} : memref<16x1024xf32, #tpu.memory_space<vmem>>, vector<1x16xf32>,
    } {sc.loop_unroll_factor = 8 : i64, sc.parallel_access}
    %add3A_194 = arith.constant 4096 : i32
    %add3A_195 = arith.addi %add3A_194, %mul3A_2 : i32
    %add3A_196 = arith.constant 16 : i32
    %add3A_197 = arith.addi %add3A_195, %add3A_196 : i32
    %dma_start3A_198 = arith.constant 0 : i32
    %dma_start3A_199 = tpu.memref_slice %arg4[%add3A_197, %dma_start3A_198] : memref<16384x1024xf32, #tpu.memory_space<hbm>> -> memref<16x1024xf32, #tpu.memory_space<hbm>>
    %dma_start3A_200 = arith.constant 0 : i32
    %dma_start3A_201 = tpu.memref_slice %arg4[%add3A_197, %dma_start3A_200] : memref<16384x1024xf32, #tpu.memory_space<hbm>> -> memref<16x1024xf32, #tpu.memory_space<hbm>>
    tpu.enqueue_dma source(%arg5 : memref<16x1024xf32, #tpu.memory_space<vmem>>) target(%dma_start3A_201 : memref<16x1024xf32, #tpu.memory_space<hbm>>) target_semaphore(%arg13 : memref<!tpu.dma_semaphore, #tpu.memory_space<semaphore_mem>>)
    %dma_wait3A_202 = arith.constant 0 : i32
    %dma_wait3A_203 = tpu.memref_slice %arg2[%add3A_122, %dma_wait3A_202] : memref<16384x1024xf32, #tpu.memory_space<hbm>> -> memref<16x1024xf32, #tpu.memory_space<hbm>>
    %dma_wait3A_204 = arith.constant 0 : i32
    %dma_wait3A_205 = tpu.memref_slice %arg2[%add3A_122, %dma_wait3A_204] : memref<16384x1024xf32, #tpu.memory_space<hbm>> -> memref<16x1024xf32, #tpu.memory_space<hbm>>
    tpu.wait_dma2 semaphore(%arg12 : memref<!tpu.dma_semaphore, #tpu.memory_space<semaphore_mem>>) src(%dma_wait3A_205 : memref<16x1024xf32, #tpu.memory_space<hbm>>) dst(%arg6 : memref<16x1024xf32, #tpu.memory_space<vmem>>)
    %dma_wait3A_206 = arith.constant 0 : i32
    %dma_wait3A_207 = tpu.memref_slice %arg4[%add3A_170, %dma_wait3A_206] : memref<16384x1024xf32, #tpu.memory_space<hbm>> -> memref<16x1024xf32, #tpu.memory_space<hbm>>
    %dma_wait3A_208 = arith.constant 0 : i32
    %dma_wait3A_209 = tpu.memref_slice %arg4[%add3A_170, %dma_wait3A_208] : memref<16384x1024xf32, #tpu.memory_space<hbm>> -> memref<16x1024xf32, #tpu.memory_space<hbm>>
    tpu.wait_dma2 semaphore(%arg13 : memref<!tpu.dma_semaphore, #tpu.memory_space<semaphore_mem>>) src(%arg9 : memref<16x1024xf32, #tpu.memory_space<vmem>>) dst(%dma_wait3A_209 : memref<16x1024xf32, #tpu.memory_space<hbm>>)
    %add3A_210 = arith.constant 4096 : i32
    %add3A_211 = arith.addi %add3A_210, %mul3A_2 : i32
    %add3A_212 = arith.constant 32 : i32
    %add3A_213 = arith.addi %add3A_211, %add3A_212 : i32
    %dma_start3A_214 = arith.constant 0 : i32
    %dma_start3A_215 = tpu.memref_slice %arg2[%add3A_213, %dma_start3A_214] : memref<16384x1024xf32, #tpu.memory_space<hbm>> -> memref<16x1024xf32, #tpu.memory_space<hbm>>
    %dma_start3A_216 = arith.constant 0 : i32
    %dma_start3A_217 = tpu.memref_slice %arg2[%add3A_213, %dma_start3A_216] : memref<16384x1024xf32, #tpu.memory_space<hbm>> -> memref<16x1024xf32, #tpu.memory_space<hbm>>
    tpu.enqueue_dma source(%dma_start3A_217 : memref<16x1024xf32, #tpu.memory_space<hbm>>) target(%arg9 : memref<16x1024xf32, #tpu.memory_space<vmem>>) target_semaphore(%arg12 : memref<!tpu.dma_semaphore, #tpu.memory_space<semaphore_mem>>)
    %parallel_loop3A_218 = arith.constant 0 : i32
    %parallel_loop3A_219 = arith.constant 1024 : i32
    %parallel_loop3A_220 = arith.constant 1 : i32
    scf.for %parallel_loop3A_942 = %parallel_loop3A_218 to %parallel_loop3A_219 step %parallel_loop3A_220  : i32 {
      %parallel_loop3A_943 = arith.constant 64 : i32
      %parallel_loop3A_944 = arith.divsi %parallel_loop3A_942, %parallel_loop3A_943 : i32
      %parallel_loop3A_945 = arith.constant 0 : i32
      %parallel_loop3A_946 = arith.cmpi sgt, %parallel_loop3A_942, %parallel_loop3A_945 : i32
      %parallel_loop3A_947 = arith.extui %parallel_loop3A_946 : i1 to i32
      %parallel_loop3A_948 = arith.constant 0 : i32
      %parallel_loop3A_949 = arith.cmpi slt, %parallel_loop3A_942, %parallel_loop3A_948 : i32
      %parallel_loop3A_950 = arith.extui %parallel_loop3A_949 : i1 to i32
      %parallel_loop3A_951 = arith.subi %parallel_loop3A_947, %parallel_loop3A_950 : i32
      %parallel_loop3A_952 = arith.constant 0 : i32
      %parallel_loop3A_953 = arith.cmpi sgt, %parallel_loop3A_943, %parallel_loop3A_952 : i32
      %parallel_loop3A_954 = arith.extui %parallel_loop3A_953 : i1 to i32
      %parallel_loop3A_955 = arith.constant 0 : i32
      %parallel_loop3A_956 = arith.cmpi slt, %parallel_loop3A_943, %parallel_loop3A_955 : i32
      %parallel_loop3A_957 = arith.extui %parallel_loop3A_956 : i1 to i32
      %parallel_loop3A_958 = arith.subi %parallel_loop3A_954, %parallel_loop3A_957 : i32
      %parallel_loop3A_959 = arith.cmpi ne, %parallel_loop3A_951, %parallel_loop3A_958 : i32
      %parallel_loop3A_960 = arith.remsi %parallel_loop3A_942, %parallel_loop3A_943 : i32
      %parallel_loop3A_961 = arith.constant 0 : i32
      %parallel_loop3A_962 = arith.cmpi ne, %parallel_loop3A_960, %parallel_loop3A_961 : i32
      %parallel_loop3A_963 = arith.andi %parallel_loop3A_959, %parallel_loop3A_962 : i1
      %parallel_loop3A_964 = arith.constant 1 : i32
      %parallel_loop3A_965 = arith.subi %parallel_loop3A_944, %parallel_loop3A_964 : i32
      %parallel_loop3A_966 = arith.select %parallel_loop3A_963, %parallel_loop3A_965, %parallel_loop3A_944 : i32
      %parallel_loop3A_967 = arith.constant 64 : i32
      %parallel_loop3A_968 = arith.constant 0 : i32
      %parallel_loop3A_969 = arith.cmpi eq, %parallel_loop3A_967, %parallel_loop3A_968 : i32
      %parallel_loop3A_970 = arith.constant 1 : i32
      %parallel_loop3A_971 = arith.select %parallel_loop3A_969, %parallel_loop3A_970, %parallel_loop3A_967 : i32
      %parallel_loop3A_972 = arith.remsi %parallel_loop3A_942, %parallel_loop3A_971 : i32
      %parallel_loop3A_973 = arith.constant 0 : i32
      %parallel_loop3A_974 = arith.cmpi ne, %parallel_loop3A_972, %parallel_loop3A_973 : i32
      %parallel_loop3A_975 = arith.constant 0 : i32
      %parallel_loop3A_976 = arith.cmpi slt, %parallel_loop3A_972, %parallel_loop3A_975 : i32
      %parallel_loop3A_977 = arith.constant 0 : i32
      %parallel_loop3A_978 = arith.cmpi slt, %parallel_loop3A_971, %parallel_loop3A_977 : i32
      %parallel_loop3A_979 = arith.xori %parallel_loop3A_976, %parallel_loop3A_978 : i1
      %parallel_loop3A_980 = arith.andi %parallel_loop3A_979, %parallel_loop3A_974 : i1
      %parallel_loop3A_981 = arith.addi %parallel_loop3A_972, %parallel_loop3A_971 : i32
      %parallel_loop3A_982 = arith.select %parallel_loop3A_980, %parallel_loop3A_981, %parallel_loop3A_972 : i32
      %parallel_loop3A_983 = arith.constant 16 : i32
      %parallel_loop3A_984 = arith.muli %parallel_loop3A_982, %parallel_loop3A_983 : i32
      %parallel_loop3A_985 = arith.index_cast %parallel_loop3A_966 : i32 to index
      %parallel_loop3A_986 = arith.index_cast %parallel_loop3A_984 : i32 to index
      %parallel_loop3A_987 = tpu.vector_load %arg11[%parallel_loop3A_985, %parallel_loop3A_986] {strides = array<i32>} : memref<16x1024xf32, #tpu.memory_space<vmem>>, vector<1x16xf32>,
      %parallel_loop3A_988 = vector.shape_cast %parallel_loop3A_987 : vector<1x16xf32> to vector<16xf32>
      %parallel_loop3A_989 = arith.index_cast %parallel_loop3A_966 : i32 to index
      %parallel_loop3A_990 = arith.index_cast %parallel_loop3A_984 : i32 to index
      %parallel_loop3A_991 = tpu.vector_load %arg6[%parallel_loop3A_989, %parallel_loop3A_990] {strides = array<i32>} : memref<16x1024xf32, #tpu.memory_space<vmem>>, vector<1x16xf32>,
      %parallel_loop3A_992 = vector.shape_cast %parallel_loop3A_991 : vector<1x16xf32> to vector<16xf32>
      %parallel_loop3A_993 = vector.shape_cast %parallel_loop3A_988 : vector<16xf32> to vector<1x16xf32>
      tpu.vector_store %arg6[%parallel_loop3A_989, %parallel_loop3A_990], %parallel_loop3A_993 {add = true, strides = array<i32>} : memref<16x1024xf32, #tpu.memory_space<vmem>>, vector<1x16xf32>,
    } {sc.loop_unroll_factor = 8 : i64, sc.parallel_access}
    %add3A_221 = arith.constant 8192 : i32
    %add3A_222 = arith.addi %add3A_221, %mul3A_2 : i32
    %add3A_223 = arith.constant 16 : i32
    %add3A_224 = arith.addi %add3A_222, %add3A_223 : i32
    %dma_start3A_225 = arith.constant 0 : i32
    %dma_start3A_226 = tpu.memref_slice %arg4[%add3A_224, %dma_start3A_225] : memref<16384x1024xf32, #tpu.memory_space<hbm>> -> memref<16x1024xf32, #tpu.memory_space<hbm>>
    %dma_start3A_227 = arith.constant 0 : i32
    %dma_start3A_228 = tpu.memref_slice %arg4[%add3A_224, %dma_start3A_227] : memref<16384x1024xf32, #tpu.memory_space<hbm>> -> memref<16x1024xf32, #tpu.memory_space<hbm>>
    tpu.enqueue_dma source(%arg6 : memref<16x1024xf32, #tpu.memory_space<vmem>>) target(%dma_start3A_228 : memref<16x1024xf32, #tpu.memory_space<hbm>>) target_semaphore(%arg13 : memref<!tpu.dma_semaphore, #tpu.memory_space<semaphore_mem>>)
    %dma_wait3A_229 = arith.constant 0 : i32
    %dma_wait3A_230 = tpu.memref_slice %arg2[%add3A_159, %dma_wait3A_229] : memref<16384x1024xf32, #tpu.memory_space<hbm>> -> memref<16x1024xf32, #tpu.memory_space<hbm>>
    %dma_wait3A_231 = arith.constant 0 : i32
    %dma_wait3A_232 = tpu.memref_slice %arg2[%add3A_159, %dma_wait3A_231] : memref<16384x1024xf32, #tpu.memory_space<hbm>> -> memref<16x1024xf32, #tpu.memory_space<hbm>>
    tpu.wait_dma2 semaphore(%arg12 : memref<!tpu.dma_semaphore, #tpu.memory_space<semaphore_mem>>) src(%dma_wait3A_232 : memref<16x1024xf32, #tpu.memory_space<hbm>>) dst(%arg7 : memref<16x1024xf32, #tpu.memory_space<vmem>>)
    %dma_wait3A_233 = arith.constant 0 : i32
    %dma_wait3A_234 = tpu.memref_slice %arg4[%add3A_197, %dma_wait3A_233] : memref<16384x1024xf32, #tpu.memory_space<hbm>> -> memref<16x1024xf32, #tpu.memory_space<hbm>>
    %dma_wait3A_235 = arith.constant 0 : i32
    %dma_wait3A_236 = tpu.memref_slice %arg4[%add3A_197, %dma_wait3A_235] : memref<16384x1024xf32, #tpu.memory_space<hbm>> -> memref<16x1024xf32, #tpu.memory_space<hbm>>
    tpu.wait_dma2 semaphore(%arg13 : memref<!tpu.dma_semaphore, #tpu.memory_space<semaphore_mem>>) src(%arg5 : memref<16x1024xf32, #tpu.memory_space<vmem>>) dst(%dma_wait3A_236 : memref<16x1024xf32, #tpu.memory_space<hbm>>)
    %add3A_237 = arith.constant 8192 : i32
    %add3A_238 = arith.addi %add3A_237, %mul3A_2 : i32
    %add3A_239 = arith.constant 32 : i32
    %add3A_240 = arith.addi %add3A_238, %add3A_239 : i32
    %dma_start3A_241 = arith.constant 0 : i32
    %dma_start3A_242 = tpu.memref_slice %arg2[%add3A_240, %dma_start3A_241] : memref<16384x1024xf32, #tpu.memory_space<hbm>> -> memref<16x1024xf32, #tpu.memory_space<hbm>>
    %dma_start3A_243 = arith.constant 0 : i32
    %dma_start3A_244 = tpu.memref_slice %arg2[%add3A_240, %dma_start3A_243] : memref<16384x1024xf32, #tpu.memory_space<hbm>> -> memref<16x1024xf32, #tpu.memory_space<hbm>>
    tpu.enqueue_dma source(%dma_start3A_244 : memref<16x1024xf32, #tpu.memory_space<hbm>>) target(%arg5 : memref<16x1024xf32, #tpu.memory_space<vmem>>) target_semaphore(%arg12 : memref<!tpu.dma_semaphore, #tpu.memory_space<semaphore_mem>>)
    %parallel_loop3A_245 = arith.constant 0 : i32
    %parallel_loop3A_246 = arith.constant 1024 : i32
    %parallel_loop3A_247 = arith.constant 1 : i32
    scf.for %parallel_loop3A_942 = %parallel_loop3A_245 to %parallel_loop3A_246 step %parallel_loop3A_247  : i32 {
      %parallel_loop3A_943 = arith.constant 64 : i32
      %parallel_loop3A_944 = arith.divsi %parallel_loop3A_942, %parallel_loop3A_943 : i32
      %parallel_loop3A_945 = arith.constant 0 : i32
      %parallel_loop3A_946 = arith.cmpi sgt, %parallel_loop3A_942, %parallel_loop3A_945 : i32
      %parallel_loop3A_947 = arith.extui %parallel_loop3A_946 : i1 to i32
      %parallel_loop3A_948 = arith.constant 0 : i32
      %parallel_loop3A_949 = arith.cmpi slt, %parallel_loop3A_942, %parallel_loop3A_948 : i32
      %parallel_loop3A_950 = arith.extui %parallel_loop3A_949 : i1 to i32
      %parallel_loop3A_951 = arith.subi %parallel_loop3A_947, %parallel_loop3A_950 : i32
      %parallel_loop3A_952 = arith.constant 0 : i32
      %parallel_loop3A_953 = arith.cmpi sgt, %parallel_loop3A_943, %parallel_loop3A_952 : i32
      %parallel_loop3A_954 = arith.extui %parallel_loop3A_953 : i1 to i32
      %parallel_loop3A_955 = arith.constant 0 : i32
      %parallel_loop3A_956 = arith.cmpi slt, %parallel_loop3A_943, %parallel_loop3A_955 : i32
      %parallel_loop3A_957 = arith.extui %parallel_loop3A_956 : i1 to i32
      %parallel_loop3A_958 = arith.subi %parallel_loop3A_954, %parallel_loop3A_957 : i32
      %parallel_loop3A_959 = arith.cmpi ne, %parallel_loop3A_951, %parallel_loop3A_958 : i32
      %parallel_loop3A_960 = arith.remsi %parallel_loop3A_942, %parallel_loop3A_943 : i32
      %parallel_loop3A_961 = arith.constant 0 : i32
      %parallel_loop3A_962 = arith.cmpi ne, %parallel_loop3A_960, %parallel_loop3A_961 : i32
      %parallel_loop3A_963 = arith.andi %parallel_loop3A_959, %parallel_loop3A_962 : i1
      %parallel_loop3A_964 = arith.constant 1 : i32
      %parallel_loop3A_965 = arith.subi %parallel_loop3A_944, %parallel_loop3A_964 : i32
      %parallel_loop3A_966 = arith.select %parallel_loop3A_963, %parallel_loop3A_965, %parallel_loop3A_944 : i32
      %parallel_loop3A_967 = arith.constant 64 : i32
      %parallel_loop3A_968 = arith.constant 0 : i32
      %parallel_loop3A_969 = arith.cmpi eq, %parallel_loop3A_967, %parallel_loop3A_968 : i32
      %parallel_loop3A_970 = arith.constant 1 : i32
      %parallel_loop3A_971 = arith.select %parallel_loop3A_969, %parallel_loop3A_970, %parallel_loop3A_967 : i32
      %parallel_loop3A_972 = arith.remsi %parallel_loop3A_942, %parallel_loop3A_971 : i32
      %parallel_loop3A_973 = arith.constant 0 : i32
      %parallel_loop3A_974 = arith.cmpi ne, %parallel_loop3A_972, %parallel_loop3A_973 : i32
      %parallel_loop3A_975 = arith.constant 0 : i32
      %parallel_loop3A_976 = arith.cmpi slt, %parallel_loop3A_972, %parallel_loop3A_975 : i32
      %parallel_loop3A_977 = arith.constant 0 : i32
      %parallel_loop3A_978 = arith.cmpi slt, %parallel_loop3A_971, %parallel_loop3A_977 : i32
      %parallel_loop3A_979 = arith.xori %parallel_loop3A_976, %parallel_loop3A_978 : i1
      %parallel_loop3A_980 = arith.andi %parallel_loop3A_979, %parallel_loop3A_974 : i1
      %parallel_loop3A_981 = arith.addi %parallel_loop3A_972, %parallel_loop3A_971 : i32
      %parallel_loop3A_982 = arith.select %parallel_loop3A_980, %parallel_loop3A_981, %parallel_loop3A_972 : i32
      %parallel_loop3A_983 = arith.constant 16 : i32
      %parallel_loop3A_984 = arith.muli %parallel_loop3A_982, %parallel_loop3A_983 : i32
      %parallel_loop3A_985 = arith.index_cast %parallel_loop3A_966 : i32 to index
      %parallel_loop3A_986 = arith.index_cast %parallel_loop3A_984 : i32 to index
      %parallel_loop3A_987 = tpu.vector_load %arg11[%parallel_loop3A_985, %parallel_loop3A_986] {strides = array<i32>} : memref<16x1024xf32, #tpu.memory_space<vmem>>, vector<1x16xf32>,
      %parallel_loop3A_988 = vector.shape_cast %parallel_loop3A_987 : vector<1x16xf32> to vector<16xf32>
      %parallel_loop3A_989 = arith.index_cast %parallel_loop3A_966 : i32 to index
      %parallel_loop3A_990 = arith.index_cast %parallel_loop3A_984 : i32 to index
      %parallel_loop3A_991 = tpu.vector_load %arg7[%parallel_loop3A_989, %parallel_loop3A_990] {strides = array<i32>} : memref<16x1024xf32, #tpu.memory_space<vmem>>, vector<1x16xf32>,
      %parallel_loop3A_992 = vector.shape_cast %parallel_loop3A_991 : vector<1x16xf32> to vector<16xf32>
      %parallel_loop3A_993 = vector.shape_cast %parallel_loop3A_988 : vector<16xf32> to vector<1x16xf32>
      tpu.vector_store %arg7[%parallel_loop3A_989, %parallel_loop3A_990], %parallel_loop3A_993 {add = true, strides = array<i32>} : memref<16x1024xf32, #tpu.memory_space<vmem>>, vector<1x16xf32>,
    } {sc.loop_unroll_factor = 8 : i64, sc.parallel_access}
    %add3A_248 = arith.constant 12288 : i32
    %add3A_249 = arith.addi %add3A_248, %mul3A_2 : i32
    %add3A_250 = arith.constant 16 : i32
    %add3A_251 = arith.addi %add3A_249, %add3A_250 : i32
    %dma_start3A_252 = arith.constant 0 : i32
    %dma_start3A_253 = tpu.memref_slice %arg4[%add3A_251, %dma_start3A_252] : memref<16384x1024xf32, #tpu.memory_space<hbm>> -> memref<16x1024xf32, #tpu.memory_space<hbm>>
    %dma_start3A_254 = arith.constant 0 : i32
    %dma_start3A_255 = tpu.memref_slice %arg4[%add3A_251, %dma_start3A_254] : memref<16384x1024xf32, #tpu.memory_space<hbm>> -> memref<16x1024xf32, #tpu.memory_space<hbm>>
    tpu.enqueue_dma source(%arg7 : memref<16x1024xf32, #tpu.memory_space<vmem>>) target(%dma_start3A_255 : memref<16x1024xf32, #tpu.memory_space<hbm>>) target_semaphore(%arg13 : memref<!tpu.dma_semaphore, #tpu.memory_space<semaphore_mem>>)
    %dma_wait3A_256 = arith.constant 0 : i32
    %dma_wait3A_257 = tpu.memref_slice %arg3[%add3A_143, %dma_wait3A_256] : memref<4096x1024xf32, #tpu.memory_space<hbm>> -> memref<16x1024xf32, #tpu.memory_space<hbm>>
    %dma_wait3A_258 = arith.constant 0 : i32
    %dma_wait3A_259 = tpu.memref_slice %arg3[%add3A_143, %dma_wait3A_258] : memref<4096x1024xf32, #tpu.memory_space<hbm>> -> memref<16x1024xf32, #tpu.memory_space<hbm>>
    tpu.wait_dma2 semaphore(%arg14 : memref<!tpu.dma_semaphore, #tpu.memory_space<semaphore_mem>>) src(%dma_wait3A_259 : memref<16x1024xf32, #tpu.memory_space<hbm>>) dst(%arg10 : memref<16x1024xf32, #tpu.memory_space<vmem>>)
    %add3A_260 = arith.constant 48 : i32
    %add3A_261 = arith.addi %mul3A_2, %add3A_260 : i32
    %dma_start3A_262 = arith.constant 0 : i32
    %dma_start3A_263 = tpu.memref_slice %arg3[%add3A_261, %dma_start3A_262] : memref<4096x1024xf32, #tpu.memory_space<hbm>> -> memref<16x1024xf32, #tpu.memory_space<hbm>>
    %dma_start3A_264 = arith.constant 0 : i32
    %dma_start3A_265 = tpu.memref_slice %arg3[%add3A_261, %dma_start3A_264] : memref<4096x1024xf32, #tpu.memory_space<hbm>> -> memref<16x1024xf32, #tpu.memory_space<hbm>>
    tpu.enqueue_dma source(%dma_start3A_265 : memref<16x1024xf32, #tpu.memory_space<hbm>>) target(%arg11 : memref<16x1024xf32, #tpu.memory_space<vmem>>) target_semaphore(%arg14 : memref<!tpu.dma_semaphore, #tpu.memory_space<semaphore_mem>>)
    %dma_wait3A_266 = arith.constant 0 : i32
    %dma_wait3A_267 = tpu.memref_slice %arg2[%add3A_186, %dma_wait3A_266] : memref<16384x1024xf32, #tpu.memory_space<hbm>> -> memref<16x1024xf32, #tpu.memory_space<hbm>>
    %dma_wait3A_268 = arith.constant 0 : i32
    %dma_wait3A_269 = tpu.memref_slice %arg2[%add3A_186, %dma_wait3A_268] : memref<16384x1024xf32, #tpu.memory_space<hbm>> -> memref<16x1024xf32, #tpu.memory_space<hbm>>
    tpu.wait_dma2 semaphore(%arg12 : memref<!tpu.dma_semaphore, #tpu.memory_space<semaphore_mem>>) src(%dma_wait3A_269 : memref<16x1024xf32, #tpu.memory_space<hbm>>) dst(%arg8 : memref<16x1024xf32, #tpu.memory_space<vmem>>)
    %dma_wait3A_270 = arith.constant 0 : i32
    %dma_wait3A_271 = tpu.memref_slice %arg4[%add3A_224, %dma_wait3A_270] : memref<16384x1024xf32, #tpu.memory_space<hbm>> -> memref<16x1024xf32, #tpu.memory_space<hbm>>
    %dma_wait3A_272 = arith.constant 0 : i32
    %dma_wait3A_273 = tpu.memref_slice %arg4[%add3A_224, %dma_wait3A_272] : memref<16384x1024xf32, #tpu.memory_space<hbm>> -> memref<16x1024xf32, #tpu.memory_space<hbm>>
    tpu.wait_dma2 semaphore(%arg13 : memref<!tpu.dma_semaphore, #tpu.memory_space<semaphore_mem>>) src(%arg6 : memref<16x1024xf32, #tpu.memory_space<vmem>>) dst(%dma_wait3A_273 : memref<16x1024xf32, #tpu.memory_space<hbm>>)
    %add3A_274 = arith.constant 12288 : i32
    %add3A_275 = arith.addi %add3A_274, %mul3A_2 : i32
    %add3A_276 = arith.constant 32 : i32
    %add3A_277 = arith.addi %add3A_275, %add3A_276 : i32
    %dma_start3A_278 = arith.constant 0 : i32
    %dma_start3A_279 = tpu.memref_slice %arg2[%add3A_277, %dma_start3A_278] : memref<16384x1024xf32, #tpu.memory_space<hbm>> -> memref<16x1024xf32, #tpu.memory_space<hbm>>
    %dma_start3A_280 = arith.constant 0 : i32
    %dma_start3A_281 = tpu.memref_slice %arg2[%add3A_277, %dma_start3A_280] : memref<16384x1024xf32, #tpu.memory_space<hbm>> -> memref<16x1024xf32, #tpu.memory_space<hbm>>
    tpu.enqueue_dma source(%dma_start3A_281 : memref<16x1024xf32, #tpu.memory_space<hbm>>) target(%arg6 : memref<16x1024xf32, #tpu.memory_space<vmem>>) target_semaphore(%arg12 : memref<!tpu.dma_semaphore, #tpu.memory_space<semaphore_mem>>)
    %parallel_loop3A_282 = arith.constant 0 : i32
    %parallel_loop3A_283 = arith.constant 1024 : i32
    %parallel_loop3A_284 = arith.constant 1 : i32
    scf.for %parallel_loop3A_942 = %parallel_loop3A_282 to %parallel_loop3A_283 step %parallel_loop3A_284  : i32 {
      %parallel_loop3A_943 = arith.constant 64 : i32
      %parallel_loop3A_944 = arith.divsi %parallel_loop3A_942, %parallel_loop3A_943 : i32
      %parallel_loop3A_945 = arith.constant 0 : i32
      %parallel_loop3A_946 = arith.cmpi sgt, %parallel_loop3A_942, %parallel_loop3A_945 : i32
      %parallel_loop3A_947 = arith.extui %parallel_loop3A_946 : i1 to i32
      %parallel_loop3A_948 = arith.constant 0 : i32
      %parallel_loop3A_949 = arith.cmpi slt, %parallel_loop3A_942, %parallel_loop3A_948 : i32
      %parallel_loop3A_950 = arith.extui %parallel_loop3A_949 : i1 to i32
      %parallel_loop3A_951 = arith.subi %parallel_loop3A_947, %parallel_loop3A_950 : i32
      %parallel_loop3A_952 = arith.constant 0 : i32
      %parallel_loop3A_953 = arith.cmpi sgt, %parallel_loop3A_943, %parallel_loop3A_952 : i32
      %parallel_loop3A_954 = arith.extui %parallel_loop3A_953 : i1 to i32
      %parallel_loop3A_955 = arith.constant 0 : i32
      %parallel_loop3A_956 = arith.cmpi slt, %parallel_loop3A_943, %parallel_loop3A_955 : i32
      %parallel_loop3A_957 = arith.extui %parallel_loop3A_956 : i1 to i32
      %parallel_loop3A_958 = arith.subi %parallel_loop3A_954, %parallel_loop3A_957 : i32
      %parallel_loop3A_959 = arith.cmpi ne, %parallel_loop3A_951, %parallel_loop3A_958 : i32
      %parallel_loop3A_960 = arith.remsi %parallel_loop3A_942, %parallel_loop3A_943 : i32
      %parallel_loop3A_961 = arith.constant 0 : i32
      %parallel_loop3A_962 = arith.cmpi ne, %parallel_loop3A_960, %parallel_loop3A_961 : i32
      %parallel_loop3A_963 = arith.andi %parallel_loop3A_959, %parallel_loop3A_962 : i1
      %parallel_loop3A_964 = arith.constant 1 : i32
      %parallel_loop3A_965 = arith.subi %parallel_loop3A_944, %parallel_loop3A_964 : i32
      %parallel_loop3A_966 = arith.select %parallel_loop3A_963, %parallel_loop3A_965, %parallel_loop3A_944 : i32
      %parallel_loop3A_967 = arith.constant 64 : i32
      %parallel_loop3A_968 = arith.constant 0 : i32
      %parallel_loop3A_969 = arith.cmpi eq, %parallel_loop3A_967, %parallel_loop3A_968 : i32
      %parallel_loop3A_970 = arith.constant 1 : i32
      %parallel_loop3A_971 = arith.select %parallel_loop3A_969, %parallel_loop3A_970, %parallel_loop3A_967 : i32
      %parallel_loop3A_972 = arith.remsi %parallel_loop3A_942, %parallel_loop3A_971 : i32
      %parallel_loop3A_973 = arith.constant 0 : i32
      %parallel_loop3A_974 = arith.cmpi ne, %parallel_loop3A_972, %parallel_loop3A_973 : i32
      %parallel_loop3A_975 = arith.constant 0 : i32
      %parallel_loop3A_976 = arith.cmpi slt, %parallel_loop3A_972, %parallel_loop3A_975 : i32
      %parallel_loop3A_977 = arith.constant 0 : i32
      %parallel_loop3A_978 = arith.cmpi slt, %parallel_loop3A_971, %parallel_loop3A_977 : i32
      %parallel_loop3A_979 = arith.xori %parallel_loop3A_976, %parallel_loop3A_978 : i1
      %parallel_loop3A_980 = arith.andi %parallel_loop3A_979, %parallel_loop3A_974 : i1
      %parallel_loop3A_981 = arith.addi %parallel_loop3A_972, %parallel_loop3A_971 : i32
      %parallel_loop3A_982 = arith.select %parallel_loop3A_980, %parallel_loop3A_981, %parallel_loop3A_972 : i32
      %parallel_loop3A_983 = arith.constant 16 : i32
      %parallel_loop3A_984 = arith.muli %parallel_loop3A_982, %parallel_loop3A_983 : i32
      %parallel_loop3A_985 = arith.index_cast %parallel_loop3A_966 : i32 to index
      %parallel_loop3A_986 = arith.index_cast %parallel_loop3A_984 : i32 to index
      %parallel_loop3A_987 = tpu.vector_load %arg10[%parallel_loop3A_985, %parallel_loop3A_986] {strides = array<i32>} : memref<16x1024xf32, #tpu.memory_space<vmem>>, vector<1x16xf32>,
      %parallel_loop3A_988 = vector.shape_cast %parallel_loop3A_987 : vector<1x16xf32> to vector<16xf32>
      %parallel_loop3A_989 = arith.index_cast %parallel_loop3A_966 : i32 to index
      %parallel_loop3A_990 = arith.index_cast %parallel_loop3A_984 : i32 to index
      %parallel_loop3A_991 = tpu.vector_load %arg8[%parallel_loop3A_989, %parallel_loop3A_990] {strides = array<i32>} : memref<16x1024xf32, #tpu.memory_space<vmem>>, vector<1x16xf32>,
      %parallel_loop3A_992 = vector.shape_cast %parallel_loop3A_991 : vector<1x16xf32> to vector<16xf32>
      %parallel_loop3A_993 = vector.shape_cast %parallel_loop3A_988 : vector<16xf32> to vector<1x16xf32>
      tpu.vector_store %arg8[%parallel_loop3A_989, %parallel_loop3A_990], %parallel_loop3A_993 {add = true, strides = array<i32>} : memref<16x1024xf32, #tpu.memory_space<vmem>>, vector<1x16xf32>,
    } {sc.loop_unroll_factor = 8 : i64, sc.parallel_access}
    %add3A_285 = arith.constant 0 : i32
    %add3A_286 = arith.addi %add3A_285, %mul3A_2 : i32
    %add3A_287 = arith.constant 32 : i32
    %add3A_288 = arith.addi %add3A_286, %add3A_287 : i32
    %dma_start3A_289 = arith.constant 0 : i32
    %dma_start3A_290 = tpu.memref_slice %arg4[%add3A_288, %dma_start3A_289] : memref<16384x1024xf32, #tpu.memory_space<hbm>> -> memref<16x1024xf32, #tpu.memory_space<hbm>>
    %dma_start3A_291 = arith.constant 0 : i32
    %dma_start3A_292 = tpu.memref_slice %arg4[%add3A_288, %dma_start3A_291] : memref<16384x1024xf32, #tpu.memory_space<hbm>> -> memref<16x1024xf32, #tpu.memory_space<hbm>>
    tpu.enqueue_dma source(%arg8 : memref<16x1024xf32, #tpu.memory_space<vmem>>) target(%dma_start3A_292 : memref<16x1024xf32, #tpu.memory_space<hbm>>) target_semaphore(%arg13 : memref<!tpu.dma_semaphore, #tpu.memory_space<semaphore_mem>>)
    %dma_wait3A_293 = arith.constant 0 : i32
    %dma_wait3A_294 = tpu.memref_slice %arg2[%add3A_213, %dma_wait3A_293] : memref<16384x1024xf32, #tpu.memory_space<hbm>> -> memref<16x1024xf32, #tpu.memory_space<hbm>>
    %dma_wait3A_295 = arith.constant 0 : i32
    %dma_wait3A_296 = tpu.memref_slice %arg2[%add3A_213, %dma_wait3A_295] : memref<16384x1024xf32, #tpu.memory_space<hbm>> -> memref<16x1024xf32, #tpu.memory_space<hbm>>
    tpu.wait_dma2 semaphore(%arg12 : memref<!tpu.dma_semaphore, #tpu.memory_space<semaphore_mem>>) src(%dma_wait3A_296 : memref<16x1024xf32, #tpu.memory_space<hbm>>) dst(%arg9 : memref<16x1024xf32, #tpu.memory_space<vmem>>)
    %dma_wait3A_297 = arith.constant 0 : i32
    %dma_wait3A_298 = tpu.memref_slice %arg4[%add3A_251, %dma_wait3A_297] : memref<16384x1024xf32, #tpu.memory_space<hbm>> -> memref<16x1024xf32, #tpu.memory_space<hbm>>
    %dma_wait3A_299 = arith.constant 0 : i32
    %dma_wait3A_300 = tpu.memref_slice %arg4[%add3A_251, %dma_wait3A_299] : memref<16384x1024xf32, #tpu.memory_space<hbm>> -> memref<16x1024xf32, #tpu.memory_space<hbm>>
    tpu.wait_dma2 semaphore(%arg13 : memref<!tpu.dma_semaphore, #tpu.memory_space<semaphore_mem>>) src(%arg7 : memref<16x1024xf32, #tpu.memory_space<vmem>>) dst(%dma_wait3A_300 : memref<16x1024xf32, #tpu.memory_space<hbm>>)
    %add3A_301 = arith.constant 0 : i32
    %add3A_302 = arith.addi %add3A_301, %mul3A_2 : i32
    %add3A_303 = arith.constant 48 : i32
    %add3A_304 = arith.addi %add3A_302, %add3A_303 : i32
    %dma_start3A_305 = arith.constant 0 : i32
    %dma_start3A_306 = tpu.memref_slice %arg2[%add3A_304, %dma_start3A_305] : memref<16384x1024xf32, #tpu.memory_space<hbm>> -> memref<16x1024xf32, #tpu.memory_space<hbm>>
    %dma_start3A_307 = arith.constant 0 : i32
    %dma_start3A_308 = tpu.memref_slice %arg2[%add3A_304, %dma_start3A_307] : memref<16384x1024xf32, #tpu.memory_space<hbm>> -> memref<16x1024xf32, #tpu.memory_space<hbm>>
    tpu.enqueue_dma source(%dma_start3A_308 : memref<16x1024xf32, #tpu.memory_space<hbm>>) target(%arg7 : memref<16x1024xf32, #tpu.memory_space<vmem>>) target_semaphore(%arg12 : memref<!tpu.dma_semaphore, #tpu.memory_space<semaphore_mem>>)
    %parallel_loop3A_309 = arith.constant 0 : i32
    %parallel_loop3A_310 = arith.constant 1024 : i32
    %parallel_loop3A_311 = arith.constant 1 : i32
    scf.for %parallel_loop3A_942 = %parallel_loop3A_309 to %parallel_loop3A_310 step %parallel_loop3A_311  : i32 {
      %parallel_loop3A_943 = arith.constant 64 : i32
      %parallel_loop3A_944 = arith.divsi %parallel_loop3A_942, %parallel_loop3A_943 : i32
      %parallel_loop3A_945 = arith.constant 0 : i32
      %parallel_loop3A_946 = arith.cmpi sgt, %parallel_loop3A_942, %parallel_loop3A_945 : i32
      %parallel_loop3A_947 = arith.extui %parallel_loop3A_946 : i1 to i32
      %parallel_loop3A_948 = arith.constant 0 : i32
      %parallel_loop3A_949 = arith.cmpi slt, %parallel_loop3A_942, %parallel_loop3A_948 : i32
      %parallel_loop3A_950 = arith.extui %parallel_loop3A_949 : i1 to i32
      %parallel_loop3A_951 = arith.subi %parallel_loop3A_947, %parallel_loop3A_950 : i32
      %parallel_loop3A_952 = arith.constant 0 : i32
      %parallel_loop3A_953 = arith.cmpi sgt, %parallel_loop3A_943, %parallel_loop3A_952 : i32
      %parallel_loop3A_954 = arith.extui %parallel_loop3A_953 : i1 to i32
      %parallel_loop3A_955 = arith.constant 0 : i32
      %parallel_loop3A_956 = arith.cmpi slt, %parallel_loop3A_943, %parallel_loop3A_955 : i32
      %parallel_loop3A_957 = arith.extui %parallel_loop3A_956 : i1 to i32
      %parallel_loop3A_958 = arith.subi %parallel_loop3A_954, %parallel_loop3A_957 : i32
      %parallel_loop3A_959 = arith.cmpi ne, %parallel_loop3A_951, %parallel_loop3A_958 : i32
      %parallel_loop3A_960 = arith.remsi %parallel_loop3A_942, %parallel_loop3A_943 : i32
      %parallel_loop3A_961 = arith.constant 0 : i32
      %parallel_loop3A_962 = arith.cmpi ne, %parallel_loop3A_960, %parallel_loop3A_961 : i32
      %parallel_loop3A_963 = arith.andi %parallel_loop3A_959, %parallel_loop3A_962 : i1
      %parallel_loop3A_964 = arith.constant 1 : i32
      %parallel_loop3A_965 = arith.subi %parallel_loop3A_944, %parallel_loop3A_964 : i32
      %parallel_loop3A_966 = arith.select %parallel_loop3A_963, %parallel_loop3A_965, %parallel_loop3A_944 : i32
      %parallel_loop3A_967 = arith.constant 64 : i32
      %parallel_loop3A_968 = arith.constant 0 : i32
      %parallel_loop3A_969 = arith.cmpi eq, %parallel_loop3A_967, %parallel_loop3A_968 : i32
      %parallel_loop3A_970 = arith.constant 1 : i32
      %parallel_loop3A_971 = arith.select %parallel_loop3A_969, %parallel_loop3A_970, %parallel_loop3A_967 : i32
      %parallel_loop3A_972 = arith.remsi %parallel_loop3A_942, %parallel_loop3A_971 : i32
      %parallel_loop3A_973 = arith.constant 0 : i32
      %parallel_loop3A_974 = arith.cmpi ne, %parallel_loop3A_972, %parallel_loop3A_973 : i32
      %parallel_loop3A_975 = arith.constant 0 : i32
      %parallel_loop3A_976 = arith.cmpi slt, %parallel_loop3A_972, %parallel_loop3A_975 : i32
      %parallel_loop3A_977 = arith.constant 0 : i32
      %parallel_loop3A_978 = arith.cmpi slt, %parallel_loop3A_971, %parallel_loop3A_977 : i32
      %parallel_loop3A_979 = arith.xori %parallel_loop3A_976, %parallel_loop3A_978 : i1
      %parallel_loop3A_980 = arith.andi %parallel_loop3A_979, %parallel_loop3A_974 : i1
      %parallel_loop3A_981 = arith.addi %parallel_loop3A_972, %parallel_loop3A_971 : i32
      %parallel_loop3A_982 = arith.select %parallel_loop3A_980, %parallel_loop3A_981, %parallel_loop3A_972 : i32
      %parallel_loop3A_983 = arith.constant 16 : i32
      %parallel_loop3A_984 = arith.muli %parallel_loop3A_982, %parallel_loop3A_983 : i32
      %parallel_loop3A_985 = arith.index_cast %parallel_loop3A_966 : i32 to index
      %parallel_loop3A_986 = arith.index_cast %parallel_loop3A_984 : i32 to index
      %parallel_loop3A_987 = tpu.vector_load %arg10[%parallel_loop3A_985, %parallel_loop3A_986] {strides = array<i32>} : memref<16x1024xf32, #tpu.memory_space<vmem>>, vector<1x16xf32>,
      %parallel_loop3A_988 = vector.shape_cast %parallel_loop3A_987 : vector<1x16xf32> to vector<16xf32>
      %parallel_loop3A_989 = arith.index_cast %parallel_loop3A_966 : i32 to index
      %parallel_loop3A_990 = arith.index_cast %parallel_loop3A_984 : i32 to index
      %parallel_loop3A_991 = tpu.vector_load %arg9[%parallel_loop3A_989, %parallel_loop3A_990] {strides = array<i32>} : memref<16x1024xf32, #tpu.memory_space<vmem>>, vector<1x16xf32>,
      %parallel_loop3A_992 = vector.shape_cast %parallel_loop3A_991 : vector<1x16xf32> to vector<16xf32>
      %parallel_loop3A_993 = vector.shape_cast %parallel_loop3A_988 : vector<16xf32> to vector<1x16xf32>
      tpu.vector_store %arg9[%parallel_loop3A_989, %parallel_loop3A_990], %parallel_loop3A_993 {add = true, strides = array<i32>} : memref<16x1024xf32, #tpu.memory_space<vmem>>, vector<1x16xf32>,
    } {sc.loop_unroll_factor = 8 : i64, sc.parallel_access}
    %add3A_312 = arith.constant 4096 : i32
    %add3A_313 = arith.addi %add3A_312, %mul3A_2 : i32
    %add3A_314 = arith.constant 32 : i32
    %add3A_315 = arith.addi %add3A_313, %add3A_314 : i32
    %dma_start3A_316 = arith.constant 0 : i32
    %dma_start3A_317 = tpu.memref_slice %arg4[%add3A_315, %dma_start3A_316] : memref<16384x1024xf32, #tpu.memory_space<hbm>> -> memref<16x1024xf32, #tpu.memory_space<hbm>>
    %dma_start3A_318 = arith.constant 0 : i32
    %dma_start3A_319 = tpu.memref_slice %arg4[%add3A_315, %dma_start3A_318] : memref<16384x1024xf32, #tpu.memory_space<hbm>> -> memref<16x1024xf32, #tpu.memory_space<hbm>>
    tpu.enqueue_dma source(%arg9 : memref<16x1024xf32, #tpu.memory_space<vmem>>) target(%dma_start3A_319 : memref<16x1024xf32, #tpu.memory_space<hbm>>) target_semaphore(%arg13 : memref<!tpu.dma_semaphore, #tpu.memory_space<semaphore_mem>>)
    %dma_wait3A_320 = arith.constant 0 : i32
    %dma_wait3A_321 = tpu.memref_slice %arg2[%add3A_240, %dma_wait3A_320] : memref<16384x1024xf32, #tpu.memory_space<hbm>> -> memref<16x1024xf32, #tpu.memory_space<hbm>>
    %dma_wait3A_322 = arith.constant 0 : i32
    %dma_wait3A_323 = tpu.memref_slice %arg2[%add3A_240, %dma_wait3A_322] : memref<16384x1024xf32, #tpu.memory_space<hbm>> -> memref<16x1024xf32, #tpu.memory_space<hbm>>
    tpu.wait_dma2 semaphore(%arg12 : memref<!tpu.dma_semaphore, #tpu.memory_space<semaphore_mem>>) src(%dma_wait3A_323 : memref<16x1024xf32, #tpu.memory_space<hbm>>) dst(%arg5 : memref<16x1024xf32, #tpu.memory_space<vmem>>)
    %dma_wait3A_324 = arith.constant 0 : i32
    %dma_wait3A_325 = tpu.memref_slice %arg4[%add3A_288, %dma_wait3A_324] : memref<16384x1024xf32, #tpu.memory_space<hbm>> -> memref<16x1024xf32, #tpu.memory_space<hbm>>
    %dma_wait3A_326 = arith.constant 0 : i32
    %dma_wait3A_327 = tpu.memref_slice %arg4[%add3A_288, %dma_wait3A_326] : memref<16384x1024xf32, #tpu.memory_space<hbm>> -> memref<16x1024xf32, #tpu.memory_space<hbm>>
    tpu.wait_dma2 semaphore(%arg13 : memref<!tpu.dma_semaphore, #tpu.memory_space<semaphore_mem>>) src(%arg8 : memref<16x1024xf32, #tpu.memory_space<vmem>>) dst(%dma_wait3A_327 : memref<16x1024xf32, #tpu.memory_space<hbm>>)
    %add3A_328 = arith.constant 4096 : i32
    %add3A_329 = arith.addi %add3A_328, %mul3A_2 : i32
    %add3A_330 = arith.constant 48 : i32
    %add3A_331 = arith.addi %add3A_329, %add3A_330 : i32
    %dma_start3A_332 = arith.constant 0 : i32
    %dma_start3A_333 = tpu.memref_slice %arg2[%add3A_331, %dma_start3A_332] : memref<16384x1024xf32, #tpu.memory_space<hbm>> -> memref<16x1024xf32, #tpu.memory_space<hbm>>
    %dma_start3A_334 = arith.constant 0 : i32
    %dma_start3A_335 = tpu.memref_slice %arg2[%add3A_331, %dma_start3A_334] : memref<16384x1024xf32, #tpu.memory_space<hbm>> -> memref<16x1024xf32, #tpu.memory_space<hbm>>
    tpu.enqueue_dma source(%dma_start3A_335 : memref<16x1024xf32, #tpu.memory_space<hbm>>) target(%arg8 : memref<16x1024xf32, #tpu.memory_space<vmem>>) target_semaphore(%arg12 : memref<!tpu.dma_semaphore, #tpu.memory_space<semaphore_mem>>)
    %parallel_loop3A_336 = arith.constant 0 : i32
    %parallel_loop3A_337 = arith.constant 1024 : i32
    %parallel_loop3A_338 = arith.constant 1 : i32
    scf.for %parallel_loop3A_942 = %parallel_loop3A_336 to %parallel_loop3A_337 step %parallel_loop3A_338  : i32 {
      %parallel_loop3A_943 = arith.constant 64 : i32
      %parallel_loop3A_944 = arith.divsi %parallel_loop3A_942, %parallel_loop3A_943 : i32
      %parallel_loop3A_945 = arith.constant 0 : i32
      %parallel_loop3A_946 = arith.cmpi sgt, %parallel_loop3A_942, %parallel_loop3A_945 : i32
      %parallel_loop3A_947 = arith.extui %parallel_loop3A_946 : i1 to i32
      %parallel_loop3A_948 = arith.constant 0 : i32
      %parallel_loop3A_949 = arith.cmpi slt, %parallel_loop3A_942, %parallel_loop3A_948 : i32
      %parallel_loop3A_950 = arith.extui %parallel_loop3A_949 : i1 to i32
      %parallel_loop3A_951 = arith.subi %parallel_loop3A_947, %parallel_loop3A_950 : i32
      %parallel_loop3A_952 = arith.constant 0 : i32
      %parallel_loop3A_953 = arith.cmpi sgt, %parallel_loop3A_943, %parallel_loop3A_952 : i32
      %parallel_loop3A_954 = arith.extui %parallel_loop3A_953 : i1 to i32
      %parallel_loop3A_955 = arith.constant 0 : i32
      %parallel_loop3A_956 = arith.cmpi slt, %parallel_loop3A_943, %parallel_loop3A_955 : i32
      %parallel_loop3A_957 = arith.extui %parallel_loop3A_956 : i1 to i32
      %parallel_loop3A_958 = arith.subi %parallel_loop3A_954, %parallel_loop3A_957 : i32
      %parallel_loop3A_959 = arith.cmpi ne, %parallel_loop3A_951, %parallel_loop3A_958 : i32
      %parallel_loop3A_960 = arith.remsi %parallel_loop3A_942, %parallel_loop3A_943 : i32
      %parallel_loop3A_961 = arith.constant 0 : i32
      %parallel_loop3A_962 = arith.cmpi ne, %parallel_loop3A_960, %parallel_loop3A_961 : i32
      %parallel_loop3A_963 = arith.andi %parallel_loop3A_959, %parallel_loop3A_962 : i1
      %parallel_loop3A_964 = arith.constant 1 : i32
      %parallel_loop3A_965 = arith.subi %parallel_loop3A_944, %parallel_loop3A_964 : i32
      %parallel_loop3A_966 = arith.select %parallel_loop3A_963, %parallel_loop3A_965, %parallel_loop3A_944 : i32
      %parallel_loop3A_967 = arith.constant 64 : i32
      %parallel_loop3A_968 = arith.constant 0 : i32
      %parallel_loop3A_969 = arith.cmpi eq, %parallel_loop3A_967, %parallel_loop3A_968 : i32
      %parallel_loop3A_970 = arith.constant 1 : i32
      %parallel_loop3A_971 = arith.select %parallel_loop3A_969, %parallel_loop3A_970, %parallel_loop3A_967 : i32
      %parallel_loop3A_972 = arith.remsi %parallel_loop3A_942, %parallel_loop3A_971 : i32
      %parallel_loop3A_973 = arith.constant 0 : i32
      %parallel_loop3A_974 = arith.cmpi ne, %parallel_loop3A_972, %parallel_loop3A_973 : i32
      %parallel_loop3A_975 = arith.constant 0 : i32
      %parallel_loop3A_976 = arith.cmpi slt, %parallel_loop3A_972, %parallel_loop3A_975 : i32
      %parallel_loop3A_977 = arith.constant 0 : i32
      %parallel_loop3A_978 = arith.cmpi slt, %parallel_loop3A_971, %parallel_loop3A_977 : i32
      %parallel_loop3A_979 = arith.xori %parallel_loop3A_976, %parallel_loop3A_978 : i1
      %parallel_loop3A_980 = arith.andi %parallel_loop3A_979, %parallel_loop3A_974 : i1
      %parallel_loop3A_981 = arith.addi %parallel_loop3A_972, %parallel_loop3A_971 : i32
      %parallel_loop3A_982 = arith.select %parallel_loop3A_980, %parallel_loop3A_981, %parallel_loop3A_972 : i32
      %parallel_loop3A_983 = arith.constant 16 : i32
      %parallel_loop3A_984 = arith.muli %parallel_loop3A_982, %parallel_loop3A_983 : i32
      %parallel_loop3A_985 = arith.index_cast %parallel_loop3A_966 : i32 to index
      %parallel_loop3A_986 = arith.index_cast %parallel_loop3A_984 : i32 to index
      %parallel_loop3A_987 = tpu.vector_load %arg10[%parallel_loop3A_985, %parallel_loop3A_986] {strides = array<i32>} : memref<16x1024xf32, #tpu.memory_space<vmem>>, vector<1x16xf32>,
      %parallel_loop3A_988 = vector.shape_cast %parallel_loop3A_987 : vector<1x16xf32> to vector<16xf32>
      %parallel_loop3A_989 = arith.index_cast %parallel_loop3A_966 : i32 to index
      %parallel_loop3A_990 = arith.index_cast %parallel_loop3A_984 : i32 to index
      %parallel_loop3A_991 = tpu.vector_load %arg5[%parallel_loop3A_989, %parallel_loop3A_990] {strides = array<i32>} : memref<16x1024xf32, #tpu.memory_space<vmem>>, vector<1x16xf32>,
      %parallel_loop3A_992 = vector.shape_cast %parallel_loop3A_991 : vector<1x16xf32> to vector<16xf32>
      %parallel_loop3A_993 = vector.shape_cast %parallel_loop3A_988 : vector<16xf32> to vector<1x16xf32>
      tpu.vector_store %arg5[%parallel_loop3A_989, %parallel_loop3A_990], %parallel_loop3A_993 {add = true, strides = array<i32>} : memref<16x1024xf32, #tpu.memory_space<vmem>>, vector<1x16xf32>,
    } {sc.loop_unroll_factor = 8 : i64, sc.parallel_access}
    %add3A_339 = arith.constant 8192 : i32
    %add3A_340 = arith.addi %add3A_339, %mul3A_2 : i32
    %add3A_341 = arith.constant 32 : i32
    %add3A_342 = arith.addi %add3A_340, %add3A_341 : i32
    %dma_start3A_343 = arith.constant 0 : i32
    %dma_start3A_344 = tpu.memref_slice %arg4[%add3A_342, %dma_start3A_343] : memref<16384x1024xf32, #tpu.memory_space<hbm>> -> memref<16x1024xf32, #tpu.memory_space<hbm>>
    %dma_start3A_345 = arith.constant 0 : i32
    %dma_start3A_346 = tpu.memref_slice %arg4[%add3A_342, %dma_start3A_345] : memref<16384x1024xf32, #tpu.memory_space<hbm>> -> memref<16x1024xf32, #tpu.memory_space<hbm>>
    tpu.enqueue_dma source(%arg5 : memref<16x1024xf32, #tpu.memory_space<vmem>>) target(%dma_start3A_346 : memref<16x1024xf32, #tpu.memory_space<hbm>>) target_semaphore(%arg13 : memref<!tpu.dma_semaphore, #tpu.memory_space<semaphore_mem>>)
    %dma_wait3A_347 = arith.constant 0 : i32
    %dma_wait3A_348 = tpu.memref_slice %arg2[%add3A_277, %dma_wait3A_347] : memref<16384x1024xf32, #tpu.memory_space<hbm>> -> memref<16x1024xf32, #tpu.memory_space<hbm>>
    %dma_wait3A_349 = arith.constant 0 : i32
    %dma_wait3A_350 = tpu.memref_slice %arg2[%add3A_277, %dma_wait3A_349] : memref<16384x1024xf32, #tpu.memory_space<hbm>> -> memref<16x1024xf32, #tpu.memory_space<hbm>>
    tpu.wait_dma2 semaphore(%arg12 : memref<!tpu.dma_semaphore, #tpu.memory_space<semaphore_mem>>) src(%dma_wait3A_350 : memref<16x1024xf32, #tpu.memory_space<hbm>>) dst(%arg6 : memref<16x1024xf32, #tpu.memory_space<vmem>>)
    %dma_wait3A_351 = arith.constant 0 : i32
    %dma_wait3A_352 = tpu.memref_slice %arg4[%add3A_315, %dma_wait3A_351] : memref<16384x1024xf32, #tpu.memory_space<hbm>> -> memref<16x1024xf32, #tpu.memory_space<hbm>>
    %dma_wait3A_353 = arith.constant 0 : i32
    %dma_wait3A_354 = tpu.memref_slice %arg4[%add3A_315, %dma_wait3A_353] : memref<16384x1024xf32, #tpu.memory_space<hbm>> -> memref<16x1024xf32, #tpu.memory_space<hbm>>
    tpu.wait_dma2 semaphore(%arg13 : memref<!tpu.dma_semaphore, #tpu.memory_space<semaphore_mem>>) src(%arg9 : memref<16x1024xf32, #tpu.memory_space<vmem>>) dst(%dma_wait3A_354 : memref<16x1024xf32, #tpu.memory_space<hbm>>)
    %add3A_355 = arith.constant 8192 : i32
    %add3A_356 = arith.addi %add3A_355, %mul3A_2 : i32
    %add3A_357 = arith.constant 48 : i32
    %add3A_358 = arith.addi %add3A_356, %add3A_357 : i32
    %dma_start3A_359 = arith.constant 0 : i32
    %dma_start3A_360 = tpu.memref_slice %arg2[%add3A_358, %dma_start3A_359] : memref<16384x1024xf32, #tpu.memory_space<hbm>> -> memref<16x1024xf32, #tpu.memory_space<hbm>>
    %dma_start3A_361 = arith.constant 0 : i32
    %dma_start3A_362 = tpu.memref_slice %arg2[%add3A_358, %dma_start3A_361] : memref<16384x1024xf32, #tpu.memory_space<hbm>> -> memref<16x1024xf32, #tpu.memory_space<hbm>>
    tpu.enqueue_dma source(%dma_start3A_362 : memref<16x1024xf32, #tpu.memory_space<hbm>>) target(%arg9 : memref<16x1024xf32, #tpu.memory_space<vmem>>) target_semaphore(%arg12 : memref<!tpu.dma_semaphore, #tpu.memory_space<semaphore_mem>>)
    %parallel_loop3A_363 = arith.constant 0 : i32
    %parallel_loop3A_364 = arith.constant 1024 : i32
    %parallel_loop3A_365 = arith.constant 1 : i32
    scf.for %parallel_loop3A_942 = %parallel_loop3A_363 to %parallel_loop3A_364 step %parallel_loop3A_365  : i32 {
      %parallel_loop3A_943 = arith.constant 64 : i32
      %parallel_loop3A_944 = arith.divsi %parallel_loop3A_942, %parallel_loop3A_943 : i32
      %parallel_loop3A_945 = arith.constant 0 : i32
      %parallel_loop3A_946 = arith.cmpi sgt, %parallel_loop3A_942, %parallel_loop3A_945 : i32
      %parallel_loop3A_947 = arith.extui %parallel_loop3A_946 : i1 to i32
      %parallel_loop3A_948 = arith.constant 0 : i32
      %parallel_loop3A_949 = arith.cmpi slt, %parallel_loop3A_942, %parallel_loop3A_948 : i32
      %parallel_loop3A_950 = arith.extui %parallel_loop3A_949 : i1 to i32
      %parallel_loop3A_951 = arith.subi %parallel_loop3A_947, %parallel_loop3A_950 : i32
      %parallel_loop3A_952 = arith.constant 0 : i32
      %parallel_loop3A_953 = arith.cmpi sgt, %parallel_loop3A_943, %parallel_loop3A_952 : i32
      %parallel_loop3A_954 = arith.extui %parallel_loop3A_953 : i1 to i32
      %parallel_loop3A_955 = arith.constant 0 : i32
      %parallel_loop3A_956 = arith.cmpi slt, %parallel_loop3A_943, %parallel_loop3A_955 : i32
      %parallel_loop3A_957 = arith.extui %parallel_loop3A_956 : i1 to i32
      %parallel_loop3A_958 = arith.subi %parallel_loop3A_954, %parallel_loop3A_957 : i32
      %parallel_loop3A_959 = arith.cmpi ne, %parallel_loop3A_951, %parallel_loop3A_958 : i32
      %parallel_loop3A_960 = arith.remsi %parallel_loop3A_942, %parallel_loop3A_943 : i32
      %parallel_loop3A_961 = arith.constant 0 : i32
      %parallel_loop3A_962 = arith.cmpi ne, %parallel_loop3A_960, %parallel_loop3A_961 : i32
      %parallel_loop3A_963 = arith.andi %parallel_loop3A_959, %parallel_loop3A_962 : i1
      %parallel_loop3A_964 = arith.constant 1 : i32
      %parallel_loop3A_965 = arith.subi %parallel_loop3A_944, %parallel_loop3A_964 : i32
      %parallel_loop3A_966 = arith.select %parallel_loop3A_963, %parallel_loop3A_965, %parallel_loop3A_944 : i32
      %parallel_loop3A_967 = arith.constant 64 : i32
      %parallel_loop3A_968 = arith.constant 0 : i32
      %parallel_loop3A_969 = arith.cmpi eq, %parallel_loop3A_967, %parallel_loop3A_968 : i32
      %parallel_loop3A_970 = arith.constant 1 : i32
      %parallel_loop3A_971 = arith.select %parallel_loop3A_969, %parallel_loop3A_970, %parallel_loop3A_967 : i32
      %parallel_loop3A_972 = arith.remsi %parallel_loop3A_942, %parallel_loop3A_971 : i32
      %parallel_loop3A_973 = arith.constant 0 : i32
      %parallel_loop3A_974 = arith.cmpi ne, %parallel_loop3A_972, %parallel_loop3A_973 : i32
      %parallel_loop3A_975 = arith.constant 0 : i32
      %parallel_loop3A_976 = arith.cmpi slt, %parallel_loop3A_972, %parallel_loop3A_975 : i32
      %parallel_loop3A_977 = arith.constant 0 : i32
      %parallel_loop3A_978 = arith.cmpi slt, %parallel_loop3A_971, %parallel_loop3A_977 : i32
      %parallel_loop3A_979 = arith.xori %parallel_loop3A_976, %parallel_loop3A_978 : i1
      %parallel_loop3A_980 = arith.andi %parallel_loop3A_979, %parallel_loop3A_974 : i1
      %parallel_loop3A_981 = arith.addi %parallel_loop3A_972, %parallel_loop3A_971 : i32
      %parallel_loop3A_982 = arith.select %parallel_loop3A_980, %parallel_loop3A_981, %parallel_loop3A_972 : i32
      %parallel_loop3A_983 = arith.constant 16 : i32
      %parallel_loop3A_984 = arith.muli %parallel_loop3A_982, %parallel_loop3A_983 : i32
      %parallel_loop3A_985 = arith.index_cast %parallel_loop3A_966 : i32 to index
      %parallel_loop3A_986 = arith.index_cast %parallel_loop3A_984 : i32 to index
      %parallel_loop3A_987 = tpu.vector_load %arg10[%parallel_loop3A_985, %parallel_loop3A_986] {strides = array<i32>} : memref<16x1024xf32, #tpu.memory_space<vmem>>, vector<1x16xf32>,
      %parallel_loop3A_988 = vector.shape_cast %parallel_loop3A_987 : vector<1x16xf32> to vector<16xf32>
      %parallel_loop3A_989 = arith.index_cast %parallel_loop3A_966 : i32 to index
      %parallel_loop3A_990 = arith.index_cast %parallel_loop3A_984 : i32 to index
      %parallel_loop3A_991 = tpu.vector_load %arg6[%parallel_loop3A_989, %parallel_loop3A_990] {strides = array<i32>} : memref<16x1024xf32, #tpu.memory_space<vmem>>, vector<1x16xf32>,
      %parallel_loop3A_992 = vector.shape_cast %parallel_loop3A_991 : vector<1x16xf32> to vector<16xf32>
      %parallel_loop3A_993 = vector.shape_cast %parallel_loop3A_988 : vector<16xf32> to vector<1x16xf32>
      tpu.vector_store %arg6[%parallel_loop3A_989, %parallel_loop3A_990], %parallel_loop3A_993 {add = true, strides = array<i32>} : memref<16x1024xf32, #tpu.memory_space<vmem>>, vector<1x16xf32>,
    } {sc.loop_unroll_factor = 8 : i64, sc.parallel_access}
    %add3A_366 = arith.constant 12288 : i32
    %add3A_367 = arith.addi %add3A_366, %mul3A_2 : i32
    %add3A_368 = arith.constant 32 : i32
    %add3A_369 = arith.addi %add3A_367, %add3A_368 : i32
    %dma_start3A_370 = arith.constant 0 : i32
    %dma_start3A_371 = tpu.memref_slice %arg4[%add3A_369, %dma_start3A_370] : memref<16384x1024xf32, #tpu.memory_space<hbm>> -> memref<16x1024xf32, #tpu.memory_space<hbm>>
    %dma_start3A_372 = arith.constant 0 : i32
    %dma_start3A_373 = tpu.memref_slice %arg4[%add3A_369, %dma_start3A_372] : memref<16384x1024xf32, #tpu.memory_space<hbm>> -> memref<16x1024xf32, #tpu.memory_space<hbm>>
    tpu.enqueue_dma source(%arg6 : memref<16x1024xf32, #tpu.memory_space<vmem>>) target(%dma_start3A_373 : memref<16x1024xf32, #tpu.memory_space<hbm>>) target_semaphore(%arg13 : memref<!tpu.dma_semaphore, #tpu.memory_space<semaphore_mem>>)
    %dma_wait3A_374 = arith.constant 0 : i32
    %dma_wait3A_375 = tpu.memref_slice %arg3[%add3A_261, %dma_wait3A_374] : memref<4096x1024xf32, #tpu.memory_space<hbm>> -> memref<16x1024xf32, #tpu.memory_space<hbm>>
    %dma_wait3A_376 = arith.constant 0 : i32
    %dma_wait3A_377 = tpu.memref_slice %arg3[%add3A_261, %dma_wait3A_376] : memref<4096x1024xf32, #tpu.memory_space<hbm>> -> memref<16x1024xf32, #tpu.memory_space<hbm>>
    tpu.wait_dma2 semaphore(%arg14 : memref<!tpu.dma_semaphore, #tpu.memory_space<semaphore_mem>>) src(%dma_wait3A_377 : memref<16x1024xf32, #tpu.memory_space<hbm>>) dst(%arg11 : memref<16x1024xf32, #tpu.memory_space<vmem>>)
    %add3A_378 = arith.constant 64 : i32
    %add3A_379 = arith.addi %mul3A_2, %add3A_378 : i32
    %dma_start3A_380 = arith.constant 0 : i32
    %dma_start3A_381 = tpu.memref_slice %arg3[%add3A_379, %dma_start3A_380] : memref<4096x1024xf32, #tpu.memory_space<hbm>> -> memref<16x1024xf32, #tpu.memory_space<hbm>>
    %dma_start3A_382 = arith.constant 0 : i32
    %dma_start3A_383 = tpu.memref_slice %arg3[%add3A_379, %dma_start3A_382] : memref<4096x1024xf32, #tpu.memory_space<hbm>> -> memref<16x1024xf32, #tpu.memory_space<hbm>>
    tpu.enqueue_dma source(%dma_start3A_383 : memref<16x1024xf32, #tpu.memory_space<hbm>>) target(%arg10 : memref<16x1024xf32, #tpu.memory_space<vmem>>) target_semaphore(%arg14 : memref<!tpu.dma_semaphore, #tpu.memory_space<semaphore_mem>>)
    %dma_wait3A_384 = arith.constant 0 : i32
    %dma_wait3A_385 = tpu.memref_slice %arg2[%add3A_304, %dma_wait3A_384] : memref<16384x1024xf32, #tpu.memory_space<hbm>> -> memref<16x1024xf32, #tpu.memory_space<hbm>>
    %dma_wait3A_386 = arith.constant 0 : i32
    %dma_wait3A_387 = tpu.memref_slice %arg2[%add3A_304, %dma_wait3A_386] : memref<16384x1024xf32, #tpu.memory_space<hbm>> -> memref<16x1024xf32, #tpu.memory_space<hbm>>
    tpu.wait_dma2 semaphore(%arg12 : memref<!tpu.dma_semaphore, #tpu.memory_space<semaphore_mem>>) src(%dma_wait3A_387 : memref<16x1024xf32, #tpu.memory_space<hbm>>) dst(%arg7 : memref<16x1024xf32, #tpu.memory_space<vmem>>)
    %dma_wait3A_388 = arith.constant 0 : i32
    %dma_wait3A_389 = tpu.memref_slice %arg4[%add3A_342, %dma_wait3A_388] : memref<16384x1024xf32, #tpu.memory_space<hbm>> -> memref<16x1024xf32, #tpu.memory_space<hbm>>
    %dma_wait3A_390 = arith.constant 0 : i32
    %dma_wait3A_391 = tpu.memref_slice %arg4[%add3A_342, %dma_wait3A_390] : memref<16384x1024xf32, #tpu.memory_space<hbm>> -> memref<16x1024xf32, #tpu.memory_space<hbm>>
    tpu.wait_dma2 semaphore(%arg13 : memref<!tpu.dma_semaphore, #tpu.memory_space<semaphore_mem>>) src(%arg5 : memref<16x1024xf32, #tpu.memory_space<vmem>>) dst(%dma_wait3A_391 : memref<16x1024xf32, #tpu.memory_space<hbm>>)
    %add3A_392 = arith.constant 12288 : i32
    %add3A_393 = arith.addi %add3A_392, %mul3A_2 : i32
    %add3A_394 = arith.constant 48 : i32
    %add3A_395 = arith.addi %add3A_393, %add3A_394 : i32
    %dma_start3A_396 = arith.constant 0 : i32
    %dma_start3A_397 = tpu.memref_slice %arg2[%add3A_395, %dma_start3A_396] : memref<16384x1024xf32, #tpu.memory_space<hbm>> -> memref<16x1024xf32, #tpu.memory_space<hbm>>
    %dma_start3A_398 = arith.constant 0 : i32
    %dma_start3A_399 = tpu.memref_slice %arg2[%add3A_395, %dma_start3A_398] : memref<16384x1024xf32, #tpu.memory_space<hbm>> -> memref<16x1024xf32, #tpu.memory_space<hbm>>
    tpu.enqueue_dma source(%dma_start3A_399 : memref<16x1024xf32, #tpu.memory_space<hbm>>) target(%arg5 : memref<16x1024xf32, #tpu.memory_space<vmem>>) target_semaphore(%arg12 : memref<!tpu.dma_semaphore, #tpu.memory_space<semaphore_mem>>)
    %parallel_loop3A_400 = arith.constant 0 : i32
    %parallel_loop3A_401 = arith.constant 1024 : i32
    %parallel_loop3A_402 = arith.constant 1 : i32
    scf.for %parallel_loop3A_942 = %parallel_loop3A_400 to %parallel_loop3A_401 step %parallel_loop3A_402  : i32 {
      %parallel_loop3A_943 = arith.constant 64 : i32
      %parallel_loop3A_944 = arith.divsi %parallel_loop3A_942, %parallel_loop3A_943 : i32
      %parallel_loop3A_945 = arith.constant 0 : i32
      %parallel_loop3A_946 = arith.cmpi sgt, %parallel_loop3A_942, %parallel_loop3A_945 : i32
      %parallel_loop3A_947 = arith.extui %parallel_loop3A_946 : i1 to i32
      %parallel_loop3A_948 = arith.constant 0 : i32
      %parallel_loop3A_949 = arith.cmpi slt, %parallel_loop3A_942, %parallel_loop3A_948 : i32
      %parallel_loop3A_950 = arith.extui %parallel_loop3A_949 : i1 to i32
      %parallel_loop3A_951 = arith.subi %parallel_loop3A_947, %parallel_loop3A_950 : i32
      %parallel_loop3A_952 = arith.constant 0 : i32
      %parallel_loop3A_953 = arith.cmpi sgt, %parallel_loop3A_943, %parallel_loop3A_952 : i32
      %parallel_loop3A_954 = arith.extui %parallel_loop3A_953 : i1 to i32
      %parallel_loop3A_955 = arith.constant 0 : i32
      %parallel_loop3A_956 = arith.cmpi slt, %parallel_loop3A_943, %parallel_loop3A_955 : i32
      %parallel_loop3A_957 = arith.extui %parallel_loop3A_956 : i1 to i32
      %parallel_loop3A_958 = arith.subi %parallel_loop3A_954, %parallel_loop3A_957 : i32
      %parallel_loop3A_959 = arith.cmpi ne, %parallel_loop3A_951, %parallel_loop3A_958 : i32
      %parallel_loop3A_960 = arith.remsi %parallel_loop3A_942, %parallel_loop3A_943 : i32
      %parallel_loop3A_961 = arith.constant 0 : i32
      %parallel_loop3A_962 = arith.cmpi ne, %parallel_loop3A_960, %parallel_loop3A_961 : i32
      %parallel_loop3A_963 = arith.andi %parallel_loop3A_959, %parallel_loop3A_962 : i1
      %parallel_loop3A_964 = arith.constant 1 : i32
      %parallel_loop3A_965 = arith.subi %parallel_loop3A_944, %parallel_loop3A_964 : i32
      %parallel_loop3A_966 = arith.select %parallel_loop3A_963, %parallel_loop3A_965, %parallel_loop3A_944 : i32
      %parallel_loop3A_967 = arith.constant 64 : i32
      %parallel_loop3A_968 = arith.constant 0 : i32
      %parallel_loop3A_969 = arith.cmpi eq, %parallel_loop3A_967, %parallel_loop3A_968 : i32
      %parallel_loop3A_970 = arith.constant 1 : i32
      %parallel_loop3A_971 = arith.select %parallel_loop3A_969, %parallel_loop3A_970, %parallel_loop3A_967 : i32
      %parallel_loop3A_972 = arith.remsi %parallel_loop3A_942, %parallel_loop3A_971 : i32
      %parallel_loop3A_973 = arith.constant 0 : i32
      %parallel_loop3A_974 = arith.cmpi ne, %parallel_loop3A_972, %parallel_loop3A_973 : i32
      %parallel_loop3A_975 = arith.constant 0 : i32
      %parallel_loop3A_976 = arith.cmpi slt, %parallel_loop3A_972, %parallel_loop3A_975 : i32
      %parallel_loop3A_977 = arith.constant 0 : i32
      %parallel_loop3A_978 = arith.cmpi slt, %parallel_loop3A_971, %parallel_loop3A_977 : i32
      %parallel_loop3A_979 = arith.xori %parallel_loop3A_976, %parallel_loop3A_978 : i1
      %parallel_loop3A_980 = arith.andi %parallel_loop3A_979, %parallel_loop3A_974 : i1
      %parallel_loop3A_981 = arith.addi %parallel_loop3A_972, %parallel_loop3A_971 : i32
      %parallel_loop3A_982 = arith.select %parallel_loop3A_980, %parallel_loop3A_981, %parallel_loop3A_972 : i32
      %parallel_loop3A_983 = arith.constant 16 : i32
      %parallel_loop3A_984 = arith.muli %parallel_loop3A_982, %parallel_loop3A_983 : i32
      %parallel_loop3A_985 = arith.index_cast %parallel_loop3A_966 : i32 to index
      %parallel_loop3A_986 = arith.index_cast %parallel_loop3A_984 : i32 to index
      %parallel_loop3A_987 = tpu.vector_load %arg11[%parallel_loop3A_985, %parallel_loop3A_986] {strides = array<i32>} : memref<16x1024xf32, #tpu.memory_space<vmem>>, vector<1x16xf32>,
      %parallel_loop3A_988 = vector.shape_cast %parallel_loop3A_987 : vector<1x16xf32> to vector<16xf32>
      %parallel_loop3A_989 = arith.index_cast %parallel_loop3A_966 : i32 to index
      %parallel_loop3A_990 = arith.index_cast %parallel_loop3A_984 : i32 to index
      %parallel_loop3A_991 = tpu.vector_load %arg7[%parallel_loop3A_989, %parallel_loop3A_990] {strides = array<i32>} : memref<16x1024xf32, #tpu.memory_space<vmem>>, vector<1x16xf32>,
      %parallel_loop3A_992 = vector.shape_cast %parallel_loop3A_991 : vector<1x16xf32> to vector<16xf32>
      %parallel_loop3A_993 = vector.shape_cast %parallel_loop3A_988 : vector<16xf32> to vector<1x16xf32>
      tpu.vector_store %arg7[%parallel_loop3A_989, %parallel_loop3A_990], %parallel_loop3A_993 {add = true, strides = array<i32>} : memref<16x1024xf32, #tpu.memory_space<vmem>>, vector<1x16xf32>,
    } {sc.loop_unroll_factor = 8 : i64, sc.parallel_access}
    %add3A_403 = arith.constant 0 : i32
    %add3A_404 = arith.addi %add3A_403, %mul3A_2 : i32
    %add3A_405 = arith.constant 48 : i32
    %add3A_406 = arith.addi %add3A_404, %add3A_405 : i32
    %dma_start3A_407 = arith.constant 0 : i32
    %dma_start3A_408 = tpu.memref_slice %arg4[%add3A_406, %dma_start3A_407] : memref<16384x1024xf32, #tpu.memory_space<hbm>> -> memref<16x1024xf32, #tpu.memory_space<hbm>>
    %dma_start3A_409 = arith.constant 0 : i32
    %dma_start3A_410 = tpu.memref_slice %arg4[%add3A_406, %dma_start3A_409] : memref<16384x1024xf32, #tpu.memory_space<hbm>> -> memref<16x1024xf32, #tpu.memory_space<hbm>>
    tpu.enqueue_dma source(%arg7 : memref<16x1024xf32, #tpu.memory_space<vmem>>) target(%dma_start3A_410 : memref<16x1024xf32, #tpu.memory_space<hbm>>) target_semaphore(%arg13 : memref<!tpu.dma_semaphore, #tpu.memory_space<semaphore_mem>>)
    %dma_wait3A_411 = arith.constant 0 : i32
    %dma_wait3A_412 = tpu.memref_slice %arg2[%add3A_331, %dma_wait3A_411] : memref<16384x1024xf32, #tpu.memory_space<hbm>> -> memref<16x1024xf32, #tpu.memory_space<hbm>>
    %dma_wait3A_413 = arith.constant 0 : i32
    %dma_wait3A_414 = tpu.memref_slice %arg2[%add3A_331, %dma_wait3A_413] : memref<16384x1024xf32, #tpu.memory_space<hbm>> -> memref<16x1024xf32, #tpu.memory_space<hbm>>
    tpu.wait_dma2 semaphore(%arg12 : memref<!tpu.dma_semaphore, #tpu.memory_space<semaphore_mem>>) src(%dma_wait3A_414 : memref<16x1024xf32, #tpu.memory_space<hbm>>) dst(%arg8 : memref<16x1024xf32, #tpu.memory_space<vmem>>)
    %dma_wait3A_415 = arith.constant 0 : i32
    %dma_wait3A_416 = tpu.memref_slice %arg4[%add3A_369, %dma_wait3A_415] : memref<16384x1024xf32, #tpu.memory_space<hbm>> -> memref<16x1024xf32, #tpu.memory_space<hbm>>
    %dma_wait3A_417 = arith.constant 0 : i32
    %dma_wait3A_418 = tpu.memref_slice %arg4[%add3A_369, %dma_wait3A_417] : memref<16384x1024xf32, #tpu.memory_space<hbm>> -> memref<16x1024xf32, #tpu.memory_space<hbm>>
    tpu.wait_dma2 semaphore(%arg13 : memref<!tpu.dma_semaphore, #tpu.memory_space<semaphore_mem>>) src(%arg6 : memref<16x1024xf32, #tpu.memory_space<vmem>>) dst(%dma_wait3A_418 : memref<16x1024xf32, #tpu.memory_space<hbm>>)
    %add3A_419 = arith.constant 0 : i32
    %add3A_420 = arith.addi %add3A_419, %mul3A_2 : i32
    %add3A_421 = arith.constant 64 : i32
    %add3A_422 = arith.addi %add3A_420, %add3A_421 : i32
    %dma_start3A_423 = arith.constant 0 : i32
    %dma_start3A_424 = tpu.memref_slice %arg2[%add3A_422, %dma_start3A_423] : memref<16384x1024xf32, #tpu.memory_space<hbm>> -> memref<16x1024xf32, #tpu.memory_space<hbm>>
    %dma_start3A_425 = arith.constant 0 : i32
    %dma_start3A_426 = tpu.memref_slice %arg2[%add3A_422, %dma_start3A_425] : memref<16384x1024xf32, #tpu.memory_space<hbm>> -> memref<16x1024xf32, #tpu.memory_space<hbm>>
    tpu.enqueue_dma source(%dma_start3A_426 : memref<16x1024xf32, #tpu.memory_space<hbm>>) target(%arg6 : memref<16x1024xf32, #tpu.memory_space<vmem>>) target_semaphore(%arg12 : memref<!tpu.dma_semaphore, #tpu.memory_space<semaphore_mem>>)
    %parallel_loop3A_427 = arith.constant 0 : i32
    %parallel_loop3A_428 = arith.constant 1024 : i32
    %parallel_loop3A_429 = arith.constant 1 : i32
    scf.for %parallel_loop3A_942 = %parallel_loop3A_427 to %parallel_loop3A_428 step %parallel_loop3A_429  : i32 {
      %parallel_loop3A_943 = arith.constant 64 : i32
      %parallel_loop3A_944 = arith.divsi %parallel_loop3A_942, %parallel_loop3A_943 : i32
      %parallel_loop3A_945 = arith.constant 0 : i32
      %parallel_loop3A_946 = arith.cmpi sgt, %parallel_loop3A_942, %parallel_loop3A_945 : i32
      %parallel_loop3A_947 = arith.extui %parallel_loop3A_946 : i1 to i32
      %parallel_loop3A_948 = arith.constant 0 : i32
      %parallel_loop3A_949 = arith.cmpi slt, %parallel_loop3A_942, %parallel_loop3A_948 : i32
      %parallel_loop3A_950 = arith.extui %parallel_loop3A_949 : i1 to i32
      %parallel_loop3A_951 = arith.subi %parallel_loop3A_947, %parallel_loop3A_950 : i32
      %parallel_loop3A_952 = arith.constant 0 : i32
      %parallel_loop3A_953 = arith.cmpi sgt, %parallel_loop3A_943, %parallel_loop3A_952 : i32
      %parallel_loop3A_954 = arith.extui %parallel_loop3A_953 : i1 to i32
      %parallel_loop3A_955 = arith.constant 0 : i32
      %parallel_loop3A_956 = arith.cmpi slt, %parallel_loop3A_943, %parallel_loop3A_955 : i32
      %parallel_loop3A_957 = arith.extui %parallel_loop3A_956 : i1 to i32
      %parallel_loop3A_958 = arith.subi %parallel_loop3A_954, %parallel_loop3A_957 : i32
      %parallel_loop3A_959 = arith.cmpi ne, %parallel_loop3A_951, %parallel_loop3A_958 : i32
      %parallel_loop3A_960 = arith.remsi %parallel_loop3A_942, %parallel_loop3A_943 : i32
      %parallel_loop3A_961 = arith.constant 0 : i32
      %parallel_loop3A_962 = arith.cmpi ne, %parallel_loop3A_960, %parallel_loop3A_961 : i32
      %parallel_loop3A_963 = arith.andi %parallel_loop3A_959, %parallel_loop3A_962 : i1
      %parallel_loop3A_964 = arith.constant 1 : i32
      %parallel_loop3A_965 = arith.subi %parallel_loop3A_944, %parallel_loop3A_964 : i32
      %parallel_loop3A_966 = arith.select %parallel_loop3A_963, %parallel_loop3A_965, %parallel_loop3A_944 : i32
      %parallel_loop3A_967 = arith.constant 64 : i32
      %parallel_loop3A_968 = arith.constant 0 : i32
      %parallel_loop3A_969 = arith.cmpi eq, %parallel_loop3A_967, %parallel_loop3A_968 : i32
      %parallel_loop3A_970 = arith.constant 1 : i32
      %parallel_loop3A_971 = arith.select %parallel_loop3A_969, %parallel_loop3A_970, %parallel_loop3A_967 : i32
      %parallel_loop3A_972 = arith.remsi %parallel_loop3A_942, %parallel_loop3A_971 : i32
      %parallel_loop3A_973 = arith.constant 0 : i32
      %parallel_loop3A_974 = arith.cmpi ne, %parallel_loop3A_972, %parallel_loop3A_973 : i32
      %parallel_loop3A_975 = arith.constant 0 : i32
      %parallel_loop3A_976 = arith.cmpi slt, %parallel_loop3A_972, %parallel_loop3A_975 : i32
      %parallel_loop3A_977 = arith.constant 0 : i32
      %parallel_loop3A_978 = arith.cmpi slt, %parallel_loop3A_971, %parallel_loop3A_977 : i32
      %parallel_loop3A_979 = arith.xori %parallel_loop3A_976, %parallel_loop3A_978 : i1
      %parallel_loop3A_980 = arith.andi %parallel_loop3A_979, %parallel_loop3A_974 : i1
      %parallel_loop3A_981 = arith.addi %parallel_loop3A_972, %parallel_loop3A_971 : i32
      %parallel_loop3A_982 = arith.select %parallel_loop3A_980, %parallel_loop3A_981, %parallel_loop3A_972 : i32
      %parallel_loop3A_983 = arith.constant 16 : i32
      %parallel_loop3A_984 = arith.muli %parallel_loop3A_982, %parallel_loop3A_983 : i32
      %parallel_loop3A_985 = arith.index_cast %parallel_loop3A_966 : i32 to index
      %parallel_loop3A_986 = arith.index_cast %parallel_loop3A_984 : i32 to index
      %parallel_loop3A_987 = tpu.vector_load %arg11[%parallel_loop3A_985, %parallel_loop3A_986] {strides = array<i32>} : memref<16x1024xf32, #tpu.memory_space<vmem>>, vector<1x16xf32>,
      %parallel_loop3A_988 = vector.shape_cast %parallel_loop3A_987 : vector<1x16xf32> to vector<16xf32>
      %parallel_loop3A_989 = arith.index_cast %parallel_loop3A_966 : i32 to index
      %parallel_loop3A_990 = arith.index_cast %parallel_loop3A_984 : i32 to index
      %parallel_loop3A_991 = tpu.vector_load %arg8[%parallel_loop3A_989, %parallel_loop3A_990] {strides = array<i32>} : memref<16x1024xf32, #tpu.memory_space<vmem>>, vector<1x16xf32>,
      %parallel_loop3A_992 = vector.shape_cast %parallel_loop3A_991 : vector<1x16xf32> to vector<16xf32>
      %parallel_loop3A_993 = vector.shape_cast %parallel_loop3A_988 : vector<16xf32> to vector<1x16xf32>
      tpu.vector_store %arg8[%parallel_loop3A_989, %parallel_loop3A_990], %parallel_loop3A_993 {add = true, strides = array<i32>} : memref<16x1024xf32, #tpu.memory_space<vmem>>, vector<1x16xf32>,
    } {sc.loop_unroll_factor = 8 : i64, sc.parallel_access}
    %add3A_430 = arith.constant 4096 : i32
    %add3A_431 = arith.addi %add3A_430, %mul3A_2 : i32
    %add3A_432 = arith.constant 48 : i32
    %add3A_433 = arith.addi %add3A_431, %add3A_432 : i32
    %dma_start3A_434 = arith.constant 0 : i32
    %dma_start3A_435 = tpu.memref_slice %arg4[%add3A_433, %dma_start3A_434] : memref<16384x1024xf32, #tpu.memory_space<hbm>> -> memref<16x1024xf32, #tpu.memory_space<hbm>>
    %dma_start3A_436 = arith.constant 0 : i32
    %dma_start3A_437 = tpu.memref_slice %arg4[%add3A_433, %dma_start3A_436] : memref<16384x1024xf32, #tpu.memory_space<hbm>> -> memref<16x1024xf32, #tpu.memory_space<hbm>>
    tpu.enqueue_dma source(%arg8 : memref<16x1024xf32, #tpu.memory_space<vmem>>) target(%dma_start3A_437 : memref<16x1024xf32, #tpu.memory_space<hbm>>) target_semaphore(%arg13 : memref<!tpu.dma_semaphore, #tpu.memory_space<semaphore_mem>>)
    %dma_wait3A_438 = arith.constant 0 : i32
    %dma_wait3A_439 = tpu.memref_slice %arg2[%add3A_358, %dma_wait3A_438] : memref<16384x1024xf32, #tpu.memory_space<hbm>> -> memref<16x1024xf32, #tpu.memory_space<hbm>>
    %dma_wait3A_440 = arith.constant 0 : i32
    %dma_wait3A_441 = tpu.memref_slice %arg2[%add3A_358, %dma_wait3A_440] : memref<16384x1024xf32, #tpu.memory_space<hbm>> -> memref<16x1024xf32, #tpu.memory_space<hbm>>
    tpu.wait_dma2 semaphore(%arg12 : memref<!tpu.dma_semaphore, #tpu.memory_space<semaphore_mem>>) src(%dma_wait3A_441 : memref<16x1024xf32, #tpu.memory_space<hbm>>) dst(%arg9 : memref<16x1024xf32, #tpu.memory_space<vmem>>)
    %dma_wait3A_442 = arith.constant 0 : i32
    %dma_wait3A_443 = tpu.memref_slice %arg4[%add3A_406, %dma_wait3A_442] : memref<16384x1024xf32, #tpu.memory_space<hbm>> -> memref<16x1024xf32, #tpu.memory_space<hbm>>
    %dma_wait3A_444 = arith.constant 0 : i32
    %dma_wait3A_445 = tpu.memref_slice %arg4[%add3A_406, %dma_wait3A_444] : memref<16384x1024xf32, #tpu.memory_space<hbm>> -> memref<16x1024xf32, #tpu.memory_space<hbm>>
    tpu.wait_dma2 semaphore(%arg13 : memref<!tpu.dma_semaphore, #tpu.memory_space<semaphore_mem>>) src(%arg7 : memref<16x1024xf32, #tpu.memory_space<vmem>>) dst(%dma_wait3A_445 : memref<16x1024xf32, #tpu.memory_space<hbm>>)
    %add3A_446 = arith.constant 4096 : i32
    %add3A_447 = arith.addi %add3A_446, %mul3A_2 : i32
    %add3A_448 = arith.constant 64 : i32
    %add3A_449 = arith.addi %add3A_447, %add3A_448 : i32
    %dma_start3A_450 = arith.constant 0 : i32
    %dma_start3A_451 = tpu.memref_slice %arg2[%add3A_449, %dma_start3A_450] : memref<16384x1024xf32, #tpu.memory_space<hbm>> -> memref<16x1024xf32, #tpu.memory_space<hbm>>
    %dma_start3A_452 = arith.constant 0 : i32
    %dma_start3A_453 = tpu.memref_slice %arg2[%add3A_449, %dma_start3A_452] : memref<16384x1024xf32, #tpu.memory_space<hbm>> -> memref<16x1024xf32, #tpu.memory_space<hbm>>
    tpu.enqueue_dma source(%dma_start3A_453 : memref<16x1024xf32, #tpu.memory_space<hbm>>) target(%arg7 : memref<16x1024xf32, #tpu.memory_space<vmem>>) target_semaphore(%arg12 : memref<!tpu.dma_semaphore, #tpu.memory_space<semaphore_mem>>)
    %parallel_loop3A_454 = arith.constant 0 : i32
    %parallel_loop3A_455 = arith.constant 1024 : i32
    %parallel_loop3A_456 = arith.constant 1 : i32
    scf.for %parallel_loop3A_942 = %parallel_loop3A_454 to %parallel_loop3A_455 step %parallel_loop3A_456  : i32 {
      %parallel_loop3A_943 = arith.constant 64 : i32
      %parallel_loop3A_944 = arith.divsi %parallel_loop3A_942, %parallel_loop3A_943 : i32
      %parallel_loop3A_945 = arith.constant 0 : i32
      %parallel_loop3A_946 = arith.cmpi sgt, %parallel_loop3A_942, %parallel_loop3A_945 : i32
      %parallel_loop3A_947 = arith.extui %parallel_loop3A_946 : i1 to i32
      %parallel_loop3A_948 = arith.constant 0 : i32
      %parallel_loop3A_949 = arith.cmpi slt, %parallel_loop3A_942, %parallel_loop3A_948 : i32
      %parallel_loop3A_950 = arith.extui %parallel_loop3A_949 : i1 to i32
      %parallel_loop3A_951 = arith.subi %parallel_loop3A_947, %parallel_loop3A_950 : i32
      %parallel_loop3A_952 = arith.constant 0 : i32
      %parallel_loop3A_953 = arith.cmpi sgt, %parallel_loop3A_943, %parallel_loop3A_952 : i32
      %parallel_loop3A_954 = arith.extui %parallel_loop3A_953 : i1 to i32
      %parallel_loop3A_955 = arith.constant 0 : i32
      %parallel_loop3A_956 = arith.cmpi slt, %parallel_loop3A_943, %parallel_loop3A_955 : i32
      %parallel_loop3A_957 = arith.extui %parallel_loop3A_956 : i1 to i32
      %parallel_loop3A_958 = arith.subi %parallel_loop3A_954, %parallel_loop3A_957 : i32
      %parallel_loop3A_959 = arith.cmpi ne, %parallel_loop3A_951, %parallel_loop3A_958 : i32
      %parallel_loop3A_960 = arith.remsi %parallel_loop3A_942, %parallel_loop3A_943 : i32
      %parallel_loop3A_961 = arith.constant 0 : i32
      %parallel_loop3A_962 = arith.cmpi ne, %parallel_loop3A_960, %parallel_loop3A_961 : i32
      %parallel_loop3A_963 = arith.andi %parallel_loop3A_959, %parallel_loop3A_962 : i1
      %parallel_loop3A_964 = arith.constant 1 : i32
      %parallel_loop3A_965 = arith.subi %parallel_loop3A_944, %parallel_loop3A_964 : i32
      %parallel_loop3A_966 = arith.select %parallel_loop3A_963, %parallel_loop3A_965, %parallel_loop3A_944 : i32
      %parallel_loop3A_967 = arith.constant 64 : i32
      %parallel_loop3A_968 = arith.constant 0 : i32
      %parallel_loop3A_969 = arith.cmpi eq, %parallel_loop3A_967, %parallel_loop3A_968 : i32
      %parallel_loop3A_970 = arith.constant 1 : i32
      %parallel_loop3A_971 = arith.select %parallel_loop3A_969, %parallel_loop3A_970, %parallel_loop3A_967 : i32
      %parallel_loop3A_972 = arith.remsi %parallel_loop3A_942, %parallel_loop3A_971 : i32
      %parallel_loop3A_973 = arith.constant 0 : i32
      %parallel_loop3A_974 = arith.cmpi ne, %parallel_loop3A_972, %parallel_loop3A_973 : i32
      %parallel_loop3A_975 = arith.constant 0 : i32
      %parallel_loop3A_976 = arith.cmpi slt, %parallel_loop3A_972, %parallel_loop3A_975 : i32
      %parallel_loop3A_977 = arith.constant 0 : i32
      %parallel_loop3A_978 = arith.cmpi slt, %parallel_loop3A_971, %parallel_loop3A_977 : i32
      %parallel_loop3A_979 = arith.xori %parallel_loop3A_976, %parallel_loop3A_978 : i1
      %parallel_loop3A_980 = arith.andi %parallel_loop3A_979, %parallel_loop3A_974 : i1
      %parallel_loop3A_981 = arith.addi %parallel_loop3A_972, %parallel_loop3A_971 : i32
      %parallel_loop3A_982 = arith.select %parallel_loop3A_980, %parallel_loop3A_981, %parallel_loop3A_972 : i32
      %parallel_loop3A_983 = arith.constant 16 : i32
      %parallel_loop3A_984 = arith.muli %parallel_loop3A_982, %parallel_loop3A_983 : i32
      %parallel_loop3A_985 = arith.index_cast %parallel_loop3A_966 : i32 to index
      %parallel_loop3A_986 = arith.index_cast %parallel_loop3A_984 : i32 to index
      %parallel_loop3A_987 = tpu.vector_load %arg11[%parallel_loop3A_985, %parallel_loop3A_986] {strides = array<i32>} : memref<16x1024xf32, #tpu.memory_space<vmem>>, vector<1x16xf32>,
      %parallel_loop3A_988 = vector.shape_cast %parallel_loop3A_987 : vector<1x16xf32> to vector<16xf32>
      %parallel_loop3A_989 = arith.index_cast %parallel_loop3A_966 : i32 to index
      %parallel_loop3A_990 = arith.index_cast %parallel_loop3A_984 : i32 to index
      %parallel_loop3A_991 = tpu.vector_load %arg9[%parallel_loop3A_989, %parallel_loop3A_990] {strides = array<i32>} : memref<16x1024xf32, #tpu.memory_space<vmem>>, vector<1x16xf32>,
      %parallel_loop3A_992 = vector.shape_cast %parallel_loop3A_991 : vector<1x16xf32> to vector<16xf32>
      %parallel_loop3A_993 = vector.shape_cast %parallel_loop3A_988 : vector<16xf32> to vector<1x16xf32>
      tpu.vector_store %arg9[%parallel_loop3A_989, %parallel_loop3A_990], %parallel_loop3A_993 {add = true, strides = array<i32>} : memref<16x1024xf32, #tpu.memory_space<vmem>>, vector<1x16xf32>,
    } {sc.loop_unroll_factor = 8 : i64, sc.parallel_access}
    %add3A_457 = arith.constant 8192 : i32
    %add3A_458 = arith.addi %add3A_457, %mul3A_2 : i32
    %add3A_459 = arith.constant 48 : i32
    %add3A_460 = arith.addi %add3A_458, %add3A_459 : i32
    %dma_start3A_461 = arith.constant 0 : i32
    %dma_start3A_462 = tpu.memref_slice %arg4[%add3A_460, %dma_start3A_461] : memref<16384x1024xf32, #tpu.memory_space<hbm>> -> memref<16x1024xf32, #tpu.memory_space<hbm>>
    %dma_start3A_463 = arith.constant 0 : i32
    %dma_start3A_464 = tpu.memref_slice %arg4[%add3A_460, %dma_start3A_463] : memref<16384x1024xf32, #tpu.memory_space<hbm>> -> memref<16x1024xf32, #tpu.memory_space<hbm>>
    tpu.enqueue_dma source(%arg9 : memref<16x1024xf32, #tpu.memory_space<vmem>>) target(%dma_start3A_464 : memref<16x1024xf32, #tpu.memory_space<hbm>>) target_semaphore(%arg13 : memref<!tpu.dma_semaphore, #tpu.memory_space<semaphore_mem>>)
    %dma_wait3A_465 = arith.constant 0 : i32
    %dma_wait3A_466 = tpu.memref_slice %arg2[%add3A_395, %dma_wait3A_465] : memref<16384x1024xf32, #tpu.memory_space<hbm>> -> memref<16x1024xf32, #tpu.memory_space<hbm>>
    %dma_wait3A_467 = arith.constant 0 : i32
    %dma_wait3A_468 = tpu.memref_slice %arg2[%add3A_395, %dma_wait3A_467] : memref<16384x1024xf32, #tpu.memory_space<hbm>> -> memref<16x1024xf32, #tpu.memory_space<hbm>>
    tpu.wait_dma2 semaphore(%arg12 : memref<!tpu.dma_semaphore, #tpu.memory_space<semaphore_mem>>) src(%dma_wait3A_468 : memref<16x1024xf32, #tpu.memory_space<hbm>>) dst(%arg5 : memref<16x1024xf32, #tpu.memory_space<vmem>>)
    %dma_wait3A_469 = arith.constant 0 : i32
    %dma_wait3A_470 = tpu.memref_slice %arg4[%add3A_433, %dma_wait3A_469] : memref<16384x1024xf32, #tpu.memory_space<hbm>> -> memref<16x1024xf32, #tpu.memory_space<hbm>>
    %dma_wait3A_471 = arith.constant 0 : i32
    %dma_wait3A_472 = tpu.memref_slice %arg4[%add3A_433, %dma_wait3A_471] : memref<16384x1024xf32, #tpu.memory_space<hbm>> -> memref<16x1024xf32, #tpu.memory_space<hbm>>
    tpu.wait_dma2 semaphore(%arg13 : memref<!tpu.dma_semaphore, #tpu.memory_space<semaphore_mem>>) src(%arg8 : memref<16x1024xf32, #tpu.memory_space<vmem>>) dst(%dma_wait3A_472 : memref<16x1024xf32, #tpu.memory_space<hbm>>)
    %add3A_473 = arith.constant 8192 : i32
    %add3A_474 = arith.addi %add3A_473, %mul3A_2 : i32
    %add3A_475 = arith.constant 64 : i32
    %add3A_476 = arith.addi %add3A_474, %add3A_475 : i32
    %dma_start3A_477 = arith.constant 0 : i32
    %dma_start3A_478 = tpu.memref_slice %arg2[%add3A_476, %dma_start3A_477] : memref<16384x1024xf32, #tpu.memory_space<hbm>> -> memref<16x1024xf32, #tpu.memory_space<hbm>>
    %dma_start3A_479 = arith.constant 0 : i32
    %dma_start3A_480 = tpu.memref_slice %arg2[%add3A_476, %dma_start3A_479] : memref<16384x1024xf32, #tpu.memory_space<hbm>> -> memref<16x1024xf32, #tpu.memory_space<hbm>>
    tpu.enqueue_dma source(%dma_start3A_480 : memref<16x1024xf32, #tpu.memory_space<hbm>>) target(%arg8 : memref<16x1024xf32, #tpu.memory_space<vmem>>) target_semaphore(%arg12 : memref<!tpu.dma_semaphore, #tpu.memory_space<semaphore_mem>>)
    %parallel_loop3A_481 = arith.constant 0 : i32
    %parallel_loop3A_482 = arith.constant 1024 : i32
    %parallel_loop3A_483 = arith.constant 1 : i32
    scf.for %parallel_loop3A_942 = %parallel_loop3A_481 to %parallel_loop3A_482 step %parallel_loop3A_483  : i32 {
      %parallel_loop3A_943 = arith.constant 64 : i32
      %parallel_loop3A_944 = arith.divsi %parallel_loop3A_942, %parallel_loop3A_943 : i32
      %parallel_loop3A_945 = arith.constant 0 : i32
      %parallel_loop3A_946 = arith.cmpi sgt, %parallel_loop3A_942, %parallel_loop3A_945 : i32
      %parallel_loop3A_947 = arith.extui %parallel_loop3A_946 : i1 to i32
      %parallel_loop3A_948 = arith.constant 0 : i32
      %parallel_loop3A_949 = arith.cmpi slt, %parallel_loop3A_942, %parallel_loop3A_948 : i32
      %parallel_loop3A_950 = arith.extui %parallel_loop3A_949 : i1 to i32
      %parallel_loop3A_951 = arith.subi %parallel_loop3A_947, %parallel_loop3A_950 : i32
      %parallel_loop3A_952 = arith.constant 0 : i32
      %parallel_loop3A_953 = arith.cmpi sgt, %parallel_loop3A_943, %parallel_loop3A_952 : i32
      %parallel_loop3A_954 = arith.extui %parallel_loop3A_953 : i1 to i32
      %parallel_loop3A_955 = arith.constant 0 : i32
      %parallel_loop3A_956 = arith.cmpi slt, %parallel_loop3A_943, %parallel_loop3A_955 : i32
      %parallel_loop3A_957 = arith.extui %parallel_loop3A_956 : i1 to i32
      %parallel_loop3A_958 = arith.subi %parallel_loop3A_954, %parallel_loop3A_957 : i32
      %parallel_loop3A_959 = arith.cmpi ne, %parallel_loop3A_951, %parallel_loop3A_958 : i32
      %parallel_loop3A_960 = arith.remsi %parallel_loop3A_942, %parallel_loop3A_943 : i32
      %parallel_loop3A_961 = arith.constant 0 : i32
      %parallel_loop3A_962 = arith.cmpi ne, %parallel_loop3A_960, %parallel_loop3A_961 : i32
      %parallel_loop3A_963 = arith.andi %parallel_loop3A_959, %parallel_loop3A_962 : i1
      %parallel_loop3A_964 = arith.constant 1 : i32
      %parallel_loop3A_965 = arith.subi %parallel_loop3A_944, %parallel_loop3A_964 : i32
      %parallel_loop3A_966 = arith.select %parallel_loop3A_963, %parallel_loop3A_965, %parallel_loop3A_944 : i32
      %parallel_loop3A_967 = arith.constant 64 : i32
      %parallel_loop3A_968 = arith.constant 0 : i32
      %parallel_loop3A_969 = arith.cmpi eq, %parallel_loop3A_967, %parallel_loop3A_968 : i32
      %parallel_loop3A_970 = arith.constant 1 : i32
      %parallel_loop3A_971 = arith.select %parallel_loop3A_969, %parallel_loop3A_970, %parallel_loop3A_967 : i32
      %parallel_loop3A_972 = arith.remsi %parallel_loop3A_942, %parallel_loop3A_971 : i32
      %parallel_loop3A_973 = arith.constant 0 : i32
      %parallel_loop3A_974 = arith.cmpi ne, %parallel_loop3A_972, %parallel_loop3A_973 : i32
      %parallel_loop3A_975 = arith.constant 0 : i32
      %parallel_loop3A_976 = arith.cmpi slt, %parallel_loop3A_972, %parallel_loop3A_975 : i32
      %parallel_loop3A_977 = arith.constant 0 : i32
      %parallel_loop3A_978 = arith.cmpi slt, %parallel_loop3A_971, %parallel_loop3A_977 : i32
      %parallel_loop3A_979 = arith.xori %parallel_loop3A_976, %parallel_loop3A_978 : i1
      %parallel_loop3A_980 = arith.andi %parallel_loop3A_979, %parallel_loop3A_974 : i1
      %parallel_loop3A_981 = arith.addi %parallel_loop3A_972, %parallel_loop3A_971 : i32
      %parallel_loop3A_982 = arith.select %parallel_loop3A_980, %parallel_loop3A_981, %parallel_loop3A_972 : i32
      %parallel_loop3A_983 = arith.constant 16 : i32
      %parallel_loop3A_984 = arith.muli %parallel_loop3A_982, %parallel_loop3A_983 : i32
      %parallel_loop3A_985 = arith.index_cast %parallel_loop3A_966 : i32 to index
      %parallel_loop3A_986 = arith.index_cast %parallel_loop3A_984 : i32 to index
      %parallel_loop3A_987 = tpu.vector_load %arg11[%parallel_loop3A_985, %parallel_loop3A_986] {strides = array<i32>} : memref<16x1024xf32, #tpu.memory_space<vmem>>, vector<1x16xf32>,
      %parallel_loop3A_988 = vector.shape_cast %parallel_loop3A_987 : vector<1x16xf32> to vector<16xf32>
      %parallel_loop3A_989 = arith.index_cast %parallel_loop3A_966 : i32 to index
      %parallel_loop3A_990 = arith.index_cast %parallel_loop3A_984 : i32 to index
      %parallel_loop3A_991 = tpu.vector_load %arg5[%parallel_loop3A_989, %parallel_loop3A_990] {strides = array<i32>} : memref<16x1024xf32, #tpu.memory_space<vmem>>, vector<1x16xf32>,
      %parallel_loop3A_992 = vector.shape_cast %parallel_loop3A_991 : vector<1x16xf32> to vector<16xf32>
      %parallel_loop3A_993 = vector.shape_cast %parallel_loop3A_988 : vector<16xf32> to vector<1x16xf32>
      tpu.vector_store %arg5[%parallel_loop3A_989, %parallel_loop3A_990], %parallel_loop3A_993 {add = true, strides = array<i32>} : memref<16x1024xf32, #tpu.memory_space<vmem>>, vector<1x16xf32>,
    } {sc.loop_unroll_factor = 8 : i64, sc.parallel_access}
    %add3A_484 = arith.constant 12288 : i32
    %add3A_485 = arith.addi %add3A_484, %mul3A_2 : i32
    %add3A_486 = arith.constant 48 : i32
    %add3A_487 = arith.addi %add3A_485, %add3A_486 : i32
    %dma_start3A_488 = arith.constant 0 : i32
    %dma_start3A_489 = tpu.memref_slice %arg4[%add3A_487, %dma_start3A_488] : memref<16384x1024xf32, #tpu.memory_space<hbm>> -> memref<16x1024xf32, #tpu.memory_space<hbm>>
    %dma_start3A_490 = arith.constant 0 : i32
    %dma_start3A_491 = tpu.memref_slice %arg4[%add3A_487, %dma_start3A_490] : memref<16384x1024xf32, #tpu.memory_space<hbm>> -> memref<16x1024xf32, #tpu.memory_space<hbm>>
    tpu.enqueue_dma source(%arg5 : memref<16x1024xf32, #tpu.memory_space<vmem>>) target(%dma_start3A_491 : memref<16x1024xf32, #tpu.memory_space<hbm>>) target_semaphore(%arg13 : memref<!tpu.dma_semaphore, #tpu.memory_space<semaphore_mem>>)
    %dma_wait3A_492 = arith.constant 0 : i32
    %dma_wait3A_493 = tpu.memref_slice %arg3[%add3A_379, %dma_wait3A_492] : memref<4096x1024xf32, #tpu.memory_space<hbm>> -> memref<16x1024xf32, #tpu.memory_space<hbm>>
    %dma_wait3A_494 = arith.constant 0 : i32
    %dma_wait3A_495 = tpu.memref_slice %arg3[%add3A_379, %dma_wait3A_494] : memref<4096x1024xf32, #tpu.memory_space<hbm>> -> memref<16x1024xf32, #tpu.memory_space<hbm>>
    tpu.wait_dma2 semaphore(%arg14 : memref<!tpu.dma_semaphore, #tpu.memory_space<semaphore_mem>>) src(%dma_wait3A_495 : memref<16x1024xf32, #tpu.memory_space<hbm>>) dst(%arg10 : memref<16x1024xf32, #tpu.memory_space<vmem>>)
    %add3A_496 = arith.constant 80 : i32
    %add3A_497 = arith.addi %mul3A_2, %add3A_496 : i32
    %dma_start3A_498 = arith.constant 0 : i32
    %dma_start3A_499 = tpu.memref_slice %arg3[%add3A_497, %dma_start3A_498] : memref<4096x1024xf32, #tpu.memory_space<hbm>> -> memref<16x1024xf32, #tpu.memory_space<hbm>>
    %dma_start3A_500 = arith.constant 0 : i32
    %dma_start3A_501 = tpu.memref_slice %arg3[%add3A_497, %dma_start3A_500] : memref<4096x1024xf32, #tpu.memory_space<hbm>> -> memref<16x1024xf32, #tpu.memory_space<hbm>>
    tpu.enqueue_dma source(%dma_start3A_501 : memref<16x1024xf32, #tpu.memory_space<hbm>>) target(%arg11 : memref<16x1024xf32, #tpu.memory_space<vmem>>) target_semaphore(%arg14 : memref<!tpu.dma_semaphore, #tpu.memory_space<semaphore_mem>>)
    %dma_wait3A_502 = arith.constant 0 : i32
    %dma_wait3A_503 = tpu.memref_slice %arg2[%add3A_422, %dma_wait3A_502] : memref<16384x1024xf32, #tpu.memory_space<hbm>> -> memref<16x1024xf32, #tpu.memory_space<hbm>>
    %dma_wait3A_504 = arith.constant 0 : i32
    %dma_wait3A_505 = tpu.memref_slice %arg2[%add3A_422, %dma_wait3A_504] : memref<16384x1024xf32, #tpu.memory_space<hbm>> -> memref<16x1024xf32, #tpu.memory_space<hbm>>
    tpu.wait_dma2 semaphore(%arg12 : memref<!tpu.dma_semaphore, #tpu.memory_space<semaphore_mem>>) src(%dma_wait3A_505 : memref<16x1024xf32, #tpu.memory_space<hbm>>) dst(%arg6 : memref<16x1024xf32, #tpu.memory_space<vmem>>)
    %dma_wait3A_506 = arith.constant 0 : i32
    %dma_wait3A_507 = tpu.memref_slice %arg4[%add3A_460, %dma_wait3A_506] : memref<16384x1024xf32, #tpu.memory_space<hbm>> -> memref<16x1024xf32, #tpu.memory_space<hbm>>
    %dma_wait3A_508 = arith.constant 0 : i32
    %dma_wait3A_509 = tpu.memref_slice %arg4[%add3A_460, %dma_wait3A_508] : memref<16384x1024xf32, #tpu.memory_space<hbm>> -> memref<16x1024xf32, #tpu.memory_space<hbm>>
    tpu.wait_dma2 semaphore(%arg13 : memref<!tpu.dma_semaphore, #tpu.memory_space<semaphore_mem>>) src(%arg9 : memref<16x1024xf32, #tpu.memory_space<vmem>>) dst(%dma_wait3A_509 : memref<16x1024xf32, #tpu.memory_space<hbm>>)
    %add3A_510 = arith.constant 12288 : i32
    %add3A_511 = arith.addi %add3A_510, %mul3A_2 : i32
    %add3A_512 = arith.constant 64 : i32
    %add3A_513 = arith.addi %add3A_511, %add3A_512 : i32
    %dma_start3A_514 = arith.constant 0 : i32
    %dma_start3A_515 = tpu.memref_slice %arg2[%add3A_513, %dma_start3A_514] : memref<16384x1024xf32, #tpu.memory_space<hbm>> -> memref<16x1024xf32, #tpu.memory_space<hbm>>
    %dma_start3A_516 = arith.constant 0 : i32
    %dma_start3A_517 = tpu.memref_slice %arg2[%add3A_513, %dma_start3A_516] : memref<16384x1024xf32, #tpu.memory_space<hbm>> -> memref<16x1024xf32, #tpu.memory_space<hbm>>
    tpu.enqueue_dma source(%dma_start3A_517 : memref<16x1024xf32, #tpu.memory_space<hbm>>) target(%arg9 : memref<16x1024xf32, #tpu.memory_space<vmem>>) target_semaphore(%arg12 : memref<!tpu.dma_semaphore, #tpu.memory_space<semaphore_mem>>)
    %parallel_loop3A_518 = arith.constant 0 : i32
    %parallel_loop3A_519 = arith.constant 1024 : i32
    %parallel_loop3A_520 = arith.constant 1 : i32
    scf.for %parallel_loop3A_942 = %parallel_loop3A_518 to %parallel_loop3A_519 step %parallel_loop3A_520  : i32 {
      %parallel_loop3A_943 = arith.constant 64 : i32
      %parallel_loop3A_944 = arith.divsi %parallel_loop3A_942, %parallel_loop3A_943 : i32
      %parallel_loop3A_945 = arith.constant 0 : i32
      %parallel_loop3A_946 = arith.cmpi sgt, %parallel_loop3A_942, %parallel_loop3A_945 : i32
      %parallel_loop3A_947 = arith.extui %parallel_loop3A_946 : i1 to i32
      %parallel_loop3A_948 = arith.constant 0 : i32
      %parallel_loop3A_949 = arith.cmpi slt, %parallel_loop3A_942, %parallel_loop3A_948 : i32
      %parallel_loop3A_950 = arith.extui %parallel_loop3A_949 : i1 to i32
      %parallel_loop3A_951 = arith.subi %parallel_loop3A_947, %parallel_loop3A_950 : i32
      %parallel_loop3A_952 = arith.constant 0 : i32
      %parallel_loop3A_953 = arith.cmpi sgt, %parallel_loop3A_943, %parallel_loop3A_952 : i32
      %parallel_loop3A_954 = arith.extui %parallel_loop3A_953 : i1 to i32
      %parallel_loop3A_955 = arith.constant 0 : i32
      %parallel_loop3A_956 = arith.cmpi slt, %parallel_loop3A_943, %parallel_loop3A_955 : i32
      %parallel_loop3A_957 = arith.extui %parallel_loop3A_956 : i1 to i32
      %parallel_loop3A_958 = arith.subi %parallel_loop3A_954, %parallel_loop3A_957 : i32
      %parallel_loop3A_959 = arith.cmpi ne, %parallel_loop3A_951, %parallel_loop3A_958 : i32
      %parallel_loop3A_960 = arith.remsi %parallel_loop3A_942, %parallel_loop3A_943 : i32
      %parallel_loop3A_961 = arith.constant 0 : i32
      %parallel_loop3A_962 = arith.cmpi ne, %parallel_loop3A_960, %parallel_loop3A_961 : i32
      %parallel_loop3A_963 = arith.andi %parallel_loop3A_959, %parallel_loop3A_962 : i1
      %parallel_loop3A_964 = arith.constant 1 : i32
      %parallel_loop3A_965 = arith.subi %parallel_loop3A_944, %parallel_loop3A_964 : i32
      %parallel_loop3A_966 = arith.select %parallel_loop3A_963, %parallel_loop3A_965, %parallel_loop3A_944 : i32
      %parallel_loop3A_967 = arith.constant 64 : i32
      %parallel_loop3A_968 = arith.constant 0 : i32
      %parallel_loop3A_969 = arith.cmpi eq, %parallel_loop3A_967, %parallel_loop3A_968 : i32
      %parallel_loop3A_970 = arith.constant 1 : i32
      %parallel_loop3A_971 = arith.select %parallel_loop3A_969, %parallel_loop3A_970, %parallel_loop3A_967 : i32
      %parallel_loop3A_972 = arith.remsi %parallel_loop3A_942, %parallel_loop3A_971 : i32
      %parallel_loop3A_973 = arith.constant 0 : i32
      %parallel_loop3A_974 = arith.cmpi ne, %parallel_loop3A_972, %parallel_loop3A_973 : i32
      %parallel_loop3A_975 = arith.constant 0 : i32
      %parallel_loop3A_976 = arith.cmpi slt, %parallel_loop3A_972, %parallel_loop3A_975 : i32
      %parallel_loop3A_977 = arith.constant 0 : i32
      %parallel_loop3A_978 = arith.cmpi slt, %parallel_loop3A_971, %parallel_loop3A_977 : i32
      %parallel_loop3A_979 = arith.xori %parallel_loop3A_976, %parallel_loop3A_978 : i1
      %parallel_loop3A_980 = arith.andi %parallel_loop3A_979, %parallel_loop3A_974 : i1
      %parallel_loop3A_981 = arith.addi %parallel_loop3A_972, %parallel_loop3A_971 : i32
      %parallel_loop3A_982 = arith.select %parallel_loop3A_980, %parallel_loop3A_981, %parallel_loop3A_972 : i32
      %parallel_loop3A_983 = arith.constant 16 : i32
      %parallel_loop3A_984 = arith.muli %parallel_loop3A_982, %parallel_loop3A_983 : i32
      %parallel_loop3A_985 = arith.index_cast %parallel_loop3A_966 : i32 to index
      %parallel_loop3A_986 = arith.index_cast %parallel_loop3A_984 : i32 to index
      %parallel_loop3A_987 = tpu.vector_load %arg10[%parallel_loop3A_985, %parallel_loop3A_986] {strides = array<i32>} : memref<16x1024xf32, #tpu.memory_space<vmem>>, vector<1x16xf32>,
      %parallel_loop3A_988 = vector.shape_cast %parallel_loop3A_987 : vector<1x16xf32> to vector<16xf32>
      %parallel_loop3A_989 = arith.index_cast %parallel_loop3A_966 : i32 to index
      %parallel_loop3A_990 = arith.index_cast %parallel_loop3A_984 : i32 to index
      %parallel_loop3A_991 = tpu.vector_load %arg6[%parallel_loop3A_989, %parallel_loop3A_990] {strides = array<i32>} : memref<16x1024xf32, #tpu.memory_space<vmem>>, vector<1x16xf32>,
      %parallel_loop3A_992 = vector.shape_cast %parallel_loop3A_991 : vector<1x16xf32> to vector<16xf32>
      %parallel_loop3A_993 = vector.shape_cast %parallel_loop3A_988 : vector<16xf32> to vector<1x16xf32>
      tpu.vector_store %arg6[%parallel_loop3A_989, %parallel_loop3A_990], %parallel_loop3A_993 {add = true, strides = array<i32>} : memref<16x1024xf32, #tpu.memory_space<vmem>>, vector<1x16xf32>,
    } {sc.loop_unroll_factor = 8 : i64, sc.parallel_access}
    %add3A_521 = arith.constant 0 : i32
    %add3A_522 = arith.addi %add3A_521, %mul3A_2 : i32
    %add3A_523 = arith.constant 64 : i32
    %add3A_524 = arith.addi %add3A_522, %add3A_523 : i32
    %dma_start3A_525 = arith.constant 0 : i32
    %dma_start3A_526 = tpu.memref_slice %arg4[%add3A_524, %dma_start3A_525] : memref<16384x1024xf32, #tpu.memory_space<hbm>> -> memref<16x1024xf32, #tpu.memory_space<hbm>>
    %dma_start3A_527 = arith.constant 0 : i32
    %dma_start3A_528 = tpu.memref_slice %arg4[%add3A_524, %dma_start3A_527] : memref<16384x1024xf32, #tpu.memory_space<hbm>> -> memref<16x1024xf32, #tpu.memory_space<hbm>>
    tpu.enqueue_dma source(%arg6 : memref<16x1024xf32, #tpu.memory_space<vmem>>) target(%dma_start3A_528 : memref<16x1024xf32, #tpu.memory_space<hbm>>) target_semaphore(%arg13 : memref<!tpu.dma_semaphore, #tpu.memory_space<semaphore_mem>>)
    %dma_wait3A_529 = arith.constant 0 : i32
    %dma_wait3A_530 = tpu.memref_slice %arg2[%add3A_449, %dma_wait3A_529] : memref<16384x1024xf32, #tpu.memory_space<hbm>> -> memref<16x1024xf32, #tpu.memory_space<hbm>>
    %dma_wait3A_531 = arith.constant 0 : i32
    %dma_wait3A_532 = tpu.memref_slice %arg2[%add3A_449, %dma_wait3A_531] : memref<16384x1024xf32, #tpu.memory_space<hbm>> -> memref<16x1024xf32, #tpu.memory_space<hbm>>
    tpu.wait_dma2 semaphore(%arg12 : memref<!tpu.dma_semaphore, #tpu.memory_space<semaphore_mem>>) src(%dma_wait3A_532 : memref<16x1024xf32, #tpu.memory_space<hbm>>) dst(%arg7 : memref<16x1024xf32, #tpu.memory_space<vmem>>)
    %dma_wait3A_533 = arith.constant 0 : i32
    %dma_wait3A_534 = tpu.memref_slice %arg4[%add3A_487, %dma_wait3A_533] : memref<16384x1024xf32, #tpu.memory_space<hbm>> -> memref<16x1024xf32, #tpu.memory_space<hbm>>
    %dma_wait3A_535 = arith.constant 0 : i32
    %dma_wait3A_536 = tpu.memref_slice %arg4[%add3A_487, %dma_wait3A_535] : memref<16384x1024xf32, #tpu.memory_space<hbm>> -> memref<16x1024xf32, #tpu.memory_space<hbm>>
    tpu.wait_dma2 semaphore(%arg13 : memref<!tpu.dma_semaphore, #tpu.memory_space<semaphore_mem>>) src(%arg5 : memref<16x1024xf32, #tpu.memory_space<vmem>>) dst(%dma_wait3A_536 : memref<16x1024xf32, #tpu.memory_space<hbm>>)
    %add3A_537 = arith.constant 0 : i32
    %add3A_538 = arith.addi %add3A_537, %mul3A_2 : i32
    %add3A_539 = arith.constant 80 : i32
    %add3A_540 = arith.addi %add3A_538, %add3A_539 : i32
    %dma_start3A_541 = arith.constant 0 : i32
    %dma_start3A_542 = tpu.memref_slice %arg2[%add3A_540, %dma_start3A_541] : memref<16384x1024xf32, #tpu.memory_space<hbm>> -> memref<16x1024xf32, #tpu.memory_space<hbm>>
    %dma_start3A_543 = arith.constant 0 : i32
    %dma_start3A_544 = tpu.memref_slice %arg2[%add3A_540, %dma_start3A_543] : memref<16384x1024xf32, #tpu.memory_space<hbm>> -> memref<16x1024xf32, #tpu.memory_space<hbm>>
    tpu.enqueue_dma source(%dma_start3A_544 : memref<16x1024xf32, #tpu.memory_space<hbm>>) target(%arg5 : memref<16x1024xf32, #tpu.memory_space<vmem>>) target_semaphore(%arg12 : memref<!tpu.dma_semaphore, #tpu.memory_space<semaphore_mem>>)
    %parallel_loop3A_545 = arith.constant 0 : i32
    %parallel_loop3A_546 = arith.constant 1024 : i32
    %parallel_loop3A_547 = arith.constant 1 : i32
    scf.for %parallel_loop3A_942 = %parallel_loop3A_545 to %parallel_loop3A_546 step %parallel_loop3A_547  : i32 {
      %parallel_loop3A_943 = arith.constant 64 : i32
      %parallel_loop3A_944 = arith.divsi %parallel_loop3A_942, %parallel_loop3A_943 : i32
      %parallel_loop3A_945 = arith.constant 0 : i32
      %parallel_loop3A_946 = arith.cmpi sgt, %parallel_loop3A_942, %parallel_loop3A_945 : i32
      %parallel_loop3A_947 = arith.extui %parallel_loop3A_946 : i1 to i32
      %parallel_loop3A_948 = arith.constant 0 : i32
      %parallel_loop3A_949 = arith.cmpi slt, %parallel_loop3A_942, %parallel_loop3A_948 : i32
      %parallel_loop3A_950 = arith.extui %parallel_loop3A_949 : i1 to i32
      %parallel_loop3A_951 = arith.subi %parallel_loop3A_947, %parallel_loop3A_950 : i32
      %parallel_loop3A_952 = arith.constant 0 : i32
      %parallel_loop3A_953 = arith.cmpi sgt, %parallel_loop3A_943, %parallel_loop3A_952 : i32
      %parallel_loop3A_954 = arith.extui %parallel_loop3A_953 : i1 to i32
      %parallel_loop3A_955 = arith.constant 0 : i32
      %parallel_loop3A_956 = arith.cmpi slt, %parallel_loop3A_943, %parallel_loop3A_955 : i32
      %parallel_loop3A_957 = arith.extui %parallel_loop3A_956 : i1 to i32
      %parallel_loop3A_958 = arith.subi %parallel_loop3A_954, %parallel_loop3A_957 : i32
      %parallel_loop3A_959 = arith.cmpi ne, %parallel_loop3A_951, %parallel_loop3A_958 : i32
      %parallel_loop3A_960 = arith.remsi %parallel_loop3A_942, %parallel_loop3A_943 : i32
      %parallel_loop3A_961 = arith.constant 0 : i32
      %parallel_loop3A_962 = arith.cmpi ne, %parallel_loop3A_960, %parallel_loop3A_961 : i32
      %parallel_loop3A_963 = arith.andi %parallel_loop3A_959, %parallel_loop3A_962 : i1
      %parallel_loop3A_964 = arith.constant 1 : i32
      %parallel_loop3A_965 = arith.subi %parallel_loop3A_944, %parallel_loop3A_964 : i32
      %parallel_loop3A_966 = arith.select %parallel_loop3A_963, %parallel_loop3A_965, %parallel_loop3A_944 : i32
      %parallel_loop3A_967 = arith.constant 64 : i32
      %parallel_loop3A_968 = arith.constant 0 : i32
      %parallel_loop3A_969 = arith.cmpi eq, %parallel_loop3A_967, %parallel_loop3A_968 : i32
      %parallel_loop3A_970 = arith.constant 1 : i32
      %parallel_loop3A_971 = arith.select %parallel_loop3A_969, %parallel_loop3A_970, %parallel_loop3A_967 : i32
      %parallel_loop3A_972 = arith.remsi %parallel_loop3A_942, %parallel_loop3A_971 : i32
      %parallel_loop3A_973 = arith.constant 0 : i32
      %parallel_loop3A_974 = arith.cmpi ne, %parallel_loop3A_972, %parallel_loop3A_973 : i32
      %parallel_loop3A_975 = arith.constant 0 : i32
      %parallel_loop3A_976 = arith.cmpi slt, %parallel_loop3A_972, %parallel_loop3A_975 : i32
      %parallel_loop3A_977 = arith.constant 0 : i32
      %parallel_loop3A_978 = arith.cmpi slt, %parallel_loop3A_971, %parallel_loop3A_977 : i32
      %parallel_loop3A_979 = arith.xori %parallel_loop3A_976, %parallel_loop3A_978 : i1
      %parallel_loop3A_980 = arith.andi %parallel_loop3A_979, %parallel_loop3A_974 : i1
      %parallel_loop3A_981 = arith.addi %parallel_loop3A_972, %parallel_loop3A_971 : i32
      %parallel_loop3A_982 = arith.select %parallel_loop3A_980, %parallel_loop3A_981, %parallel_loop3A_972 : i32
      %parallel_loop3A_983 = arith.constant 16 : i32
      %parallel_loop3A_984 = arith.muli %parallel_loop3A_982, %parallel_loop3A_983 : i32
      %parallel_loop3A_985 = arith.index_cast %parallel_loop3A_966 : i32 to index
      %parallel_loop3A_986 = arith.index_cast %parallel_loop3A_984 : i32 to index
      %parallel_loop3A_987 = tpu.vector_load %arg10[%parallel_loop3A_985, %parallel_loop3A_986] {strides = array<i32>} : memref<16x1024xf32, #tpu.memory_space<vmem>>, vector<1x16xf32>,
      %parallel_loop3A_988 = vector.shape_cast %parallel_loop3A_987 : vector<1x16xf32> to vector<16xf32>
      %parallel_loop3A_989 = arith.index_cast %parallel_loop3A_966 : i32 to index
      %parallel_loop3A_990 = arith.index_cast %parallel_loop3A_984 : i32 to index
      %parallel_loop3A_991 = tpu.vector_load %arg7[%parallel_loop3A_989, %parallel_loop3A_990] {strides = array<i32>} : memref<16x1024xf32, #tpu.memory_space<vmem>>, vector<1x16xf32>,
      %parallel_loop3A_992 = vector.shape_cast %parallel_loop3A_991 : vector<1x16xf32> to vector<16xf32>
      %parallel_loop3A_993 = vector.shape_cast %parallel_loop3A_988 : vector<16xf32> to vector<1x16xf32>
      tpu.vector_store %arg7[%parallel_loop3A_989, %parallel_loop3A_990], %parallel_loop3A_993 {add = true, strides = array<i32>} : memref<16x1024xf32, #tpu.memory_space<vmem>>, vector<1x16xf32>,
    } {sc.loop_unroll_factor = 8 : i64, sc.parallel_access}
    %add3A_548 = arith.constant 4096 : i32
    %add3A_549 = arith.addi %add3A_548, %mul3A_2 : i32
    %add3A_550 = arith.constant 64 : i32
    %add3A_551 = arith.addi %add3A_549, %add3A_550 : i32
    %dma_start3A_552 = arith.constant 0 : i32
    %dma_start3A_553 = tpu.memref_slice %arg4[%add3A_551, %dma_start3A_552] : memref<16384x1024xf32, #tpu.memory_space<hbm>> -> memref<16x1024xf32, #tpu.memory_space<hbm>>
    %dma_start3A_554 = arith.constant 0 : i32
    %dma_start3A_555 = tpu.memref_slice %arg4[%add3A_551, %dma_start3A_554] : memref<16384x1024xf32, #tpu.memory_space<hbm>> -> memref<16x1024xf32, #tpu.memory_space<hbm>>
    tpu.enqueue_dma source(%arg7 : memref<16x1024xf32, #tpu.memory_space<vmem>>) target(%dma_start3A_555 : memref<16x1024xf32, #tpu.memory_space<hbm>>) target_semaphore(%arg13 : memref<!tpu.dma_semaphore, #tpu.memory_space<semaphore_mem>>)
    %dma_wait3A_556 = arith.constant 0 : i32
    %dma_wait3A_557 = tpu.memref_slice %arg2[%add3A_476, %dma_wait3A_556] : memref<16384x1024xf32, #tpu.memory_space<hbm>> -> memref<16x1024xf32, #tpu.memory_space<hbm>>
    %dma_wait3A_558 = arith.constant 0 : i32
    %dma_wait3A_559 = tpu.memref_slice %arg2[%add3A_476, %dma_wait3A_558] : memref<16384x1024xf32, #tpu.memory_space<hbm>> -> memref<16x1024xf32, #tpu.memory_space<hbm>>
    tpu.wait_dma2 semaphore(%arg12 : memref<!tpu.dma_semaphore, #tpu.memory_space<semaphore_mem>>) src(%dma_wait3A_559 : memref<16x1024xf32, #tpu.memory_space<hbm>>) dst(%arg8 : memref<16x1024xf32, #tpu.memory_space<vmem>>)
    %dma_wait3A_560 = arith.constant 0 : i32
    %dma_wait3A_561 = tpu.memref_slice %arg4[%add3A_524, %dma_wait3A_560] : memref<16384x1024xf32, #tpu.memory_space<hbm>> -> memref<16x1024xf32, #tpu.memory_space<hbm>>
    %dma_wait3A_562 = arith.constant 0 : i32
    %dma_wait3A_563 = tpu.memref_slice %arg4[%add3A_524, %dma_wait3A_562] : memref<16384x1024xf32, #tpu.memory_space<hbm>> -> memref<16x1024xf32, #tpu.memory_space<hbm>>
    tpu.wait_dma2 semaphore(%arg13 : memref<!tpu.dma_semaphore, #tpu.memory_space<semaphore_mem>>) src(%arg6 : memref<16x1024xf32, #tpu.memory_space<vmem>>) dst(%dma_wait3A_563 : memref<16x1024xf32, #tpu.memory_space<hbm>>)
    %add3A_564 = arith.constant 4096 : i32
    %add3A_565 = arith.addi %add3A_564, %mul3A_2 : i32
    %add3A_566 = arith.constant 80 : i32
    %add3A_567 = arith.addi %add3A_565, %add3A_566 : i32
    %dma_start3A_568 = arith.constant 0 : i32
    %dma_start3A_569 = tpu.memref_slice %arg2[%add3A_567, %dma_start3A_568] : memref<16384x1024xf32, #tpu.memory_space<hbm>> -> memref<16x1024xf32, #tpu.memory_space<hbm>>
    %dma_start3A_570 = arith.constant 0 : i32
    %dma_start3A_571 = tpu.memref_slice %arg2[%add3A_567, %dma_start3A_570] : memref<16384x1024xf32, #tpu.memory_space<hbm>> -> memref<16x1024xf32, #tpu.memory_space<hbm>>
    tpu.enqueue_dma source(%dma_start3A_571 : memref<16x1024xf32, #tpu.memory_space<hbm>>) target(%arg6 : memref<16x1024xf32, #tpu.memory_space<vmem>>) target_semaphore(%arg12 : memref<!tpu.dma_semaphore, #tpu.memory_space<semaphore_mem>>)
    %parallel_loop3A_572 = arith.constant 0 : i32
    %parallel_loop3A_573 = arith.constant 1024 : i32
    %parallel_loop3A_574 = arith.constant 1 : i32
    scf.for %parallel_loop3A_942 = %parallel_loop3A_572 to %parallel_loop3A_573 step %parallel_loop3A_574  : i32 {
      %parallel_loop3A_943 = arith.constant 64 : i32
      %parallel_loop3A_944 = arith.divsi %parallel_loop3A_942, %parallel_loop3A_943 : i32
      %parallel_loop3A_945 = arith.constant 0 : i32
      %parallel_loop3A_946 = arith.cmpi sgt, %parallel_loop3A_942, %parallel_loop3A_945 : i32
      %parallel_loop3A_947 = arith.extui %parallel_loop3A_946 : i1 to i32
      %parallel_loop3A_948 = arith.constant 0 : i32
      %parallel_loop3A_949 = arith.cmpi slt, %parallel_loop3A_942, %parallel_loop3A_948 : i32
      %parallel_loop3A_950 = arith.extui %parallel_loop3A_949 : i1 to i32
      %parallel_loop3A_951 = arith.subi %parallel_loop3A_947, %parallel_loop3A_950 : i32
      %parallel_loop3A_952 = arith.constant 0 : i32
      %parallel_loop3A_953 = arith.cmpi sgt, %parallel_loop3A_943, %parallel_loop3A_952 : i32
      %parallel_loop3A_954 = arith.extui %parallel_loop3A_953 : i1 to i32
      %parallel_loop3A_955 = arith.constant 0 : i32
      %parallel_loop3A_956 = arith.cmpi slt, %parallel_loop3A_943, %parallel_loop3A_955 : i32
      %parallel_loop3A_957 = arith.extui %parallel_loop3A_956 : i1 to i32
      %parallel_loop3A_958 = arith.subi %parallel_loop3A_954, %parallel_loop3A_957 : i32
      %parallel_loop3A_959 = arith.cmpi ne, %parallel_loop3A_951, %parallel_loop3A_958 : i32
      %parallel_loop3A_960 = arith.remsi %parallel_loop3A_942, %parallel_loop3A_943 : i32
      %parallel_loop3A_961 = arith.constant 0 : i32
      %parallel_loop3A_962 = arith.cmpi ne, %parallel_loop3A_960, %parallel_loop3A_961 : i32
      %parallel_loop3A_963 = arith.andi %parallel_loop3A_959, %parallel_loop3A_962 : i1
      %parallel_loop3A_964 = arith.constant 1 : i32
      %parallel_loop3A_965 = arith.subi %parallel_loop3A_944, %parallel_loop3A_964 : i32
      %parallel_loop3A_966 = arith.select %parallel_loop3A_963, %parallel_loop3A_965, %parallel_loop3A_944 : i32
      %parallel_loop3A_967 = arith.constant 64 : i32
      %parallel_loop3A_968 = arith.constant 0 : i32
      %parallel_loop3A_969 = arith.cmpi eq, %parallel_loop3A_967, %parallel_loop3A_968 : i32
      %parallel_loop3A_970 = arith.constant 1 : i32
      %parallel_loop3A_971 = arith.select %parallel_loop3A_969, %parallel_loop3A_970, %parallel_loop3A_967 : i32
      %parallel_loop3A_972 = arith.remsi %parallel_loop3A_942, %parallel_loop3A_971 : i32
      %parallel_loop3A_973 = arith.constant 0 : i32
      %parallel_loop3A_974 = arith.cmpi ne, %parallel_loop3A_972, %parallel_loop3A_973 : i32
      %parallel_loop3A_975 = arith.constant 0 : i32
      %parallel_loop3A_976 = arith.cmpi slt, %parallel_loop3A_972, %parallel_loop3A_975 : i32
      %parallel_loop3A_977 = arith.constant 0 : i32
      %parallel_loop3A_978 = arith.cmpi slt, %parallel_loop3A_971, %parallel_loop3A_977 : i32
      %parallel_loop3A_979 = arith.xori %parallel_loop3A_976, %parallel_loop3A_978 : i1
      %parallel_loop3A_980 = arith.andi %parallel_loop3A_979, %parallel_loop3A_974 : i1
      %parallel_loop3A_981 = arith.addi %parallel_loop3A_972, %parallel_loop3A_971 : i32
      %parallel_loop3A_982 = arith.select %parallel_loop3A_980, %parallel_loop3A_981, %parallel_loop3A_972 : i32
      %parallel_loop3A_983 = arith.constant 16 : i32
      %parallel_loop3A_984 = arith.muli %parallel_loop3A_982, %parallel_loop3A_983 : i32
      %parallel_loop3A_985 = arith.index_cast %parallel_loop3A_966 : i32 to index
      %parallel_loop3A_986 = arith.index_cast %parallel_loop3A_984 : i32 to index
      %parallel_loop3A_987 = tpu.vector_load %arg10[%parallel_loop3A_985, %parallel_loop3A_986] {strides = array<i32>} : memref<16x1024xf32, #tpu.memory_space<vmem>>, vector<1x16xf32>,
      %parallel_loop3A_988 = vector.shape_cast %parallel_loop3A_987 : vector<1x16xf32> to vector<16xf32>
      %parallel_loop3A_989 = arith.index_cast %parallel_loop3A_966 : i32 to index
      %parallel_loop3A_990 = arith.index_cast %parallel_loop3A_984 : i32 to index
      %parallel_loop3A_991 = tpu.vector_load %arg8[%parallel_loop3A_989, %parallel_loop3A_990] {strides = array<i32>} : memref<16x1024xf32, #tpu.memory_space<vmem>>, vector<1x16xf32>,
      %parallel_loop3A_992 = vector.shape_cast %parallel_loop3A_991 : vector<1x16xf32> to vector<16xf32>
      %parallel_loop3A_993 = vector.shape_cast %parallel_loop3A_988 : vector<16xf32> to vector<1x16xf32>
      tpu.vector_store %arg8[%parallel_loop3A_989, %parallel_loop3A_990], %parallel_loop3A_993 {add = true, strides = array<i32>} : memref<16x1024xf32, #tpu.memory_space<vmem>>, vector<1x16xf32>,
    } {sc.loop_unroll_factor = 8 : i64, sc.parallel_access}
    %add3A_575 = arith.constant 8192 : i32
    %add3A_576 = arith.addi %add3A_575, %mul3A_2 : i32
    %add3A_577 = arith.constant 64 : i32
    %add3A_578 = arith.addi %add3A_576, %add3A_577 : i32
    %dma_start3A_579 = arith.constant 0 : i32
    %dma_start3A_580 = tpu.memref_slice %arg4[%add3A_578, %dma_start3A_579] : memref<16384x1024xf32, #tpu.memory_space<hbm>> -> memref<16x1024xf32, #tpu.memory_space<hbm>>
    %dma_start3A_581 = arith.constant 0 : i32
    %dma_start3A_582 = tpu.memref_slice %arg4[%add3A_578, %dma_start3A_581] : memref<16384x1024xf32, #tpu.memory_space<hbm>> -> memref<16x1024xf32, #tpu.memory_space<hbm>>
    tpu.enqueue_dma source(%arg8 : memref<16x1024xf32, #tpu.memory_space<vmem>>) target(%dma_start3A_582 : memref<16x1024xf32, #tpu.memory_space<hbm>>) target_semaphore(%arg13 : memref<!tpu.dma_semaphore, #tpu.memory_space<semaphore_mem>>)
    %dma_wait3A_583 = arith.constant 0 : i32
    %dma_wait3A_584 = tpu.memref_slice %arg2[%add3A_513, %dma_wait3A_583] : memref<16384x1024xf32, #tpu.memory_space<hbm>> -> memref<16x1024xf32, #tpu.memory_space<hbm>>
    %dma_wait3A_585 = arith.constant 0 : i32
    %dma_wait3A_586 = tpu.memref_slice %arg2[%add3A_513, %dma_wait3A_585] : memref<16384x1024xf32, #tpu.memory_space<hbm>> -> memref<16x1024xf32, #tpu.memory_space<hbm>>
    tpu.wait_dma2 semaphore(%arg12 : memref<!tpu.dma_semaphore, #tpu.memory_space<semaphore_mem>>) src(%dma_wait3A_586 : memref<16x1024xf32, #tpu.memory_space<hbm>>) dst(%arg9 : memref<16x1024xf32, #tpu.memory_space<vmem>>)
    %dma_wait3A_587 = arith.constant 0 : i32
    %dma_wait3A_588 = tpu.memref_slice %arg4[%add3A_551, %dma_wait3A_587] : memref<16384x1024xf32, #tpu.memory_space<hbm>> -> memref<16x1024xf32, #tpu.memory_space<hbm>>
    %dma_wait3A_589 = arith.constant 0 : i32
    %dma_wait3A_590 = tpu.memref_slice %arg4[%add3A_551, %dma_wait3A_589] : memref<16384x1024xf32, #tpu.memory_space<hbm>> -> memref<16x1024xf32, #tpu.memory_space<hbm>>
    tpu.wait_dma2 semaphore(%arg13 : memref<!tpu.dma_semaphore, #tpu.memory_space<semaphore_mem>>) src(%arg7 : memref<16x1024xf32, #tpu.memory_space<vmem>>) dst(%dma_wait3A_590 : memref<16x1024xf32, #tpu.memory_space<hbm>>)
    %add3A_591 = arith.constant 8192 : i32
    %add3A_592 = arith.addi %add3A_591, %mul3A_2 : i32
    %add3A_593 = arith.constant 80 : i32
    %add3A_594 = arith.addi %add3A_592, %add3A_593 : i32
    %dma_start3A_595 = arith.constant 0 : i32
    %dma_start3A_596 = tpu.memref_slice %arg2[%add3A_594, %dma_start3A_595] : memref<16384x1024xf32, #tpu.memory_space<hbm>> -> memref<16x1024xf32, #tpu.memory_space<hbm>>
    %dma_start3A_597 = arith.constant 0 : i32
    %dma_start3A_598 = tpu.memref_slice %arg2[%add3A_594, %dma_start3A_597] : memref<16384x1024xf32, #tpu.memory_space<hbm>> -> memref<16x1024xf32, #tpu.memory_space<hbm>>
    tpu.enqueue_dma source(%dma_start3A_598 : memref<16x1024xf32, #tpu.memory_space<hbm>>) target(%arg7 : memref<16x1024xf32, #tpu.memory_space<vmem>>) target_semaphore(%arg12 : memref<!tpu.dma_semaphore, #tpu.memory_space<semaphore_mem>>)
    %parallel_loop3A_599 = arith.constant 0 : i32
    %parallel_loop3A_600 = arith.constant 1024 : i32
    %parallel_loop3A_601 = arith.constant 1 : i32
    scf.for %parallel_loop3A_942 = %parallel_loop3A_599 to %parallel_loop3A_600 step %parallel_loop3A_601  : i32 {
      %parallel_loop3A_943 = arith.constant 64 : i32
      %parallel_loop3A_944 = arith.divsi %parallel_loop3A_942, %parallel_loop3A_943 : i32
      %parallel_loop3A_945 = arith.constant 0 : i32
      %parallel_loop3A_946 = arith.cmpi sgt, %parallel_loop3A_942, %parallel_loop3A_945 : i32
      %parallel_loop3A_947 = arith.extui %parallel_loop3A_946 : i1 to i32
      %parallel_loop3A_948 = arith.constant 0 : i32
      %parallel_loop3A_949 = arith.cmpi slt, %parallel_loop3A_942, %parallel_loop3A_948 : i32
      %parallel_loop3A_950 = arith.extui %parallel_loop3A_949 : i1 to i32
      %parallel_loop3A_951 = arith.subi %parallel_loop3A_947, %parallel_loop3A_950 : i32
      %parallel_loop3A_952 = arith.constant 0 : i32
      %parallel_loop3A_953 = arith.cmpi sgt, %parallel_loop3A_943, %parallel_loop3A_952 : i32
      %parallel_loop3A_954 = arith.extui %parallel_loop3A_953 : i1 to i32
      %parallel_loop3A_955 = arith.constant 0 : i32
      %parallel_loop3A_956 = arith.cmpi slt, %parallel_loop3A_943, %parallel_loop3A_955 : i32
      %parallel_loop3A_957 = arith.extui %parallel_loop3A_956 : i1 to i32
      %parallel_loop3A_958 = arith.subi %parallel_loop3A_954, %parallel_loop3A_957 : i32
      %parallel_loop3A_959 = arith.cmpi ne, %parallel_loop3A_951, %parallel_loop3A_958 : i32
      %parallel_loop3A_960 = arith.remsi %parallel_loop3A_942, %parallel_loop3A_943 : i32
      %parallel_loop3A_961 = arith.constant 0 : i32
      %parallel_loop3A_962 = arith.cmpi ne, %parallel_loop3A_960, %parallel_loop3A_961 : i32
      %parallel_loop3A_963 = arith.andi %parallel_loop3A_959, %parallel_loop3A_962 : i1
      %parallel_loop3A_964 = arith.constant 1 : i32
      %parallel_loop3A_965 = arith.subi %parallel_loop3A_944, %parallel_loop3A_964 : i32
      %parallel_loop3A_966 = arith.select %parallel_loop3A_963, %parallel_loop3A_965, %parallel_loop3A_944 : i32
      %parallel_loop3A_967 = arith.constant 64 : i32
      %parallel_loop3A_968 = arith.constant 0 : i32
      %parallel_loop3A_969 = arith.cmpi eq, %parallel_loop3A_967, %parallel_loop3A_968 : i32
      %parallel_loop3A_970 = arith.constant 1 : i32
      %parallel_loop3A_971 = arith.select %parallel_loop3A_969, %parallel_loop3A_970, %parallel_loop3A_967 : i32
      %parallel_loop3A_972 = arith.remsi %parallel_loop3A_942, %parallel_loop3A_971 : i32
      %parallel_loop3A_973 = arith.constant 0 : i32
      %parallel_loop3A_974 = arith.cmpi ne, %parallel_loop3A_972, %parallel_loop3A_973 : i32
      %parallel_loop3A_975 = arith.constant 0 : i32
      %parallel_loop3A_976 = arith.cmpi slt, %parallel_loop3A_972, %parallel_loop3A_975 : i32
      %parallel_loop3A_977 = arith.constant 0 : i32
      %parallel_loop3A_978 = arith.cmpi slt, %parallel_loop3A_971, %parallel_loop3A_977 : i32
      %parallel_loop3A_979 = arith.xori %parallel_loop3A_976, %parallel_loop3A_978 : i1
      %parallel_loop3A_980 = arith.andi %parallel_loop3A_979, %parallel_loop3A_974 : i1
      %parallel_loop3A_981 = arith.addi %parallel_loop3A_972, %parallel_loop3A_971 : i32
      %parallel_loop3A_982 = arith.select %parallel_loop3A_980, %parallel_loop3A_981, %parallel_loop3A_972 : i32
      %parallel_loop3A_983 = arith.constant 16 : i32
      %parallel_loop3A_984 = arith.muli %parallel_loop3A_982, %parallel_loop3A_983 : i32
      %parallel_loop3A_985 = arith.index_cast %parallel_loop3A_966 : i32 to index
      %parallel_loop3A_986 = arith.index_cast %parallel_loop3A_984 : i32 to index
      %parallel_loop3A_987 = tpu.vector_load %arg10[%parallel_loop3A_985, %parallel_loop3A_986] {strides = array<i32>} : memref<16x1024xf32, #tpu.memory_space<vmem>>, vector<1x16xf32>,
      %parallel_loop3A_988 = vector.shape_cast %parallel_loop3A_987 : vector<1x16xf32> to vector<16xf32>
      %parallel_loop3A_989 = arith.index_cast %parallel_loop3A_966 : i32 to index
      %parallel_loop3A_990 = arith.index_cast %parallel_loop3A_984 : i32 to index
      %parallel_loop3A_991 = tpu.vector_load %arg9[%parallel_loop3A_989, %parallel_loop3A_990] {strides = array<i32>} : memref<16x1024xf32, #tpu.memory_space<vmem>>, vector<1x16xf32>,
      %parallel_loop3A_992 = vector.shape_cast %parallel_loop3A_991 : vector<1x16xf32> to vector<16xf32>
      %parallel_loop3A_993 = vector.shape_cast %parallel_loop3A_988 : vector<16xf32> to vector<1x16xf32>
      tpu.vector_store %arg9[%parallel_loop3A_989, %parallel_loop3A_990], %parallel_loop3A_993 {add = true, strides = array<i32>} : memref<16x1024xf32, #tpu.memory_space<vmem>>, vector<1x16xf32>,
    } {sc.loop_unroll_factor = 8 : i64, sc.parallel_access}
    %add3A_602 = arith.constant 12288 : i32
    %add3A_603 = arith.addi %add3A_602, %mul3A_2 : i32
    %add3A_604 = arith.constant 64 : i32
    %add3A_605 = arith.addi %add3A_603, %add3A_604 : i32
    %dma_start3A_606 = arith.constant 0 : i32
    %dma_start3A_607 = tpu.memref_slice %arg4[%add3A_605, %dma_start3A_606] : memref<16384x1024xf32, #tpu.memory_space<hbm>> -> memref<16x1024xf32, #tpu.memory_space<hbm>>
    %dma_start3A_608 = arith.constant 0 : i32
    %dma_start3A_609 = tpu.memref_slice %arg4[%add3A_605, %dma_start3A_608] : memref<16384x1024xf32, #tpu.memory_space<hbm>> -> memref<16x1024xf32, #tpu.memory_space<hbm>>
    tpu.enqueue_dma source(%arg9 : memref<16x1024xf32, #tpu.memory_space<vmem>>) target(%dma_start3A_609 : memref<16x1024xf32, #tpu.memory_space<hbm>>) target_semaphore(%arg13 : memref<!tpu.dma_semaphore, #tpu.memory_space<semaphore_mem>>)
    %dma_wait3A_610 = arith.constant 0 : i32
    %dma_wait3A_611 = tpu.memref_slice %arg3[%add3A_497, %dma_wait3A_610] : memref<4096x1024xf32, #tpu.memory_space<hbm>> -> memref<16x1024xf32, #tpu.memory_space<hbm>>
    %dma_wait3A_612 = arith.constant 0 : i32
    %dma_wait3A_613 = tpu.memref_slice %arg3[%add3A_497, %dma_wait3A_612] : memref<4096x1024xf32, #tpu.memory_space<hbm>> -> memref<16x1024xf32, #tpu.memory_space<hbm>>
    tpu.wait_dma2 semaphore(%arg14 : memref<!tpu.dma_semaphore, #tpu.memory_space<semaphore_mem>>) src(%dma_wait3A_613 : memref<16x1024xf32, #tpu.memory_space<hbm>>) dst(%arg11 : memref<16x1024xf32, #tpu.memory_space<vmem>>)
    %add3A_614 = arith.constant 96 : i32
    %add3A_615 = arith.addi %mul3A_2, %add3A_614 : i32
    %dma_start3A_616 = arith.constant 0 : i32
    %dma_start3A_617 = tpu.memref_slice %arg3[%add3A_615, %dma_start3A_616] : memref<4096x1024xf32, #tpu.memory_space<hbm>> -> memref<16x1024xf32, #tpu.memory_space<hbm>>
    %dma_start3A_618 = arith.constant 0 : i32
    %dma_start3A_619 = tpu.memref_slice %arg3[%add3A_615, %dma_start3A_618] : memref<4096x1024xf32, #tpu.memory_space<hbm>> -> memref<16x1024xf32, #tpu.memory_space<hbm>>
    tpu.enqueue_dma source(%dma_start3A_619 : memref<16x1024xf32, #tpu.memory_space<hbm>>) target(%arg10 : memref<16x1024xf32, #tpu.memory_space<vmem>>) target_semaphore(%arg14 : memref<!tpu.dma_semaphore, #tpu.memory_space<semaphore_mem>>)
    %dma_wait3A_620 = arith.constant 0 : i32
    %dma_wait3A_621 = tpu.memref_slice %arg2[%add3A_540, %dma_wait3A_620] : memref<16384x1024xf32, #tpu.memory_space<hbm>> -> memref<16x1024xf32, #tpu.memory_space<hbm>>
    %dma_wait3A_622 = arith.constant 0 : i32
    %dma_wait3A_623 = tpu.memref_slice %arg2[%add3A_540, %dma_wait3A_622] : memref<16384x1024xf32, #tpu.memory_space<hbm>> -> memref<16x1024xf32, #tpu.memory_space<hbm>>
    tpu.wait_dma2 semaphore(%arg12 : memref<!tpu.dma_semaphore, #tpu.memory_space<semaphore_mem>>) src(%dma_wait3A_623 : memref<16x1024xf32, #tpu.memory_space<hbm>>) dst(%arg5 : memref<16x1024xf32, #tpu.memory_space<vmem>>)
    %dma_wait3A_624 = arith.constant 0 : i32
    %dma_wait3A_625 = tpu.memref_slice %arg4[%add3A_578, %dma_wait3A_624] : memref<16384x1024xf32, #tpu.memory_space<hbm>> -> memref<16x1024xf32, #tpu.memory_space<hbm>>
    %dma_wait3A_626 = arith.constant 0 : i32
    %dma_wait3A_627 = tpu.memref_slice %arg4[%add3A_578, %dma_wait3A_626] : memref<16384x1024xf32, #tpu.memory_space<hbm>> -> memref<16x1024xf32, #tpu.memory_space<hbm>>
    tpu.wait_dma2 semaphore(%arg13 : memref<!tpu.dma_semaphore, #tpu.memory_space<semaphore_mem>>) src(%arg8 : memref<16x1024xf32, #tpu.memory_space<vmem>>) dst(%dma_wait3A_627 : memref<16x1024xf32, #tpu.memory_space<hbm>>)
    %add3A_628 = arith.constant 12288 : i32
    %add3A_629 = arith.addi %add3A_628, %mul3A_2 : i32
    %add3A_630 = arith.constant 80 : i32
    %add3A_631 = arith.addi %add3A_629, %add3A_630 : i32
    %dma_start3A_632 = arith.constant 0 : i32
    %dma_start3A_633 = tpu.memref_slice %arg2[%add3A_631, %dma_start3A_632] : memref<16384x1024xf32, #tpu.memory_space<hbm>> -> memref<16x1024xf32, #tpu.memory_space<hbm>>
    %dma_start3A_634 = arith.constant 0 : i32
    %dma_start3A_635 = tpu.memref_slice %arg2[%add3A_631, %dma_start3A_634] : memref<16384x1024xf32, #tpu.memory_space<hbm>> -> memref<16x1024xf32, #tpu.memory_space<hbm>>
    tpu.enqueue_dma source(%dma_start3A_635 : memref<16x1024xf32, #tpu.memory_space<hbm>>) target(%arg8 : memref<16x1024xf32, #tpu.memory_space<vmem>>) target_semaphore(%arg12 : memref<!tpu.dma_semaphore, #tpu.memory_space<semaphore_mem>>)
    %parallel_loop3A_636 = arith.constant 0 : i32
    %parallel_loop3A_637 = arith.constant 1024 : i32
    %parallel_loop3A_638 = arith.constant 1 : i32
    scf.for %parallel_loop3A_942 = %parallel_loop3A_636 to %parallel_loop3A_637 step %parallel_loop3A_638  : i32 {
      %parallel_loop3A_943 = arith.constant 64 : i32
      %parallel_loop3A_944 = arith.divsi %parallel_loop3A_942, %parallel_loop3A_943 : i32
      %parallel_loop3A_945 = arith.constant 0 : i32
      %parallel_loop3A_946 = arith.cmpi sgt, %parallel_loop3A_942, %parallel_loop3A_945 : i32
      %parallel_loop3A_947 = arith.extui %parallel_loop3A_946 : i1 to i32
      %parallel_loop3A_948 = arith.constant 0 : i32
      %parallel_loop3A_949 = arith.cmpi slt, %parallel_loop3A_942, %parallel_loop3A_948 : i32
      %parallel_loop3A_950 = arith.extui %parallel_loop3A_949 : i1 to i32
      %parallel_loop3A_951 = arith.subi %parallel_loop3A_947, %parallel_loop3A_950 : i32
      %parallel_loop3A_952 = arith.constant 0 : i32
      %parallel_loop3A_953 = arith.cmpi sgt, %parallel_loop3A_943, %parallel_loop3A_952 : i32
      %parallel_loop3A_954 = arith.extui %parallel_loop3A_953 : i1 to i32
      %parallel_loop3A_955 = arith.constant 0 : i32
      %parallel_loop3A_956 = arith.cmpi slt, %parallel_loop3A_943, %parallel_loop3A_955 : i32
      %parallel_loop3A_957 = arith.extui %parallel_loop3A_956 : i1 to i32
      %parallel_loop3A_958 = arith.subi %parallel_loop3A_954, %parallel_loop3A_957 : i32
      %parallel_loop3A_959 = arith.cmpi ne, %parallel_loop3A_951, %parallel_loop3A_958 : i32
      %parallel_loop3A_960 = arith.remsi %parallel_loop3A_942, %parallel_loop3A_943 : i32
      %parallel_loop3A_961 = arith.constant 0 : i32
      %parallel_loop3A_962 = arith.cmpi ne, %parallel_loop3A_960, %parallel_loop3A_961 : i32
      %parallel_loop3A_963 = arith.andi %parallel_loop3A_959, %parallel_loop3A_962 : i1
      %parallel_loop3A_964 = arith.constant 1 : i32
      %parallel_loop3A_965 = arith.subi %parallel_loop3A_944, %parallel_loop3A_964 : i32
      %parallel_loop3A_966 = arith.select %parallel_loop3A_963, %parallel_loop3A_965, %parallel_loop3A_944 : i32
      %parallel_loop3A_967 = arith.constant 64 : i32
      %parallel_loop3A_968 = arith.constant 0 : i32
      %parallel_loop3A_969 = arith.cmpi eq, %parallel_loop3A_967, %parallel_loop3A_968 : i32
      %parallel_loop3A_970 = arith.constant 1 : i32
      %parallel_loop3A_971 = arith.select %parallel_loop3A_969, %parallel_loop3A_970, %parallel_loop3A_967 : i32
      %parallel_loop3A_972 = arith.remsi %parallel_loop3A_942, %parallel_loop3A_971 : i32
      %parallel_loop3A_973 = arith.constant 0 : i32
      %parallel_loop3A_974 = arith.cmpi ne, %parallel_loop3A_972, %parallel_loop3A_973 : i32
      %parallel_loop3A_975 = arith.constant 0 : i32
      %parallel_loop3A_976 = arith.cmpi slt, %parallel_loop3A_972, %parallel_loop3A_975 : i32
      %parallel_loop3A_977 = arith.constant 0 : i32
      %parallel_loop3A_978 = arith.cmpi slt, %parallel_loop3A_971, %parallel_loop3A_977 : i32
      %parallel_loop3A_979 = arith.xori %parallel_loop3A_976, %parallel_loop3A_978 : i1
      %parallel_loop3A_980 = arith.andi %parallel_loop3A_979, %parallel_loop3A_974 : i1
      %parallel_loop3A_981 = arith.addi %parallel_loop3A_972, %parallel_loop3A_971 : i32
      %parallel_loop3A_982 = arith.select %parallel_loop3A_980, %parallel_loop3A_981, %parallel_loop3A_972 : i32
      %parallel_loop3A_983 = arith.constant 16 : i32
      %parallel_loop3A_984 = arith.muli %parallel_loop3A_982, %parallel_loop3A_983 : i32
      %parallel_loop3A_985 = arith.index_cast %parallel_loop3A_966 : i32 to index
      %parallel_loop3A_986 = arith.index_cast %parallel_loop3A_984 : i32 to index
      %parallel_loop3A_987 = tpu.vector_load %arg11[%parallel_loop3A_985, %parallel_loop3A_986] {strides = array<i32>} : memref<16x1024xf32, #tpu.memory_space<vmem>>, vector<1x16xf32>,
      %parallel_loop3A_988 = vector.shape_cast %parallel_loop3A_987 : vector<1x16xf32> to vector<16xf32>
      %parallel_loop3A_989 = arith.index_cast %parallel_loop3A_966 : i32 to index
      %parallel_loop3A_990 = arith.index_cast %parallel_loop3A_984 : i32 to index
      %parallel_loop3A_991 = tpu.vector_load %arg5[%parallel_loop3A_989, %parallel_loop3A_990] {strides = array<i32>} : memref<16x1024xf32, #tpu.memory_space<vmem>>, vector<1x16xf32>,
      %parallel_loop3A_992 = vector.shape_cast %parallel_loop3A_991 : vector<1x16xf32> to vector<16xf32>
      %parallel_loop3A_993 = vector.shape_cast %parallel_loop3A_988 : vector<16xf32> to vector<1x16xf32>
      tpu.vector_store %arg5[%parallel_loop3A_989, %parallel_loop3A_990], %parallel_loop3A_993 {add = true, strides = array<i32>} : memref<16x1024xf32, #tpu.memory_space<vmem>>, vector<1x16xf32>,
    } {sc.loop_unroll_factor = 8 : i64, sc.parallel_access}
    %add3A_639 = arith.constant 0 : i32
    %add3A_640 = arith.addi %add3A_639, %mul3A_2 : i32
    %add3A_641 = arith.constant 80 : i32
    %add3A_642 = arith.addi %add3A_640, %add3A_641 : i32
    %dma_start3A_643 = arith.constant 0 : i32
    %dma_start3A_644 = tpu.memref_slice %arg4[%add3A_642, %dma_start3A_643] : memref<16384x1024xf32, #tpu.memory_space<hbm>> -> memref<16x1024xf32, #tpu.memory_space<hbm>>
    %dma_start3A_645 = arith.constant 0 : i32
    %dma_start3A_646 = tpu.memref_slice %arg4[%add3A_642, %dma_start3A_645] : memref<16384x1024xf32, #tpu.memory_space<hbm>> -> memref<16x1024xf32, #tpu.memory_space<hbm>>
    tpu.enqueue_dma source(%arg5 : memref<16x1024xf32, #tpu.memory_space<vmem>>) target(%dma_start3A_646 : memref<16x1024xf32, #tpu.memory_space<hbm>>) target_semaphore(%arg13 : memref<!tpu.dma_semaphore, #tpu.memory_space<semaphore_mem>>)
    %dma_wait3A_647 = arith.constant 0 : i32
    %dma_wait3A_648 = tpu.memref_slice %arg2[%add3A_567, %dma_wait3A_647] : memref<16384x1024xf32, #tpu.memory_space<hbm>> -> memref<16x1024xf32, #tpu.memory_space<hbm>>
    %dma_wait3A_649 = arith.constant 0 : i32
    %dma_wait3A_650 = tpu.memref_slice %arg2[%add3A_567, %dma_wait3A_649] : memref<16384x1024xf32, #tpu.memory_space<hbm>> -> memref<16x1024xf32, #tpu.memory_space<hbm>>
    tpu.wait_dma2 semaphore(%arg12 : memref<!tpu.dma_semaphore, #tpu.memory_space<semaphore_mem>>) src(%dma_wait3A_650 : memref<16x1024xf32, #tpu.memory_space<hbm>>) dst(%arg6 : memref<16x1024xf32, #tpu.memory_space<vmem>>)
    %dma_wait3A_651 = arith.constant 0 : i32
    %dma_wait3A_652 = tpu.memref_slice %arg4[%add3A_605, %dma_wait3A_651] : memref<16384x1024xf32, #tpu.memory_space<hbm>> -> memref<16x1024xf32, #tpu.memory_space<hbm>>
    %dma_wait3A_653 = arith.constant 0 : i32
    %dma_wait3A_654 = tpu.memref_slice %arg4[%add3A_605, %dma_wait3A_653] : memref<16384x1024xf32, #tpu.memory_space<hbm>> -> memref<16x1024xf32, #tpu.memory_space<hbm>>
    tpu.wait_dma2 semaphore(%arg13 : memref<!tpu.dma_semaphore, #tpu.memory_space<semaphore_mem>>) src(%arg9 : memref<16x1024xf32, #tpu.memory_space<vmem>>) dst(%dma_wait3A_654 : memref<16x1024xf32, #tpu.memory_space<hbm>>)
    %add3A_655 = arith.constant 0 : i32
    %add3A_656 = arith.addi %add3A_655, %mul3A_2 : i32
    %add3A_657 = arith.constant 96 : i32
    %add3A_658 = arith.addi %add3A_656, %add3A_657 : i32
    %dma_start3A_659 = arith.constant 0 : i32
    %dma_start3A_660 = tpu.memref_slice %arg2[%add3A_658, %dma_start3A_659] : memref<16384x1024xf32, #tpu.memory_space<hbm>> -> memref<16x1024xf32, #tpu.memory_space<hbm>>
    %dma_start3A_661 = arith.constant 0 : i32
    %dma_start3A_662 = tpu.memref_slice %arg2[%add3A_658, %dma_start3A_661] : memref<16384x1024xf32, #tpu.memory_space<hbm>> -> memref<16x1024xf32, #tpu.memory_space<hbm>>
    tpu.enqueue_dma source(%dma_start3A_662 : memref<16x1024xf32, #tpu.memory_space<hbm>>) target(%arg9 : memref<16x1024xf32, #tpu.memory_space<vmem>>) target_semaphore(%arg12 : memref<!tpu.dma_semaphore, #tpu.memory_space<semaphore_mem>>)
    %parallel_loop3A_663 = arith.constant 0 : i32
    %parallel_loop3A_664 = arith.constant 1024 : i32
    %parallel_loop3A_665 = arith.constant 1 : i32
    scf.for %parallel_loop3A_942 = %parallel_loop3A_663 to %parallel_loop3A_664 step %parallel_loop3A_665  : i32 {
      %parallel_loop3A_943 = arith.constant 64 : i32
      %parallel_loop3A_944 = arith.divsi %parallel_loop3A_942, %parallel_loop3A_943 : i32
      %parallel_loop3A_945 = arith.constant 0 : i32
      %parallel_loop3A_946 = arith.cmpi sgt, %parallel_loop3A_942, %parallel_loop3A_945 : i32
      %parallel_loop3A_947 = arith.extui %parallel_loop3A_946 : i1 to i32
      %parallel_loop3A_948 = arith.constant 0 : i32
      %parallel_loop3A_949 = arith.cmpi slt, %parallel_loop3A_942, %parallel_loop3A_948 : i32
      %parallel_loop3A_950 = arith.extui %parallel_loop3A_949 : i1 to i32
      %parallel_loop3A_951 = arith.subi %parallel_loop3A_947, %parallel_loop3A_950 : i32
      %parallel_loop3A_952 = arith.constant 0 : i32
      %parallel_loop3A_953 = arith.cmpi sgt, %parallel_loop3A_943, %parallel_loop3A_952 : i32
      %parallel_loop3A_954 = arith.extui %parallel_loop3A_953 : i1 to i32
      %parallel_loop3A_955 = arith.constant 0 : i32
      %parallel_loop3A_956 = arith.cmpi slt, %parallel_loop3A_943, %parallel_loop3A_955 : i32
      %parallel_loop3A_957 = arith.extui %parallel_loop3A_956 : i1 to i32
      %parallel_loop3A_958 = arith.subi %parallel_loop3A_954, %parallel_loop3A_957 : i32
      %parallel_loop3A_959 = arith.cmpi ne, %parallel_loop3A_951, %parallel_loop3A_958 : i32
      %parallel_loop3A_960 = arith.remsi %parallel_loop3A_942, %parallel_loop3A_943 : i32
      %parallel_loop3A_961 = arith.constant 0 : i32
      %parallel_loop3A_962 = arith.cmpi ne, %parallel_loop3A_960, %parallel_loop3A_961 : i32
      %parallel_loop3A_963 = arith.andi %parallel_loop3A_959, %parallel_loop3A_962 : i1
      %parallel_loop3A_964 = arith.constant 1 : i32
      %parallel_loop3A_965 = arith.subi %parallel_loop3A_944, %parallel_loop3A_964 : i32
      %parallel_loop3A_966 = arith.select %parallel_loop3A_963, %parallel_loop3A_965, %parallel_loop3A_944 : i32
      %parallel_loop3A_967 = arith.constant 64 : i32
      %parallel_loop3A_968 = arith.constant 0 : i32
      %parallel_loop3A_969 = arith.cmpi eq, %parallel_loop3A_967, %parallel_loop3A_968 : i32
      %parallel_loop3A_970 = arith.constant 1 : i32
      %parallel_loop3A_971 = arith.select %parallel_loop3A_969, %parallel_loop3A_970, %parallel_loop3A_967 : i32
      %parallel_loop3A_972 = arith.remsi %parallel_loop3A_942, %parallel_loop3A_971 : i32
      %parallel_loop3A_973 = arith.constant 0 : i32
      %parallel_loop3A_974 = arith.cmpi ne, %parallel_loop3A_972, %parallel_loop3A_973 : i32
      %parallel_loop3A_975 = arith.constant 0 : i32
      %parallel_loop3A_976 = arith.cmpi slt, %parallel_loop3A_972, %parallel_loop3A_975 : i32
      %parallel_loop3A_977 = arith.constant 0 : i32
      %parallel_loop3A_978 = arith.cmpi slt, %parallel_loop3A_971, %parallel_loop3A_977 : i32
      %parallel_loop3A_979 = arith.xori %parallel_loop3A_976, %parallel_loop3A_978 : i1
      %parallel_loop3A_980 = arith.andi %parallel_loop3A_979, %parallel_loop3A_974 : i1
      %parallel_loop3A_981 = arith.addi %parallel_loop3A_972, %parallel_loop3A_971 : i32
      %parallel_loop3A_982 = arith.select %parallel_loop3A_980, %parallel_loop3A_981, %parallel_loop3A_972 : i32
      %parallel_loop3A_983 = arith.constant 16 : i32
      %parallel_loop3A_984 = arith.muli %parallel_loop3A_982, %parallel_loop3A_983 : i32
      %parallel_loop3A_985 = arith.index_cast %parallel_loop3A_966 : i32 to index
      %parallel_loop3A_986 = arith.index_cast %parallel_loop3A_984 : i32 to index
      %parallel_loop3A_987 = tpu.vector_load %arg11[%parallel_loop3A_985, %parallel_loop3A_986] {strides = array<i32>} : memref<16x1024xf32, #tpu.memory_space<vmem>>, vector<1x16xf32>,
      %parallel_loop3A_988 = vector.shape_cast %parallel_loop3A_987 : vector<1x16xf32> to vector<16xf32>
      %parallel_loop3A_989 = arith.index_cast %parallel_loop3A_966 : i32 to index
      %parallel_loop3A_990 = arith.index_cast %parallel_loop3A_984 : i32 to index
      %parallel_loop3A_991 = tpu.vector_load %arg6[%parallel_loop3A_989, %parallel_loop3A_990] {strides = array<i32>} : memref<16x1024xf32, #tpu.memory_space<vmem>>, vector<1x16xf32>,
      %parallel_loop3A_992 = vector.shape_cast %parallel_loop3A_991 : vector<1x16xf32> to vector<16xf32>
      %parallel_loop3A_993 = vector.shape_cast %parallel_loop3A_988 : vector<16xf32> to vector<1x16xf32>
      tpu.vector_store %arg6[%parallel_loop3A_989, %parallel_loop3A_990], %parallel_loop3A_993 {add = true, strides = array<i32>} : memref<16x1024xf32, #tpu.memory_space<vmem>>, vector<1x16xf32>,
    } {sc.loop_unroll_factor = 8 : i64, sc.parallel_access}
    %add3A_666 = arith.constant 4096 : i32
    %add3A_667 = arith.addi %add3A_666, %mul3A_2 : i32
    %add3A_668 = arith.constant 80 : i32
    %add3A_669 = arith.addi %add3A_667, %add3A_668 : i32
    %dma_start3A_670 = arith.constant 0 : i32
    %dma_start3A_671 = tpu.memref_slice %arg4[%add3A_669, %dma_start3A_670] : memref<16384x1024xf32, #tpu.memory_space<hbm>> -> memref<16x1024xf32, #tpu.memory_space<hbm>>
    %dma_start3A_672 = arith.constant 0 : i32
    %dma_start3A_673 = tpu.memref_slice %arg4[%add3A_669, %dma_start3A_672] : memref<16384x1024xf32, #tpu.memory_space<hbm>> -> memref<16x1024xf32, #tpu.memory_space<hbm>>
    tpu.enqueue_dma source(%arg6 : memref<16x1024xf32, #tpu.memory_space<vmem>>) target(%dma_start3A_673 : memref<16x1024xf32, #tpu.memory_space<hbm>>) target_semaphore(%arg13 : memref<!tpu.dma_semaphore, #tpu.memory_space<semaphore_mem>>)
    %dma_wait3A_674 = arith.constant 0 : i32
    %dma_wait3A_675 = tpu.memref_slice %arg2[%add3A_594, %dma_wait3A_674] : memref<16384x1024xf32, #tpu.memory_space<hbm>> -> memref<16x1024xf32, #tpu.memory_space<hbm>>
    %dma_wait3A_676 = arith.constant 0 : i32
    %dma_wait3A_677 = tpu.memref_slice %arg2[%add3A_594, %dma_wait3A_676] : memref<16384x1024xf32, #tpu.memory_space<hbm>> -> memref<16x1024xf32, #tpu.memory_space<hbm>>
    tpu.wait_dma2 semaphore(%arg12 : memref<!tpu.dma_semaphore, #tpu.memory_space<semaphore_mem>>) src(%dma_wait3A_677 : memref<16x1024xf32, #tpu.memory_space<hbm>>) dst(%arg7 : memref<16x1024xf32, #tpu.memory_space<vmem>>)
    %dma_wait3A_678 = arith.constant 0 : i32
    %dma_wait3A_679 = tpu.memref_slice %arg4[%add3A_642, %dma_wait3A_678] : memref<16384x1024xf32, #tpu.memory_space<hbm>> -> memref<16x1024xf32, #tpu.memory_space<hbm>>
    %dma_wait3A_680 = arith.constant 0 : i32
    %dma_wait3A_681 = tpu.memref_slice %arg4[%add3A_642, %dma_wait3A_680] : memref<16384x1024xf32, #tpu.memory_space<hbm>> -> memref<16x1024xf32, #tpu.memory_space<hbm>>
    tpu.wait_dma2 semaphore(%arg13 : memref<!tpu.dma_semaphore, #tpu.memory_space<semaphore_mem>>) src(%arg5 : memref<16x1024xf32, #tpu.memory_space<vmem>>) dst(%dma_wait3A_681 : memref<16x1024xf32, #tpu.memory_space<hbm>>)
    %add3A_682 = arith.constant 4096 : i32
    %add3A_683 = arith.addi %add3A_682, %mul3A_2 : i32
    %add3A_684 = arith.constant 96 : i32
    %add3A_685 = arith.addi %add3A_683, %add3A_684 : i32
    %dma_start3A_686 = arith.constant 0 : i32
    %dma_start3A_687 = tpu.memref_slice %arg2[%add3A_685, %dma_start3A_686] : memref<16384x1024xf32, #tpu.memory_space<hbm>> -> memref<16x1024xf32, #tpu.memory_space<hbm>>
    %dma_start3A_688 = arith.constant 0 : i32
    %dma_start3A_689 = tpu.memref_slice %arg2[%add3A_685, %dma_start3A_688] : memref<16384x1024xf32, #tpu.memory_space<hbm>> -> memref<16x1024xf32, #tpu.memory_space<hbm>>
    tpu.enqueue_dma source(%dma_start3A_689 : memref<16x1024xf32, #tpu.memory_space<hbm>>) target(%arg5 : memref<16x1024xf32, #tpu.memory_space<vmem>>) target_semaphore(%arg12 : memref<!tpu.dma_semaphore, #tpu.memory_space<semaphore_mem>>)
    %parallel_loop3A_690 = arith.constant 0 : i32
    %parallel_loop3A_691 = arith.constant 1024 : i32
    %parallel_loop3A_692 = arith.constant 1 : i32
    scf.for %parallel_loop3A_942 = %parallel_loop3A_690 to %parallel_loop3A_691 step %parallel_loop3A_692  : i32 {
      %parallel_loop3A_943 = arith.constant 64 : i32
      %parallel_loop3A_944 = arith.divsi %parallel_loop3A_942, %parallel_loop3A_943 : i32
      %parallel_loop3A_945 = arith.constant 0 : i32
      %parallel_loop3A_946 = arith.cmpi sgt, %parallel_loop3A_942, %parallel_loop3A_945 : i32
      %parallel_loop3A_947 = arith.extui %parallel_loop3A_946 : i1 to i32
      %parallel_loop3A_948 = arith.constant 0 : i32
      %parallel_loop3A_949 = arith.cmpi slt, %parallel_loop3A_942, %parallel_loop3A_948 : i32
      %parallel_loop3A_950 = arith.extui %parallel_loop3A_949 : i1 to i32
      %parallel_loop3A_951 = arith.subi %parallel_loop3A_947, %parallel_loop3A_950 : i32
      %parallel_loop3A_952 = arith.constant 0 : i32
      %parallel_loop3A_953 = arith.cmpi sgt, %parallel_loop3A_943, %parallel_loop3A_952 : i32
      %parallel_loop3A_954 = arith.extui %parallel_loop3A_953 : i1 to i32
      %parallel_loop3A_955 = arith.constant 0 : i32
      %parallel_loop3A_956 = arith.cmpi slt, %parallel_loop3A_943, %parallel_loop3A_955 : i32
      %parallel_loop3A_957 = arith.extui %parallel_loop3A_956 : i1 to i32
      %parallel_loop3A_958 = arith.subi %parallel_loop3A_954, %parallel_loop3A_957 : i32
      %parallel_loop3A_959 = arith.cmpi ne, %parallel_loop3A_951, %parallel_loop3A_958 : i32
      %parallel_loop3A_960 = arith.remsi %parallel_loop3A_942, %parallel_loop3A_943 : i32
      %parallel_loop3A_961 = arith.constant 0 : i32
      %parallel_loop3A_962 = arith.cmpi ne, %parallel_loop3A_960, %parallel_loop3A_961 : i32
      %parallel_loop3A_963 = arith.andi %parallel_loop3A_959, %parallel_loop3A_962 : i1
      %parallel_loop3A_964 = arith.constant 1 : i32
      %parallel_loop3A_965 = arith.subi %parallel_loop3A_944, %parallel_loop3A_964 : i32
      %parallel_loop3A_966 = arith.select %parallel_loop3A_963, %parallel_loop3A_965, %parallel_loop3A_944 : i32
      %parallel_loop3A_967 = arith.constant 64 : i32
      %parallel_loop3A_968 = arith.constant 0 : i32
      %parallel_loop3A_969 = arith.cmpi eq, %parallel_loop3A_967, %parallel_loop3A_968 : i32
      %parallel_loop3A_970 = arith.constant 1 : i32
      %parallel_loop3A_971 = arith.select %parallel_loop3A_969, %parallel_loop3A_970, %parallel_loop3A_967 : i32
      %parallel_loop3A_972 = arith.remsi %parallel_loop3A_942, %parallel_loop3A_971 : i32
      %parallel_loop3A_973 = arith.constant 0 : i32
      %parallel_loop3A_974 = arith.cmpi ne, %parallel_loop3A_972, %parallel_loop3A_973 : i32
      %parallel_loop3A_975 = arith.constant 0 : i32
      %parallel_loop3A_976 = arith.cmpi slt, %parallel_loop3A_972, %parallel_loop3A_975 : i32
      %parallel_loop3A_977 = arith.constant 0 : i32
      %parallel_loop3A_978 = arith.cmpi slt, %parallel_loop3A_971, %parallel_loop3A_977 : i32
      %parallel_loop3A_979 = arith.xori %parallel_loop3A_976, %parallel_loop3A_978 : i1
      %parallel_loop3A_980 = arith.andi %parallel_loop3A_979, %parallel_loop3A_974 : i1
      %parallel_loop3A_981 = arith.addi %parallel_loop3A_972, %parallel_loop3A_971 : i32
      %parallel_loop3A_982 = arith.select %parallel_loop3A_980, %parallel_loop3A_981, %parallel_loop3A_972 : i32
      %parallel_loop3A_983 = arith.constant 16 : i32
      %parallel_loop3A_984 = arith.muli %parallel_loop3A_982, %parallel_loop3A_983 : i32
      %parallel_loop3A_985 = arith.index_cast %parallel_loop3A_966 : i32 to index
      %parallel_loop3A_986 = arith.index_cast %parallel_loop3A_984 : i32 to index
      %parallel_loop3A_987 = tpu.vector_load %arg11[%parallel_loop3A_985, %parallel_loop3A_986] {strides = array<i32>} : memref<16x1024xf32, #tpu.memory_space<vmem>>, vector<1x16xf32>,
      %parallel_loop3A_988 = vector.shape_cast %parallel_loop3A_987 : vector<1x16xf32> to vector<16xf32>
      %parallel_loop3A_989 = arith.index_cast %parallel_loop3A_966 : i32 to index
      %parallel_loop3A_990 = arith.index_cast %parallel_loop3A_984 : i32 to index
      %parallel_loop3A_991 = tpu.vector_load %arg7[%parallel_loop3A_989, %parallel_loop3A_990] {strides = array<i32>} : memref<16x1024xf32, #tpu.memory_space<vmem>>, vector<1x16xf32>,
      %parallel_loop3A_992 = vector.shape_cast %parallel_loop3A_991 : vector<1x16xf32> to vector<16xf32>
      %parallel_loop3A_993 = vector.shape_cast %parallel_loop3A_988 : vector<16xf32> to vector<1x16xf32>
      tpu.vector_store %arg7[%parallel_loop3A_989, %parallel_loop3A_990], %parallel_loop3A_993 {add = true, strides = array<i32>} : memref<16x1024xf32, #tpu.memory_space<vmem>>, vector<1x16xf32>,
    } {sc.loop_unroll_factor = 8 : i64, sc.parallel_access}
    %add3A_693 = arith.constant 8192 : i32
    %add3A_694 = arith.addi %add3A_693, %mul3A_2 : i32
    %add3A_695 = arith.constant 80 : i32
    %add3A_696 = arith.addi %add3A_694, %add3A_695 : i32
    %dma_start3A_697 = arith.constant 0 : i32
    %dma_start3A_698 = tpu.memref_slice %arg4[%add3A_696, %dma_start3A_697] : memref<16384x1024xf32, #tpu.memory_space<hbm>> -> memref<16x1024xf32, #tpu.memory_space<hbm>>
    %dma_start3A_699 = arith.constant 0 : i32
    %dma_start3A_700 = tpu.memref_slice %arg4[%add3A_696, %dma_start3A_699] : memref<16384x1024xf32, #tpu.memory_space<hbm>> -> memref<16x1024xf32, #tpu.memory_space<hbm>>
    tpu.enqueue_dma source(%arg7 : memref<16x1024xf32, #tpu.memory_space<vmem>>) target(%dma_start3A_700 : memref<16x1024xf32, #tpu.memory_space<hbm>>) target_semaphore(%arg13 : memref<!tpu.dma_semaphore, #tpu.memory_space<semaphore_mem>>)
    %dma_wait3A_701 = arith.constant 0 : i32
    %dma_wait3A_702 = tpu.memref_slice %arg2[%add3A_631, %dma_wait3A_701] : memref<16384x1024xf32, #tpu.memory_space<hbm>> -> memref<16x1024xf32, #tpu.memory_space<hbm>>
    %dma_wait3A_703 = arith.constant 0 : i32
    %dma_wait3A_704 = tpu.memref_slice %arg2[%add3A_631, %dma_wait3A_703] : memref<16384x1024xf32, #tpu.memory_space<hbm>> -> memref<16x1024xf32, #tpu.memory_space<hbm>>
    tpu.wait_dma2 semaphore(%arg12 : memref<!tpu.dma_semaphore, #tpu.memory_space<semaphore_mem>>) src(%dma_wait3A_704 : memref<16x1024xf32, #tpu.memory_space<hbm>>) dst(%arg8 : memref<16x1024xf32, #tpu.memory_space<vmem>>)
    %dma_wait3A_705 = arith.constant 0 : i32
    %dma_wait3A_706 = tpu.memref_slice %arg4[%add3A_669, %dma_wait3A_705] : memref<16384x1024xf32, #tpu.memory_space<hbm>> -> memref<16x1024xf32, #tpu.memory_space<hbm>>
    %dma_wait3A_707 = arith.constant 0 : i32
    %dma_wait3A_708 = tpu.memref_slice %arg4[%add3A_669, %dma_wait3A_707] : memref<16384x1024xf32, #tpu.memory_space<hbm>> -> memref<16x1024xf32, #tpu.memory_space<hbm>>
    tpu.wait_dma2 semaphore(%arg13 : memref<!tpu.dma_semaphore, #tpu.memory_space<semaphore_mem>>) src(%arg6 : memref<16x1024xf32, #tpu.memory_space<vmem>>) dst(%dma_wait3A_708 : memref<16x1024xf32, #tpu.memory_space<hbm>>)
    %add3A_709 = arith.constant 8192 : i32
    %add3A_710 = arith.addi %add3A_709, %mul3A_2 : i32
    %add3A_711 = arith.constant 96 : i32
    %add3A_712 = arith.addi %add3A_710, %add3A_711 : i32
    %dma_start3A_713 = arith.constant 0 : i32
    %dma_start3A_714 = tpu.memref_slice %arg2[%add3A_712, %dma_start3A_713] : memref<16384x1024xf32, #tpu.memory_space<hbm>> -> memref<16x1024xf32, #tpu.memory_space<hbm>>
    %dma_start3A_715 = arith.constant 0 : i32
    %dma_start3A_716 = tpu.memref_slice %arg2[%add3A_712, %dma_start3A_715] : memref<16384x1024xf32, #tpu.memory_space<hbm>> -> memref<16x1024xf32, #tpu.memory_space<hbm>>
    tpu.enqueue_dma source(%dma_start3A_716 : memref<16x1024xf32, #tpu.memory_space<hbm>>) target(%arg6 : memref<16x1024xf32, #tpu.memory_space<vmem>>) target_semaphore(%arg12 : memref<!tpu.dma_semaphore, #tpu.memory_space<semaphore_mem>>)
    %parallel_loop3A_717 = arith.constant 0 : i32
    %parallel_loop3A_718 = arith.constant 1024 : i32
    %parallel_loop3A_719 = arith.constant 1 : i32
    scf.for %parallel_loop3A_942 = %parallel_loop3A_717 to %parallel_loop3A_718 step %parallel_loop3A_719  : i32 {
      %parallel_loop3A_943 = arith.constant 64 : i32
      %parallel_loop3A_944 = arith.divsi %parallel_loop3A_942, %parallel_loop3A_943 : i32
      %parallel_loop3A_945 = arith.constant 0 : i32
      %parallel_loop3A_946 = arith.cmpi sgt, %parallel_loop3A_942, %parallel_loop3A_945 : i32
      %parallel_loop3A_947 = arith.extui %parallel_loop3A_946 : i1 to i32
      %parallel_loop3A_948 = arith.constant 0 : i32
      %parallel_loop3A_949 = arith.cmpi slt, %parallel_loop3A_942, %parallel_loop3A_948 : i32
      %parallel_loop3A_950 = arith.extui %parallel_loop3A_949 : i1 to i32
      %parallel_loop3A_951 = arith.subi %parallel_loop3A_947, %parallel_loop3A_950 : i32
      %parallel_loop3A_952 = arith.constant 0 : i32
      %parallel_loop3A_953 = arith.cmpi sgt, %parallel_loop3A_943, %parallel_loop3A_952 : i32
      %parallel_loop3A_954 = arith.extui %parallel_loop3A_953 : i1 to i32
      %parallel_loop3A_955 = arith.constant 0 : i32
      %parallel_loop3A_956 = arith.cmpi slt, %parallel_loop3A_943, %parallel_loop3A_955 : i32
      %parallel_loop3A_957 = arith.extui %parallel_loop3A_956 : i1 to i32
      %parallel_loop3A_958 = arith.subi %parallel_loop3A_954, %parallel_loop3A_957 : i32
      %parallel_loop3A_959 = arith.cmpi ne, %parallel_loop3A_951, %parallel_loop3A_958 : i32
      %parallel_loop3A_960 = arith.remsi %parallel_loop3A_942, %parallel_loop3A_943 : i32
      %parallel_loop3A_961 = arith.constant 0 : i32
      %parallel_loop3A_962 = arith.cmpi ne, %parallel_loop3A_960, %parallel_loop3A_961 : i32
      %parallel_loop3A_963 = arith.andi %parallel_loop3A_959, %parallel_loop3A_962 : i1
      %parallel_loop3A_964 = arith.constant 1 : i32
      %parallel_loop3A_965 = arith.subi %parallel_loop3A_944, %parallel_loop3A_964 : i32
      %parallel_loop3A_966 = arith.select %parallel_loop3A_963, %parallel_loop3A_965, %parallel_loop3A_944 : i32
      %parallel_loop3A_967 = arith.constant 64 : i32
      %parallel_loop3A_968 = arith.constant 0 : i32
      %parallel_loop3A_969 = arith.cmpi eq, %parallel_loop3A_967, %parallel_loop3A_968 : i32
      %parallel_loop3A_970 = arith.constant 1 : i32
      %parallel_loop3A_971 = arith.select %parallel_loop3A_969, %parallel_loop3A_970, %parallel_loop3A_967 : i32
      %parallel_loop3A_972 = arith.remsi %parallel_loop3A_942, %parallel_loop3A_971 : i32
      %parallel_loop3A_973 = arith.constant 0 : i32
      %parallel_loop3A_974 = arith.cmpi ne, %parallel_loop3A_972, %parallel_loop3A_973 : i32
      %parallel_loop3A_975 = arith.constant 0 : i32
      %parallel_loop3A_976 = arith.cmpi slt, %parallel_loop3A_972, %parallel_loop3A_975 : i32
      %parallel_loop3A_977 = arith.constant 0 : i32
      %parallel_loop3A_978 = arith.cmpi slt, %parallel_loop3A_971, %parallel_loop3A_977 : i32
      %parallel_loop3A_979 = arith.xori %parallel_loop3A_976, %parallel_loop3A_978 : i1
      %parallel_loop3A_980 = arith.andi %parallel_loop3A_979, %parallel_loop3A_974 : i1
      %parallel_loop3A_981 = arith.addi %parallel_loop3A_972, %parallel_loop3A_971 : i32
      %parallel_loop3A_982 = arith.select %parallel_loop3A_980, %parallel_loop3A_981, %parallel_loop3A_972 : i32
      %parallel_loop3A_983 = arith.constant 16 : i32
      %parallel_loop3A_984 = arith.muli %parallel_loop3A_982, %parallel_loop3A_983 : i32
      %parallel_loop3A_985 = arith.index_cast %parallel_loop3A_966 : i32 to index
      %parallel_loop3A_986 = arith.index_cast %parallel_loop3A_984 : i32 to index
      %parallel_loop3A_987 = tpu.vector_load %arg11[%parallel_loop3A_985, %parallel_loop3A_986] {strides = array<i32>} : memref<16x1024xf32, #tpu.memory_space<vmem>>, vector<1x16xf32>,
      %parallel_loop3A_988 = vector.shape_cast %parallel_loop3A_987 : vector<1x16xf32> to vector<16xf32>
      %parallel_loop3A_989 = arith.index_cast %parallel_loop3A_966 : i32 to index
      %parallel_loop3A_990 = arith.index_cast %parallel_loop3A_984 : i32 to index
      %parallel_loop3A_991 = tpu.vector_load %arg8[%parallel_loop3A_989, %parallel_loop3A_990] {strides = array<i32>} : memref<16x1024xf32, #tpu.memory_space<vmem>>, vector<1x16xf32>,
      %parallel_loop3A_992 = vector.shape_cast %parallel_loop3A_991 : vector<1x16xf32> to vector<16xf32>
      %parallel_loop3A_993 = vector.shape_cast %parallel_loop3A_988 : vector<16xf32> to vector<1x16xf32>
      tpu.vector_store %arg8[%parallel_loop3A_989, %parallel_loop3A_990], %parallel_loop3A_993 {add = true, strides = array<i32>} : memref<16x1024xf32, #tpu.memory_space<vmem>>, vector<1x16xf32>,
    } {sc.loop_unroll_factor = 8 : i64, sc.parallel_access}
    %add3A_720 = arith.constant 12288 : i32
    %add3A_721 = arith.addi %add3A_720, %mul3A_2 : i32
    %add3A_722 = arith.constant 80 : i32
    %add3A_723 = arith.addi %add3A_721, %add3A_722 : i32
    %dma_start3A_724 = arith.constant 0 : i32
    %dma_start3A_725 = tpu.memref_slice %arg4[%add3A_723, %dma_start3A_724] : memref<16384x1024xf32, #tpu.memory_space<hbm>> -> memref<16x1024xf32, #tpu.memory_space<hbm>>
    %dma_start3A_726 = arith.constant 0 : i32
    %dma_start3A_727 = tpu.memref_slice %arg4[%add3A_723, %dma_start3A_726] : memref<16384x1024xf32, #tpu.memory_space<hbm>> -> memref<16x1024xf32, #tpu.memory_space<hbm>>
    tpu.enqueue_dma source(%arg8 : memref<16x1024xf32, #tpu.memory_space<vmem>>) target(%dma_start3A_727 : memref<16x1024xf32, #tpu.memory_space<hbm>>) target_semaphore(%arg13 : memref<!tpu.dma_semaphore, #tpu.memory_space<semaphore_mem>>)
    %dma_wait3A_728 = arith.constant 0 : i32
    %dma_wait3A_729 = tpu.memref_slice %arg3[%add3A_615, %dma_wait3A_728] : memref<4096x1024xf32, #tpu.memory_space<hbm>> -> memref<16x1024xf32, #tpu.memory_space<hbm>>
    %dma_wait3A_730 = arith.constant 0 : i32
    %dma_wait3A_731 = tpu.memref_slice %arg3[%add3A_615, %dma_wait3A_730] : memref<4096x1024xf32, #tpu.memory_space<hbm>> -> memref<16x1024xf32, #tpu.memory_space<hbm>>
    tpu.wait_dma2 semaphore(%arg14 : memref<!tpu.dma_semaphore, #tpu.memory_space<semaphore_mem>>) src(%dma_wait3A_731 : memref<16x1024xf32, #tpu.memory_space<hbm>>) dst(%arg10 : memref<16x1024xf32, #tpu.memory_space<vmem>>)
    %add3A_732 = arith.constant 112 : i32
    %add3A_733 = arith.addi %mul3A_2, %add3A_732 : i32
    %dma_start3A_734 = arith.constant 0 : i32
    %dma_start3A_735 = tpu.memref_slice %arg3[%add3A_733, %dma_start3A_734] : memref<4096x1024xf32, #tpu.memory_space<hbm>> -> memref<16x1024xf32, #tpu.memory_space<hbm>>
    %dma_start3A_736 = arith.constant 0 : i32
    %dma_start3A_737 = tpu.memref_slice %arg3[%add3A_733, %dma_start3A_736] : memref<4096x1024xf32, #tpu.memory_space<hbm>> -> memref<16x1024xf32, #tpu.memory_space<hbm>>
    tpu.enqueue_dma source(%dma_start3A_737 : memref<16x1024xf32, #tpu.memory_space<hbm>>) target(%arg11 : memref<16x1024xf32, #tpu.memory_space<vmem>>) target_semaphore(%arg14 : memref<!tpu.dma_semaphore, #tpu.memory_space<semaphore_mem>>)
    %dma_wait3A_738 = arith.constant 0 : i32
    %dma_wait3A_739 = tpu.memref_slice %arg2[%add3A_658, %dma_wait3A_738] : memref<16384x1024xf32, #tpu.memory_space<hbm>> -> memref<16x1024xf32, #tpu.memory_space<hbm>>
    %dma_wait3A_740 = arith.constant 0 : i32
    %dma_wait3A_741 = tpu.memref_slice %arg2[%add3A_658, %dma_wait3A_740] : memref<16384x1024xf32, #tpu.memory_space<hbm>> -> memref<16x1024xf32, #tpu.memory_space<hbm>>
    tpu.wait_dma2 semaphore(%arg12 : memref<!tpu.dma_semaphore, #tpu.memory_space<semaphore_mem>>) src(%dma_wait3A_741 : memref<16x1024xf32, #tpu.memory_space<hbm>>) dst(%arg9 : memref<16x1024xf32, #tpu.memory_space<vmem>>)
    %dma_wait3A_742 = arith.constant 0 : i32
    %dma_wait3A_743 = tpu.memref_slice %arg4[%add3A_696, %dma_wait3A_742] : memref<16384x1024xf32, #tpu.memory_space<hbm>> -> memref<16x1024xf32, #tpu.memory_space<hbm>>
    %dma_wait3A_744 = arith.constant 0 : i32
    %dma_wait3A_745 = tpu.memref_slice %arg4[%add3A_696, %dma_wait3A_744] : memref<16384x1024xf32, #tpu.memory_space<hbm>> -> memref<16x1024xf32, #tpu.memory_space<hbm>>
    tpu.wait_dma2 semaphore(%arg13 : memref<!tpu.dma_semaphore, #tpu.memory_space<semaphore_mem>>) src(%arg7 : memref<16x1024xf32, #tpu.memory_space<vmem>>) dst(%dma_wait3A_745 : memref<16x1024xf32, #tpu.memory_space<hbm>>)
    %add3A_746 = arith.constant 12288 : i32
    %add3A_747 = arith.addi %add3A_746, %mul3A_2 : i32
    %add3A_748 = arith.constant 96 : i32
    %add3A_749 = arith.addi %add3A_747, %add3A_748 : i32
    %dma_start3A_750 = arith.constant 0 : i32
    %dma_start3A_751 = tpu.memref_slice %arg2[%add3A_749, %dma_start3A_750] : memref<16384x1024xf32, #tpu.memory_space<hbm>> -> memref<16x1024xf32, #tpu.memory_space<hbm>>
    %dma_start3A_752 = arith.constant 0 : i32
    %dma_start3A_753 = tpu.memref_slice %arg2[%add3A_749, %dma_start3A_752] : memref<16384x1024xf32, #tpu.memory_space<hbm>> -> memref<16x1024xf32, #tpu.memory_space<hbm>>
    tpu.enqueue_dma source(%dma_start3A_753 : memref<16x1024xf32, #tpu.memory_space<hbm>>) target(%arg7 : memref<16x1024xf32, #tpu.memory_space<vmem>>) target_semaphore(%arg12 : memref<!tpu.dma_semaphore, #tpu.memory_space<semaphore_mem>>)
    %parallel_loop3A_754 = arith.constant 0 : i32
    %parallel_loop3A_755 = arith.constant 1024 : i32
    %parallel_loop3A_756 = arith.constant 1 : i32
    scf.for %parallel_loop3A_942 = %parallel_loop3A_754 to %parallel_loop3A_755 step %parallel_loop3A_756  : i32 {
      %parallel_loop3A_943 = arith.constant 64 : i32
      %parallel_loop3A_944 = arith.divsi %parallel_loop3A_942, %parallel_loop3A_943 : i32
      %parallel_loop3A_945 = arith.constant 0 : i32
      %parallel_loop3A_946 = arith.cmpi sgt, %parallel_loop3A_942, %parallel_loop3A_945 : i32
      %parallel_loop3A_947 = arith.extui %parallel_loop3A_946 : i1 to i32
      %parallel_loop3A_948 = arith.constant 0 : i32
      %parallel_loop3A_949 = arith.cmpi slt, %parallel_loop3A_942, %parallel_loop3A_948 : i32
      %parallel_loop3A_950 = arith.extui %parallel_loop3A_949 : i1 to i32
      %parallel_loop3A_951 = arith.subi %parallel_loop3A_947, %parallel_loop3A_950 : i32
      %parallel_loop3A_952 = arith.constant 0 : i32
      %parallel_loop3A_953 = arith.cmpi sgt, %parallel_loop3A_943, %parallel_loop3A_952 : i32
      %parallel_loop3A_954 = arith.extui %parallel_loop3A_953 : i1 to i32
      %parallel_loop3A_955 = arith.constant 0 : i32
      %parallel_loop3A_956 = arith.cmpi slt, %parallel_loop3A_943, %parallel_loop3A_955 : i32
      %parallel_loop3A_957 = arith.extui %parallel_loop3A_956 : i1 to i32
      %parallel_loop3A_958 = arith.subi %parallel_loop3A_954, %parallel_loop3A_957 : i32
      %parallel_loop3A_959 = arith.cmpi ne, %parallel_loop3A_951, %parallel_loop3A_958 : i32
      %parallel_loop3A_960 = arith.remsi %parallel_loop3A_942, %parallel_loop3A_943 : i32
      %parallel_loop3A_961 = arith.constant 0 : i32
      %parallel_loop3A_962 = arith.cmpi ne, %parallel_loop3A_960, %parallel_loop3A_961 : i32
      %parallel_loop3A_963 = arith.andi %parallel_loop3A_959, %parallel_loop3A_962 : i1
      %parallel_loop3A_964 = arith.constant 1 : i32
      %parallel_loop3A_965 = arith.subi %parallel_loop3A_944, %parallel_loop3A_964 : i32
      %parallel_loop3A_966 = arith.select %parallel_loop3A_963, %parallel_loop3A_965, %parallel_loop3A_944 : i32
      %parallel_loop3A_967 = arith.constant 64 : i32
      %parallel_loop3A_968 = arith.constant 0 : i32
      %parallel_loop3A_969 = arith.cmpi eq, %parallel_loop3A_967, %parallel_loop3A_968 : i32
      %parallel_loop3A_970 = arith.constant 1 : i32
      %parallel_loop3A_971 = arith.select %parallel_loop3A_969, %parallel_loop3A_970, %parallel_loop3A_967 : i32
      %parallel_loop3A_972 = arith.remsi %parallel_loop3A_942, %parallel_loop3A_971 : i32
      %parallel_loop3A_973 = arith.constant 0 : i32
      %parallel_loop3A_974 = arith.cmpi ne, %parallel_loop3A_972, %parallel_loop3A_973 : i32
      %parallel_loop3A_975 = arith.constant 0 : i32
      %parallel_loop3A_976 = arith.cmpi slt, %parallel_loop3A_972, %parallel_loop3A_975 : i32
      %parallel_loop3A_977 = arith.constant 0 : i32
      %parallel_loop3A_978 = arith.cmpi slt, %parallel_loop3A_971, %parallel_loop3A_977 : i32
      %parallel_loop3A_979 = arith.xori %parallel_loop3A_976, %parallel_loop3A_978 : i1
      %parallel_loop3A_980 = arith.andi %parallel_loop3A_979, %parallel_loop3A_974 : i1
      %parallel_loop3A_981 = arith.addi %parallel_loop3A_972, %parallel_loop3A_971 : i32
      %parallel_loop3A_982 = arith.select %parallel_loop3A_980, %parallel_loop3A_981, %parallel_loop3A_972 : i32
      %parallel_loop3A_983 = arith.constant 16 : i32
      %parallel_loop3A_984 = arith.muli %parallel_loop3A_982, %parallel_loop3A_983 : i32
      %parallel_loop3A_985 = arith.index_cast %parallel_loop3A_966 : i32 to index
      %parallel_loop3A_986 = arith.index_cast %parallel_loop3A_984 : i32 to index
      %parallel_loop3A_987 = tpu.vector_load %arg10[%parallel_loop3A_985, %parallel_loop3A_986] {strides = array<i32>} : memref<16x1024xf32, #tpu.memory_space<vmem>>, vector<1x16xf32>,
      %parallel_loop3A_988 = vector.shape_cast %parallel_loop3A_987 : vector<1x16xf32> to vector<16xf32>
      %parallel_loop3A_989 = arith.index_cast %parallel_loop3A_966 : i32 to index
      %parallel_loop3A_990 = arith.index_cast %parallel_loop3A_984 : i32 to index
      %parallel_loop3A_991 = tpu.vector_load %arg9[%parallel_loop3A_989, %parallel_loop3A_990] {strides = array<i32>} : memref<16x1024xf32, #tpu.memory_space<vmem>>, vector<1x16xf32>,
      %parallel_loop3A_992 = vector.shape_cast %parallel_loop3A_991 : vector<1x16xf32> to vector<16xf32>
      %parallel_loop3A_993 = vector.shape_cast %parallel_loop3A_988 : vector<16xf32> to vector<1x16xf32>
      tpu.vector_store %arg9[%parallel_loop3A_989, %parallel_loop3A_990], %parallel_loop3A_993 {add = true, strides = array<i32>} : memref<16x1024xf32, #tpu.memory_space<vmem>>, vector<1x16xf32>,
    } {sc.loop_unroll_factor = 8 : i64, sc.parallel_access}
    %add3A_757 = arith.constant 0 : i32
    %add3A_758 = arith.addi %add3A_757, %mul3A_2 : i32
    %add3A_759 = arith.constant 96 : i32
    %add3A_760 = arith.addi %add3A_758, %add3A_759 : i32
    %dma_start3A_761 = arith.constant 0 : i32
    %dma_start3A_762 = tpu.memref_slice %arg4[%add3A_760, %dma_start3A_761] : memref<16384x1024xf32, #tpu.memory_space<hbm>> -> memref<16x1024xf32, #tpu.memory_space<hbm>>
    %dma_start3A_763 = arith.constant 0 : i32
    %dma_start3A_764 = tpu.memref_slice %arg4[%add3A_760, %dma_start3A_763] : memref<16384x1024xf32, #tpu.memory_space<hbm>> -> memref<16x1024xf32, #tpu.memory_space<hbm>>
    tpu.enqueue_dma source(%arg9 : memref<16x1024xf32, #tpu.memory_space<vmem>>) target(%dma_start3A_764 : memref<16x1024xf32, #tpu.memory_space<hbm>>) target_semaphore(%arg13 : memref<!tpu.dma_semaphore, #tpu.memory_space<semaphore_mem>>)
    %dma_wait3A_765 = arith.constant 0 : i32
    %dma_wait3A_766 = tpu.memref_slice %arg2[%add3A_685, %dma_wait3A_765] : memref<16384x1024xf32, #tpu.memory_space<hbm>> -> memref<16x1024xf32, #tpu.memory_space<hbm>>
    %dma_wait3A_767 = arith.constant 0 : i32
    %dma_wait3A_768 = tpu.memref_slice %arg2[%add3A_685, %dma_wait3A_767] : memref<16384x1024xf32, #tpu.memory_space<hbm>> -> memref<16x1024xf32, #tpu.memory_space<hbm>>
    tpu.wait_dma2 semaphore(%arg12 : memref<!tpu.dma_semaphore, #tpu.memory_space<semaphore_mem>>) src(%dma_wait3A_768 : memref<16x1024xf32, #tpu.memory_space<hbm>>) dst(%arg5 : memref<16x1024xf32, #tpu.memory_space<vmem>>)
    %dma_wait3A_769 = arith.constant 0 : i32
    %dma_wait3A_770 = tpu.memref_slice %arg4[%add3A_723, %dma_wait3A_769] : memref<16384x1024xf32, #tpu.memory_space<hbm>> -> memref<16x1024xf32, #tpu.memory_space<hbm>>
    %dma_wait3A_771 = arith.constant 0 : i32
    %dma_wait3A_772 = tpu.memref_slice %arg4[%add3A_723, %dma_wait3A_771] : memref<16384x1024xf32, #tpu.memory_space<hbm>> -> memref<16x1024xf32, #tpu.memory_space<hbm>>
    tpu.wait_dma2 semaphore(%arg13 : memref<!tpu.dma_semaphore, #tpu.memory_space<semaphore_mem>>) src(%arg8 : memref<16x1024xf32, #tpu.memory_space<vmem>>) dst(%dma_wait3A_772 : memref<16x1024xf32, #tpu.memory_space<hbm>>)
    %add3A_773 = arith.constant 0 : i32
    %add3A_774 = arith.addi %add3A_773, %mul3A_2 : i32
    %add3A_775 = arith.constant 112 : i32
    %add3A_776 = arith.addi %add3A_774, %add3A_775 : i32
    %dma_start3A_777 = arith.constant 0 : i32
    %dma_start3A_778 = tpu.memref_slice %arg2[%add3A_776, %dma_start3A_777] : memref<16384x1024xf32, #tpu.memory_space<hbm>> -> memref<16x1024xf32, #tpu.memory_space<hbm>>
    %dma_start3A_779 = arith.constant 0 : i32
    %dma_start3A_780 = tpu.memref_slice %arg2[%add3A_776, %dma_start3A_779] : memref<16384x1024xf32, #tpu.memory_space<hbm>> -> memref<16x1024xf32, #tpu.memory_space<hbm>>
    tpu.enqueue_dma source(%dma_start3A_780 : memref<16x1024xf32, #tpu.memory_space<hbm>>) target(%arg8 : memref<16x1024xf32, #tpu.memory_space<vmem>>) target_semaphore(%arg12 : memref<!tpu.dma_semaphore, #tpu.memory_space<semaphore_mem>>)
    %parallel_loop3A_781 = arith.constant 0 : i32
    %parallel_loop3A_782 = arith.constant 1024 : i32
    %parallel_loop3A_783 = arith.constant 1 : i32
    scf.for %parallel_loop3A_942 = %parallel_loop3A_781 to %parallel_loop3A_782 step %parallel_loop3A_783  : i32 {
      %parallel_loop3A_943 = arith.constant 64 : i32
      %parallel_loop3A_944 = arith.divsi %parallel_loop3A_942, %parallel_loop3A_943 : i32
      %parallel_loop3A_945 = arith.constant 0 : i32
      %parallel_loop3A_946 = arith.cmpi sgt, %parallel_loop3A_942, %parallel_loop3A_945 : i32
      %parallel_loop3A_947 = arith.extui %parallel_loop3A_946 : i1 to i32
      %parallel_loop3A_948 = arith.constant 0 : i32
      %parallel_loop3A_949 = arith.cmpi slt, %parallel_loop3A_942, %parallel_loop3A_948 : i32
      %parallel_loop3A_950 = arith.extui %parallel_loop3A_949 : i1 to i32
      %parallel_loop3A_951 = arith.subi %parallel_loop3A_947, %parallel_loop3A_950 : i32
      %parallel_loop3A_952 = arith.constant 0 : i32
      %parallel_loop3A_953 = arith.cmpi sgt, %parallel_loop3A_943, %parallel_loop3A_952 : i32
      %parallel_loop3A_954 = arith.extui %parallel_loop3A_953 : i1 to i32
      %parallel_loop3A_955 = arith.constant 0 : i32
      %parallel_loop3A_956 = arith.cmpi slt, %parallel_loop3A_943, %parallel_loop3A_955 : i32
      %parallel_loop3A_957 = arith.extui %parallel_loop3A_956 : i1 to i32
      %parallel_loop3A_958 = arith.subi %parallel_loop3A_954, %parallel_loop3A_957 : i32
      %parallel_loop3A_959 = arith.cmpi ne, %parallel_loop3A_951, %parallel_loop3A_958 : i32
      %parallel_loop3A_960 = arith.remsi %parallel_loop3A_942, %parallel_loop3A_943 : i32
      %parallel_loop3A_961 = arith.constant 0 : i32
      %parallel_loop3A_962 = arith.cmpi ne, %parallel_loop3A_960, %parallel_loop3A_961 : i32
      %parallel_loop3A_963 = arith.andi %parallel_loop3A_959, %parallel_loop3A_962 : i1
      %parallel_loop3A_964 = arith.constant 1 : i32
      %parallel_loop3A_965 = arith.subi %parallel_loop3A_944, %parallel_loop3A_964 : i32
      %parallel_loop3A_966 = arith.select %parallel_loop3A_963, %parallel_loop3A_965, %parallel_loop3A_944 : i32
      %parallel_loop3A_967 = arith.constant 64 : i32
      %parallel_loop3A_968 = arith.constant 0 : i32
      %parallel_loop3A_969 = arith.cmpi eq, %parallel_loop3A_967, %parallel_loop3A_968 : i32
      %parallel_loop3A_970 = arith.constant 1 : i32
      %parallel_loop3A_971 = arith.select %parallel_loop3A_969, %parallel_loop3A_970, %parallel_loop3A_967 : i32
      %parallel_loop3A_972 = arith.remsi %parallel_loop3A_942, %parallel_loop3A_971 : i32
      %parallel_loop3A_973 = arith.constant 0 : i32
      %parallel_loop3A_974 = arith.cmpi ne, %parallel_loop3A_972, %parallel_loop3A_973 : i32
      %parallel_loop3A_975 = arith.constant 0 : i32
      %parallel_loop3A_976 = arith.cmpi slt, %parallel_loop3A_972, %parallel_loop3A_975 : i32
      %parallel_loop3A_977 = arith.constant 0 : i32
      %parallel_loop3A_978 = arith.cmpi slt, %parallel_loop3A_971, %parallel_loop3A_977 : i32
      %parallel_loop3A_979 = arith.xori %parallel_loop3A_976, %parallel_loop3A_978 : i1
      %parallel_loop3A_980 = arith.andi %parallel_loop3A_979, %parallel_loop3A_974 : i1
      %parallel_loop3A_981 = arith.addi %parallel_loop3A_972, %parallel_loop3A_971 : i32
      %parallel_loop3A_982 = arith.select %parallel_loop3A_980, %parallel_loop3A_981, %parallel_loop3A_972 : i32
      %parallel_loop3A_983 = arith.constant 16 : i32
      %parallel_loop3A_984 = arith.muli %parallel_loop3A_982, %parallel_loop3A_983 : i32
      %parallel_loop3A_985 = arith.index_cast %parallel_loop3A_966 : i32 to index
      %parallel_loop3A_986 = arith.index_cast %parallel_loop3A_984 : i32 to index
      %parallel_loop3A_987 = tpu.vector_load %arg10[%parallel_loop3A_985, %parallel_loop3A_986] {strides = array<i32>} : memref<16x1024xf32, #tpu.memory_space<vmem>>, vector<1x16xf32>,
      %parallel_loop3A_988 = vector.shape_cast %parallel_loop3A_987 : vector<1x16xf32> to vector<16xf32>
      %parallel_loop3A_989 = arith.index_cast %parallel_loop3A_966 : i32 to index
      %parallel_loop3A_990 = arith.index_cast %parallel_loop3A_984 : i32 to index
      %parallel_loop3A_991 = tpu.vector_load %arg5[%parallel_loop3A_989, %parallel_loop3A_990] {strides = array<i32>} : memref<16x1024xf32, #tpu.memory_space<vmem>>, vector<1x16xf32>,
      %parallel_loop3A_992 = vector.shape_cast %parallel_loop3A_991 : vector<1x16xf32> to vector<16xf32>
      %parallel_loop3A_993 = vector.shape_cast %parallel_loop3A_988 : vector<16xf32> to vector<1x16xf32>
      tpu.vector_store %arg5[%parallel_loop3A_989, %parallel_loop3A_990], %parallel_loop3A_993 {add = true, strides = array<i32>} : memref<16x1024xf32, #tpu.memory_space<vmem>>, vector<1x16xf32>,
    } {sc.loop_unroll_factor = 8 : i64, sc.parallel_access}
    %add3A_784 = arith.constant 4096 : i32
    %add3A_785 = arith.addi %add3A_784, %mul3A_2 : i32
    %add3A_786 = arith.constant 96 : i32
    %add3A_787 = arith.addi %add3A_785, %add3A_786 : i32
    %dma_start3A_788 = arith.constant 0 : i32
    %dma_start3A_789 = tpu.memref_slice %arg4[%add3A_787, %dma_start3A_788] : memref<16384x1024xf32, #tpu.memory_space<hbm>> -> memref<16x1024xf32, #tpu.memory_space<hbm>>
    %dma_start3A_790 = arith.constant 0 : i32
    %dma_start3A_791 = tpu.memref_slice %arg4[%add3A_787, %dma_start3A_790] : memref<16384x1024xf32, #tpu.memory_space<hbm>> -> memref<16x1024xf32, #tpu.memory_space<hbm>>
    tpu.enqueue_dma source(%arg5 : memref<16x1024xf32, #tpu.memory_space<vmem>>) target(%dma_start3A_791 : memref<16x1024xf32, #tpu.memory_space<hbm>>) target_semaphore(%arg13 : memref<!tpu.dma_semaphore, #tpu.memory_space<semaphore_mem>>)
    %dma_wait3A_792 = arith.constant 0 : i32
    %dma_wait3A_793 = tpu.memref_slice %arg2[%add3A_712, %dma_wait3A_792] : memref<16384x1024xf32, #tpu.memory_space<hbm>> -> memref<16x1024xf32, #tpu.memory_space<hbm>>
    %dma_wait3A_794 = arith.constant 0 : i32
    %dma_wait3A_795 = tpu.memref_slice %arg2[%add3A_712, %dma_wait3A_794] : memref<16384x1024xf32, #tpu.memory_space<hbm>> -> memref<16x1024xf32, #tpu.memory_space<hbm>>
    tpu.wait_dma2 semaphore(%arg12 : memref<!tpu.dma_semaphore, #tpu.memory_space<semaphore_mem>>) src(%dma_wait3A_795 : memref<16x1024xf32, #tpu.memory_space<hbm>>) dst(%arg6 : memref<16x1024xf32, #tpu.memory_space<vmem>>)
    %dma_wait3A_796 = arith.constant 0 : i32
    %dma_wait3A_797 = tpu.memref_slice %arg4[%add3A_760, %dma_wait3A_796] : memref<16384x1024xf32, #tpu.memory_space<hbm>> -> memref<16x1024xf32, #tpu.memory_space<hbm>>
    %dma_wait3A_798 = arith.constant 0 : i32
    %dma_wait3A_799 = tpu.memref_slice %arg4[%add3A_760, %dma_wait3A_798] : memref<16384x1024xf32, #tpu.memory_space<hbm>> -> memref<16x1024xf32, #tpu.memory_space<hbm>>
    tpu.wait_dma2 semaphore(%arg13 : memref<!tpu.dma_semaphore, #tpu.memory_space<semaphore_mem>>) src(%arg9 : memref<16x1024xf32, #tpu.memory_space<vmem>>) dst(%dma_wait3A_799 : memref<16x1024xf32, #tpu.memory_space<hbm>>)
    %add3A_800 = arith.constant 4096 : i32
    %add3A_801 = arith.addi %add3A_800, %mul3A_2 : i32
    %add3A_802 = arith.constant 112 : i32
    %add3A_803 = arith.addi %add3A_801, %add3A_802 : i32
    %dma_start3A_804 = arith.constant 0 : i32
    %dma_start3A_805 = tpu.memref_slice %arg2[%add3A_803, %dma_start3A_804] : memref<16384x1024xf32, #tpu.memory_space<hbm>> -> memref<16x1024xf32, #tpu.memory_space<hbm>>
    %dma_start3A_806 = arith.constant 0 : i32
    %dma_start3A_807 = tpu.memref_slice %arg2[%add3A_803, %dma_start3A_806] : memref<16384x1024xf32, #tpu.memory_space<hbm>> -> memref<16x1024xf32, #tpu.memory_space<hbm>>
    tpu.enqueue_dma source(%dma_start3A_807 : memref<16x1024xf32, #tpu.memory_space<hbm>>) target(%arg9 : memref<16x1024xf32, #tpu.memory_space<vmem>>) target_semaphore(%arg12 : memref<!tpu.dma_semaphore, #tpu.memory_space<semaphore_mem>>)
    %parallel_loop3A_808 = arith.constant 0 : i32
    %parallel_loop3A_809 = arith.constant 1024 : i32
    %parallel_loop3A_810 = arith.constant 1 : i32
    scf.for %parallel_loop3A_942 = %parallel_loop3A_808 to %parallel_loop3A_809 step %parallel_loop3A_810  : i32 {
      %parallel_loop3A_943 = arith.constant 64 : i32
      %parallel_loop3A_944 = arith.divsi %parallel_loop3A_942, %parallel_loop3A_943 : i32
      %parallel_loop3A_945 = arith.constant 0 : i32
      %parallel_loop3A_946 = arith.cmpi sgt, %parallel_loop3A_942, %parallel_loop3A_945 : i32
      %parallel_loop3A_947 = arith.extui %parallel_loop3A_946 : i1 to i32
      %parallel_loop3A_948 = arith.constant 0 : i32
      %parallel_loop3A_949 = arith.cmpi slt, %parallel_loop3A_942, %parallel_loop3A_948 : i32
      %parallel_loop3A_950 = arith.extui %parallel_loop3A_949 : i1 to i32
      %parallel_loop3A_951 = arith.subi %parallel_loop3A_947, %parallel_loop3A_950 : i32
      %parallel_loop3A_952 = arith.constant 0 : i32
      %parallel_loop3A_953 = arith.cmpi sgt, %parallel_loop3A_943, %parallel_loop3A_952 : i32
      %parallel_loop3A_954 = arith.extui %parallel_loop3A_953 : i1 to i32
      %parallel_loop3A_955 = arith.constant 0 : i32
      %parallel_loop3A_956 = arith.cmpi slt, %parallel_loop3A_943, %parallel_loop3A_955 : i32
      %parallel_loop3A_957 = arith.extui %parallel_loop3A_956 : i1 to i32
      %parallel_loop3A_958 = arith.subi %parallel_loop3A_954, %parallel_loop3A_957 : i32
      %parallel_loop3A_959 = arith.cmpi ne, %parallel_loop3A_951, %parallel_loop3A_958 : i32
      %parallel_loop3A_960 = arith.remsi %parallel_loop3A_942, %parallel_loop3A_943 : i32
      %parallel_loop3A_961 = arith.constant 0 : i32
      %parallel_loop3A_962 = arith.cmpi ne, %parallel_loop3A_960, %parallel_loop3A_961 : i32
      %parallel_loop3A_963 = arith.andi %parallel_loop3A_959, %parallel_loop3A_962 : i1
      %parallel_loop3A_964 = arith.constant 1 : i32
      %parallel_loop3A_965 = arith.subi %parallel_loop3A_944, %parallel_loop3A_964 : i32
      %parallel_loop3A_966 = arith.select %parallel_loop3A_963, %parallel_loop3A_965, %parallel_loop3A_944 : i32
      %parallel_loop3A_967 = arith.constant 64 : i32
      %parallel_loop3A_968 = arith.constant 0 : i32
      %parallel_loop3A_969 = arith.cmpi eq, %parallel_loop3A_967, %parallel_loop3A_968 : i32
      %parallel_loop3A_970 = arith.constant 1 : i32
      %parallel_loop3A_971 = arith.select %parallel_loop3A_969, %parallel_loop3A_970, %parallel_loop3A_967 : i32
      %parallel_loop3A_972 = arith.remsi %parallel_loop3A_942, %parallel_loop3A_971 : i32
      %parallel_loop3A_973 = arith.constant 0 : i32
      %parallel_loop3A_974 = arith.cmpi ne, %parallel_loop3A_972, %parallel_loop3A_973 : i32
      %parallel_loop3A_975 = arith.constant 0 : i32
      %parallel_loop3A_976 = arith.cmpi slt, %parallel_loop3A_972, %parallel_loop3A_975 : i32
      %parallel_loop3A_977 = arith.constant 0 : i32
      %parallel_loop3A_978 = arith.cmpi slt, %parallel_loop3A_971, %parallel_loop3A_977 : i32
      %parallel_loop3A_979 = arith.xori %parallel_loop3A_976, %parallel_loop3A_978 : i1
      %parallel_loop3A_980 = arith.andi %parallel_loop3A_979, %parallel_loop3A_974 : i1
      %parallel_loop3A_981 = arith.addi %parallel_loop3A_972, %parallel_loop3A_971 : i32
      %parallel_loop3A_982 = arith.select %parallel_loop3A_980, %parallel_loop3A_981, %parallel_loop3A_972 : i32
      %parallel_loop3A_983 = arith.constant 16 : i32
      %parallel_loop3A_984 = arith.muli %parallel_loop3A_982, %parallel_loop3A_983 : i32
      %parallel_loop3A_985 = arith.index_cast %parallel_loop3A_966 : i32 to index
      %parallel_loop3A_986 = arith.index_cast %parallel_loop3A_984 : i32 to index
      %parallel_loop3A_987 = tpu.vector_load %arg10[%parallel_loop3A_985, %parallel_loop3A_986] {strides = array<i32>} : memref<16x1024xf32, #tpu.memory_space<vmem>>, vector<1x16xf32>,
      %parallel_loop3A_988 = vector.shape_cast %parallel_loop3A_987 : vector<1x16xf32> to vector<16xf32>
      %parallel_loop3A_989 = arith.index_cast %parallel_loop3A_966 : i32 to index
      %parallel_loop3A_990 = arith.index_cast %parallel_loop3A_984 : i32 to index
      %parallel_loop3A_991 = tpu.vector_load %arg6[%parallel_loop3A_989, %parallel_loop3A_990] {strides = array<i32>} : memref<16x1024xf32, #tpu.memory_space<vmem>>, vector<1x16xf32>,
      %parallel_loop3A_992 = vector.shape_cast %parallel_loop3A_991 : vector<1x16xf32> to vector<16xf32>
      %parallel_loop3A_993 = vector.shape_cast %parallel_loop3A_988 : vector<16xf32> to vector<1x16xf32>
      tpu.vector_store %arg6[%parallel_loop3A_989, %parallel_loop3A_990], %parallel_loop3A_993 {add = true, strides = array<i32>} : memref<16x1024xf32, #tpu.memory_space<vmem>>, vector<1x16xf32>,
    } {sc.loop_unroll_factor = 8 : i64, sc.parallel_access}
    %add3A_811 = arith.constant 8192 : i32
    %add3A_812 = arith.addi %add3A_811, %mul3A_2 : i32
    %add3A_813 = arith.constant 96 : i32
    %add3A_814 = arith.addi %add3A_812, %add3A_813 : i32
    %dma_start3A_815 = arith.constant 0 : i32
    %dma_start3A_816 = tpu.memref_slice %arg4[%add3A_814, %dma_start3A_815] : memref<16384x1024xf32, #tpu.memory_space<hbm>> -> memref<16x1024xf32, #tpu.memory_space<hbm>>
    %dma_start3A_817 = arith.constant 0 : i32
    %dma_start3A_818 = tpu.memref_slice %arg4[%add3A_814, %dma_start3A_817] : memref<16384x1024xf32, #tpu.memory_space<hbm>> -> memref<16x1024xf32, #tpu.memory_space<hbm>>
    tpu.enqueue_dma source(%arg6 : memref<16x1024xf32, #tpu.memory_space<vmem>>) target(%dma_start3A_818 : memref<16x1024xf32, #tpu.memory_space<hbm>>) target_semaphore(%arg13 : memref<!tpu.dma_semaphore, #tpu.memory_space<semaphore_mem>>)
    %dma_wait3A_819 = arith.constant 0 : i32
    %dma_wait3A_820 = tpu.memref_slice %arg2[%add3A_749, %dma_wait3A_819] : memref<16384x1024xf32, #tpu.memory_space<hbm>> -> memref<16x1024xf32, #tpu.memory_space<hbm>>
    %dma_wait3A_821 = arith.constant 0 : i32
    %dma_wait3A_822 = tpu.memref_slice %arg2[%add3A_749, %dma_wait3A_821] : memref<16384x1024xf32, #tpu.memory_space<hbm>> -> memref<16x1024xf32, #tpu.memory_space<hbm>>
    tpu.wait_dma2 semaphore(%arg12 : memref<!tpu.dma_semaphore, #tpu.memory_space<semaphore_mem>>) src(%dma_wait3A_822 : memref<16x1024xf32, #tpu.memory_space<hbm>>) dst(%arg7 : memref<16x1024xf32, #tpu.memory_space<vmem>>)
    %dma_wait3A_823 = arith.constant 0 : i32
    %dma_wait3A_824 = tpu.memref_slice %arg4[%add3A_787, %dma_wait3A_823] : memref<16384x1024xf32, #tpu.memory_space<hbm>> -> memref<16x1024xf32, #tpu.memory_space<hbm>>
    %dma_wait3A_825 = arith.constant 0 : i32
    %dma_wait3A_826 = tpu.memref_slice %arg4[%add3A_787, %dma_wait3A_825] : memref<16384x1024xf32, #tpu.memory_space<hbm>> -> memref<16x1024xf32, #tpu.memory_space<hbm>>
    tpu.wait_dma2 semaphore(%arg13 : memref<!tpu.dma_semaphore, #tpu.memory_space<semaphore_mem>>) src(%arg5 : memref<16x1024xf32, #tpu.memory_space<vmem>>) dst(%dma_wait3A_826 : memref<16x1024xf32, #tpu.memory_space<hbm>>)
    %add3A_827 = arith.constant 8192 : i32
    %add3A_828 = arith.addi %add3A_827, %mul3A_2 : i32
    %add3A_829 = arith.constant 112 : i32
    %add3A_830 = arith.addi %add3A_828, %add3A_829 : i32
    %dma_start3A_831 = arith.constant 0 : i32
    %dma_start3A_832 = tpu.memref_slice %arg2[%add3A_830, %dma_start3A_831] : memref<16384x1024xf32, #tpu.memory_space<hbm>> -> memref<16x1024xf32, #tpu.memory_space<hbm>>
    %dma_start3A_833 = arith.constant 0 : i32
    %dma_start3A_834 = tpu.memref_slice %arg2[%add3A_830, %dma_start3A_833] : memref<16384x1024xf32, #tpu.memory_space<hbm>> -> memref<16x1024xf32, #tpu.memory_space<hbm>>
    tpu.enqueue_dma source(%dma_start3A_834 : memref<16x1024xf32, #tpu.memory_space<hbm>>) target(%arg5 : memref<16x1024xf32, #tpu.memory_space<vmem>>) target_semaphore(%arg12 : memref<!tpu.dma_semaphore, #tpu.memory_space<semaphore_mem>>)
    %parallel_loop3A_835 = arith.constant 0 : i32
    %parallel_loop3A_836 = arith.constant 1024 : i32
    %parallel_loop3A_837 = arith.constant 1 : i32
    scf.for %parallel_loop3A_942 = %parallel_loop3A_835 to %parallel_loop3A_836 step %parallel_loop3A_837  : i32 {
      %parallel_loop3A_943 = arith.constant 64 : i32
      %parallel_loop3A_944 = arith.divsi %parallel_loop3A_942, %parallel_loop3A_943 : i32
      %parallel_loop3A_945 = arith.constant 0 : i32
      %parallel_loop3A_946 = arith.cmpi sgt, %parallel_loop3A_942, %parallel_loop3A_945 : i32
      %parallel_loop3A_947 = arith.extui %parallel_loop3A_946 : i1 to i32
      %parallel_loop3A_948 = arith.constant 0 : i32
      %parallel_loop3A_949 = arith.cmpi slt, %parallel_loop3A_942, %parallel_loop3A_948 : i32
      %parallel_loop3A_950 = arith.extui %parallel_loop3A_949 : i1 to i32
      %parallel_loop3A_951 = arith.subi %parallel_loop3A_947, %parallel_loop3A_950 : i32
      %parallel_loop3A_952 = arith.constant 0 : i32
      %parallel_loop3A_953 = arith.cmpi sgt, %parallel_loop3A_943, %parallel_loop3A_952 : i32
      %parallel_loop3A_954 = arith.extui %parallel_loop3A_953 : i1 to i32
      %parallel_loop3A_955 = arith.constant 0 : i32
      %parallel_loop3A_956 = arith.cmpi slt, %parallel_loop3A_943, %parallel_loop3A_955 : i32
      %parallel_loop3A_957 = arith.extui %parallel_loop3A_956 : i1 to i32
      %parallel_loop3A_958 = arith.subi %parallel_loop3A_954, %parallel_loop3A_957 : i32
      %parallel_loop3A_959 = arith.cmpi ne, %parallel_loop3A_951, %parallel_loop3A_958 : i32
      %parallel_loop3A_960 = arith.remsi %parallel_loop3A_942, %parallel_loop3A_943 : i32
      %parallel_loop3A_961 = arith.constant 0 : i32
      %parallel_loop3A_962 = arith.cmpi ne, %parallel_loop3A_960, %parallel_loop3A_961 : i32
      %parallel_loop3A_963 = arith.andi %parallel_loop3A_959, %parallel_loop3A_962 : i1
      %parallel_loop3A_964 = arith.constant 1 : i32
      %parallel_loop3A_965 = arith.subi %parallel_loop3A_944, %parallel_loop3A_964 : i32
      %parallel_loop3A_966 = arith.select %parallel_loop3A_963, %parallel_loop3A_965, %parallel_loop3A_944 : i32
      %parallel_loop3A_967 = arith.constant 64 : i32
      %parallel_loop3A_968 = arith.constant 0 : i32
      %parallel_loop3A_969 = arith.cmpi eq, %parallel_loop3A_967, %parallel_loop3A_968 : i32
      %parallel_loop3A_970 = arith.constant 1 : i32
      %parallel_loop3A_971 = arith.select %parallel_loop3A_969, %parallel_loop3A_970, %parallel_loop3A_967 : i32
      %parallel_loop3A_972 = arith.remsi %parallel_loop3A_942, %parallel_loop3A_971 : i32
      %parallel_loop3A_973 = arith.constant 0 : i32
      %parallel_loop3A_974 = arith.cmpi ne, %parallel_loop3A_972, %parallel_loop3A_973 : i32
      %parallel_loop3A_975 = arith.constant 0 : i32
      %parallel_loop3A_976 = arith.cmpi slt, %parallel_loop3A_972, %parallel_loop3A_975 : i32
      %parallel_loop3A_977 = arith.constant 0 : i32
      %parallel_loop3A_978 = arith.cmpi slt, %parallel_loop3A_971, %parallel_loop3A_977 : i32
      %parallel_loop3A_979 = arith.xori %parallel_loop3A_976, %parallel_loop3A_978 : i1
      %parallel_loop3A_980 = arith.andi %parallel_loop3A_979, %parallel_loop3A_974 : i1
      %parallel_loop3A_981 = arith.addi %parallel_loop3A_972, %parallel_loop3A_971 : i32
      %parallel_loop3A_982 = arith.select %parallel_loop3A_980, %parallel_loop3A_981, %parallel_loop3A_972 : i32
      %parallel_loop3A_983 = arith.constant 16 : i32
      %parallel_loop3A_984 = arith.muli %parallel_loop3A_982, %parallel_loop3A_983 : i32
      %parallel_loop3A_985 = arith.index_cast %parallel_loop3A_966 : i32 to index
      %parallel_loop3A_986 = arith.index_cast %parallel_loop3A_984 : i32 to index
      %parallel_loop3A_987 = tpu.vector_load %arg10[%parallel_loop3A_985, %parallel_loop3A_986] {strides = array<i32>} : memref<16x1024xf32, #tpu.memory_space<vmem>>, vector<1x16xf32>,
      %parallel_loop3A_988 = vector.shape_cast %parallel_loop3A_987 : vector<1x16xf32> to vector<16xf32>
      %parallel_loop3A_989 = arith.index_cast %parallel_loop3A_966 : i32 to index
      %parallel_loop3A_990 = arith.index_cast %parallel_loop3A_984 : i32 to index
      %parallel_loop3A_991 = tpu.vector_load %arg7[%parallel_loop3A_989, %parallel_loop3A_990] {strides = array<i32>} : memref<16x1024xf32, #tpu.memory_space<vmem>>, vector<1x16xf32>,
      %parallel_loop3A_992 = vector.shape_cast %parallel_loop3A_991 : vector<1x16xf32> to vector<16xf32>
      %parallel_loop3A_993 = vector.shape_cast %parallel_loop3A_988 : vector<16xf32> to vector<1x16xf32>
      tpu.vector_store %arg7[%parallel_loop3A_989, %parallel_loop3A_990], %parallel_loop3A_993 {add = true, strides = array<i32>} : memref<16x1024xf32, #tpu.memory_space<vmem>>, vector<1x16xf32>,
    } {sc.loop_unroll_factor = 8 : i64, sc.parallel_access}
    %add3A_838 = arith.constant 12288 : i32
    %add3A_839 = arith.addi %add3A_838, %mul3A_2 : i32
    %add3A_840 = arith.constant 96 : i32
    %add3A_841 = arith.addi %add3A_839, %add3A_840 : i32
    %dma_start3A_842 = arith.constant 0 : i32
    %dma_start3A_843 = tpu.memref_slice %arg4[%add3A_841, %dma_start3A_842] : memref<16384x1024xf32, #tpu.memory_space<hbm>> -> memref<16x1024xf32, #tpu.memory_space<hbm>>
    %dma_start3A_844 = arith.constant 0 : i32
    %dma_start3A_845 = tpu.memref_slice %arg4[%add3A_841, %dma_start3A_844] : memref<16384x1024xf32, #tpu.memory_space<hbm>> -> memref<16x1024xf32, #tpu.memory_space<hbm>>
    tpu.enqueue_dma source(%arg7 : memref<16x1024xf32, #tpu.memory_space<vmem>>) target(%dma_start3A_845 : memref<16x1024xf32, #tpu.memory_space<hbm>>) target_semaphore(%arg13 : memref<!tpu.dma_semaphore, #tpu.memory_space<semaphore_mem>>)
    %dma_wait3A_846 = arith.constant 0 : i32
    %dma_wait3A_847 = tpu.memref_slice %arg3[%add3A_733, %dma_wait3A_846] : memref<4096x1024xf32, #tpu.memory_space<hbm>> -> memref<16x1024xf32, #tpu.memory_space<hbm>>
    %dma_wait3A_848 = arith.constant 0 : i32
    %dma_wait3A_849 = tpu.memref_slice %arg3[%add3A_733, %dma_wait3A_848] : memref<4096x1024xf32, #tpu.memory_space<hbm>> -> memref<16x1024xf32, #tpu.memory_space<hbm>>
    tpu.wait_dma2 semaphore(%arg14 : memref<!tpu.dma_semaphore, #tpu.memory_space<semaphore_mem>>) src(%dma_wait3A_849 : memref<16x1024xf32, #tpu.memory_space<hbm>>) dst(%arg11 : memref<16x1024xf32, #tpu.memory_space<vmem>>)
    %dma_wait3A_850 = arith.constant 0 : i32
    %dma_wait3A_851 = tpu.memref_slice %arg2[%add3A_776, %dma_wait3A_850] : memref<16384x1024xf32, #tpu.memory_space<hbm>> -> memref<16x1024xf32, #tpu.memory_space<hbm>>
    %dma_wait3A_852 = arith.constant 0 : i32
    %dma_wait3A_853 = tpu.memref_slice %arg2[%add3A_776, %dma_wait3A_852] : memref<16384x1024xf32, #tpu.memory_space<hbm>> -> memref<16x1024xf32, #tpu.memory_space<hbm>>
    tpu.wait_dma2 semaphore(%arg12 : memref<!tpu.dma_semaphore, #tpu.memory_space<semaphore_mem>>) src(%dma_wait3A_853 : memref<16x1024xf32, #tpu.memory_space<hbm>>) dst(%arg8 : memref<16x1024xf32, #tpu.memory_space<vmem>>)
    %dma_wait3A_854 = arith.constant 0 : i32
    %dma_wait3A_855 = tpu.memref_slice %arg4[%add3A_814, %dma_wait3A_854] : memref<16384x1024xf32, #tpu.memory_space<hbm>> -> memref<16x1024xf32, #tpu.memory_space<hbm>>
    %dma_wait3A_856 = arith.constant 0 : i32
    %dma_wait3A_857 = tpu.memref_slice %arg4[%add3A_814, %dma_wait3A_856] : memref<16384x1024xf32, #tpu.memory_space<hbm>> -> memref<16x1024xf32, #tpu.memory_space<hbm>>
    tpu.wait_dma2 semaphore(%arg13 : memref<!tpu.dma_semaphore, #tpu.memory_space<semaphore_mem>>) src(%arg6 : memref<16x1024xf32, #tpu.memory_space<vmem>>) dst(%dma_wait3A_857 : memref<16x1024xf32, #tpu.memory_space<hbm>>)
    %add3A_858 = arith.constant 12288 : i32
    %add3A_859 = arith.addi %add3A_858, %mul3A_2 : i32
    %add3A_860 = arith.constant 112 : i32
    %add3A_861 = arith.addi %add3A_859, %add3A_860 : i32
    %dma_start3A_862 = arith.constant 0 : i32
    %dma_start3A_863 = tpu.memref_slice %arg2[%add3A_861, %dma_start3A_862] : memref<16384x1024xf32, #tpu.memory_space<hbm>> -> memref<16x1024xf32, #tpu.memory_space<hbm>>
    %dma_start3A_864 = arith.constant 0 : i32
    %dma_start3A_865 = tpu.memref_slice %arg2[%add3A_861, %dma_start3A_864] : memref<16384x1024xf32, #tpu.memory_space<hbm>> -> memref<16x1024xf32, #tpu.memory_space<hbm>>
    tpu.enqueue_dma source(%dma_start3A_865 : memref<16x1024xf32, #tpu.memory_space<hbm>>) target(%arg6 : memref<16x1024xf32, #tpu.memory_space<vmem>>) target_semaphore(%arg12 : memref<!tpu.dma_semaphore, #tpu.memory_space<semaphore_mem>>)
    %parallel_loop3A_866 = arith.constant 0 : i32
    %parallel_loop3A_867 = arith.constant 1024 : i32
    %parallel_loop3A_868 = arith.constant 1 : i32
    scf.for %parallel_loop3A_942 = %parallel_loop3A_866 to %parallel_loop3A_867 step %parallel_loop3A_868  : i32 {
      %parallel_loop3A_943 = arith.constant 64 : i32
      %parallel_loop3A_944 = arith.divsi %parallel_loop3A_942, %parallel_loop3A_943 : i32
      %parallel_loop3A_945 = arith.constant 0 : i32
      %parallel_loop3A_946 = arith.cmpi sgt, %parallel_loop3A_942, %parallel_loop3A_945 : i32
      %parallel_loop3A_947 = arith.extui %parallel_loop3A_946 : i1 to i32
      %parallel_loop3A_948 = arith.constant 0 : i32
      %parallel_loop3A_949 = arith.cmpi slt, %parallel_loop3A_942, %parallel_loop3A_948 : i32
      %parallel_loop3A_950 = arith.extui %parallel_loop3A_949 : i1 to i32
      %parallel_loop3A_951 = arith.subi %parallel_loop3A_947, %parallel_loop3A_950 : i32
      %parallel_loop3A_952 = arith.constant 0 : i32
      %parallel_loop3A_953 = arith.cmpi sgt, %parallel_loop3A_943, %parallel_loop3A_952 : i32
      %parallel_loop3A_954 = arith.extui %parallel_loop3A_953 : i1 to i32
      %parallel_loop3A_955 = arith.constant 0 : i32
      %parallel_loop3A_956 = arith.cmpi slt, %parallel_loop3A_943, %parallel_loop3A_955 : i32
      %parallel_loop3A_957 = arith.extui %parallel_loop3A_956 : i1 to i32
      %parallel_loop3A_958 = arith.subi %parallel_loop3A_954, %parallel_loop3A_957 : i32
      %parallel_loop3A_959 = arith.cmpi ne, %parallel_loop3A_951, %parallel_loop3A_958 : i32
      %parallel_loop3A_960 = arith.remsi %parallel_loop3A_942, %parallel_loop3A_943 : i32
      %parallel_loop3A_961 = arith.constant 0 : i32
      %parallel_loop3A_962 = arith.cmpi ne, %parallel_loop3A_960, %parallel_loop3A_961 : i32
      %parallel_loop3A_963 = arith.andi %parallel_loop3A_959, %parallel_loop3A_962 : i1
      %parallel_loop3A_964 = arith.constant 1 : i32
      %parallel_loop3A_965 = arith.subi %parallel_loop3A_944, %parallel_loop3A_964 : i32
      %parallel_loop3A_966 = arith.select %parallel_loop3A_963, %parallel_loop3A_965, %parallel_loop3A_944 : i32
      %parallel_loop3A_967 = arith.constant 64 : i32
      %parallel_loop3A_968 = arith.constant 0 : i32
      %parallel_loop3A_969 = arith.cmpi eq, %parallel_loop3A_967, %parallel_loop3A_968 : i32
      %parallel_loop3A_970 = arith.constant 1 : i32
      %parallel_loop3A_971 = arith.select %parallel_loop3A_969, %parallel_loop3A_970, %parallel_loop3A_967 : i32
      %parallel_loop3A_972 = arith.remsi %parallel_loop3A_942, %parallel_loop3A_971 : i32
      %parallel_loop3A_973 = arith.constant 0 : i32
      %parallel_loop3A_974 = arith.cmpi ne, %parallel_loop3A_972, %parallel_loop3A_973 : i32
      %parallel_loop3A_975 = arith.constant 0 : i32
      %parallel_loop3A_976 = arith.cmpi slt, %parallel_loop3A_972, %parallel_loop3A_975 : i32
      %parallel_loop3A_977 = arith.constant 0 : i32
      %parallel_loop3A_978 = arith.cmpi slt, %parallel_loop3A_971, %parallel_loop3A_977 : i32
      %parallel_loop3A_979 = arith.xori %parallel_loop3A_976, %parallel_loop3A_978 : i1
      %parallel_loop3A_980 = arith.andi %parallel_loop3A_979, %parallel_loop3A_974 : i1
      %parallel_loop3A_981 = arith.addi %parallel_loop3A_972, %parallel_loop3A_971 : i32
      %parallel_loop3A_982 = arith.select %parallel_loop3A_980, %parallel_loop3A_981, %parallel_loop3A_972 : i32
      %parallel_loop3A_983 = arith.constant 16 : i32
      %parallel_loop3A_984 = arith.muli %parallel_loop3A_982, %parallel_loop3A_983 : i32
      %parallel_loop3A_985 = arith.index_cast %parallel_loop3A_966 : i32 to index
      %parallel_loop3A_986 = arith.index_cast %parallel_loop3A_984 : i32 to index
      %parallel_loop3A_987 = tpu.vector_load %arg11[%parallel_loop3A_985, %parallel_loop3A_986] {strides = array<i32>} : memref<16x1024xf32, #tpu.memory_space<vmem>>, vector<1x16xf32>,
      %parallel_loop3A_988 = vector.shape_cast %parallel_loop3A_987 : vector<1x16xf32> to vector<16xf32>
      %parallel_loop3A_989 = arith.index_cast %parallel_loop3A_966 : i32 to index
      %parallel_loop3A_990 = arith.index_cast %parallel_loop3A_984 : i32 to index
      %parallel_loop3A_991 = tpu.vector_load %arg8[%parallel_loop3A_989, %parallel_loop3A_990] {strides = array<i32>} : memref<16x1024xf32, #tpu.memory_space<vmem>>, vector<1x16xf32>,
      %parallel_loop3A_992 = vector.shape_cast %parallel_loop3A_991 : vector<1x16xf32> to vector<16xf32>
      %parallel_loop3A_993 = vector.shape_cast %parallel_loop3A_988 : vector<16xf32> to vector<1x16xf32>
      tpu.vector_store %arg8[%parallel_loop3A_989, %parallel_loop3A_990], %parallel_loop3A_993 {add = true, strides = array<i32>} : memref<16x1024xf32, #tpu.memory_space<vmem>>, vector<1x16xf32>,
    } {sc.loop_unroll_factor = 8 : i64, sc.parallel_access}
    %add3A_869 = arith.constant 0 : i32
    %add3A_870 = arith.addi %add3A_869, %mul3A_2 : i32
    %add3A_871 = arith.constant 112 : i32
    %add3A_872 = arith.addi %add3A_870, %add3A_871 : i32
    %dma_start3A_873 = arith.constant 0 : i32
    %dma_start3A_874 = tpu.memref_slice %arg4[%add3A_872, %dma_start3A_873] : memref<16384x1024xf32, #tpu.memory_space<hbm>> -> memref<16x1024xf32, #tpu.memory_space<hbm>>
    %dma_start3A_875 = arith.constant 0 : i32
    %dma_start3A_876 = tpu.memref_slice %arg4[%add3A_872, %dma_start3A_875] : memref<16384x1024xf32, #tpu.memory_space<hbm>> -> memref<16x1024xf32, #tpu.memory_space<hbm>>
    tpu.enqueue_dma source(%arg8 : memref<16x1024xf32, #tpu.memory_space<vmem>>) target(%dma_start3A_876 : memref<16x1024xf32, #tpu.memory_space<hbm>>) target_semaphore(%arg13 : memref<!tpu.dma_semaphore, #tpu.memory_space<semaphore_mem>>)
    %dma_wait3A_877 = arith.constant 0 : i32
    %dma_wait3A_878 = tpu.memref_slice %arg2[%add3A_803, %dma_wait3A_877] : memref<16384x1024xf32, #tpu.memory_space<hbm>> -> memref<16x1024xf32, #tpu.memory_space<hbm>>
    %dma_wait3A_879 = arith.constant 0 : i32
    %dma_wait3A_880 = tpu.memref_slice %arg2[%add3A_803, %dma_wait3A_879] : memref<16384x1024xf32, #tpu.memory_space<hbm>> -> memref<16x1024xf32, #tpu.memory_space<hbm>>
    tpu.wait_dma2 semaphore(%arg12 : memref<!tpu.dma_semaphore, #tpu.memory_space<semaphore_mem>>) src(%dma_wait3A_880 : memref<16x1024xf32, #tpu.memory_space<hbm>>) dst(%arg9 : memref<16x1024xf32, #tpu.memory_space<vmem>>)
    %dma_wait3A_881 = arith.constant 0 : i32
    %dma_wait3A_882 = tpu.memref_slice %arg4[%add3A_841, %dma_wait3A_881] : memref<16384x1024xf32, #tpu.memory_space<hbm>> -> memref<16x1024xf32, #tpu.memory_space<hbm>>
    %dma_wait3A_883 = arith.constant 0 : i32
    %dma_wait3A_884 = tpu.memref_slice %arg4[%add3A_841, %dma_wait3A_883] : memref<16384x1024xf32, #tpu.memory_space<hbm>> -> memref<16x1024xf32, #tpu.memory_space<hbm>>
    tpu.wait_dma2 semaphore(%arg13 : memref<!tpu.dma_semaphore, #tpu.memory_space<semaphore_mem>>) src(%arg7 : memref<16x1024xf32, #tpu.memory_space<vmem>>) dst(%dma_wait3A_884 : memref<16x1024xf32, #tpu.memory_space<hbm>>)
    %parallel_loop3A_885 = arith.constant 0 : i32
    %parallel_loop3A_886 = arith.constant 1024 : i32
    %parallel_loop3A_887 = arith.constant 1 : i32
    scf.for %parallel_loop3A_942 = %parallel_loop3A_885 to %parallel_loop3A_886 step %parallel_loop3A_887  : i32 {
      %parallel_loop3A_943 = arith.constant 64 : i32
      %parallel_loop3A_944 = arith.divsi %parallel_loop3A_942, %parallel_loop3A_943 : i32
      %parallel_loop3A_945 = arith.constant 0 : i32
      %parallel_loop3A_946 = arith.cmpi sgt, %parallel_loop3A_942, %parallel_loop3A_945 : i32
      %parallel_loop3A_947 = arith.extui %parallel_loop3A_946 : i1 to i32
      %parallel_loop3A_948 = arith.constant 0 : i32
      %parallel_loop3A_949 = arith.cmpi slt, %parallel_loop3A_942, %parallel_loop3A_948 : i32
      %parallel_loop3A_950 = arith.extui %parallel_loop3A_949 : i1 to i32
      %parallel_loop3A_951 = arith.subi %parallel_loop3A_947, %parallel_loop3A_950 : i32
      %parallel_loop3A_952 = arith.constant 0 : i32
      %parallel_loop3A_953 = arith.cmpi sgt, %parallel_loop3A_943, %parallel_loop3A_952 : i32
      %parallel_loop3A_954 = arith.extui %parallel_loop3A_953 : i1 to i32
      %parallel_loop3A_955 = arith.constant 0 : i32
      %parallel_loop3A_956 = arith.cmpi slt, %parallel_loop3A_943, %parallel_loop3A_955 : i32
      %parallel_loop3A_957 = arith.extui %parallel_loop3A_956 : i1 to i32
      %parallel_loop3A_958 = arith.subi %parallel_loop3A_954, %parallel_loop3A_957 : i32
      %parallel_loop3A_959 = arith.cmpi ne, %parallel_loop3A_951, %parallel_loop3A_958 : i32
      %parallel_loop3A_960 = arith.remsi %parallel_loop3A_942, %parallel_loop3A_943 : i32
      %parallel_loop3A_961 = arith.constant 0 : i32
      %parallel_loop3A_962 = arith.cmpi ne, %parallel_loop3A_960, %parallel_loop3A_961 : i32
      %parallel_loop3A_963 = arith.andi %parallel_loop3A_959, %parallel_loop3A_962 : i1
      %parallel_loop3A_964 = arith.constant 1 : i32
      %parallel_loop3A_965 = arith.subi %parallel_loop3A_944, %parallel_loop3A_964 : i32
      %parallel_loop3A_966 = arith.select %parallel_loop3A_963, %parallel_loop3A_965, %parallel_loop3A_944 : i32
      %parallel_loop3A_967 = arith.constant 64 : i32
      %parallel_loop3A_968 = arith.constant 0 : i32
      %parallel_loop3A_969 = arith.cmpi eq, %parallel_loop3A_967, %parallel_loop3A_968 : i32
      %parallel_loop3A_970 = arith.constant 1 : i32
      %parallel_loop3A_971 = arith.select %parallel_loop3A_969, %parallel_loop3A_970, %parallel_loop3A_967 : i32
      %parallel_loop3A_972 = arith.remsi %parallel_loop3A_942, %parallel_loop3A_971 : i32
      %parallel_loop3A_973 = arith.constant 0 : i32
      %parallel_loop3A_974 = arith.cmpi ne, %parallel_loop3A_972, %parallel_loop3A_973 : i32
      %parallel_loop3A_975 = arith.constant 0 : i32
      %parallel_loop3A_976 = arith.cmpi slt, %parallel_loop3A_972, %parallel_loop3A_975 : i32
      %parallel_loop3A_977 = arith.constant 0 : i32
      %parallel_loop3A_978 = arith.cmpi slt, %parallel_loop3A_971, %parallel_loop3A_977 : i32
      %parallel_loop3A_979 = arith.xori %parallel_loop3A_976, %parallel_loop3A_978 : i1
      %parallel_loop3A_980 = arith.andi %parallel_loop3A_979, %parallel_loop3A_974 : i1
      %parallel_loop3A_981 = arith.addi %parallel_loop3A_972, %parallel_loop3A_971 : i32
      %parallel_loop3A_982 = arith.select %parallel_loop3A_980, %parallel_loop3A_981, %parallel_loop3A_972 : i32
      %parallel_loop3A_983 = arith.constant 16 : i32
      %parallel_loop3A_984 = arith.muli %parallel_loop3A_982, %parallel_loop3A_983 : i32
      %parallel_loop3A_985 = arith.index_cast %parallel_loop3A_966 : i32 to index
      %parallel_loop3A_986 = arith.index_cast %parallel_loop3A_984 : i32 to index
      %parallel_loop3A_987 = tpu.vector_load %arg11[%parallel_loop3A_985, %parallel_loop3A_986] {strides = array<i32>} : memref<16x1024xf32, #tpu.memory_space<vmem>>, vector<1x16xf32>,
      %parallel_loop3A_988 = vector.shape_cast %parallel_loop3A_987 : vector<1x16xf32> to vector<16xf32>
      %parallel_loop3A_989 = arith.index_cast %parallel_loop3A_966 : i32 to index
      %parallel_loop3A_990 = arith.index_cast %parallel_loop3A_984 : i32 to index
      %parallel_loop3A_991 = tpu.vector_load %arg9[%parallel_loop3A_989, %parallel_loop3A_990] {strides = array<i32>} : memref<16x1024xf32, #tpu.memory_space<vmem>>, vector<1x16xf32>,
      %parallel_loop3A_992 = vector.shape_cast %parallel_loop3A_991 : vector<1x16xf32> to vector<16xf32>
      %parallel_loop3A_993 = vector.shape_cast %parallel_loop3A_988 : vector<16xf32> to vector<1x16xf32>
      tpu.vector_store %arg9[%parallel_loop3A_989, %parallel_loop3A_990], %parallel_loop3A_993 {add = true, strides = array<i32>} : memref<16x1024xf32, #tpu.memory_space<vmem>>, vector<1x16xf32>,
    } {sc.loop_unroll_factor = 8 : i64, sc.parallel_access}
    %add3A_888 = arith.constant 4096 : i32
    %add3A_889 = arith.addi %add3A_888, %mul3A_2 : i32
    %add3A_890 = arith.constant 112 : i32
    %add3A_891 = arith.addi %add3A_889, %add3A_890 : i32
    %dma_start3A_892 = arith.constant 0 : i32
    %dma_start3A_893 = tpu.memref_slice %arg4[%add3A_891, %dma_start3A_892] : memref<16384x1024xf32, #tpu.memory_space<hbm>> -> memref<16x1024xf32, #tpu.memory_space<hbm>>
    %dma_start3A_894 = arith.constant 0 : i32
    %dma_start3A_895 = tpu.memref_slice %arg4[%add3A_891, %dma_start3A_894] : memref<16384x1024xf32, #tpu.memory_space<hbm>> -> memref<16x1024xf32, #tpu.memory_space<hbm>>
    tpu.enqueue_dma source(%arg9 : memref<16x1024xf32, #tpu.memory_space<vmem>>) target(%dma_start3A_895 : memref<16x1024xf32, #tpu.memory_space<hbm>>) target_semaphore(%arg13 : memref<!tpu.dma_semaphore, #tpu.memory_space<semaphore_mem>>)
    %dma_wait3A_896 = arith.constant 0 : i32
    %dma_wait3A_897 = tpu.memref_slice %arg2[%add3A_830, %dma_wait3A_896] : memref<16384x1024xf32, #tpu.memory_space<hbm>> -> memref<16x1024xf32, #tpu.memory_space<hbm>>
    %dma_wait3A_898 = arith.constant 0 : i32
    %dma_wait3A_899 = tpu.memref_slice %arg2[%add3A_830, %dma_wait3A_898] : memref<16384x1024xf32, #tpu.memory_space<hbm>> -> memref<16x1024xf32, #tpu.memory_space<hbm>>
    tpu.wait_dma2 semaphore(%arg12 : memref<!tpu.dma_semaphore, #tpu.memory_space<semaphore_mem>>) src(%dma_wait3A_899 : memref<16x1024xf32, #tpu.memory_space<hbm>>) dst(%arg5 : memref<16x1024xf32, #tpu.memory_space<vmem>>)
    %dma_wait3A_900 = arith.constant 0 : i32
    %dma_wait3A_901 = tpu.memref_slice %arg4[%add3A_872, %dma_wait3A_900] : memref<16384x1024xf32, #tpu.memory_space<hbm>> -> memref<16x1024xf32, #tpu.memory_space<hbm>>
    %dma_wait3A_902 = arith.constant 0 : i32
    %dma_wait3A_903 = tpu.memref_slice %arg4[%add3A_872, %dma_wait3A_902] : memref<16384x1024xf32, #tpu.memory_space<hbm>> -> memref<16x1024xf32, #tpu.memory_space<hbm>>
    tpu.wait_dma2 semaphore(%arg13 : memref<!tpu.dma_semaphore, #tpu.memory_space<semaphore_mem>>) src(%arg8 : memref<16x1024xf32, #tpu.memory_space<vmem>>) dst(%dma_wait3A_903 : memref<16x1024xf32, #tpu.memory_space<hbm>>)
    %parallel_loop3A_904 = arith.constant 0 : i32
    %parallel_loop3A_905 = arith.constant 1024 : i32
    %parallel_loop3A_906 = arith.constant 1 : i32
    scf.for %parallel_loop3A_942 = %parallel_loop3A_904 to %parallel_loop3A_905 step %parallel_loop3A_906  : i32 {
      %parallel_loop3A_943 = arith.constant 64 : i32
      %parallel_loop3A_944 = arith.divsi %parallel_loop3A_942, %parallel_loop3A_943 : i32
      %parallel_loop3A_945 = arith.constant 0 : i32
      %parallel_loop3A_946 = arith.cmpi sgt, %parallel_loop3A_942, %parallel_loop3A_945 : i32
      %parallel_loop3A_947 = arith.extui %parallel_loop3A_946 : i1 to i32
      %parallel_loop3A_948 = arith.constant 0 : i32
      %parallel_loop3A_949 = arith.cmpi slt, %parallel_loop3A_942, %parallel_loop3A_948 : i32
      %parallel_loop3A_950 = arith.extui %parallel_loop3A_949 : i1 to i32
      %parallel_loop3A_951 = arith.subi %parallel_loop3A_947, %parallel_loop3A_950 : i32
      %parallel_loop3A_952 = arith.constant 0 : i32
      %parallel_loop3A_953 = arith.cmpi sgt, %parallel_loop3A_943, %parallel_loop3A_952 : i32
      %parallel_loop3A_954 = arith.extui %parallel_loop3A_953 : i1 to i32
      %parallel_loop3A_955 = arith.constant 0 : i32
      %parallel_loop3A_956 = arith.cmpi slt, %parallel_loop3A_943, %parallel_loop3A_955 : i32
      %parallel_loop3A_957 = arith.extui %parallel_loop3A_956 : i1 to i32
      %parallel_loop3A_958 = arith.subi %parallel_loop3A_954, %parallel_loop3A_957 : i32
      %parallel_loop3A_959 = arith.cmpi ne, %parallel_loop3A_951, %parallel_loop3A_958 : i32
      %parallel_loop3A_960 = arith.remsi %parallel_loop3A_942, %parallel_loop3A_943 : i32
      %parallel_loop3A_961 = arith.constant 0 : i32
      %parallel_loop3A_962 = arith.cmpi ne, %parallel_loop3A_960, %parallel_loop3A_961 : i32
      %parallel_loop3A_963 = arith.andi %parallel_loop3A_959, %parallel_loop3A_962 : i1
      %parallel_loop3A_964 = arith.constant 1 : i32
      %parallel_loop3A_965 = arith.subi %parallel_loop3A_944, %parallel_loop3A_964 : i32
      %parallel_loop3A_966 = arith.select %parallel_loop3A_963, %parallel_loop3A_965, %parallel_loop3A_944 : i32
      %parallel_loop3A_967 = arith.constant 64 : i32
      %parallel_loop3A_968 = arith.constant 0 : i32
      %parallel_loop3A_969 = arith.cmpi eq, %parallel_loop3A_967, %parallel_loop3A_968 : i32
      %parallel_loop3A_970 = arith.constant 1 : i32
      %parallel_loop3A_971 = arith.select %parallel_loop3A_969, %parallel_loop3A_970, %parallel_loop3A_967 : i32
      %parallel_loop3A_972 = arith.remsi %parallel_loop3A_942, %parallel_loop3A_971 : i32
      %parallel_loop3A_973 = arith.constant 0 : i32
      %parallel_loop3A_974 = arith.cmpi ne, %parallel_loop3A_972, %parallel_loop3A_973 : i32
      %parallel_loop3A_975 = arith.constant 0 : i32
      %parallel_loop3A_976 = arith.cmpi slt, %parallel_loop3A_972, %parallel_loop3A_975 : i32
      %parallel_loop3A_977 = arith.constant 0 : i32
      %parallel_loop3A_978 = arith.cmpi slt, %parallel_loop3A_971, %parallel_loop3A_977 : i32
      %parallel_loop3A_979 = arith.xori %parallel_loop3A_976, %parallel_loop3A_978 : i1
      %parallel_loop3A_980 = arith.andi %parallel_loop3A_979, %parallel_loop3A_974 : i1
      %parallel_loop3A_981 = arith.addi %parallel_loop3A_972, %parallel_loop3A_971 : i32
      %parallel_loop3A_982 = arith.select %parallel_loop3A_980, %parallel_loop3A_981, %parallel_loop3A_972 : i32
      %parallel_loop3A_983 = arith.constant 16 : i32
      %parallel_loop3A_984 = arith.muli %parallel_loop3A_982, %parallel_loop3A_983 : i32
      %parallel_loop3A_985 = arith.index_cast %parallel_loop3A_966 : i32 to index
      %parallel_loop3A_986 = arith.index_cast %parallel_loop3A_984 : i32 to index
      %parallel_loop3A_987 = tpu.vector_load %arg11[%parallel_loop3A_985, %parallel_loop3A_986] {strides = array<i32>} : memref<16x1024xf32, #tpu.memory_space<vmem>>, vector<1x16xf32>,
      %parallel_loop3A_988 = vector.shape_cast %parallel_loop3A_987 : vector<1x16xf32> to vector<16xf32>
      %parallel_loop3A_989 = arith.index_cast %parallel_loop3A_966 : i32 to index
      %parallel_loop3A_990 = arith.index_cast %parallel_loop3A_984 : i32 to index
      %parallel_loop3A_991 = tpu.vector_load %arg5[%parallel_loop3A_989, %parallel_loop3A_990] {strides = array<i32>} : memref<16x1024xf32, #tpu.memory_space<vmem>>, vector<1x16xf32>,
      %parallel_loop3A_992 = vector.shape_cast %parallel_loop3A_991 : vector<1x16xf32> to vector<16xf32>
      %parallel_loop3A_993 = vector.shape_cast %parallel_loop3A_988 : vector<16xf32> to vector<1x16xf32>
      tpu.vector_store %arg5[%parallel_loop3A_989, %parallel_loop3A_990], %parallel_loop3A_993 {add = true, strides = array<i32>} : memref<16x1024xf32, #tpu.memory_space<vmem>>, vector<1x16xf32>,
    } {sc.loop_unroll_factor = 8 : i64, sc.parallel_access}
    %add3A_907 = arith.constant 8192 : i32
    %add3A_908 = arith.addi %add3A_907, %mul3A_2 : i32
    %add3A_909 = arith.constant 112 : i32
    %add3A_910 = arith.addi %add3A_908, %add3A_909 : i32
    %dma_start3A_911 = arith.constant 0 : i32
    %dma_start3A_912 = tpu.memref_slice %arg4[%add3A_910, %dma_start3A_911] : memref<16384x1024xf32, #tpu.memory_space<hbm>> -> memref<16x1024xf32, #tpu.memory_space<hbm>>
    %dma_start3A_913 = arith.constant 0 : i32
    %dma_start3A_914 = tpu.memref_slice %arg4[%add3A_910, %dma_start3A_913] : memref<16384x1024xf32, #tpu.memory_space<hbm>> -> memref<16x1024xf32, #tpu.memory_space<hbm>>
    tpu.enqueue_dma source(%arg5 : memref<16x1024xf32, #tpu.memory_space<vmem>>) target(%dma_start3A_914 : memref<16x1024xf32, #tpu.memory_space<hbm>>) target_semaphore(%arg13 : memref<!tpu.dma_semaphore, #tpu.memory_space<semaphore_mem>>)
    %dma_wait3A_915 = arith.constant 0 : i32
    %dma_wait3A_916 = tpu.memref_slice %arg2[%add3A_861, %dma_wait3A_915] : memref<16384x1024xf32, #tpu.memory_space<hbm>> -> memref<16x1024xf32, #tpu.memory_space<hbm>>
    %dma_wait3A_917 = arith.constant 0 : i32
    %dma_wait3A_918 = tpu.memref_slice %arg2[%add3A_861, %dma_wait3A_917] : memref<16384x1024xf32, #tpu.memory_space<hbm>> -> memref<16x1024xf32, #tpu.memory_space<hbm>>
    tpu.wait_dma2 semaphore(%arg12 : memref<!tpu.dma_semaphore, #tpu.memory_space<semaphore_mem>>) src(%dma_wait3A_918 : memref<16x1024xf32, #tpu.memory_space<hbm>>) dst(%arg6 : memref<16x1024xf32, #tpu.memory_space<vmem>>)
    %dma_wait3A_919 = arith.constant 0 : i32
    %dma_wait3A_920 = tpu.memref_slice %arg4[%add3A_891, %dma_wait3A_919] : memref<16384x1024xf32, #tpu.memory_space<hbm>> -> memref<16x1024xf32, #tpu.memory_space<hbm>>
    %dma_wait3A_921 = arith.constant 0 : i32
    %dma_wait3A_922 = tpu.memref_slice %arg4[%add3A_891, %dma_wait3A_921] : memref<16384x1024xf32, #tpu.memory_space<hbm>> -> memref<16x1024xf32, #tpu.memory_space<hbm>>
    tpu.wait_dma2 semaphore(%arg13 : memref<!tpu.dma_semaphore, #tpu.memory_space<semaphore_mem>>) src(%arg9 : memref<16x1024xf32, #tpu.memory_space<vmem>>) dst(%dma_wait3A_922 : memref<16x1024xf32, #tpu.memory_space<hbm>>)
    %parallel_loop3A_923 = arith.constant 0 : i32
    %parallel_loop3A_924 = arith.constant 1024 : i32
    %parallel_loop3A_925 = arith.constant 1 : i32
    scf.for %parallel_loop3A_942 = %parallel_loop3A_923 to %parallel_loop3A_924 step %parallel_loop3A_925  : i32 {
      %parallel_loop3A_943 = arith.constant 64 : i32
      %parallel_loop3A_944 = arith.divsi %parallel_loop3A_942, %parallel_loop3A_943 : i32
      %parallel_loop3A_945 = arith.constant 0 : i32
      %parallel_loop3A_946 = arith.cmpi sgt, %parallel_loop3A_942, %parallel_loop3A_945 : i32
      %parallel_loop3A_947 = arith.extui %parallel_loop3A_946 : i1 to i32
      %parallel_loop3A_948 = arith.constant 0 : i32
      %parallel_loop3A_949 = arith.cmpi slt, %parallel_loop3A_942, %parallel_loop3A_948 : i32
      %parallel_loop3A_950 = arith.extui %parallel_loop3A_949 : i1 to i32
      %parallel_loop3A_951 = arith.subi %parallel_loop3A_947, %parallel_loop3A_950 : i32
      %parallel_loop3A_952 = arith.constant 0 : i32
      %parallel_loop3A_953 = arith.cmpi sgt, %parallel_loop3A_943, %parallel_loop3A_952 : i32
      %parallel_loop3A_954 = arith.extui %parallel_loop3A_953 : i1 to i32
      %parallel_loop3A_955 = arith.constant 0 : i32
      %parallel_loop3A_956 = arith.cmpi slt, %parallel_loop3A_943, %parallel_loop3A_955 : i32
      %parallel_loop3A_957 = arith.extui %parallel_loop3A_956 : i1 to i32
      %parallel_loop3A_958 = arith.subi %parallel_loop3A_954, %parallel_loop3A_957 : i32
      %parallel_loop3A_959 = arith.cmpi ne, %parallel_loop3A_951, %parallel_loop3A_958 : i32
      %parallel_loop3A_960 = arith.remsi %parallel_loop3A_942, %parallel_loop3A_943 : i32
      %parallel_loop3A_961 = arith.constant 0 : i32
      %parallel_loop3A_962 = arith.cmpi ne, %parallel_loop3A_960, %parallel_loop3A_961 : i32
      %parallel_loop3A_963 = arith.andi %parallel_loop3A_959, %parallel_loop3A_962 : i1
      %parallel_loop3A_964 = arith.constant 1 : i32
      %parallel_loop3A_965 = arith.subi %parallel_loop3A_944, %parallel_loop3A_964 : i32
      %parallel_loop3A_966 = arith.select %parallel_loop3A_963, %parallel_loop3A_965, %parallel_loop3A_944 : i32
      %parallel_loop3A_967 = arith.constant 64 : i32
      %parallel_loop3A_968 = arith.constant 0 : i32
      %parallel_loop3A_969 = arith.cmpi eq, %parallel_loop3A_967, %parallel_loop3A_968 : i32
      %parallel_loop3A_970 = arith.constant 1 : i32
      %parallel_loop3A_971 = arith.select %parallel_loop3A_969, %parallel_loop3A_970, %parallel_loop3A_967 : i32
      %parallel_loop3A_972 = arith.remsi %parallel_loop3A_942, %parallel_loop3A_971 : i32
      %parallel_loop3A_973 = arith.constant 0 : i32
      %parallel_loop3A_974 = arith.cmpi ne, %parallel_loop3A_972, %parallel_loop3A_973 : i32
      %parallel_loop3A_975 = arith.constant 0 : i32
      %parallel_loop3A_976 = arith.cmpi slt, %parallel_loop3A_972, %parallel_loop3A_975 : i32
      %parallel_loop3A_977 = arith.constant 0 : i32
      %parallel_loop3A_978 = arith.cmpi slt, %parallel_loop3A_971, %parallel_loop3A_977 : i32
      %parallel_loop3A_979 = arith.xori %parallel_loop3A_976, %parallel_loop3A_978 : i1
      %parallel_loop3A_980 = arith.andi %parallel_loop3A_979, %parallel_loop3A_974 : i1
      %parallel_loop3A_981 = arith.addi %parallel_loop3A_972, %parallel_loop3A_971 : i32
      %parallel_loop3A_982 = arith.select %parallel_loop3A_980, %parallel_loop3A_981, %parallel_loop3A_972 : i32
      %parallel_loop3A_983 = arith.constant 16 : i32
      %parallel_loop3A_984 = arith.muli %parallel_loop3A_982, %parallel_loop3A_983 : i32
      %parallel_loop3A_985 = arith.index_cast %parallel_loop3A_966 : i32 to index
      %parallel_loop3A_986 = arith.index_cast %parallel_loop3A_984 : i32 to index
      %parallel_loop3A_987 = tpu.vector_load %arg11[%parallel_loop3A_985, %parallel_loop3A_986] {strides = array<i32>} : memref<16x1024xf32, #tpu.memory_space<vmem>>, vector<1x16xf32>,
      %parallel_loop3A_988 = vector.shape_cast %parallel_loop3A_987 : vector<1x16xf32> to vector<16xf32>
      %parallel_loop3A_989 = arith.index_cast %parallel_loop3A_966 : i32 to index
      %parallel_loop3A_990 = arith.index_cast %parallel_loop3A_984 : i32 to index
      %parallel_loop3A_991 = tpu.vector_load %arg6[%parallel_loop3A_989, %parallel_loop3A_990] {strides = array<i32>} : memref<16x1024xf32, #tpu.memory_space<vmem>>, vector<1x16xf32>,
      %parallel_loop3A_992 = vector.shape_cast %parallel_loop3A_991 : vector<1x16xf32> to vector<16xf32>
      %parallel_loop3A_993 = vector.shape_cast %parallel_loop3A_988 : vector<16xf32> to vector<1x16xf32>
      tpu.vector_store %arg6[%parallel_loop3A_989, %parallel_loop3A_990], %parallel_loop3A_993 {add = true, strides = array<i32>} : memref<16x1024xf32, #tpu.memory_space<vmem>>, vector<1x16xf32>,
    } {sc.loop_unroll_factor = 8 : i64, sc.parallel_access}
    %add3A_926 = arith.constant 12288 : i32
    %add3A_927 = arith.addi %add3A_926, %mul3A_2 : i32
    %add3A_928 = arith.constant 112 : i32
    %add3A_929 = arith.addi %add3A_927, %add3A_928 : i32
    %dma_start3A_930 = arith.constant 0 : i32
    %dma_start3A_931 = tpu.memref_slice %arg4[%add3A_929, %dma_start3A_930] : memref<16384x1024xf32, #tpu.memory_space<hbm>> -> memref<16x1024xf32, #tpu.memory_space<hbm>>
    %dma_start3A_932 = arith.constant 0 : i32
    %dma_start3A_933 = tpu.memref_slice %arg4[%add3A_929, %dma_start3A_932] : memref<16384x1024xf32, #tpu.memory_space<hbm>> -> memref<16x1024xf32, #tpu.memory_space<hbm>>
    tpu.enqueue_dma source(%arg6 : memref<16x1024xf32, #tpu.memory_space<vmem>>) target(%dma_start3A_933 : memref<16x1024xf32, #tpu.memory_space<hbm>>) target_semaphore(%arg13 : memref<!tpu.dma_semaphore, #tpu.memory_space<semaphore_mem>>)
    %dma_wait3A_934 = arith.constant 0 : i32
    %dma_wait3A_935 = tpu.memref_slice %arg4[%add3A_910, %dma_wait3A_934] : memref<16384x1024xf32, #tpu.memory_space<hbm>> -> memref<16x1024xf32, #tpu.memory_space<hbm>>
    %dma_wait3A_936 = arith.constant 0 : i32
    %dma_wait3A_937 = tpu.memref_slice %arg4[%add3A_910, %dma_wait3A_936] : memref<16384x1024xf32, #tpu.memory_space<hbm>> -> memref<16x1024xf32, #tpu.memory_space<hbm>>
    tpu.wait_dma2 semaphore(%arg13 : memref<!tpu.dma_semaphore, #tpu.memory_space<semaphore_mem>>) src(%arg5 : memref<16x1024xf32, #tpu.memory_space<vmem>>) dst(%dma_wait3A_937 : memref<16x1024xf32, #tpu.memory_space<hbm>>)
    %dma_wait3A_938 = arith.constant 0 : i32
    %dma_wait3A_939 = tpu.memref_slice %arg4[%add3A_929, %dma_wait3A_938] : memref<16384x1024xf32, #tpu.memory_space<hbm>> -> memref<16x1024xf32, #tpu.memory_space<hbm>>
    %dma_wait3A_940 = arith.constant 0 : i32
    %dma_wait3A_941 = tpu.memref_slice %arg4[%add3A_929, %dma_wait3A_940] : memref<16384x1024xf32, #tpu.memory_space<hbm>> -> memref<16x1024xf32, #tpu.memory_space<hbm>>
    tpu.wait_dma2 semaphore(%arg13 : memref<!tpu.dma_semaphore, #tpu.memory_space<semaphore_mem>>) src(%arg6 : memref<16x1024xf32, #tpu.memory_space<vmem>>) dst(%dma_wait3A_941 : memref<16x1024xf32, #tpu.memory_space<hbm>>)
    return
  }
}

</mosaic_0001>

<sc_bundles>
// kernel: kernel.3.cloned.1.call-start
scs
__scs_entry_jumppad:
0x0: {  	(pc) =	sbr.rel $0x88, $3  }
0x1: {  	(tag) =	ssettag $0x0;
	lr =	simm.s32 $0x1  }
0x2: {  	[smem:$0x3F9F] =	sst lr;
	_ =	strace $0xD0000000  }
0x3: {  	_ = 	snop  }
0x4: {  	_ = 	snop  }
0x5: {  	_ = 	snop  }
0x6: {  	_ = 	snop  }
0x7: {  	_ = 	snop  }
__scs_overlays_trampoline_lowered:
0x8: {  	[smem:$0x3FAE] =	sst s0  }
0x9: {  	[smem:$0x3FAF] =	sst s1  }
0xa: {  	[smem:$0x3FB0] =	sst s2  }
0xb: {  	[smem:$0x3FB1] =	sst s3  }
0xc: {  	[smem:$0x3FB2] =	sst s4  }
0xd: {  	[smem:$0x3FB3] =	sst s5  }
0xe: {  	[smem:$0x3FB4] =	sst s6  }
0xf: {  	[smem:$0x3FB5] =	sst s7  }
0x10: {  	[smem:$0x3FB6] =	sst s8  }
0x11: {  	[smem:$0x3FB7] =	sst s9;
	s0 =	simm.s32 @!p0 $0x0  }
0x12: {  	s1 =	sld [smem:$0x3F9D];
	s0 =	simm.s32 @p0 $0x1  }
0x13: {  	[smem:$0x3FB8] =	sst s0;
	s0 =	simm.s32 @!p1 $0x0  }
0x14: {  	s2 =	sld [smem:$0x3F9C];
	s0 =	simm.s32 @p1 $0x1  }
0x15: {  	[smem:$0x3FB9] =	sst s0;
	s0 =	simm.s32 @!p2 $0x0  }
0x16: {  	s3 =	sld [smem:$0x3FDB];
	s0 =	simm.s32 @p2 $0x1  }
0x17: {  	s4 =	simm.s32 $0x1BF5;
	[smem:$0x3FBB] =	sst s0  }
0x18: {  	s0 =	sld [smem:$0x3F9E];
	_ =	swait.ge [sflag:s4], $0x0  }
0x19: {  	s7 =	sld [smem:$0x3F9F]  }
0x1a: {  	s8 =	sadd.s32 $0xFFFFE003, lr  }
0x1b: {  	s9 =	sadd.s32 $0xFFFFFEF7, lr;
	s5 =	simm.s32 $0xFFFFFFFF;
	p2 =	slt.u32 s8, $0xFFFFF086  }
0x1c: {  	p1 =	slt.u32 s9, $0xF7A;
	s5 =	simm.s32 @!p2 $0x0  }
0x1d: {  	s5 =	simm.s32 @p1 $0x1;
	p0 =	seq.s32 s7, s2  }
0x1e: {  	s7 =	smul.u32 @!p0 $0xF7A, s2;
	p2 =	seq.s32 @!p0 s5, $0x0  }
0x1f: {  	s9 =	smul.u32 $0xF7A, s1;
	s8 =	simm.s32 @!p0 $0x1BF5;
	p2 =	por !p2, p0  }
0x20: {  	[sflag:s8] =	ssyncset.s32 @!p0 $0xFFFFF086;
	s6 =	sadd.s32 @!p0 s3, s7;
	s7 =	simm.s32 @!p0 $0x108  }
0x21: {  	s3 =	sadd.s32 s3, s9;
	s6 =	sadd.s32 @!p0 $0x88, s6;
	s7 =	simm.s32 @p2 $0x1082  }
0x22: {  	[simem:s7], [sflag:s8] =	dma.local @!p0 [hbm:s6], $0xF7A  }
0x23: {  	s9 =	sor.u32 $0xD0000000, s2;
	s6 =	simm.s32 $0x108;
	_ =	swait.ge @!p0 [sflag:s8], $0x0  }
0x24: {  	s3 =	sadd.s32 $0x88, s3;
	s6 =	simm.s32 @!p1 $0x1082;
	[sflag:s4] =	ssyncset.s32 $0xFFFFF086  }
0x25: {  	[simem:s6], [sflag:s4] =	dma.local [hbm:s3], $0xF7A  }
0x26: {  	[smem:$0x3F9F] =	sst s1;
	(tag) =	ssettag s2;
	_ =	strace s9  }
0x27: {  	s1 =	sld [smem:$0x3FAF]  }
0x28: {  	s2 =	sld [smem:$0x3FB0]  }
0x29: {  	s4 =	sld [smem:$0x3FB2]  }
0x2a: {  	p0 =	seq.s32 s5, $0x0;
	s5 =	sld [smem:$0x3FB3]  }
0x2b: {  	s6 =	sld [smem:$0x3FB4]  }
0x2c: {  	s7 =	sld [smem:$0x3FB5]  }
0x2d: {  	s3 =	simm.s32 $0x108;
	s8 =	sld [smem:$0x3FB6]  }
0x2e: {  	s3 =	simm.s32 @!p0 $0x1082;
	s9 =	sld [smem:$0x3FB7]  }
0x2f: {  	lr =	sadd.s32 s0, s3;
	s0 =	sld [smem:$0x3FAE]  }
0x30: {  	s3 =	sld [smem:$0x3FB1]  }
0x31: {  	[smem:$0x3FBA] =	sst s10  }
0x32: {  	s10 =	sld [smem:$0x3FB8];
	_ =	sdelay $0x3  }
0x33: {  	p0 =	seq.s32 s10, $0x1;
	s10 =	sld [smem:$0x3FBA];
	_ =	sdelay $0x3  }
0x34: {  	[smem:$0x3FBA] =	sst s10  }
0x35: {  	s10 =	sld [smem:$0x3FB9];
	_ =	sdelay $0x3  }
0x36: {  	p1 =	seq.s32 s10, $0x1;
	s10 =	sld [smem:$0x3FBA];
	_ =	sdelay $0x3  }
0x37: {  	[smem:$0x3FBA] =	sst s10  }
0x38: {  	s10 =	sld [smem:$0x3FBB]  }
0x39: {  	_ = 	snop;
	(pc) =	sbr.ind lr, $3  }
0x3a: {  	_ = 	snop  }
0x3b: {  	_ = 	snop  }
0x3c: {  	p2 =	seq.s32 s10, $0x1;
	s10 =	sld [smem:$0x3FBA]  }
0x3d: {  	_ =	shalt  }
0x3e: {  	_ =	shalt  }
0x3f: {  	_ =	shalt  }
0x40: {  	_ =	shalt  }
0x41: {  	_ =	shalt  }
0x42: {  	_ =	shalt  }
0x43: {  	_ =	shalt  }
0x44: {  	_ =	shalt  }
0x45: {  	_ =	shalt  }
0x46: {  	_ =	shalt  }
0x47: {  	_ =	shalt  }
0x48: {  	_ =	shalt  }
0x49: {  	_ =	shalt  }
0x4a: {  	_ =	shalt  }
0x4b: {  	_ =	shalt  }
0x4c: {  	_ =	shalt  }
0x4d: {  	_ =	shalt  }
0x4e: {  	_ =	shalt  }
0x4f: {  	_ =	shalt  }
0x50: {  	_ =	shalt  }
0x51: {  	_ =	shalt  }
0x52: {  	_ =	shalt  }
0x53: {  	_ =	shalt  }
0x54: {  	_ =	shalt  }
0x55: {  	_ =	shalt  }
0x56: {  	_ =	shalt  }
0x57: {  	_ =	shalt  }
0x58: {  	_ =	shalt  }
0x59: {  	_ =	shalt  }
0x5a: {  	_ =	shalt  }
0x5b: {  	_ =	shalt  }
0x5c: {  	_ =	shalt  }
0x5d: {  	_ =	shalt  }
0x5e: {  	_ =	shalt  }
0x5f: {  	_ =	shalt  }
0x60: {  	_ =	shalt  }
0x61: {  	_ =	shalt  }
0x62: {  	_ =	shalt  }
0x63: {  	_ =	shalt  }
0x64: {  	_ =	shalt  }
0x65: {  	_ =	shalt  }
0x66: {  	_ =	shalt  }
0x67: {  	_ =	shalt  }
0x68: {  	_ =	shalt  }
0x69: {  	_ =	shalt  }
0x6a: {  	_ =	shalt  }
0x6b: {  	_ =	shalt  }
0x6c: {  	_ =	shalt  }
0x6d: {  	_ =	shalt  }
0x6e: {  	_ =	shalt  }
0x6f: {  	_ =	shalt  }
0x70: {  	_ =	shalt  }
0x71: {  	_ =	shalt  }
0x72: {  	_ =	shalt  }
0x73: {  	_ =	shalt  }
0x74: {  	_ =	shalt  }
0x75: {  	_ =	shalt  }
0x76: {  	_ =	shalt  }
0x77: {  	_ =	shalt  }
0x78: {  	_ =	shalt  }
0x79: {  	_ =	shalt  }
0x7a: {  	_ =	shalt  }
0x7b: {  	_ =	shalt  }
0x7c: {  	_ =	shalt  }
0x7d: {  	_ =	shalt  }
0x7e: {  	_ =	shalt  }
0x7f: {  	_ =	shalt  }
0x80: {  	_ =	shalt  }
0x81: {  	_ =	shalt  }
0x82: {  	_ =	shalt  }
0x83: {  	_ =	shalt  }
0x84: {  	_ =	shalt  }
0x85: {  	_ =	shalt  }
0x86: {  	_ =	shalt  }
0x87: {  	_ =	shalt  }
.Lfunc_end0:
.L_simem_size_0:
called_computation_lowered:
.L_overlay_start_0:
0x88: {  	s2 =	sld [smem:$0x3FD9]  }
0x89: {  	s3 =	sld [smem:$0x3FFE];
	_ =	sdelay $0x1  }
0x8a: {  	s1 =	srdreg.scid  }
0x8b: {  	s0 =	sand.u32 $0x1, s1  }
0x8c: {  	s18 =	sshll.u32 s0, $0xA;
	s2 =	sadd.s32 s3, s2  }
0x8d: {  	s2 =	sadd.s32 s2, s18  }
0x8e: {  	[smem:$0x3FC6] =	sst s2  }
0x8f: {  	_ = 	snop  }
0x90: {  	s2 =	sld [smem:$0x3FC9]  }
0x91: {  	s19 =	sld [smem:$0x3FC8]  }
0x92: {  	s4 =	sld [smem:$0x3FD0];
	(tm) =	ssettm $0x1  }
0x93: {  	s5 =	sld [smem:$0x3FFB];
	_ =	sdelay $0x3  }
0x94: {  	_ =	strace s5  }
0x95: {  	s5 =	sld [smem:$0x3FFC];
	_ =	sdelay $0x3  }
0x96: {  	_ =	strace s5  }
0x97: {  	s5 =	sld [smem:$0x3FFD];
	_ =	sdelay $0x3  }
0x98: {  	_ =	strace s5  }
0x99: {  	_ =	strace $0x8FFFFFFF  }
0x9a: {  	s20 =	sld [smem:$0x3FDB];
	_ =	sdelay $0x1  }
0x9b: {  	s6 =	simm.s32 $_scs_section_size  }
0x9c: {  	s7 =	simm.s32 $_size__tile_overlayer_lowered;
	s8 =	simm.s32 $_tile_overlayer_lowered  }
0x9d: {  	s23 =	simm.s32 $0x1BFF;
	s22 =	sshll.u32 s8, $0x1;
	s5 =	sadd.s32 s6, s20  }
0x9e: {  	s9 =	simm.s32 $0x0;
	s21 =	sshll.u32 s7, $0x1;
	s7 =	sadd.s32 s22, s5  }
0x9f: {  	[timem:s9], [sflag:s23] =	dma.local [hbm:s7], s21  }
0xa0: {  	_ =	swait.ge [sflag:s23], s21  }
0xa1: {  	s6 =	ssub.s32 $0x0, s21;
	[sflag:s23] =	ssyncset.done $0x0  }
0xa2: {  	[sflag:s23] =	ssyncadd.s32 s6;
	_ =	sdelay $0x1  }
0xa3: {  	s24 =	simm.s32 $0x1B8B  }
0xa4: {  	_ =	swait.ge [sflag:s24], $0x1  }
0xa5: {  	[sflag:s24] =	ssyncset.done $0x0  }
0xa6: {  	s25 =	simm.s32 $0x1B8E;
	[sflag:s24] =	ssyncadd.s32 $0xFFFFFFFF  }
0xa7: {  	s26 =	simm.s32 $execute0_lowered;
	[smem:$0x3FD2] =	sst s25  }
0xa8: {  	s6 =	sshll.u32 s26, $0x1;
	_ =	strace $0x80000046;
	[dreg:$0x1] =	wrdreg $0xFFFFFFFF  }
0xa9: {  	s28 =	simm.s32 $_size_execute0_lowered;
	s5 =	sadd.s32 s5, s6;
	[dreg:$0x0] =	wrdreg $0x0  }
0xaa: {  	s6 =	sshll.u32 s28, $0x1;
	[dreg:$0x2] =	wrdreg s5  }
0xab: {  	[dreg:$0x3] =	wrdreg s6  }
0xac: {  	[dreg:$0x4] =	wrdreg $0xC0  }
0xad: {  	_ =	task [dreg:s9], $0x5FFFF  }
0xae: {  	[dreg:$0x1] =	wrdreg $0xFFFFFFFF  }
0xaf: {  	[dreg:$0x0] =	wrdreg $0x60  }
0xb0: {  	[dreg:$0x2] =	wrdreg s2  }
0xb1: {  	[dreg:$0x3] =	wrdreg s19  }
0xb2: {  	[dreg:$0x4] =	wrdreg s4  }
0xb3: {  	[dreg:$0x5] =	wrdreg $0x9  }
0xb4: {  	_ =	task.clear_ibuf [dreg:s9], $0x6FFFF;
	_ =	strace $0x90000046  }
0xb5: {  	s29 =	simm.s32 $0x9;
	_ =	strace $0x80000048  }
0xb6: {  	_ =	swait.ge [sflag:s29], $0x1  }
0xb7: {  	[sflag:s29] =	ssyncadd.s32 $0xFFFFFFFF  }
0xb8: {  	_ =	strace $0x90000048  }
0xb9: {  	_ =	sfence  }
0xba: {  	s30 =	sld [smem:$0x0];
	_ =	sdelay $0x2  }
0xbb: {  	s31 =	sshll.u32 s1, $0xD;
	s1 =	sshrl.u32 s1, $0x2  }
0xbc: {  	s3 =	sand.u32 $0x4000, s31;
	s1 =	sadd.s32 s1, s30  }
0xbd: {  	s0 =	sor.u32 s3, s0;
	s1 =	sshll.u32 s1, $0x11  }
0xbe: {  	s0 =	sor.u32 s1, s0  }
0xbf: {  	s0 =	sadd.s32 $0x8F2B, s0  }
0xc0: {  	[sflag:s0] =	ssyncadd.remote.s32 $0x1  }
0xc1: {  	_ =	sfence.sel $0xFFFF  }
0xc2: {  	[dreg:$0x0] =	wrdreg $0xFFFFFFFF;
	(pc) =	sbr.abs _section_cstart, $3  }
0xc3: {  	[dreg:$0x1] =	wrdreg $0xFFFFFFFF  }
0xc4: {  	_ =	task.clear_ibuf [dreg:s9], $0x2FFFF;
	_ =	strace $0x9FFFFFFF  }
0xc5: {  	(tm) =	ssettm $0x7FFFFFFF  }
tec
execute0_lowered:
.L_overlay_start_1:
0x0: {  	(tag) =	ssettag $0x1  }
0x1: {  	s0 =	srdreg.scid  }
0x2: {  	s9 =	rddreg [dreg:$0x0];
	s2 =	stileid.u32;
	s1 =	sand.u32 $0x1, s0  }
0x3: {  	s13 =	rddreg [dreg:$0x2];
	s2 =	sshll.u32 s2, $0xF;
	s3 =	sshll.u32 s1, $0xE  }
0x4: {  	s0 =	rddreg [dreg:$0x1];
	s6 =	sor.u32 s3, s2  }
0x5: {  	s4 =	ssub.s32 $0x2, s1;
	s1 =	simm.s32 $0x0;
	s3 =	sor.u32 $0x80000, s6  }
0x6: {  	[smem:$0x7FF] =	sst s1;
	s11 =	sor.u32 $0x100000, s6;
	s10 =	sadd.s32 s9, s3  }
0x7: {  	s12 =	sor.u32 $0x800, s6;
	s7 =	sadd.s32 s9, s11;
	[dreg:$0x4] =	wrdreg s10  }
0x8: {  	s5 =	sor.u32 $0x180000, s6;
	s15 =	sadd.s32 s0, s12;
	[dreg:$0x5] =	wrdreg s7  }
0x9: {  	s16 =	sadd.s32 s9, s5;
	[dreg:$0x6] =	wrdreg s15  }
0xa: {  	s17 =	sadd.s32 s9, s12;
	[dreg:$0x7] =	wrdreg s16  }
0xb: {  	s18 =	sor.u32 $0x80800, s6;
	s3 =	sadd.s32 s13, s3;
	[dreg:$0x8] =	wrdreg s17  }
0xc: {  	s8 =	sshrl.u32 s4, $0x1;
	s19 =	sadd.s32 s9, s18;
	[dreg:$0x9] =	wrdreg s3  }
0xd: {  	s20 =	sor.u32 $0x100800, s6;
	s2 =	sadd.s32 s13, s11;
	[dreg:$0xa] =	wrdreg s19  }
0xe: {  	s14 =	ssub.s32 s4, s8;
	s21 =	sadd.s32 s9, s20;
	[dreg:$0xb] =	wrdreg s2  }
0xf: {  	s22 =	sor.u32 $0x1000, s6;
	s5 =	sadd.s32 s13, s5;
	[dreg:$0xc] =	wrdreg s21  }
0x10: {  	s8 =	sor.u32 $0x180800, s6;
	s23 =	sadd.s32 s0, s22;
	[dreg:$0xd] =	wrdreg s5  }
0x11: {  	s24 =	sadd.s32 s9, s8;
	[dreg:$0xe] =	wrdreg s23  }
0x12: {  	s4 =	sadd.s32 s13, s12;
	[dreg:$0xf] =	wrdreg s24  }
0x13: {  	s25 =	sadd.s32 s9, s22;
	[dreg:$0x10] =	wrdreg s4  }
0x14: {  	s28 =	sadd.s32 s13, s8;
	[dreg:$0x11] =	wrdreg s25  }
0x15: {  	s26 =	sor.u32 $0x81000, s6;
	s29 =	sadd.s32 s13, s22;
	[dreg:$0x14] =	wrdreg s28  }
0x16: {  	s30 =	sadd.s32 s9, s26;
	[dreg:$0x15] =	wrdreg s29  }
0x17: {  	s3 =	sadd.s32 s13, s18;
	[dreg:$0x16] =	wrdreg s30  }
0x18: {  	s31 =	sor.u32 $0x101000, s6;
	s2 =	sadd.s32 s13, s20;
	[dreg:$0x12] =	wrdreg s3  }
0x19: {  	s12 =	sor.u32 $0x81800, s6;
	s4 =	sadd.s32 s9, s31;
	[dreg:$0x13] =	wrdreg s2  }
0x1a: {  	s16 =	sadd.s32 s9, s12;
	[dreg:$0x18] =	wrdreg s4  }
0x1b: {  	s3 =	sadd.s32 s13, s26;
	[dreg:$0x1f] =	wrdreg s16  }
0x1c: {  	s5 =	sor.u32 $0x181000, s6;
	s2 =	sadd.s32 s13, s31;
	[dreg:$0x17] =	wrdreg s3  }
0x1d: {  	s7 =	sor.u32 $0x1800, s6;
	s8 =	sadd.s32 s9, s5;
	[dreg:$0x19] =	wrdreg s2  }
0x1e: {  	s10 =	sadd.s32 s0, s7;
	[dreg:$0x1a] =	wrdreg s8  }
0x1f: {  	s15 =	sor.u32 $0x101800, s6;
	s11 =	sadd.s32 s9, s7;
	[dreg:$0x1c] =	wrdreg s10  }
0x20: {  	s17 =	sadd.s32 s9, s15;
	[dreg:$0x1d] =	wrdreg s11  }
0x21: {  	s20 =	sor.u32 $0x181800, s6;
	s18 =	sadd.s32 s13, s15;
	[smem:$0x7DB] =	sst s17  }
0x22: {  	s19 =	sor.u32 $0x2000, s6;
	s21 =	sadd.s32 s9, s20;
	[smem:$0x7DC] =	sst s18  }
0x23: {  	s22 =	sadd.s32 s0, s19;
	[smem:$0x7DD] =	sst s21  }
0x24: {  	s24 =	sor.u32 $0x82000, s6;
	s23 =	sadd.s32 s9, s19;
	[smem:$0x7DF] =	sst s22  }
0x25: {  	s29 =	sor.u32 $0x182000, s6;
	s25 =	sadd.s32 s9, s24;
	[smem:$0x7E0] =	sst s23  }
0x26: {  	s30 =	sadd.s32 s9, s29;
	[smem:$0x7E2] =	sst s25  }
0x27: {  	s3 =	sadd.s32 s13, s5;
	[smem:$0x7E6] =	sst s30  }
0x28: {  	s26 =	sor.u32 $0x102000, s6;
	s2 =	sadd.s32 s13, s7;
	[dreg:$0x1b] =	wrdreg s3  }
0x29: {  	s31 =	sor.u32 $0x2800, s6;
	s28 =	sadd.s32 s9, s26;
	[dreg:$0x1e] =	wrdreg s2  }
0x2a: {  	s4 =	sadd.s32 s0, s31;
	[smem:$0x7E4] =	sst s28  }
0x2b: {  	s5 =	sadd.s32 s9, s31;
	[smem:$0x7E8] =	sst s4  }
0x2c: {  	s14 =	smax.u32 s14, $0x1;
	s17 =	sadd.s32 s0, s6;
	[smem:$0x7E9] =	sst s5  }
0x2d: {  	s7 =	sor.u32 $0x82800, s6;
	s2 =	sadd.s32 s13, s12;
	[smem:$0x7F1] =	sst s17  }
0x2e: {  	s10 =	sor.u32 $0x102800, s6;
	s3 =	sadd.s32 s13, s20;
	[smem:$0x7DA] =	sst s2  }
0x2f: {  	s18 =	sor.u32 $0x3000, s6;
	s8 =	sadd.s32 s9, s7;
	[smem:$0x7DE] =	sst s3  }
0x30: {  	s23 =	sor.u32 $0x103000, s6;
	s11 =	sadd.s32 s9, s10;
	[smem:$0x7EB] =	sst s8  }
0x31: {  	s30 =	sor.u32 $0x83800, s6;
	s21 =	sadd.s32 s9, s18;
	[smem:$0x7ED] =	sst s11  }
0x32: {  	s12 =	sor.u32 $0x182800, s6;
	s25 =	sadd.s32 s9, s23;
	[smem:$0x7F4] =	sst s21  }
0x33: {  	s20 =	sor.u32 $0x83000, s6;
	s2 =	sadd.s32 s13, s19;
	[smem:$0x7F8] =	sst s25  }
0x34: {  	s17 =	simm.s32 $0x8000;
	s3 =	sadd.s32 s13, s7;
	[smem:$0x7E1] =	sst s2  }
0x35: {  	s15 =	sadd.s32 s9, s12;
	s16 =	sadd.s32 s13, s12;
	[smem:$0x7EC] =	sst s3  }
0x36: {  	s19 =	sadd.s32 s0, s18;
	s22 =	sadd.s32 s9, s20;
	[smem:$0x7EF] =	sst s15  }
0x37: {  	s12 =	sor.u32 $0x103800, s6;
	s7 =	sadd.s32 s9, s30;
	[smem:$0x7F0] =	sst s16  }
0x38: {  	s11 =	sadd.s32 s13, s30;
	s21 =	simm.s32 $0xC000;
	[smem:$0x7F2] =	sst s19  }
0x39: {  	s2 =	sadd.s32 s13, s24;
	[smem:$0x7F6] =	sst s22;
	s24 =	sor.u32 $0x183000, s6  }
0x3a: {  	s15 =	sor.u32 $0x183800, s6;
	[smem:$0x7E3] =	sst s2;
	s2 =	sadd.s32 s13, s26  }
0x3b: {  	s8 =	sadd.s32 s9, s12;
	s26 =	sadd.s32 s9, s24;
	[smem:$0x7E5] =	sst s2  }
0x3c: {  	s12 =	sadd.s32 s13, s12;
	s28 =	sadd.s32 s13, s24;
	[smem:$0x7FA] =	sst s26  }
0x3d: {  	s16 =	simm.s32 $0x4000;
	s2 =	sadd.s32 s13, s29;
	[smem:$0x7FB] =	sst s28  }
0x3e: {  	s19 =	simm.s32 $0x18000;
	s29 =	sadd.s32 s9, s6;
	[smem:$0x7E7] =	sst s2  }
0x3f: {  	s22 =	simm.s32 $0x10000;
	s2 =	sadd.s32 s13, s31;
	[smem:$0x7FC] =	sst s29  }
0x40: {  	s24 =	simm.s32 $0x0;
	s31 =	sadd.s32 s13, s6;
	[smem:$0x7EA] =	sst s2  }
0x41: {  	s2 =	sadd.s32 s13, s10;
	s10 =	sor.u32 $0x3800, s6;
	[smem:$0x7FD] =	sst s31  }
0x42: {  	[smem:$0x7EE] =	sst s2;
	s0 =	sadd.s32 s0, s10;
	s2 =	sadd.s32 s13, s18  }
0x43: {  	s6 =	sadd.s32 s9, s10;
	s9 =	sadd.s32 s9, s15;
	[smem:$0x7F3] =	sst s0  }
0x44: {  	s10 =	sadd.s32 s13, s10;
	[smem:$0x7F5] =	sst s2;
	s0 =	sadd.s32 s13, s20  }
0x45: {  	s18 =	simm.s32 $0x3;
	[smem:$0x7F7] =	sst s0;
	s0 =	sadd.s32 s13, s23  }
0x46: {  	s20 =	simm.s32 $0x1;
	s13 =	sadd.s32 s13, s15;
	[smem:$0x7F9] =	sst s0  }
0x47: {  	s15 =	simm.s32 $0x14000;
	s23 =	simm.s32 $0x2;
	_ =	strace $0x80000047  }
.LBB2_1:
0x48: {  	s0 =	sld [smem:$0x7F1];
	_ =	sdelay $0x1  }
0x49: {  	s26 =	sld [smem:$0x7FC]  }
0x4a: {  	[tilespmem:s15], [sflag:$0x3] =	stream.linear.gather [hbm4b:s0+s1], $0x4000, $0x38;
	[tilespmem:$0x1C000] =	vst v63  }
0x4b: {  	_ = 	snop  }
0x4c: {  	[tilespmem:s1], [sflag:$0x1] =	stream.linear.gather [hbm4b:s26+s1], $0x4000, $0x38;
	[tilespmem:$0x1C000] =	vst v63  }
0x4d: {  	s2 =	rddreg [dreg:$0x4]  }
0x4e: {  	[tilespmem:s16], [sflag:$0x1] =	stream.linear.gather [hbm4b:s2+s1], $0x4000, $0x38;
	[tilespmem:$0x1C000] =	vst v63  }
0x4f: {  	s3 =	rddreg [dreg:$0x5]  }
0x50: {  	[tilespmem:s17], [sflag:$0x1] =	stream.linear.gather [hbm4b:s3+s1], $0x4000, $0x38;
	[tilespmem:$0x1C000] =	vst v63  }
0x51: {  	_ =	swait.ge [sflag:s18], $0x4000  }
0x52: {  	s25 =	simm.s32 $0x0;
	[sflag:s18] =	ssyncset.done $0x0  }
0x53: {  	s0 =	sand.u32 $0x2000, s25;
	s4 =	rddreg [dreg:$0x6];
	[sflag:s18] =	ssyncadd.s32 $0xFFFFC000  }
0x54: {  	[tilespmem:s19], [sflag:$0x3] =	stream.linear.gather [hbm4b:s4+s1], $0x4000, $0x38;
	[tilespmem:$0x1C000] =	vst v63  }
0x55: {  	s25 =	sand.u32 $0x1C00, s1;
	s26 =	simm.s32 $0x0;
	_ =	swait.ge [sflag:s20], $0x4000  }
0x56: {  	s0 =	sor.u32 s25, s0;
	s26 =	sand.u32 $0x380, s26;
	[sflag:s20] =	ssyncset.done $0x0  }
0x57: {  	s26 =	sor.u32 s26, s0;
	s5 =	rddreg [dreg:$0x7];
	[sflag:s20] =	ssyncadd.s32 $0xFFFFC000  }
0x58: {  	[tilespmem:s21], [sflag:$0x1] =	stream.linear.gather [hbm4b:s5+s1], $0x4000, $0x38;
	[tilespmem:$0x1C000] =	vst v63  }
0x59: {  	v0 =	vld [tilespmem:s26+$0x14070]  }
0x5a: {  	v5 =	vld [tilespmem:s26+$0x14000]  }
0x5b: {  	v6 =	vld [tilespmem:s26+$0x14010]  }
0x5c: {  	v4 =	vld [tilespmem:s26+$0x14020]  }
0x5d: {  	v1 =	vld [tilespmem:s26+$0x14030]  }
0x5e: {  	v3 =	vld [tilespmem:s26+$0x14040]  }
0x5f: {  	s0 =	sor.u32 $0x70, s26;
	v2 =	vld [tilespmem:s26+$0x14060]  }
0x60: {  	[tilespmem:s0+$0x0] =	vst.add.f32.msk $0xffff, v0  }
0x61: {  	s25 =	simm.s32 $0x0;
	s2 =	sor.u32 $0x10, s26;
	v0 =	vld [tilespmem:s26+$0x14050]  }
0x62: {  	s31 =	sor.u32 $0x30, s26;
	s30 =	sor.u32 $0x40, s26;
	s29 =	sor.u32 $0x50, s26;
	[tilespmem:s26+$0x0] =	vst.add.f32.msk $0xffff, v5  }
0x63: {  	s28 =	sor.u32 $0x60, s26;
	s0 =	sor.u32 $0x20, s26;
	[tilespmem:s2+$0x0] =	vst.add.f32.msk $0xffff, v6;
	s26 =	simm.s32 $0x0  }
.LBB2_2:
0x64: {  	s25 =	sadd.s32 $0x8, s25;
	[tilespmem:s0+$0x0] =	vst.add.f32.msk $0xffff, v4  }
0x65: {  	s26 =	sadd.s32 $0x400, s26;
	s0 =	sshll.u32 s25, $0x4;
	p0 =	slt.u32 s25, $0x3F8;
	[tilespmem:s31+$0x0] =	vst.add.f32.msk $0xffff, v1  }
0x66: {  	s2 =	sand.u32 $0x1C00, s26;
	s31 =	sshll.u32 s25, $0x1;
	s0 =	sand.u32 $0x2000, s0;
	[tilespmem:s30+$0x0] =	vst.add.f32.msk $0xffff, v3  }
0x67: {  	s0 =	sor.u32 s2, s0;
	s2 =	sand.u32 $0x380, s31;
	[tilespmem:s29+$0x0] =	vst.add.f32.msk $0xffff, v0  }
0x68: {  	s2 =	sor.u32 s2, s0;
	[tilespmem:s28+$0x0] =	vst.add.f32.msk $0xffff, v2  }
0x69: {  	s3 =	sor.u32 $0x10, s2;
	s0 =	sor.u32 $0x20, s2;
	s31 =	sor.u32 $0x30, s2;
	v0 =	vld [tilespmem:s2+$0x14070]  }
0x6a: {  	s30 =	sor.u32 $0x40, s2;
	s29 =	sor.u32 $0x50, s2;
	s28 =	sor.u32 $0x60, s2;
	v5 =	vld [tilespmem:s2+$0x14000]  }
0x6b: {  	v6 =	vld [tilespmem:s2+$0x14010]  }
0x6c: {  	v4 =	vld [tilespmem:s2+$0x14020]  }
0x6d: {  	s4 =	sor.u32 $0x70, s2;
	v1 =	vld [tilespmem:s2+$0x14030]  }
0x6e: {  	[tilespmem:s4+$0x0] =	vst.add.f32.msk $0xffff, v0  }
.Ltmp0:
0x6f: {  	v3 =	vld [tilespmem:s2+$0x14040];
	(pc) =	sbr.rel @p0 .LBB2_2-.Ltmp0, $4  }
0x70: {  	v0 =	vld [tilespmem:s2+$0x14050]  }
0x71: {  	v2 =	vld [tilespmem:s2+$0x14060]  }
0x72: {  	[tilespmem:s2+$0x0] =	vst.add.f32.msk $0xffff, v5  }
0x73: {  	[tilespmem:s3+$0x0] =	vst.add.f32.msk $0xffff, v6  }
0x74: {  	[tilespmem:s0+$0x0] =	vst.add.f32.msk $0xffff, v4  }
0x75: {  	[tilespmem:s31+$0x0] =	vst.add.f32.msk $0xffff, v1  }
0x76: {  	[tilespmem:s30+$0x0] =	vst.add.f32.msk $0xffff, v3  }
0x77: {  	[tilespmem:s29+$0x0] =	vst.add.f32.msk $0xffff, v0  }
0x78: {  	[tilespmem:s28+$0x0] =	vst.add.f32.msk $0xffff, v2  }
0x79: {  	s0 =	sld [smem:$0x7FD];
	_ =	sdelay $0x1  }
0x7a: {  	s25 =	simm.s32 $0x0  }
0x7b: {  	[hbm4b:s0+s25] =	stream.linear.scatter [tilespmem:s25], [sflag:$0x2], $0x4000, $0x38;
	[tilespmem:$0x1C000] =	vst v63  }
0x7c: {  	_ =	swait.ge [sflag:s20], $0x4000  }
0x7d: {  	[sflag:s20] =	ssyncset.done $0x0  }
0x7e: {  	s3 =	simm.s32 $0x0;
	s2 =	rddreg [dreg:$0x8];
	[sflag:s20] =	ssyncadd.s32 $0xFFFFC000  }
0x7f: {  	[tilespmem:s22], [sflag:$0x1] =	stream.linear.gather [hbm4b:s2+s25], $0x4000, $0x38;
	[tilespmem:$0x1C000] =	vst v63  }
0x80: {  	s0 =	sand.u32 $0x2000, s3;
	s3 =	simm.s32 $0x0;
	s2 =	sand.u32 $0x1C00, s25  }
0x81: {  	s4 =	sand.u32 $0x380, s3;
	s0 =	sor.u32 s2, s0  }
0x82: {  	s2 =	sor.u32 s4, s0  }
0x83: {  	v0 =	vld [tilespmem:s2+$0x14070]  }
0x84: {  	v5 =	vld [tilespmem:s2+$0x14000]  }
0x85: {  	v6 =	vld [tilespmem:s2+$0x14010]  }
0x86: {  	v4 =	vld [tilespmem:s2+$0x14020]  }
0x87: {  	v1 =	vld [tilespmem:s2+$0x14030]  }
0x88: {  	v3 =	vld [tilespmem:s2+$0x14040]  }
0x89: {  	s0 =	sor.u32 $0x4070, s2;
	v2 =	vld [tilespmem:s2+$0x14060]  }
0x8a: {  	[tilespmem:s0+$0x0] =	vst.add.f32.msk $0xffff, v0  }
0x8b: {  	s26 =	simm.s32 $0x0;
	s5 =	sor.u32 $0x4000, s2;
	v0 =	vld [tilespmem:s2+$0x14050]  }
0x8c: {  	s4 =	sor.u32 $0x4010, s2;
	s31 =	sor.u32 $0x4030, s2;
	s30 =	sor.u32 $0x4040, s2;
	[tilespmem:s5+$0x0] =	vst.add.f32.msk $0xffff, v5  }
0x8d: {  	s28 =	sor.u32 $0x4050, s2;
	s29 =	sor.u32 $0x4060, s2;
	s0 =	sor.u32 $0x4020, s2;
	[tilespmem:s4+$0x0] =	vst.add.f32.msk $0xffff, v6  }
.LBB2_4:
0x8e: {  	s26 =	sadd.s32 $0x8, s26;
	[tilespmem:s0+$0x0] =	vst.add.f32.msk $0xffff, v4  }
0x8f: {  	s25 =	sadd.s32 $0x400, s25;
	s0 =	sshll.u32 s26, $0x4;
	p0 =	slt.u32 s26, $0x3F8;
	[tilespmem:s31+$0x0] =	vst.add.f32.msk $0xffff, v1  }
0x90: {  	s2 =	sand.u32 $0x1C00, s25;
	s3 =	sshll.u32 s26, $0x1;
	s0 =	sand.u32 $0x2000, s0;
	[tilespmem:s30+$0x0] =	vst.add.f32.msk $0xffff, v3  }
0x91: {  	s0 =	sor.u32 s2, s0;
	s2 =	sand.u32 $0x380, s3;
	[tilespmem:s28+$0x0] =	vst.add.f32.msk $0xffff, v0  }
0x92: {  	s2 =	sor.u32 s2, s0;
	[tilespmem:s29+$0x0] =	vst.add.f32.msk $0xffff, v2  }
0x93: {  	s3 =	sor.u32 $0x4000, s2;
	s4 =	sor.u32 $0x4010, s2;
	s0 =	sor.u32 $0x4020, s2;
	v0 =	vld [tilespmem:s2+$0x14070]  }
0x94: {  	s31 =	sor.u32 $0x4030, s2;
	s30 =	sor.u32 $0x4040, s2;
	s28 =	sor.u32 $0x4050, s2;
	v5 =	vld [tilespmem:s2+$0x14000]  }
0x95: {  	s29 =	sor.u32 $0x4060, s2;
	v6 =	vld [tilespmem:s2+$0x14010]  }
0x96: {  	v4 =	vld [tilespmem:s2+$0x14020]  }
0x97: {  	s5 =	sor.u32 $0x4070, s2;
	v1 =	vld [tilespmem:s2+$0x14030]  }
0x98: {  	[tilespmem:s5+$0x0] =	vst.add.f32.msk $0xffff, v0  }
.Ltmp1:
0x99: {  	v3 =	vld [tilespmem:s2+$0x14040];
	(pc) =	sbr.rel @p0 .LBB2_4-.Ltmp1, $4  }
0x9a: {  	v0 =	vld [tilespmem:s2+$0x14050]  }
0x9b: {  	v2 =	vld [tilespmem:s2+$0x14060]  }
0x9c: {  	[tilespmem:s3+$0x0] =	vst.add.f32.msk $0xffff, v5  }
0x9d: {  	[tilespmem:s4+$0x0] =	vst.add.f32.msk $0xffff, v6  }
0x9e: {  	[tilespmem:s0+$0x0] =	vst.add.f32.msk $0xffff, v4  }
0x9f: {  	[tilespmem:s31+$0x0] =	vst.add.f32.msk $0xffff, v1  }
0xa0: {  	[tilespmem:s30+$0x0] =	vst.add.f32.msk $0xffff, v3  }
0xa1: {  	[tilespmem:s28+$0x0] =	vst.add.f32.msk $0xffff, v0  }
0xa2: {  	[tilespmem:s29+$0x0] =	vst.add.f32.msk $0xffff, v2  }
0xa3: {  	s25 =	simm.s32 $0x0;
	s0 =	rddreg [dreg:$0x9]  }
0xa4: {  	[hbm4b:s0+s25] =	stream.linear.scatter [tilespmem:s16], [sflag:$0x2], $0x4000, $0x38;
	[tilespmem:$0x1C000] =	vst v63  }
0xa5: {  	_ =	swait.ge [sflag:s20], $0x4000  }
0xa6: {  	[sflag:s20] =	ssyncset.done $0x0  }
0xa7: {  	[sflag:s20] =	ssyncadd.s32 $0xFFFFC000  }
0xa8: {  	_ =	swait.ge [sflag:s23], $0x4000  }
0xa9: {  	[sflag:s23] =	ssyncset.done $0x0  }
0xaa: {  	s3 =	simm.s32 $0x0;
	s2 =	rddreg [dreg:$0xa];
	[sflag:s23] =	ssyncadd.s32 $0xFFFFC000  }
0xab: {  	[tilespmem:s25], [sflag:$0x1] =	stream.linear.gather [hbm4b:s2+s25], $0x4000, $0x38;
	[tilespmem:$0x1C000] =	vst v63  }
0xac: {  	s0 =	sand.u32 $0x2000, s3;
	s3 =	simm.s32 $0x0;
	s2 =	sand.u32 $0x1C00, s25  }
0xad: {  	s4 =	sand.u32 $0x380, s3;
	s0 =	sor.u32 s2, s0  }
0xae: {  	s2 =	sor.u32 s4, s0  }
0xaf: {  	v0 =	vld [tilespmem:s2+$0x14070]  }
0xb0: {  	v5 =	vld [tilespmem:s2+$0x14000]  }
0xb1: {  	v6 =	vld [tilespmem:s2+$0x14010]  }
0xb2: {  	v4 =	vld [tilespmem:s2+$0x14020]  }
0xb3: {  	v1 =	vld [tilespmem:s2+$0x14030]  }
0xb4: {  	v3 =	vld [tilespmem:s2+$0x14040]  }
0xb5: {  	s0 =	sor.u32 $0x8070, s2;
	v2 =	vld [tilespmem:s2+$0x14060]  }
0xb6: {  	[tilespmem:s0+$0x0] =	vst.add.f32.msk $0xffff, v0  }
0xb7: {  	s26 =	simm.s32 $0x0;
	s5 =	sor.u32 $0x8000, s2;
	v0 =	vld [tilespmem:s2+$0x14050]  }
0xb8: {  	s4 =	sor.u32 $0x8010, s2;
	s31 =	sor.u32 $0x8030, s2;
	s30 =	sor.u32 $0x8040, s2;
	[tilespmem:s5+$0x0] =	vst.add.f32.msk $0xffff, v5  }
0xb9: {  	s28 =	sor.u32 $0x8050, s2;
	s29 =	sor.u32 $0x8060, s2;
	s0 =	sor.u32 $0x8020, s2;
	[tilespmem:s4+$0x0] =	vst.add.f32.msk $0xffff, v6  }
.LBB2_6:
0xba: {  	s26 =	sadd.s32 $0x8, s26;
	[tilespmem:s0+$0x0] =	vst.add.f32.msk $0xffff, v4  }
0xbb: {  	s25 =	sadd.s32 $0x400, s25;
	s0 =	sshll.u32 s26, $0x4;
	p0 =	slt.u32 s26, $0x3F8;
	[tilespmem:s31+$0x0] =	vst.add.f32.msk $0xffff, v1  }
0xbc: {  	s2 =	sand.u32 $0x1C00, s25;
	s3 =	sshll.u32 s26, $0x1;
	s0 =	sand.u32 $0x2000, s0;
	[tilespmem:s30+$0x0] =	vst.add.f32.msk $0xffff, v3  }
0xbd: {  	s0 =	sor.u32 s2, s0;
	s2 =	sand.u32 $0x380, s3;
	[tilespmem:s28+$0x0] =	vst.add.f32.msk $0xffff, v0  }
0xbe: {  	s2 =	sor.u32 s2, s0;
	[tilespmem:s29+$0x0] =	vst.add.f32.msk $0xffff, v2  }
0xbf: {  	s3 =	sor.u32 $0x8000, s2;
	s4 =	sor.u32 $0x8010, s2;
	s0 =	sor.u32 $0x8020, s2;
	v0 =	vld [tilespmem:s2+$0x14070]  }
0xc0: {  	s31 =	sor.u32 $0x8030, s2;
	s30 =	sor.u32 $0x8040, s2;
	s28 =	sor.u32 $0x8050, s2;
	v5 =	vld [tilespmem:s2+$0x14000]  }
0xc1: {  	s29 =	sor.u32 $0x8060, s2;
	v6 =	vld [tilespmem:s2+$0x14010]  }
0xc2: {  	v4 =	vld [tilespmem:s2+$0x14020]  }
0xc3: {  	s5 =	sor.u32 $0x8070, s2;
	v1 =	vld [tilespmem:s2+$0x14030]  }
0xc4: {  	[tilespmem:s5+$0x0] =	vst.add.f32.msk $0xffff, v0  }
.Ltmp2:
0xc5: {  	v3 =	vld [tilespmem:s2+$0x14040];
	(pc) =	sbr.rel @p0 .LBB2_6-.Ltmp2, $4  }
0xc6: {  	v0 =	vld [tilespmem:s2+$0x14050]  }
0xc7: {  	v2 =	vld [tilespmem:s2+$0x14060]  }
0xc8: {  	[tilespmem:s3+$0x0] =	vst.add.f32.msk $0xffff, v5  }
0xc9: {  	[tilespmem:s4+$0x0] =	vst.add.f32.msk $0xffff, v6  }
0xca: {  	[tilespmem:s0+$0x0] =	vst.add.f32.msk $0xffff, v4  }
0xcb: {  	[tilespmem:s31+$0x0] =	vst.add.f32.msk $0xffff, v1  }
0xcc: {  	[tilespmem:s30+$0x0] =	vst.add.f32.msk $0xffff, v3  }
0xcd: {  	[tilespmem:s28+$0x0] =	vst.add.f32.msk $0xffff, v0  }
0xce: {  	[tilespmem:s29+$0x0] =	vst.add.f32.msk $0xffff, v2  }
0xcf: {  	s25 =	simm.s32 $0x0;
	s0 =	rddreg [dreg:$0xb]  }
0xd0: {  	[hbm4b:s0+s25] =	stream.linear.scatter [tilespmem:s17], [sflag:$0x2], $0x4000, $0x38;
	[tilespmem:$0x1C000] =	vst v63  }
0xd1: {  	_ =	swait.ge [sflag:s20], $0x4000  }
0xd2: {  	[sflag:s20] =	ssyncset.done $0x0  }
0xd3: {  	[sflag:s20] =	ssyncadd.s32 $0xFFFFC000  }
0xd4: {  	_ =	swait.ge [sflag:s23], $0x4000  }
0xd5: {  	[sflag:s23] =	ssyncset.done $0x0  }
0xd6: {  	s3 =	simm.s32 $0x0;
	s2 =	rddreg [dreg:$0xc];
	[sflag:s23] =	ssyncadd.s32 $0xFFFFC000  }
0xd7: {  	[tilespmem:s16], [sflag:$0x1] =	stream.linear.gather [hbm4b:s2+s25], $0x4000, $0x38;
	[tilespmem:$0x1C000] =	vst v63  }
0xd8: {  	s0 =	sand.u32 $0x2000, s3;
	s3 =	simm.s32 $0x0;
	s2 =	sand.u32 $0x1C00, s25  }
0xd9: {  	s4 =	sand.u32 $0x380, s3;
	s0 =	sor.u32 s2, s0  }
0xda: {  	s2 =	sor.u32 s4, s0  }
0xdb: {  	v0 =	vld [tilespmem:s2+$0x14070]  }
0xdc: {  	v5 =	vld [tilespmem:s2+$0x14000]  }
0xdd: {  	v6 =	vld [tilespmem:s2+$0x14010]  }
0xde: {  	v4 =	vld [tilespmem:s2+$0x14020]  }
0xdf: {  	v1 =	vld [tilespmem:s2+$0x14030]  }
0xe0: {  	v3 =	vld [tilespmem:s2+$0x14040]  }
0xe1: {  	s0 =	sor.u32 $0xC070, s2;
	v2 =	vld [tilespmem:s2+$0x14060]  }
0xe2: {  	[tilespmem:s0+$0x0] =	vst.add.f32.msk $0xffff, v0  }
0xe3: {  	s26 =	simm.s32 $0x0;
	s5 =	sor.u32 $0xC000, s2;
	v0 =	vld [tilespmem:s2+$0x14050]  }
0xe4: {  	s4 =	sor.u32 $0xC010, s2;
	s31 =	sor.u32 $0xC030, s2;
	s30 =	sor.u32 $0xC040, s2;
	[tilespmem:s5+$0x0] =	vst.add.f32.msk $0xffff, v5  }
0xe5: {  	s28 =	sor.u32 $0xC050, s2;
	s29 =	sor.u32 $0xC060, s2;
	s0 =	sor.u32 $0xC020, s2;
	[tilespmem:s4+$0x0] =	vst.add.f32.msk $0xffff, v6  }
.LBB2_8:
0xe6: {  	s26 =	sadd.s32 $0x8, s26;
	[tilespmem:s0+$0x0] =	vst.add.f32.msk $0xffff, v4  }
0xe7: {  	s25 =	sadd.s32 $0x400, s25;
	s0 =	sshll.u32 s26, $0x4;
	p0 =	slt.u32 s26, $0x3F8;
	[tilespmem:s31+$0x0] =	vst.add.f32.msk $0xffff, v1  }
0xe8: {  	s2 =	sand.u32 $0x1C00, s25;
	s3 =	sshll.u32 s26, $0x1;
	s0 =	sand.u32 $0x2000, s0;
	[tilespmem:s30+$0x0] =	vst.add.f32.msk $0xffff, v3  }
0xe9: {  	s0 =	sor.u32 s2, s0;
	s2 =	sand.u32 $0x380, s3;
	[tilespmem:s28+$0x0] =	vst.add.f32.msk $0xffff, v0  }
0xea: {  	s2 =	sor.u32 s2, s0;
	[tilespmem:s29+$0x0] =	vst.add.f32.msk $0xffff, v2  }
0xeb: {  	s3 =	sor.u32 $0xC000, s2;
	s4 =	sor.u32 $0xC010, s2;
	s0 =	sor.u32 $0xC020, s2;
	v0 =	vld [tilespmem:s2+$0x14070]  }
0xec: {  	s31 =	sor.u32 $0xC030, s2;
	s30 =	sor.u32 $0xC040, s2;
	s28 =	sor.u32 $0xC050, s2;
	v5 =	vld [tilespmem:s2+$0x14000]  }
0xed: {  	s29 =	sor.u32 $0xC060, s2;
	v6 =	vld [tilespmem:s2+$0x14010]  }
0xee: {  	v4 =	vld [tilespmem:s2+$0x14020]  }
0xef: {  	s5 =	sor.u32 $0xC070, s2;
	v1 =	vld [tilespmem:s2+$0x14030]  }
0xf0: {  	[tilespmem:s5+$0x0] =	vst.add.f32.msk $0xffff, v0  }
.Ltmp3:
0xf1: {  	v3 =	vld [tilespmem:s2+$0x14040];
	(pc) =	sbr.rel @p0 .LBB2_8-.Ltmp3, $4  }
0xf2: {  	v0 =	vld [tilespmem:s2+$0x14050]  }
0xf3: {  	v2 =	vld [tilespmem:s2+$0x14060]  }
0xf4: {  	[tilespmem:s3+$0x0] =	vst.add.f32.msk $0xffff, v5  }
0xf5: {  	[tilespmem:s4+$0x0] =	vst.add.f32.msk $0xffff, v6  }
0xf6: {  	[tilespmem:s0+$0x0] =	vst.add.f32.msk $0xffff, v4  }
0xf7: {  	[tilespmem:s31+$0x0] =	vst.add.f32.msk $0xffff, v1  }
0xf8: {  	[tilespmem:s30+$0x0] =	vst.add.f32.msk $0xffff, v3  }
0xf9: {  	[tilespmem:s28+$0x0] =	vst.add.f32.msk $0xffff, v0  }
0xfa: {  	[tilespmem:s29+$0x0] =	vst.add.f32.msk $0xffff, v2  }
0xfb: {  	s25 =	simm.s32 $0x0;
	s0 =	rddreg [dreg:$0xd]  }
0xfc: {  	[hbm4b:s0+s25] =	stream.linear.scatter [tilespmem:s21], [sflag:$0x2], $0x4000, $0x38;
	[tilespmem:$0x1C000] =	vst v63  }
0xfd: {  	_ =	swait.ge [sflag:s18], $0x4000  }
0xfe: {  	[sflag:s18] =	ssyncset.done $0x0  }
0xff: {  	s26 =	rddreg [dreg:$0xe];
	[sflag:s18] =	ssyncadd.s32 $0xFFFFC000  }
0x100: {  	[tilespmem:s15], [sflag:$0x3] =	stream.linear.gather [hbm4b:s26+s25], $0x4000, $0x38;
	[tilespmem:$0x1C000] =	vst v63  }
0x101: {  	_ =	swait.ge [sflag:s20], $0x4000  }
0x102: {  	[sflag:s20] =	ssyncset.done $0x0  }
0x103: {  	[sflag:s20] =	ssyncadd.s32 $0xFFFFC000  }
0x104: {  	_ =	swait.ge [sflag:s23], $0x4000  }
0x105: {  	[sflag:s23] =	ssyncset.done $0x0  }
0x106: {  	s3 =	simm.s32 $0x0;
	s2 =	rddreg [dreg:$0xf];
	[sflag:s23] =	ssyncadd.s32 $0xFFFFC000  }
0x107: {  	[tilespmem:s17], [sflag:$0x1] =	stream.linear.gather [hbm4b:s2+s25], $0x4000, $0x38;
	[tilespmem:$0x1C000] =	vst v63  }
0x108: {  	s0 =	sand.u32 $0x2000, s3;
	s3 =	simm.s32 $0x0;
	s2 =	sand.u32 $0x1C00, s25  }
0x109: {  	s4 =	sand.u32 $0x380, s3;
	s0 =	sor.u32 s2, s0  }
0x10a: {  	s2 =	sor.u32 s4, s0  }
0x10b: {  	v0 =	vld [tilespmem:s2+$0x18070]  }
0x10c: {  	v5 =	vld [tilespmem:s2+$0x18000]  }
0x10d: {  	v6 =	vld [tilespmem:s2+$0x18010]  }
0x10e: {  	v4 =	vld [tilespmem:s2+$0x18020]  }
0x10f: {  	v1 =	vld [tilespmem:s2+$0x18030]  }
0x110: {  	v3 =	vld [tilespmem:s2+$0x18040]  }
0x111: {  	s0 =	sor.u32 $0x10070, s2;
	v2 =	vld [tilespmem:s2+$0x18060]  }
0x112: {  	[tilespmem:s0+$0x0] =	vst.add.f32.msk $0xffff, v0  }
0x113: {  	s26 =	simm.s32 $0x0;
	s5 =	sor.u32 $0x10000, s2;
	v0 =	vld [tilespmem:s2+$0x18050]  }
0x114: {  	s4 =	sor.u32 $0x10010, s2;
	s31 =	sor.u32 $0x10030, s2;
	s30 =	sor.u32 $0x10040, s2;
	[tilespmem:s5+$0x0] =	vst.add.f32.msk $0xffff, v5  }
0x115: {  	s28 =	sor.u32 $0x10050, s2;
	s29 =	sor.u32 $0x10060, s2;
	s0 =	sor.u32 $0x10020, s2;
	[tilespmem:s4+$0x0] =	vst.add.f32.msk $0xffff, v6  }
.LBB2_10:
0x116: {  	s26 =	sadd.s32 $0x8, s26;
	[tilespmem:s0+$0x0] =	vst.add.f32.msk $0xffff, v4  }
0x117: {  	s25 =	sadd.s32 $0x400, s25;
	s0 =	sshll.u32 s26, $0x4;
	p0 =	slt.u32 s26, $0x3F8;
	[tilespmem:s31+$0x0] =	vst.add.f32.msk $0xffff, v1  }
0x118: {  	s2 =	sand.u32 $0x1C00, s25;
	s3 =	sshll.u32 s26, $0x1;
	s0 =	sand.u32 $0x2000, s0;
	[tilespmem:s30+$0x0] =	vst.add.f32.msk $0xffff, v3  }
0x119: {  	s0 =	sor.u32 s2, s0;
	s2 =	sand.u32 $0x380, s3;
	[tilespmem:s28+$0x0] =	vst.add.f32.msk $0xffff, v0  }
0x11a: {  	s2 =	sor.u32 s2, s0;
	[tilespmem:s29+$0x0] =	vst.add.f32.msk $0xffff, v2  }
0x11b: {  	s3 =	sor.u32 $0x10000, s2;
	s4 =	sor.u32 $0x10010, s2;
	s0 =	sor.u32 $0x10020, s2;
	v0 =	vld [tilespmem:s2+$0x18070]  }
0x11c: {  	s31 =	sor.u32 $0x10030, s2;
	s30 =	sor.u32 $0x10040, s2;
	s28 =	sor.u32 $0x10050, s2;
	v5 =	vld [tilespmem:s2+$0x18000]  }
0x11d: {  	s29 =	sor.u32 $0x10060, s2;
	v6 =	vld [tilespmem:s2+$0x18010]  }
0x11e: {  	v4 =	vld [tilespmem:s2+$0x18020]  }
0x11f: {  	s5 =	sor.u32 $0x10070, s2;
	v1 =	vld [tilespmem:s2+$0x18030]  }
0x120: {  	[tilespmem:s5+$0x0] =	vst.add.f32.msk $0xffff, v0  }
.Ltmp4:
0x121: {  	v3 =	vld [tilespmem:s2+$0x18040];
	(pc) =	sbr.rel @p0 .LBB2_10-.Ltmp4, $4  }
0x122: {  	v0 =	vld [tilespmem:s2+$0x18050]  }
0x123: {  	v2 =	vld [tilespmem:s2+$0x18060]  }
0x124: {  	[tilespmem:s3+$0x0] =	vst.add.f32.msk $0xffff, v5  }
0x125: {  	[tilespmem:s4+$0x0] =	vst.add.f32.msk $0xffff, v6  }
0x126: {  	[tilespmem:s0+$0x0] =	vst.add.f32.msk $0xffff, v4  }
0x127: {  	[tilespmem:s31+$0x0] =	vst.add.f32.msk $0xffff, v1  }
0x128: {  	[tilespmem:s30+$0x0] =	vst.add.f32.msk $0xffff, v3  }
0x129: {  	[tilespmem:s28+$0x0] =	vst.add.f32.msk $0xffff, v0  }
0x12a: {  	[tilespmem:s29+$0x0] =	vst.add.f32.msk $0xffff, v2  }
0x12b: {  	s25 =	simm.s32 $0x0;
	s0 =	rddreg [dreg:$0x10]  }
0x12c: {  	[hbm4b:s0+s25] =	stream.linear.scatter [tilespmem:s22], [sflag:$0x2], $0x4000, $0x38;
	[tilespmem:$0x1C000] =	vst v63  }
0x12d: {  	_ =	swait.ge [sflag:s20], $0x4000  }
0x12e: {  	[sflag:s20] =	ssyncset.done $0x0  }
0x12f: {  	[sflag:s20] =	ssyncadd.s32 $0xFFFFC000  }
0x130: {  	_ =	swait.ge [sflag:s23], $0x4000  }
0x131: {  	[sflag:s23] =	ssyncset.done $0x0  }
0x132: {  	s3 =	simm.s32 $0x0;
	s2 =	rddreg [dreg:$0x11];
	[sflag:s23] =	ssyncadd.s32 $0xFFFFC000  }
0x133: {  	[tilespmem:s21], [sflag:$0x1] =	stream.linear.gather [hbm4b:s2+s25], $0x4000, $0x38;
	[tilespmem:$0x1C000] =	vst v63  }
0x134: {  	s0 =	sand.u32 $0x2000, s3;
	s3 =	simm.s32 $0x0;
	s2 =	sand.u32 $0x1C00, s25  }
0x135: {  	s4 =	sand.u32 $0x380, s3;
	s0 =	sor.u32 s2, s0  }
0x136: {  	s2 =	sor.u32 s4, s0  }
0x137: {  	v0 =	vld [tilespmem:s2+$0x18070]  }
0x138: {  	v5 =	vld [tilespmem:s2+$0x18000]  }
0x139: {  	v6 =	vld [tilespmem:s2+$0x18010]  }
0x13a: {  	v4 =	vld [tilespmem:s2+$0x18020]  }
0x13b: {  	v2 =	vld [tilespmem:s2+$0x18030]  }
0x13c: {  	v3 =	vld [tilespmem:s2+$0x18040]  }
0x13d: {  	s0 =	sor.u32 $0x70, s2;
	v1 =	vld [tilespmem:s2+$0x18060]  }
0x13e: {  	[tilespmem:s0+$0x0] =	vst.add.f32.msk $0xffff, v0  }
0x13f: {  	s26 =	simm.s32 $0x0;
	v0 =	vld [tilespmem:s2+$0x18050]  }
0x140: {  	s5 =	sor.u32 $0x10, s2;
	s31 =	sor.u32 $0x30, s2;
	s30 =	sor.u32 $0x40, s2;
	[tilespmem:s2+$0x0] =	vst.add.f32.msk $0xffff, v5  }
0x141: {  	s29 =	sor.u32 $0x50, s2;
	s28 =	sor.u32 $0x60, s2;
	s0 =	sor.u32 $0x20, s2;
	[tilespmem:s5+$0x0] =	vst.add.f32.msk $0xffff, v6  }
.LBB2_12:
0x142: {  	s26 =	sadd.s32 $0x8, s26;
	[tilespmem:s0+$0x0] =	vst.add.f32.msk $0xffff, v4  }
0x143: {  	s25 =	sadd.s32 $0x400, s25;
	s0 =	sshll.u32 s26, $0x4;
	p0 =	slt.u32 s26, $0x3F8;
	[tilespmem:s31+$0x0] =	vst.add.f32.msk $0xffff, v2  }
0x144: {  	s2 =	sand.u32 $0x1C00, s25;
	s3 =	sshll.u32 s26, $0x1;
	s0 =	sand.u32 $0x2000, s0;
	[tilespmem:s30+$0x0] =	vst.add.f32.msk $0xffff, v3  }
0x145: {  	s0 =	sor.u32 s2, s0;
	s2 =	sand.u32 $0x380, s3;
	[tilespmem:s29+$0x0] =	vst.add.f32.msk $0xffff, v0  }
0x146: {  	s2 =	sor.u32 s2, s0;
	[tilespmem:s28+$0x0] =	vst.add.f32.msk $0xffff, v1  }
0x147: {  	s3 =	sor.u32 $0x10, s2;
	s0 =	sor.u32 $0x20, s2;
	s31 =	sor.u32 $0x30, s2;
	v0 =	vld [tilespmem:s2+$0x18070]  }
0x148: {  	s30 =	sor.u32 $0x40, s2;
	s29 =	sor.u32 $0x50, s2;
	s28 =	sor.u32 $0x60, s2;
	v5 =	vld [tilespmem:s2+$0x18000]  }
0x149: {  	v6 =	vld [tilespmem:s2+$0x18010]  }
0x14a: {  	v4 =	vld [tilespmem:s2+$0x18020]  }
0x14b: {  	s4 =	sor.u32 $0x70, s2;
	v2 =	vld [tilespmem:s2+$0x18030]  }
0x14c: {  	[tilespmem:s4+$0x0] =	vst.add.f32.msk $0xffff, v0  }
.Ltmp5:
0x14d: {  	v3 =	vld [tilespmem:s2+$0x18040];
	(pc) =	sbr.rel @p0 .LBB2_12-.Ltmp5, $4  }
0x14e: {  	v0 =	vld [tilespmem:s2+$0x18050]  }
0x14f: {  	v1 =	vld [tilespmem:s2+$0x18060]  }
0x150: {  	[tilespmem:s2+$0x0] =	vst.add.f32.msk $0xffff, v5  }
0x151: {  	[tilespmem:s3+$0x0] =	vst.add.f32.msk $0xffff, v6  }
0x152: {  	[tilespmem:s0+$0x0] =	vst.add.f32.msk $0xffff, v4  }
0x153: {  	[tilespmem:s31+$0x0] =	vst.add.f32.msk $0xffff, v2  }
0x154: {  	[tilespmem:s30+$0x0] =	vst.add.f32.msk $0xffff, v3  }
0x155: {  	[tilespmem:s29+$0x0] =	vst.add.f32.msk $0xffff, v0  }
0x156: {  	[tilespmem:s28+$0x0] =	vst.add.f32.msk $0xffff, v1  }
0x157: {  	s25 =	simm.s32 $0x0;
	s0 =	rddreg [dreg:$0x12]  }
0x158: {  	[hbm4b:s0+s25] =	stream.linear.scatter [tilespmem:s25], [sflag:$0x2], $0x4000, $0x38;
	[tilespmem:$0x1C000] =	vst v63  }
0x159: {  	_ =	swait.ge [sflag:s20], $0x4000  }
0x15a: {  	[sflag:s20] =	ssyncset.done $0x0  }
0x15b: {  	[sflag:s20] =	ssyncadd.s32 $0xFFFFC000  }
0x15c: {  	_ =	swait.ge [sflag:s23], $0x4000  }
0x15d: {  	[sflag:s23] =	ssyncset.done $0x0  }
0x15e: {  	s3 =	simm.s32 $0x0;
	s2 =	rddreg [dreg:$0x16];
	[sflag:s23] =	ssyncadd.s32 $0xFFFFC000  }
0x15f: {  	[tilespmem:s22], [sflag:$0x1] =	stream.linear.gather [hbm4b:s2+s25], $0x4000, $0x38;
	[tilespmem:$0x1C000] =	vst v63  }
0x160: {  	s0 =	sand.u32 $0x2000, s3;
	s3 =	simm.s32 $0x0;
	s2 =	sand.u32 $0x1C00, s25  }
0x161: {  	s4 =	sand.u32 $0x380, s3;
	s0 =	sor.u32 s2, s0  }
0x162: {  	s2 =	sor.u32 s4, s0  }
0x163: {  	v0 =	vld [tilespmem:s2+$0x18070]  }
0x164: {  	v5 =	vld [tilespmem:s2+$0x18000]  }
0x165: {  	v6 =	vld [tilespmem:s2+$0x18010]  }
0x166: {  	v4 =	vld [tilespmem:s2+$0x18020]  }
0x167: {  	v1 =	vld [tilespmem:s2+$0x18030]  }
0x168: {  	v3 =	vld [tilespmem:s2+$0x18040]  }
0x169: {  	s0 =	sor.u32 $0x4070, s2;
	v2 =	vld [tilespmem:s2+$0x18060]  }
0x16a: {  	[tilespmem:s0+$0x0] =	vst.add.f32.msk $0xffff, v0  }
0x16b: {  	s26 =	simm.s32 $0x0;
	s5 =	sor.u32 $0x4000, s2;
	v0 =	vld [tilespmem:s2+$0x18050]  }
0x16c: {  	s4 =	sor.u32 $0x4010, s2;
	s31 =	sor.u32 $0x4030, s2;
	s30 =	sor.u32 $0x4040, s2;
	[tilespmem:s5+$0x0] =	vst.add.f32.msk $0xffff, v5  }
0x16d: {  	s28 =	sor.u32 $0x4050, s2;
	s29 =	sor.u32 $0x4060, s2;
	s0 =	sor.u32 $0x4020, s2;
	[tilespmem:s4+$0x0] =	vst.add.f32.msk $0xffff, v6  }
.LBB2_14:
0x16e: {  	s26 =	sadd.s32 $0x8, s26;
	[tilespmem:s0+$0x0] =	vst.add.f32.msk $0xffff, v4  }
0x16f: {  	s25 =	sadd.s32 $0x400, s25;
	s0 =	sshll.u32 s26, $0x4;
	p0 =	slt.u32 s26, $0x3F8;
	[tilespmem:s31+$0x0] =	vst.add.f32.msk $0xffff, v1  }
0x170: {  	s2 =	sand.u32 $0x1C00, s25;
	s3 =	sshll.u32 s26, $0x1;
	s0 =	sand.u32 $0x2000, s0;
	[tilespmem:s30+$0x0] =	vst.add.f32.msk $0xffff, v3  }
0x171: {  	s0 =	sor.u32 s2, s0;
	s2 =	sand.u32 $0x380, s3;
	[tilespmem:s28+$0x0] =	vst.add.f32.msk $0xffff, v0  }
0x172: {  	s2 =	sor.u32 s2, s0;
	[tilespmem:s29+$0x0] =	vst.add.f32.msk $0xffff, v2  }
0x173: {  	s3 =	sor.u32 $0x4000, s2;
	s4 =	sor.u32 $0x4010, s2;
	s0 =	sor.u32 $0x4020, s2;
	v0 =	vld [tilespmem:s2+$0x18070]  }
0x174: {  	s31 =	sor.u32 $0x4030, s2;
	s30 =	sor.u32 $0x4040, s2;
	s28 =	sor.u32 $0x4050, s2;
	v5 =	vld [tilespmem:s2+$0x18000]  }
0x175: {  	s29 =	sor.u32 $0x4060, s2;
	v6 =	vld [tilespmem:s2+$0x18010]  }
0x176: {  	v4 =	vld [tilespmem:s2+$0x18020]  }
0x177: {  	s5 =	sor.u32 $0x4070, s2;
	v1 =	vld [tilespmem:s2+$0x18030]  }
0x178: {  	[tilespmem:s5+$0x0] =	vst.add.f32.msk $0xffff, v0  }
.Ltmp6:
0x179: {  	v3 =	vld [tilespmem:s2+$0x18040];
	(pc) =	sbr.rel @p0 .LBB2_14-.Ltmp6, $4  }
0x17a: {  	v0 =	vld [tilespmem:s2+$0x18050]  }
0x17b: {  	v2 =	vld [tilespmem:s2+$0x18060]  }
0x17c: {  	[tilespmem:s3+$0x0] =	vst.add.f32.msk $0xffff, v5  }
0x17d: {  	[tilespmem:s4+$0x0] =	vst.add.f32.msk $0xffff, v6  }
0x17e: {  	[tilespmem:s0+$0x0] =	vst.add.f32.msk $0xffff, v4  }
0x17f: {  	[tilespmem:s31+$0x0] =	vst.add.f32.msk $0xffff, v1  }
0x180: {  	[tilespmem:s30+$0x0] =	vst.add.f32.msk $0xffff, v3  }
0x181: {  	[tilespmem:s28+$0x0] =	vst.add.f32.msk $0xffff, v0  }
0x182: {  	[tilespmem:s29+$0x0] =	vst.add.f32.msk $0xffff, v2  }
0x183: {  	s25 =	simm.s32 $0x0;
	s0 =	rddreg [dreg:$0x13]  }
0x184: {  	[hbm4b:s0+s25] =	stream.linear.scatter [tilespmem:s16], [sflag:$0x2], $0x4000, $0x38;
	[tilespmem:$0x1C000] =	vst v63  }
0x185: {  	_ =	swait.ge [sflag:s20], $0x4000  }
0x186: {  	[sflag:s20] =	ssyncset.done $0x0  }
0x187: {  	[sflag:s20] =	ssyncadd.s32 $0xFFFFC000  }
0x188: {  	_ =	swait.ge [sflag:s23], $0x4000  }
0x189: {  	[sflag:s23] =	ssyncset.done $0x0  }
0x18a: {  	s3 =	simm.s32 $0x0;
	s2 =	rddreg [dreg:$0x18];
	[sflag:s23] =	ssyncadd.s32 $0xFFFFC000  }
0x18b: {  	[tilespmem:s25], [sflag:$0x1] =	stream.linear.gather [hbm4b:s2+s25], $0x4000, $0x38;
	[tilespmem:$0x1C000] =	vst v63  }
0x18c: {  	s0 =	sand.u32 $0x2000, s3;
	s3 =	simm.s32 $0x0;
	s2 =	sand.u32 $0x1C00, s25  }
0x18d: {  	s4 =	sand.u32 $0x380, s3;
	s0 =	sor.u32 s2, s0  }
0x18e: {  	s2 =	sor.u32 s4, s0  }
0x18f: {  	v0 =	vld [tilespmem:s2+$0x18070]  }
0x190: {  	v5 =	vld [tilespmem:s2+$0x18000]  }
0x191: {  	v6 =	vld [tilespmem:s2+$0x18010]  }
0x192: {  	v4 =	vld [tilespmem:s2+$0x18020]  }
0x193: {  	v1 =	vld [tilespmem:s2+$0x18030]  }
0x194: {  	v3 =	vld [tilespmem:s2+$0x18040]  }
0x195: {  	s0 =	sor.u32 $0x8070, s2;
	v2 =	vld [tilespmem:s2+$0x18060]  }
0x196: {  	[tilespmem:s0+$0x0] =	vst.add.f32.msk $0xffff, v0  }
0x197: {  	s26 =	simm.s32 $0x0;
	s5 =	sor.u32 $0x8000, s2;
	v0 =	vld [tilespmem:s2+$0x18050]  }
0x198: {  	s4 =	sor.u32 $0x8010, s2;
	s31 =	sor.u32 $0x8030, s2;
	s30 =	sor.u32 $0x8040, s2;
	[tilespmem:s5+$0x0] =	vst.add.f32.msk $0xffff, v5  }
0x199: {  	s28 =	sor.u32 $0x8050, s2;
	s29 =	sor.u32 $0x8060, s2;
	s0 =	sor.u32 $0x8020, s2;
	[tilespmem:s4+$0x0] =	vst.add.f32.msk $0xffff, v6  }
.LBB2_16:
0x19a: {  	s26 =	sadd.s32 $0x8, s26;
	[tilespmem:s0+$0x0] =	vst.add.f32.msk $0xffff, v4  }
0x19b: {  	s25 =	sadd.s32 $0x400, s25;
	s0 =	sshll.u32 s26, $0x4;
	p0 =	slt.u32 s26, $0x3F8;
	[tilespmem:s31+$0x0] =	vst.add.f32.msk $0xffff, v1  }
0x19c: {  	s2 =	sand.u32 $0x1C00, s25;
	s3 =	sshll.u32 s26, $0x1;
	s0 =	sand.u32 $0x2000, s0;
	[tilespmem:s30+$0x0] =	vst.add.f32.msk $0xffff, v3  }
0x19d: {  	s0 =	sor.u32 s2, s0;
	s2 =	sand.u32 $0x380, s3;
	[tilespmem:s28+$0x0] =	vst.add.f32.msk $0xffff, v0  }
0x19e: {  	s2 =	sor.u32 s2, s0;
	[tilespmem:s29+$0x0] =	vst.add.f32.msk $0xffff, v2  }
0x19f: {  	s3 =	sor.u32 $0x8000, s2;
	s4 =	sor.u32 $0x8010, s2;
	s0 =	sor.u32 $0x8020, s2;
	v0 =	vld [tilespmem:s2+$0x18070]  }
0x1a0: {  	s31 =	sor.u32 $0x8030, s2;
	s30 =	sor.u32 $0x8040, s2;
	s28 =	sor.u32 $0x8050, s2;
	v5 =	vld [tilespmem:s2+$0x18000]  }
0x1a1: {  	s29 =	sor.u32 $0x8060, s2;
	v6 =	vld [tilespmem:s2+$0x18010]  }
0x1a2: {  	v4 =	vld [tilespmem:s2+$0x18020]  }
0x1a3: {  	s5 =	sor.u32 $0x8070, s2;
	v1 =	vld [tilespmem:s2+$0x18030]  }
0x1a4: {  	[tilespmem:s5+$0x0] =	vst.add.f32.msk $0xffff, v0  }
.Ltmp7:
0x1a5: {  	v3 =	vld [tilespmem:s2+$0x18040];
	(pc) =	sbr.rel @p0 .LBB2_16-.Ltmp7, $4  }
0x1a6: {  	v0 =	vld [tilespmem:s2+$0x18050]  }
0x1a7: {  	v2 =	vld [tilespmem:s2+$0x18060]  }
0x1a8: {  	[tilespmem:s3+$0x0] =	vst.add.f32.msk $0xffff, v5  }
0x1a9: {  	[tilespmem:s4+$0x0] =	vst.add.f32.msk $0xffff, v6  }
0x1aa: {  	[tilespmem:s0+$0x0] =	vst.add.f32.msk $0xffff, v4  }
0x1ab: {  	[tilespmem:s31+$0x0] =	vst.add.f32.msk $0xffff, v1  }
0x1ac: {  	[tilespmem:s30+$0x0] =	vst.add.f32.msk $0xffff, v3  }
0x1ad: {  	[tilespmem:s28+$0x0] =	vst.add.f32.msk $0xffff, v0  }
0x1ae: {  	[tilespmem:s29+$0x0] =	vst.add.f32.msk $0xffff, v2  }
0x1af: {  	s25 =	simm.s32 $0x0;
	s0 =	rddreg [dreg:$0x14]  }
0x1b0: {  	[hbm4b:s0+s25] =	stream.linear.scatter [tilespmem:s17], [sflag:$0x2], $0x4000, $0x38;
	[tilespmem:$0x1C000] =	vst v63  }
0x1b1: {  	_ =	swait.ge [sflag:s18], $0x4000  }
0x1b2: {  	[sflag:s18] =	ssyncset.done $0x0  }
0x1b3: {  	s26 =	rddreg [dreg:$0x1c];
	[sflag:s18] =	ssyncadd.s32 $0xFFFFC000  }
0x1b4: {  	[tilespmem:s19], [sflag:$0x3] =	stream.linear.gather [hbm4b:s26+s25], $0x4000, $0x38;
	[tilespmem:$0x1C000] =	vst v63  }
0x1b5: {  	_ =	swait.ge [sflag:s20], $0x4000  }
0x1b6: {  	[sflag:s20] =	ssyncset.done $0x0  }
0x1b7: {  	[sflag:s20] =	ssyncadd.s32 $0xFFFFC000  }
0x1b8: {  	_ =	swait.ge [sflag:s23], $0x4000  }
0x1b9: {  	[sflag:s23] =	ssyncset.done $0x0  }
0x1ba: {  	s3 =	simm.s32 $0x0;
	s2 =	rddreg [dreg:$0x1a];
	[sflag:s23] =	ssyncadd.s32 $0xFFFFC000  }
0x1bb: {  	[tilespmem:s16], [sflag:$0x1] =	stream.linear.gather [hbm4b:s2+s25], $0x4000, $0x38;
	[tilespmem:$0x1C000] =	vst v63  }
0x1bc: {  	s0 =	sand.u32 $0x2000, s3;
	s3 =	simm.s32 $0x0;
	s2 =	sand.u32 $0x1C00, s25  }
0x1bd: {  	s4 =	sand.u32 $0x380, s3;
	s0 =	sor.u32 s2, s0  }
0x1be: {  	s2 =	sor.u32 s4, s0  }
0x1bf: {  	v0 =	vld [tilespmem:s2+$0x14070]  }
0x1c0: {  	v5 =	vld [tilespmem:s2+$0x14000]  }
0x1c1: {  	v6 =	vld [tilespmem:s2+$0x14010]  }
0x1c2: {  	v4 =	vld [tilespmem:s2+$0x14020]  }
0x1c3: {  	v1 =	vld [tilespmem:s2+$0x14030]  }
0x1c4: {  	v3 =	vld [tilespmem:s2+$0x14040]  }
0x1c5: {  	s0 =	sor.u32 $0xC070, s2;
	v2 =	vld [tilespmem:s2+$0x14060]  }
0x1c6: {  	[tilespmem:s0+$0x0] =	vst.add.f32.msk $0xffff, v0  }
0x1c7: {  	s26 =	simm.s32 $0x0;
	s5 =	sor.u32 $0xC000, s2;
	v0 =	vld [tilespmem:s2+$0x14050]  }
0x1c8: {  	s4 =	sor.u32 $0xC010, s2;
	s31 =	sor.u32 $0xC030, s2;
	s30 =	sor.u32 $0xC040, s2;
	[tilespmem:s5+$0x0] =	vst.add.f32.msk $0xffff, v5  }
0x1c9: {  	s28 =	sor.u32 $0xC050, s2;
	s29 =	sor.u32 $0xC060, s2;
	s0 =	sor.u32 $0xC020, s2;
	[tilespmem:s4+$0x0] =	vst.add.f32.msk $0xffff, v6  }
.LBB2_18:
0x1ca: {  	s26 =	sadd.s32 $0x8, s26;
	[tilespmem:s0+$0x0] =	vst.add.f32.msk $0xffff, v4  }
0x1cb: {  	s25 =	sadd.s32 $0x400, s25;
	s0 =	sshll.u32 s26, $0x4;
	p0 =	slt.u32 s26, $0x3F8;
	[tilespmem:s31+$0x0] =	vst.add.f32.msk $0xffff, v1  }
0x1cc: {  	s2 =	sand.u32 $0x1C00, s25;
	s3 =	sshll.u32 s26, $0x1;
	s0 =	sand.u32 $0x2000, s0;
	[tilespmem:s30+$0x0] =	vst.add.f32.msk $0xffff, v3  }
0x1cd: {  	s0 =	sor.u32 s2, s0;
	s2 =	sand.u32 $0x380, s3;
	[tilespmem:s28+$0x0] =	vst.add.f32.msk $0xffff, v0  }
0x1ce: {  	s2 =	sor.u32 s2, s0;
	[tilespmem:s29+$0x0] =	vst.add.f32.msk $0xffff, v2  }
0x1cf: {  	s3 =	sor.u32 $0xC000, s2;
	s4 =	sor.u32 $0xC010, s2;
	s0 =	sor.u32 $0xC020, s2;
	v0 =	vld [tilespmem:s2+$0x14070]  }
0x1d0: {  	s31 =	sor.u32 $0xC030, s2;
	s30 =	sor.u32 $0xC040, s2;
	s28 =	sor.u32 $0xC050, s2;
	v5 =	vld [tilespmem:s2+$0x14000]  }
0x1d1: {  	s29 =	sor.u32 $0xC060, s2;
	v6 =	vld [tilespmem:s2+$0x14010]  }
0x1d2: {  	v4 =	vld [tilespmem:s2+$0x14020]  }
0x1d3: {  	s5 =	sor.u32 $0xC070, s2;
	v1 =	vld [tilespmem:s2+$0x14030]  }
0x1d4: {  	[tilespmem:s5+$0x0] =	vst.add.f32.msk $0xffff, v0  }
.Ltmp8:
0x1d5: {  	v3 =	vld [tilespmem:s2+$0x14040];
	(pc) =	sbr.rel @p0 .LBB2_18-.Ltmp8, $4  }
0x1d6: {  	v0 =	vld [tilespmem:s2+$0x14050]  }
0x1d7: {  	v2 =	vld [tilespmem:s2+$0x14060]  }
0x1d8: {  	[tilespmem:s3+$0x0] =	vst.add.f32.msk $0xffff, v5  }
0x1d9: {  	[tilespmem:s4+$0x0] =	vst.add.f32.msk $0xffff, v6  }
0x1da: {  	[tilespmem:s0+$0x0] =	vst.add.f32.msk $0xffff, v4  }
0x1db: {  	[tilespmem:s31+$0x0] =	vst.add.f32.msk $0xffff, v1  }
0x1dc: {  	[tilespmem:s30+$0x0] =	vst.add.f32.msk $0xffff, v3  }
0x1dd: {  	[tilespmem:s28+$0x0] =	vst.add.f32.msk $0xffff, v0  }
0x1de: {  	[tilespmem:s29+$0x0] =	vst.add.f32.msk $0xffff, v2  }
0x1df: {  	s25 =	simm.s32 $0x0;
	s0 =	rddreg [dreg:$0x15]  }
0x1e0: {  	[hbm4b:s0+s25] =	stream.linear.scatter [tilespmem:s21], [sflag:$0x2], $0x4000, $0x38;
	[tilespmem:$0x1C000] =	vst v63  }
0x1e1: {  	_ =	swait.ge [sflag:s20], $0x4000  }
0x1e2: {  	[sflag:s20] =	ssyncset.done $0x0  }
0x1e3: {  	[sflag:s20] =	ssyncadd.s32 $0xFFFFC000  }
0x1e4: {  	_ =	swait.ge [sflag:s23], $0x4000  }
0x1e5: {  	[sflag:s23] =	ssyncset.done $0x0  }
0x1e6: {  	s3 =	simm.s32 $0x0;
	s2 =	rddreg [dreg:$0x1d];
	[sflag:s23] =	ssyncadd.s32 $0xFFFFC000  }
0x1e7: {  	[tilespmem:s17], [sflag:$0x1] =	stream.linear.gather [hbm4b:s2+s25], $0x4000, $0x38;
	[tilespmem:$0x1C000] =	vst v63  }
0x1e8: {  	s0 =	sand.u32 $0x2000, s3;
	s3 =	simm.s32 $0x0;
	s2 =	sand.u32 $0x1C00, s25  }
0x1e9: {  	s4 =	sand.u32 $0x380, s3;
	s0 =	sor.u32 s2, s0  }
0x1ea: {  	s2 =	sor.u32 s4, s0  }
0x1eb: {  	v0 =	vld [tilespmem:s2+$0x14070]  }
0x1ec: {  	v5 =	vld [tilespmem:s2+$0x14000]  }
0x1ed: {  	v6 =	vld [tilespmem:s2+$0x14010]  }
0x1ee: {  	v4 =	vld [tilespmem:s2+$0x14020]  }
0x1ef: {  	v1 =	vld [tilespmem:s2+$0x14030]  }
0x1f0: {  	v3 =	vld [tilespmem:s2+$0x14040]  }
0x1f1: {  	s0 =	sor.u32 $0x10070, s2;
	v2 =	vld [tilespmem:s2+$0x14060]  }
0x1f2: {  	[tilespmem:s0+$0x0] =	vst.add.f32.msk $0xffff, v0  }
0x1f3: {  	s26 =	simm.s32 $0x0;
	s5 =	sor.u32 $0x10000, s2;
	v0 =	vld [tilespmem:s2+$0x14050]  }
0x1f4: {  	s4 =	sor.u32 $0x10010, s2;
	s31 =	sor.u32 $0x10030, s2;
	s30 =	sor.u32 $0x10040, s2;
	[tilespmem:s5+$0x0] =	vst.add.f32.msk $0xffff, v5  }
0x1f5: {  	s28 =	sor.u32 $0x10050, s2;
	s29 =	sor.u32 $0x10060, s2;
	s0 =	sor.u32 $0x10020, s2;
	[tilespmem:s4+$0x0] =	vst.add.f32.msk $0xffff, v6  }
.LBB2_20:
0x1f6: {  	s26 =	sadd.s32 $0x8, s26;
	[tilespmem:s0+$0x0] =	vst.add.f32.msk $0xffff, v4  }
0x1f7: {  	s25 =	sadd.s32 $0x400, s25;
	s0 =	sshll.u32 s26, $0x4;
	p0 =	slt.u32 s26, $0x3F8;
	[tilespmem:s31+$0x0] =	vst.add.f32.msk $0xffff, v1  }
0x1f8: {  	s2 =	sand.u32 $0x1C00, s25;
	s3 =	sshll.u32 s26, $0x1;
	s0 =	sand.u32 $0x2000, s0;
	[tilespmem:s30+$0x0] =	vst.add.f32.msk $0xffff, v3  }
0x1f9: {  	s0 =	sor.u32 s2, s0;
	s2 =	sand.u32 $0x380, s3;
	[tilespmem:s28+$0x0] =	vst.add.f32.msk $0xffff, v0  }
0x1fa: {  	s2 =	sor.u32 s2, s0;
	[tilespmem:s29+$0x0] =	vst.add.f32.msk $0xffff, v2  }
0x1fb: {  	s3 =	sor.u32 $0x10000, s2;
	s4 =	sor.u32 $0x10010, s2;
	s0 =	sor.u32 $0x10020, s2;
	v0 =	vld [tilespmem:s2+$0x14070]  }
0x1fc: {  	s31 =	sor.u32 $0x10030, s2;
	s30 =	sor.u32 $0x10040, s2;
	s28 =	sor.u32 $0x10050, s2;
	v5 =	vld [tilespmem:s2+$0x14000]  }
0x1fd: {  	s29 =	sor.u32 $0x10060, s2;
	v6 =	vld [tilespmem:s2+$0x14010]  }
0x1fe: {  	v4 =	vld [tilespmem:s2+$0x14020]  }
0x1ff: {  	s5 =	sor.u32 $0x10070, s2;
	v1 =	vld [tilespmem:s2+$0x14030]  }
0x200: {  	[tilespmem:s5+$0x0] =	vst.add.f32.msk $0xffff, v0  }
.Ltmp9:
0x201: {  	v3 =	vld [tilespmem:s2+$0x14040];
	(pc) =	sbr.rel @p0 .LBB2_20-.Ltmp9, $4  }
0x202: {  	v0 =	vld [tilespmem:s2+$0x14050]  }
0x203: {  	v2 =	vld [tilespmem:s2+$0x14060]  }
0x204: {  	[tilespmem:s3+$0x0] =	vst.add.f32.msk $0xffff, v5  }
0x205: {  	[tilespmem:s4+$0x0] =	vst.add.f32.msk $0xffff, v6  }
0x206: {  	[tilespmem:s0+$0x0] =	vst.add.f32.msk $0xffff, v4  }
0x207: {  	[tilespmem:s31+$0x0] =	vst.add.f32.msk $0xffff, v1  }
0x208: {  	[tilespmem:s30+$0x0] =	vst.add.f32.msk $0xffff, v3  }
0x209: {  	[tilespmem:s28+$0x0] =	vst.add.f32.msk $0xffff, v0  }
0x20a: {  	[tilespmem:s29+$0x0] =	vst.add.f32.msk $0xffff, v2  }
0x20b: {  	s25 =	simm.s32 $0x0;
	s0 =	rddreg [dreg:$0x17]  }
0x20c: {  	[hbm4b:s0+s25] =	stream.linear.scatter [tilespmem:s22], [sflag:$0x2], $0x4000, $0x38;
	[tilespmem:$0x1C000] =	vst v63  }
0x20d: {  	_ =	swait.ge [sflag:s20], $0x4000  }
0x20e: {  	[sflag:s20] =	ssyncset.done $0x0  }
0x20f: {  	[sflag:s20] =	ssyncadd.s32 $0xFFFFC000  }
0x210: {  	_ =	swait.ge [sflag:s23], $0x4000  }
0x211: {  	[sflag:s23] =	ssyncset.done $0x0  }
0x212: {  	s3 =	simm.s32 $0x0;
	s2 =	rddreg [dreg:$0x1f];
	[sflag:s23] =	ssyncadd.s32 $0xFFFFC000  }
0x213: {  	[tilespmem:s21], [sflag:$0x1] =	stream.linear.gather [hbm4b:s2+s25], $0x4000, $0x38;
	[tilespmem:$0x1C000] =	vst v63  }
0x214: {  	s0 =	sand.u32 $0x2000, s3;
	s3 =	simm.s32 $0x0;
	s2 =	sand.u32 $0x1C00, s25  }
0x215: {  	s4 =	sand.u32 $0x380, s3;
	s0 =	sor.u32 s2, s0  }
0x216: {  	s2 =	sor.u32 s4, s0  }
0x217: {  	v0 =	vld [tilespmem:s2+$0x14070]  }
0x218: {  	v5 =	vld [tilespmem:s2+$0x14000]  }
0x219: {  	v6 =	vld [tilespmem:s2+$0x14010]  }
0x21a: {  	v4 =	vld [tilespmem:s2+$0x14020]  }
0x21b: {  	v2 =	vld [tilespmem:s2+$0x14030]  }
0x21c: {  	v3 =	vld [tilespmem:s2+$0x14040]  }
0x21d: {  	s0 =	sor.u32 $0x70, s2;
	v1 =	vld [tilespmem:s2+$0x14060]  }
0x21e: {  	[tilespmem:s0+$0x0] =	vst.add.f32.msk $0xffff, v0  }
0x21f: {  	s26 =	simm.s32 $0x0;
	v0 =	vld [tilespmem:s2+$0x14050]  }
0x220: {  	s5 =	sor.u32 $0x10, s2;
	s31 =	sor.u32 $0x30, s2;
	s30 =	sor.u32 $0x40, s2;
	[tilespmem:s2+$0x0] =	vst.add.f32.msk $0xffff, v5  }
0x221: {  	s29 =	sor.u32 $0x50, s2;
	s28 =	sor.u32 $0x60, s2;
	s0 =	sor.u32 $0x20, s2;
	[tilespmem:s5+$0x0] =	vst.add.f32.msk $0xffff, v6  }
.LBB2_22:
0x222: {  	s26 =	sadd.s32 $0x8, s26;
	[tilespmem:s0+$0x0] =	vst.add.f32.msk $0xffff, v4  }
0x223: {  	s25 =	sadd.s32 $0x400, s25;
	s0 =	sshll.u32 s26, $0x4;
	p0 =	slt.u32 s26, $0x3F8;
	[tilespmem:s31+$0x0] =	vst.add.f32.msk $0xffff, v2  }
0x224: {  	s2 =	sand.u32 $0x1C00, s25;
	s3 =	sshll.u32 s26, $0x1;
	s0 =	sand.u32 $0x2000, s0;
	[tilespmem:s30+$0x0] =	vst.add.f32.msk $0xffff, v3  }
0x225: {  	s0 =	sor.u32 s2, s0;
	s2 =	sand.u32 $0x380, s3;
	[tilespmem:s29+$0x0] =	vst.add.f32.msk $0xffff, v0  }
0x226: {  	s2 =	sor.u32 s2, s0;
	[tilespmem:s28+$0x0] =	vst.add.f32.msk $0xffff, v1  }
0x227: {  	s3 =	sor.u32 $0x10, s2;
	s0 =	sor.u32 $0x20, s2;
	s31 =	sor.u32 $0x30, s2;
	v0 =	vld [tilespmem:s2+$0x14070]  }
0x228: {  	s30 =	sor.u32 $0x40, s2;
	s29 =	sor.u32 $0x50, s2;
	s28 =	sor.u32 $0x60, s2;
	v5 =	vld [tilespmem:s2+$0x14000]  }
0x229: {  	v6 =	vld [tilespmem:s2+$0x14010]  }
0x22a: {  	v4 =	vld [tilespmem:s2+$0x14020]  }
0x22b: {  	s4 =	sor.u32 $0x70, s2;
	v2 =	vld [tilespmem:s2+$0x14030]  }
0x22c: {  	[tilespmem:s4+$0x0] =	vst.add.f32.msk $0xffff, v0  }
.Ltmp10:
0x22d: {  	v3 =	vld [tilespmem:s2+$0x14040];
	(pc) =	sbr.rel @p0 .LBB2_22-.Ltmp10, $4  }
0x22e: {  	v0 =	vld [tilespmem:s2+$0x14050]  }
0x22f: {  	v1 =	vld [tilespmem:s2+$0x14060]  }
0x230: {  	[tilespmem:s2+$0x0] =	vst.add.f32.msk $0xffff, v5  }
0x231: {  	[tilespmem:s3+$0x0] =	vst.add.f32.msk $0xffff, v6  }
0x232: {  	[tilespmem:s0+$0x0] =	vst.add.f32.msk $0xffff, v4  }
0x233: {  	[tilespmem:s31+$0x0] =	vst.add.f32.msk $0xffff, v2  }
0x234: {  	[tilespmem:s30+$0x0] =	vst.add.f32.msk $0xffff, v3  }
0x235: {  	[tilespmem:s29+$0x0] =	vst.add.f32.msk $0xffff, v0  }
0x236: {  	[tilespmem:s28+$0x0] =	vst.add.f32.msk $0xffff, v1  }
0x237: {  	s25 =	simm.s32 $0x0;
	s0 =	rddreg [dreg:$0x19]  }
0x238: {  	[hbm4b:s0+s25] =	stream.linear.scatter [tilespmem:s25], [sflag:$0x2], $0x4000, $0x38;
	[tilespmem:$0x1C000] =	vst v63  }
0x239: {  	_ =	swait.ge [sflag:s20], $0x4000  }
0x23a: {  	[sflag:s20] =	ssyncset.done $0x0  }
0x23b: {  	[sflag:s20] =	ssyncadd.s32 $0xFFFFC000  }
0x23c: {  	_ =	swait.ge [sflag:s23], $0x4000  }
0x23d: {  	s2 =	sld [smem:$0x7DB]  }
0x23e: {  	[sflag:s23] =	ssyncset.done $0x0  }
0x23f: {  	s3 =	simm.s32 $0x0;
	[sflag:s23] =	ssyncadd.s32 $0xFFFFC000  }
0x240: {  	[tilespmem:s22], [sflag:$0x1] =	stream.linear.gather [hbm4b:s2+s25], $0x4000, $0x38;
	[tilespmem:$0x1C000] =	vst v63  }
0x241: {  	s0 =	sand.u32 $0x2000, s3;
	s3 =	simm.s32 $0x0;
	s2 =	sand.u32 $0x1C00, s25  }
0x242: {  	s4 =	sand.u32 $0x380, s3;
	s0 =	sor.u32 s2, s0  }
0x243: {  	s2 =	sor.u32 s4, s0  }
0x244: {  	v0 =	vld [tilespmem:s2+$0x14070]  }
0x245: {  	v5 =	vld [tilespmem:s2+$0x14000]  }
0x246: {  	v6 =	vld [tilespmem:s2+$0x14010]  }
0x247: {  	v4 =	vld [tilespmem:s2+$0x14020]  }
0x248: {  	v1 =	vld [tilespmem:s2+$0x14030]  }
0x249: {  	v3 =	vld [tilespmem:s2+$0x14040]  }
0x24a: {  	s0 =	sor.u32 $0x4070, s2;
	v2 =	vld [tilespmem:s2+$0x14060]  }
0x24b: {  	[tilespmem:s0+$0x0] =	vst.add.f32.msk $0xffff, v0  }
0x24c: {  	s26 =	simm.s32 $0x0;
	s5 =	sor.u32 $0x4000, s2;
	v0 =	vld [tilespmem:s2+$0x14050]  }
0x24d: {  	s4 =	sor.u32 $0x4010, s2;
	s31 =	sor.u32 $0x4030, s2;
	s30 =	sor.u32 $0x4040, s2;
	[tilespmem:s5+$0x0] =	vst.add.f32.msk $0xffff, v5  }
0x24e: {  	s28 =	sor.u32 $0x4050, s2;
	s29 =	sor.u32 $0x4060, s2;
	s0 =	sor.u32 $0x4020, s2;
	[tilespmem:s4+$0x0] =	vst.add.f32.msk $0xffff, v6  }
.LBB2_24:
0x24f: {  	s26 =	sadd.s32 $0x8, s26;
	[tilespmem:s0+$0x0] =	vst.add.f32.msk $0xffff, v4  }
0x250: {  	s25 =	sadd.s32 $0x400, s25;
	s0 =	sshll.u32 s26, $0x4;
	p0 =	slt.u32 s26, $0x3F8;
	[tilespmem:s31+$0x0] =	vst.add.f32.msk $0xffff, v1  }
0x251: {  	s2 =	sand.u32 $0x1C00, s25;
	s3 =	sshll.u32 s26, $0x1;
	s0 =	sand.u32 $0x2000, s0;
	[tilespmem:s30+$0x0] =	vst.add.f32.msk $0xffff, v3  }
0x252: {  	s0 =	sor.u32 s2, s0;
	s2 =	sand.u32 $0x380, s3;
	[tilespmem:s28+$0x0] =	vst.add.f32.msk $0xffff, v0  }
0x253: {  	s2 =	sor.u32 s2, s0;
	[tilespmem:s29+$0x0] =	vst.add.f32.msk $0xffff, v2  }
0x254: {  	s3 =	sor.u32 $0x4000, s2;
	s4 =	sor.u32 $0x4010, s2;
	s0 =	sor.u32 $0x4020, s2;
	v0 =	vld [tilespmem:s2+$0x14070]  }
0x255: {  	s31 =	sor.u32 $0x4030, s2;
	s30 =	sor.u32 $0x4040, s2;
	s28 =	sor.u32 $0x4050, s2;
	v5 =	vld [tilespmem:s2+$0x14000]  }
0x256: {  	s29 =	sor.u32 $0x4060, s2;
	v6 =	vld [tilespmem:s2+$0x14010]  }
0x257: {  	v4 =	vld [tilespmem:s2+$0x14020]  }
0x258: {  	s5 =	sor.u32 $0x4070, s2;
	v1 =	vld [tilespmem:s2+$0x14030]  }
0x259: {  	[tilespmem:s5+$0x0] =	vst.add.f32.msk $0xffff, v0  }
.Ltmp11:
0x25a: {  	v3 =	vld [tilespmem:s2+$0x14040];
	(pc) =	sbr.rel @p0 .LBB2_24-.Ltmp11, $4  }
0x25b: {  	v0 =	vld [tilespmem:s2+$0x14050]  }
0x25c: {  	v2 =	vld [tilespmem:s2+$0x14060]  }
0x25d: {  	[tilespmem:s3+$0x0] =	vst.add.f32.msk $0xffff, v5  }
0x25e: {  	[tilespmem:s4+$0x0] =	vst.add.f32.msk $0xffff, v6  }
0x25f: {  	[tilespmem:s0+$0x0] =	vst.add.f32.msk $0xffff, v4  }
0x260: {  	[tilespmem:s31+$0x0] =	vst.add.f32.msk $0xffff, v1  }
0x261: {  	[tilespmem:s30+$0x0] =	vst.add.f32.msk $0xffff, v3  }
0x262: {  	[tilespmem:s28+$0x0] =	vst.add.f32.msk $0xffff, v0  }
0x263: {  	[tilespmem:s29+$0x0] =	vst.add.f32.msk $0xffff, v2  }
0x264: {  	s25 =	simm.s32 $0x0;
	s0 =	rddreg [dreg:$0x1b]  }
0x265: {  	[hbm4b:s0+s25] =	stream.linear.scatter [tilespmem:s16], [sflag:$0x2], $0x4000, $0x38;
	[tilespmem:$0x1C000] =	vst v63  }
0x266: {  	_ =	swait.ge [sflag:s18], $0x4000  }
0x267: {  	s26 =	sld [smem:$0x7DF]  }
0x268: {  	[sflag:s18] =	ssyncset.done $0x0  }
0x269: {  	[sflag:s18] =	ssyncadd.s32 $0xFFFFC000  }
0x26a: {  	[tilespmem:s15], [sflag:$0x3] =	stream.linear.gather [hbm4b:s26+s25], $0x4000, $0x38;
	[tilespmem:$0x1C000] =	vst v63  }
0x26b: {  	_ =	swait.ge [sflag:s20], $0x4000  }
0x26c: {  	[sflag:s20] =	ssyncset.done $0x0  }
0x26d: {  	[sflag:s20] =	ssyncadd.s32 $0xFFFFC000  }
0x26e: {  	_ =	swait.ge [sflag:s23], $0x4000  }
0x26f: {  	s2 =	sld [smem:$0x7DD]  }
0x270: {  	[sflag:s23] =	ssyncset.done $0x0  }
0x271: {  	s3 =	simm.s32 $0x0;
	[sflag:s23] =	ssyncadd.s32 $0xFFFFC000  }
0x272: {  	[tilespmem:s25], [sflag:$0x1] =	stream.linear.gather [hbm4b:s2+s25], $0x4000, $0x38;
	[tilespmem:$0x1C000] =	vst v63  }
0x273: {  	s0 =	sand.u32 $0x2000, s3;
	s3 =	simm.s32 $0x0;
	s2 =	sand.u32 $0x1C00, s25  }
0x274: {  	s4 =	sand.u32 $0x380, s3;
	s0 =	sor.u32 s2, s0  }
0x275: {  	s2 =	sor.u32 s4, s0  }
0x276: {  	v0 =	vld [tilespmem:s2+$0x18070]  }
0x277: {  	v5 =	vld [tilespmem:s2+$0x18000]  }
0x278: {  	v6 =	vld [tilespmem:s2+$0x18010]  }
0x279: {  	v4 =	vld [tilespmem:s2+$0x18020]  }
0x27a: {  	v1 =	vld [tilespmem:s2+$0x18030]  }
0x27b: {  	v3 =	vld [tilespmem:s2+$0x18040]  }
0x27c: {  	s0 =	sor.u32 $0x8070, s2;
	v2 =	vld [tilespmem:s2+$0x18060]  }
0x27d: {  	[tilespmem:s0+$0x0] =	vst.add.f32.msk $0xffff, v0  }
0x27e: {  	s26 =	simm.s32 $0x0;
	s5 =	sor.u32 $0x8000, s2;
	v0 =	vld [tilespmem:s2+$0x18050]  }
0x27f: {  	s4 =	sor.u32 $0x8010, s2;
	s31 =	sor.u32 $0x8030, s2;
	s30 =	sor.u32 $0x8040, s2;
	[tilespmem:s5+$0x0] =	vst.add.f32.msk $0xffff, v5  }
0x280: {  	s28 =	sor.u32 $0x8050, s2;
	s29 =	sor.u32 $0x8060, s2;
	s0 =	sor.u32 $0x8020, s2;
	[tilespmem:s4+$0x0] =	vst.add.f32.msk $0xffff, v6  }
.LBB2_26:
0x281: {  	s26 =	sadd.s32 $0x8, s26;
	[tilespmem:s0+$0x0] =	vst.add.f32.msk $0xffff, v4  }
0x282: {  	s25 =	sadd.s32 $0x400, s25;
	s0 =	sshll.u32 s26, $0x4;
	p0 =	slt.u32 s26, $0x3F8;
	[tilespmem:s31+$0x0] =	vst.add.f32.msk $0xffff, v1  }
0x283: {  	s2 =	sand.u32 $0x1C00, s25;
	s3 =	sshll.u32 s26, $0x1;
	s0 =	sand.u32 $0x2000, s0;
	[tilespmem:s30+$0x0] =	vst.add.f32.msk $0xffff, v3  }
0x284: {  	s0 =	sor.u32 s2, s0;
	s2 =	sand.u32 $0x380, s3;
	[tilespmem:s28+$0x0] =	vst.add.f32.msk $0xffff, v0  }
0x285: {  	s2 =	sor.u32 s2, s0;
	[tilespmem:s29+$0x0] =	vst.add.f32.msk $0xffff, v2  }
0x286: {  	s3 =	sor.u32 $0x8000, s2;
	s4 =	sor.u32 $0x8010, s2;
	s0 =	sor.u32 $0x8020, s2;
	v0 =	vld [tilespmem:s2+$0x18070]  }
0x287: {  	s31 =	sor.u32 $0x8030, s2;
	s30 =	sor.u32 $0x8040, s2;
	s28 =	sor.u32 $0x8050, s2;
	v5 =	vld [tilespmem:s2+$0x18000]  }
0x288: {  	s29 =	sor.u32 $0x8060, s2;
	v6 =	vld [tilespmem:s2+$0x18010]  }
0x289: {  	v4 =	vld [tilespmem:s2+$0x18020]  }
0x28a: {  	s5 =	sor.u32 $0x8070, s2;
	v1 =	vld [tilespmem:s2+$0x18030]  }
0x28b: {  	[tilespmem:s5+$0x0] =	vst.add.f32.msk $0xffff, v0  }
.Ltmp12:
0x28c: {  	v3 =	vld [tilespmem:s2+$0x18040];
	(pc) =	sbr.rel @p0 .LBB2_26-.Ltmp12, $4  }
0x28d: {  	v0 =	vld [tilespmem:s2+$0x18050]  }
0x28e: {  	v2 =	vld [tilespmem:s2+$0x18060]  }
0x28f: {  	[tilespmem:s3+$0x0] =	vst.add.f32.msk $0xffff, v5  }
0x290: {  	[tilespmem:s4+$0x0] =	vst.add.f32.msk $0xffff, v6  }
0x291: {  	[tilespmem:s0+$0x0] =	vst.add.f32.msk $0xffff, v4  }
0x292: {  	[tilespmem:s31+$0x0] =	vst.add.f32.msk $0xffff, v1  }
0x293: {  	[tilespmem:s30+$0x0] =	vst.add.f32.msk $0xffff, v3  }
0x294: {  	[tilespmem:s28+$0x0] =	vst.add.f32.msk $0xffff, v0  }
0x295: {  	[tilespmem:s29+$0x0] =	vst.add.f32.msk $0xffff, v2  }
0x296: {  	s25 =	simm.s32 $0x0;
	s0 =	rddreg [dreg:$0x1e]  }
0x297: {  	[hbm4b:s0+s25] =	stream.linear.scatter [tilespmem:s17], [sflag:$0x2], $0x4000, $0x38;
	[tilespmem:$0x1C000] =	vst v63  }
0x298: {  	_ =	swait.ge [sflag:s20], $0x4000  }
0x299: {  	[sflag:s20] =	ssyncset.done $0x0  }
0x29a: {  	[sflag:s20] =	ssyncadd.s32 $0xFFFFC000  }
0x29b: {  	_ =	swait.ge [sflag:s23], $0x4000  }
0x29c: {  	s2 =	sld [smem:$0x7E0]  }
0x29d: {  	[sflag:s23] =	ssyncset.done $0x0  }
0x29e: {  	s3 =	simm.s32 $0x0;
	[sflag:s23] =	ssyncadd.s32 $0xFFFFC000  }
0x29f: {  	[tilespmem:s16], [sflag:$0x1] =	stream.linear.gather [hbm4b:s2+s25], $0x4000, $0x38;
	[tilespmem:$0x1C000] =	vst v63  }
0x2a0: {  	s0 =	sand.u32 $0x2000, s3;
	s3 =	simm.s32 $0x0;
	s2 =	sand.u32 $0x1C00, s25  }
0x2a1: {  	s4 =	sand.u32 $0x380, s3;
	s0 =	sor.u32 s2, s0  }
0x2a2: {  	s2 =	sor.u32 s4, s0  }
0x2a3: {  	v0 =	vld [tilespmem:s2+$0x18070]  }
0x2a4: {  	v5 =	vld [tilespmem:s2+$0x18000]  }
0x2a5: {  	v6 =	vld [tilespmem:s2+$0x18010]  }
0x2a6: {  	v4 =	vld [tilespmem:s2+$0x18020]  }
0x2a7: {  	v1 =	vld [tilespmem:s2+$0x18030]  }
0x2a8: {  	v3 =	vld [tilespmem:s2+$0x18040]  }
0x2a9: {  	s0 =	sor.u32 $0xC070, s2;
	v2 =	vld [tilespmem:s2+$0x18060]  }
0x2aa: {  	[tilespmem:s0+$0x0] =	vst.add.f32.msk $0xffff, v0  }
0x2ab: {  	s26 =	simm.s32 $0x0;
	s5 =	sor.u32 $0xC000, s2;
	v0 =	vld [tilespmem:s2+$0x18050]  }
0x2ac: {  	s4 =	sor.u32 $0xC010, s2;
	s31 =	sor.u32 $0xC030, s2;
	s30 =	sor.u32 $0xC040, s2;
	[tilespmem:s5+$0x0] =	vst.add.f32.msk $0xffff, v5  }
0x2ad: {  	s28 =	sor.u32 $0xC050, s2;
	s29 =	sor.u32 $0xC060, s2;
	s0 =	sor.u32 $0xC020, s2;
	[tilespmem:s4+$0x0] =	vst.add.f32.msk $0xffff, v6  }
.LBB2_28:
0x2ae: {  	s26 =	sadd.s32 $0x8, s26;
	[tilespmem:s0+$0x0] =	vst.add.f32.msk $0xffff, v4  }
0x2af: {  	s25 =	sadd.s32 $0x400, s25;
	s0 =	sshll.u32 s26, $0x4;
	p0 =	slt.u32 s26, $0x3F8;
	[tilespmem:s31+$0x0] =	vst.add.f32.msk $0xffff, v1  }
0x2b0: {  	s2 =	sand.u32 $0x1C00, s25;
	s3 =	sshll.u32 s26, $0x1;
	s0 =	sand.u32 $0x2000, s0;
	[tilespmem:s30+$0x0] =	vst.add.f32.msk $0xffff, v3  }
0x2b1: {  	s0 =	sor.u32 s2, s0;
	s2 =	sand.u32 $0x380, s3;
	[tilespmem:s28+$0x0] =	vst.add.f32.msk $0xffff, v0  }
0x2b2: {  	s2 =	sor.u32 s2, s0;
	[tilespmem:s29+$0x0] =	vst.add.f32.msk $0xffff, v2  }
0x2b3: {  	s3 =	sor.u32 $0xC000, s2;
	s4 =	sor.u32 $0xC010, s2;
	s0 =	sor.u32 $0xC020, s2;
	v0 =	vld [tilespmem:s2+$0x18070]  }
0x2b4: {  	s31 =	sor.u32 $0xC030, s2;
	s30 =	sor.u32 $0xC040, s2;
	s28 =	sor.u32 $0xC050, s2;
	v5 =	vld [tilespmem:s2+$0x18000]  }
0x2b5: {  	s29 =	sor.u32 $0xC060, s2;
	v6 =	vld [tilespmem:s2+$0x18010]  }
0x2b6: {  	v4 =	vld [tilespmem:s2+$0x18020]  }
0x2b7: {  	s5 =	sor.u32 $0xC070, s2;
	v1 =	vld [tilespmem:s2+$0x18030]  }
0x2b8: {  	[tilespmem:s5+$0x0] =	vst.add.f32.msk $0xffff, v0  }
.Ltmp13:
0x2b9: {  	v3 =	vld [tilespmem:s2+$0x18040];
	(pc) =	sbr.rel @p0 .LBB2_28-.Ltmp13, $4  }
0x2ba: {  	v0 =	vld [tilespmem:s2+$0x18050]  }
0x2bb: {  	v2 =	vld [tilespmem:s2+$0x18060]  }
0x2bc: {  	[tilespmem:s3+$0x0] =	vst.add.f32.msk $0xffff, v5  }
0x2bd: {  	[tilespmem:s4+$0x0] =	vst.add.f32.msk $0xffff, v6  }
0x2be: {  	[tilespmem:s0+$0x0] =	vst.add.f32.msk $0xffff, v4  }
0x2bf: {  	[tilespmem:s31+$0x0] =	vst.add.f32.msk $0xffff, v1  }
0x2c0: {  	[tilespmem:s30+$0x0] =	vst.add.f32.msk $0xffff, v3  }
0x2c1: {  	[tilespmem:s28+$0x0] =	vst.add.f32.msk $0xffff, v0  }
0x2c2: {  	[tilespmem:s29+$0x0] =	vst.add.f32.msk $0xffff, v2  }
0x2c3: {  	s0 =	sld [smem:$0x7DA];
	_ =	sdelay $0x1  }
0x2c4: {  	s25 =	simm.s32 $0x0  }
0x2c5: {  	[hbm4b:s0+s25] =	stream.linear.scatter [tilespmem:s21], [sflag:$0x2], $0x4000, $0x38;
	[tilespmem:$0x1C000] =	vst v63  }
0x2c6: {  	_ =	swait.ge [sflag:s20], $0x4000  }
0x2c7: {  	[sflag:s20] =	ssyncset.done $0x0  }
0x2c8: {  	[sflag:s20] =	ssyncadd.s32 $0xFFFFC000  }
0x2c9: {  	_ =	swait.ge [sflag:s23], $0x4000  }
0x2ca: {  	s2 =	sld [smem:$0x7E2]  }
0x2cb: {  	[sflag:s23] =	ssyncset.done $0x0  }
0x2cc: {  	s3 =	simm.s32 $0x0;
	[sflag:s23] =	ssyncadd.s32 $0xFFFFC000  }
0x2cd: {  	[tilespmem:s17], [sflag:$0x1] =	stream.linear.gather [hbm4b:s2+s25], $0x4000, $0x38;
	[tilespmem:$0x1C000] =	vst v63  }
0x2ce: {  	s0 =	sand.u32 $0x2000, s3;
	s3 =	simm.s32 $0x0;
	s2 =	sand.u32 $0x1C00, s25  }
0x2cf: {  	s4 =	sand.u32 $0x380, s3;
	s0 =	sor.u32 s2, s0  }
0x2d0: {  	s2 =	sor.u32 s4, s0  }
0x2d1: {  	v0 =	vld [tilespmem:s2+$0x18070]  }
0x2d2: {  	v5 =	vld [tilespmem:s2+$0x18000]  }
0x2d3: {  	v6 =	vld [tilespmem:s2+$0x18010]  }
0x2d4: {  	v4 =	vld [tilespmem:s2+$0x18020]  }
0x2d5: {  	v1 =	vld [tilespmem:s2+$0x18030]  }
0x2d6: {  	v3 =	vld [tilespmem:s2+$0x18040]  }
0x2d7: {  	s0 =	sor.u32 $0x10070, s2;
	v2 =	vld [tilespmem:s2+$0x18060]  }
0x2d8: {  	[tilespmem:s0+$0x0] =	vst.add.f32.msk $0xffff, v0  }
0x2d9: {  	s26 =	simm.s32 $0x0;
	s5 =	sor.u32 $0x10000, s2;
	v0 =	vld [tilespmem:s2+$0x18050]  }
0x2da: {  	s4 =	sor.u32 $0x10010, s2;
	s31 =	sor.u32 $0x10030, s2;
	s30 =	sor.u32 $0x10040, s2;
	[tilespmem:s5+$0x0] =	vst.add.f32.msk $0xffff, v5  }
0x2db: {  	s28 =	sor.u32 $0x10050, s2;
	s29 =	sor.u32 $0x10060, s2;
	s0 =	sor.u32 $0x10020, s2;
	[tilespmem:s4+$0x0] =	vst.add.f32.msk $0xffff, v6  }
.LBB2_30:
0x2dc: {  	s26 =	sadd.s32 $0x8, s26;
	[tilespmem:s0+$0x0] =	vst.add.f32.msk $0xffff, v4  }
0x2dd: {  	s25 =	sadd.s32 $0x400, s25;
	s0 =	sshll.u32 s26, $0x4;
	p0 =	slt.u32 s26, $0x3F8;
	[tilespmem:s31+$0x0] =	vst.add.f32.msk $0xffff, v1  }
0x2de: {  	s2 =	sand.u32 $0x1C00, s25;
	s3 =	sshll.u32 s26, $0x1;
	s0 =	sand.u32 $0x2000, s0;
	[tilespmem:s30+$0x0] =	vst.add.f32.msk $0xffff, v3  }
0x2df: {  	s0 =	sor.u32 s2, s0;
	s2 =	sand.u32 $0x380, s3;
	[tilespmem:s28+$0x0] =	vst.add.f32.msk $0xffff, v0  }
0x2e0: {  	s2 =	sor.u32 s2, s0;
	[tilespmem:s29+$0x0] =	vst.add.f32.msk $0xffff, v2  }
0x2e1: {  	s3 =	sor.u32 $0x10000, s2;
	s4 =	sor.u32 $0x10010, s2;
	s0 =	sor.u32 $0x10020, s2;
	v0 =	vld [tilespmem:s2+$0x18070]  }
0x2e2: {  	s31 =	sor.u32 $0x10030, s2;
	s30 =	sor.u32 $0x10040, s2;
	s28 =	sor.u32 $0x10050, s2;
	v5 =	vld [tilespmem:s2+$0x18000]  }
0x2e3: {  	s29 =	sor.u32 $0x10060, s2;
	v6 =	vld [tilespmem:s2+$0x18010]  }
0x2e4: {  	v4 =	vld [tilespmem:s2+$0x18020]  }
0x2e5: {  	s5 =	sor.u32 $0x10070, s2;
	v1 =	vld [tilespmem:s2+$0x18030]  }
0x2e6: {  	[tilespmem:s5+$0x0] =	vst.add.f32.msk $0xffff, v0  }
.Ltmp14:
0x2e7: {  	v3 =	vld [tilespmem:s2+$0x18040];
	(pc) =	sbr.rel @p0 .LBB2_30-.Ltmp14, $4  }
0x2e8: {  	v0 =	vld [tilespmem:s2+$0x18050]  }
0x2e9: {  	v2 =	vld [tilespmem:s2+$0x18060]  }
0x2ea: {  	[tilespmem:s3+$0x0] =	vst.add.f32.msk $0xffff, v5  }
0x2eb: {  	[tilespmem:s4+$0x0] =	vst.add.f32.msk $0xffff, v6  }
0x2ec: {  	[tilespmem:s0+$0x0] =	vst.add.f32.msk $0xffff, v4  }
0x2ed: {  	[tilespmem:s31+$0x0] =	vst.add.f32.msk $0xffff, v1  }
0x2ee: {  	[tilespmem:s30+$0x0] =	vst.add.f32.msk $0xffff, v3  }
0x2ef: {  	[tilespmem:s28+$0x0] =	vst.add.f32.msk $0xffff, v0  }
0x2f0: {  	[tilespmem:s29+$0x0] =	vst.add.f32.msk $0xffff, v2  }
0x2f1: {  	s0 =	sld [smem:$0x7DC];
	_ =	sdelay $0x1  }
0x2f2: {  	s25 =	simm.s32 $0x0  }
0x2f3: {  	[hbm4b:s0+s25] =	stream.linear.scatter [tilespmem:s22], [sflag:$0x2], $0x4000, $0x38;
	[tilespmem:$0x1C000] =	vst v63  }
0x2f4: {  	_ =	swait.ge [sflag:s20], $0x4000  }
0x2f5: {  	[sflag:s20] =	ssyncset.done $0x0  }
0x2f6: {  	[sflag:s20] =	ssyncadd.s32 $0xFFFFC000  }
0x2f7: {  	_ =	swait.ge [sflag:s23], $0x4000  }
0x2f8: {  	s2 =	sld [smem:$0x7E4]  }
0x2f9: {  	[sflag:s23] =	ssyncset.done $0x0  }
0x2fa: {  	s3 =	simm.s32 $0x0;
	[sflag:s23] =	ssyncadd.s32 $0xFFFFC000  }
0x2fb: {  	[tilespmem:s21], [sflag:$0x1] =	stream.linear.gather [hbm4b:s2+s25], $0x4000, $0x38;
	[tilespmem:$0x1C000] =	vst v63  }
0x2fc: {  	s0 =	sand.u32 $0x2000, s3;
	s3 =	simm.s32 $0x0;
	s2 =	sand.u32 $0x1C00, s25  }
0x2fd: {  	s4 =	sand.u32 $0x380, s3;
	s0 =	sor.u32 s2, s0  }
0x2fe: {  	s2 =	sor.u32 s4, s0  }
0x2ff: {  	v0 =	vld [tilespmem:s2+$0x18070]  }
0x300: {  	v5 =	vld [tilespmem:s2+$0x18000]  }
0x301: {  	v6 =	vld [tilespmem:s2+$0x18010]  }
0x302: {  	v4 =	vld [tilespmem:s2+$0x18020]  }
0x303: {  	v2 =	vld [tilespmem:s2+$0x18030]  }
0x304: {  	v3 =	vld [tilespmem:s2+$0x18040]  }
0x305: {  	s0 =	sor.u32 $0x70, s2;
	v1 =	vld [tilespmem:s2+$0x18060]  }
0x306: {  	[tilespmem:s0+$0x0] =	vst.add.f32.msk $0xffff, v0  }
0x307: {  	s26 =	simm.s32 $0x0;
	v0 =	vld [tilespmem:s2+$0x18050]  }
0x308: {  	s5 =	sor.u32 $0x10, s2;
	s31 =	sor.u32 $0x30, s2;
	s30 =	sor.u32 $0x40, s2;
	[tilespmem:s2+$0x0] =	vst.add.f32.msk $0xffff, v5  }
0x309: {  	s29 =	sor.u32 $0x50, s2;
	s28 =	sor.u32 $0x60, s2;
	s0 =	sor.u32 $0x20, s2;
	[tilespmem:s5+$0x0] =	vst.add.f32.msk $0xffff, v6  }
.LBB2_32:
0x30a: {  	s26 =	sadd.s32 $0x8, s26;
	[tilespmem:s0+$0x0] =	vst.add.f32.msk $0xffff, v4  }
0x30b: {  	s25 =	sadd.s32 $0x400, s25;
	s0 =	sshll.u32 s26, $0x4;
	p0 =	slt.u32 s26, $0x3F8;
	[tilespmem:s31+$0x0] =	vst.add.f32.msk $0xffff, v2  }
0x30c: {  	s2 =	sand.u32 $0x1C00, s25;
	s3 =	sshll.u32 s26, $0x1;
	s0 =	sand.u32 $0x2000, s0;
	[tilespmem:s30+$0x0] =	vst.add.f32.msk $0xffff, v3  }
0x30d: {  	s0 =	sor.u32 s2, s0;
	s2 =	sand.u32 $0x380, s3;
	[tilespmem:s29+$0x0] =	vst.add.f32.msk $0xffff, v0  }
0x30e: {  	s2 =	sor.u32 s2, s0;
	[tilespmem:s28+$0x0] =	vst.add.f32.msk $0xffff, v1  }
0x30f: {  	s3 =	sor.u32 $0x10, s2;
	s0 =	sor.u32 $0x20, s2;
	s31 =	sor.u32 $0x30, s2;
	v0 =	vld [tilespmem:s2+$0x18070]  }
0x310: {  	s30 =	sor.u32 $0x40, s2;
	s29 =	sor.u32 $0x50, s2;
	s28 =	sor.u32 $0x60, s2;
	v5 =	vld [tilespmem:s2+$0x18000]  }
0x311: {  	v6 =	vld [tilespmem:s2+$0x18010]  }
0x312: {  	v4 =	vld [tilespmem:s2+$0x18020]  }
0x313: {  	s4 =	sor.u32 $0x70, s2;
	v2 =	vld [tilespmem:s2+$0x18030]  }
0x314: {  	[tilespmem:s4+$0x0] =	vst.add.f32.msk $0xffff, v0  }
.Ltmp15:
0x315: {  	v3 =	vld [tilespmem:s2+$0x18040];
	(pc) =	sbr.rel @p0 .LBB2_32-.Ltmp15, $4  }
0x316: {  	v0 =	vld [tilespmem:s2+$0x18050]  }
0x317: {  	v1 =	vld [tilespmem:s2+$0x18060]  }
0x318: {  	[tilespmem:s2+$0x0] =	vst.add.f32.msk $0xffff, v5  }
0x319: {  	[tilespmem:s3+$0x0] =	vst.add.f32.msk $0xffff, v6  }
0x31a: {  	[tilespmem:s0+$0x0] =	vst.add.f32.msk $0xffff, v4  }
0x31b: {  	[tilespmem:s31+$0x0] =	vst.add.f32.msk $0xffff, v2  }
0x31c: {  	[tilespmem:s30+$0x0] =	vst.add.f32.msk $0xffff, v3  }
0x31d: {  	[tilespmem:s29+$0x0] =	vst.add.f32.msk $0xffff, v0  }
0x31e: {  	[tilespmem:s28+$0x0] =	vst.add.f32.msk $0xffff, v1  }
0x31f: {  	s0 =	sld [smem:$0x7DE];
	_ =	sdelay $0x1  }
0x320: {  	s25 =	simm.s32 $0x0  }
0x321: {  	[hbm4b:s0+s25] =	stream.linear.scatter [tilespmem:s25], [sflag:$0x2], $0x4000, $0x38;
	[tilespmem:$0x1C000] =	vst v63  }
0x322: {  	_ =	swait.ge [sflag:s18], $0x4000  }
0x323: {  	s26 =	sld [smem:$0x7E8]  }
0x324: {  	[sflag:s18] =	ssyncset.done $0x0  }
0x325: {  	[sflag:s18] =	ssyncadd.s32 $0xFFFFC000  }
0x326: {  	[tilespmem:s19], [sflag:$0x3] =	stream.linear.gather [hbm4b:s26+s25], $0x4000, $0x38;
	[tilespmem:$0x1C000] =	vst v63  }
0x327: {  	_ =	swait.ge [sflag:s20], $0x4000  }
0x328: {  	[sflag:s20] =	ssyncset.done $0x0  }
0x329: {  	[sflag:s20] =	ssyncadd.s32 $0xFFFFC000  }
0x32a: {  	_ =	swait.ge [sflag:s23], $0x4000  }
0x32b: {  	s2 =	sld [smem:$0x7E6]  }
0x32c: {  	[sflag:s23] =	ssyncset.done $0x0  }
0x32d: {  	s3 =	simm.s32 $0x0;
	[sflag:s23] =	ssyncadd.s32 $0xFFFFC000  }
0x32e: {  	[tilespmem:s22], [sflag:$0x1] =	stream.linear.gather [hbm4b:s2+s25], $0x4000, $0x38;
	[tilespmem:$0x1C000] =	vst v63  }
0x32f: {  	s0 =	sand.u32 $0x2000, s3;
	s3 =	simm.s32 $0x0;
	s2 =	sand.u32 $0x1C00, s25  }
0x330: {  	s4 =	sand.u32 $0x380, s3;
	s0 =	sor.u32 s2, s0  }
0x331: {  	s2 =	sor.u32 s4, s0  }
0x332: {  	v0 =	vld [tilespmem:s2+$0x14070]  }
0x333: {  	v5 =	vld [tilespmem:s2+$0x14000]  }
0x334: {  	v6 =	vld [tilespmem:s2+$0x14010]  }
0x335: {  	v4 =	vld [tilespmem:s2+$0x14020]  }
0x336: {  	v1 =	vld [tilespmem:s2+$0x14030]  }
0x337: {  	v3 =	vld [tilespmem:s2+$0x14040]  }
0x338: {  	s0 =	sor.u32 $0x4070, s2;
	v2 =	vld [tilespmem:s2+$0x14060]  }
0x339: {  	[tilespmem:s0+$0x0] =	vst.add.f32.msk $0xffff, v0  }
0x33a: {  	s26 =	simm.s32 $0x0;
	s5 =	sor.u32 $0x4000, s2;
	v0 =	vld [tilespmem:s2+$0x14050]  }
0x33b: {  	s4 =	sor.u32 $0x4010, s2;
	s31 =	sor.u32 $0x4030, s2;
	s30 =	sor.u32 $0x4040, s2;
	[tilespmem:s5+$0x0] =	vst.add.f32.msk $0xffff, v5  }
0x33c: {  	s28 =	sor.u32 $0x4050, s2;
	s29 =	sor.u32 $0x4060, s2;
	s0 =	sor.u32 $0x4020, s2;
	[tilespmem:s4+$0x0] =	vst.add.f32.msk $0xffff, v6  }
.LBB2_34:
0x33d: {  	s26 =	sadd.s32 $0x8, s26;
	[tilespmem:s0+$0x0] =	vst.add.f32.msk $0xffff, v4  }
0x33e: {  	s25 =	sadd.s32 $0x400, s25;
	s0 =	sshll.u32 s26, $0x4;
	p0 =	slt.u32 s26, $0x3F8;
	[tilespmem:s31+$0x0] =	vst.add.f32.msk $0xffff, v1  }
0x33f: {  	s2 =	sand.u32 $0x1C00, s25;
	s3 =	sshll.u32 s26, $0x1;
	s0 =	sand.u32 $0x2000, s0;
	[tilespmem:s30+$0x0] =	vst.add.f32.msk $0xffff, v3  }
0x340: {  	s0 =	sor.u32 s2, s0;
	s2 =	sand.u32 $0x380, s3;
	[tilespmem:s28+$0x0] =	vst.add.f32.msk $0xffff, v0  }
0x341: {  	s2 =	sor.u32 s2, s0;
	[tilespmem:s29+$0x0] =	vst.add.f32.msk $0xffff, v2  }
0x342: {  	s3 =	sor.u32 $0x4000, s2;
	s4 =	sor.u32 $0x4010, s2;
	s0 =	sor.u32 $0x4020, s2;
	v0 =	vld [tilespmem:s2+$0x14070]  }
0x343: {  	s31 =	sor.u32 $0x4030, s2;
	s30 =	sor.u32 $0x4040, s2;
	s28 =	sor.u32 $0x4050, s2;
	v5 =	vld [tilespmem:s2+$0x14000]  }
0x344: {  	s29 =	sor.u32 $0x4060, s2;
	v6 =	vld [tilespmem:s2+$0x14010]  }
0x345: {  	v4 =	vld [tilespmem:s2+$0x14020]  }
0x346: {  	s5 =	sor.u32 $0x4070, s2;
	v1 =	vld [tilespmem:s2+$0x14030]  }
0x347: {  	[tilespmem:s5+$0x0] =	vst.add.f32.msk $0xffff, v0  }
.Ltmp16:
0x348: {  	v3 =	vld [tilespmem:s2+$0x14040];
	(pc) =	sbr.rel @p0 .LBB2_34-.Ltmp16, $4  }
0x349: {  	v0 =	vld [tilespmem:s2+$0x14050]  }
0x34a: {  	v2 =	vld [tilespmem:s2+$0x14060]  }
0x34b: {  	[tilespmem:s3+$0x0] =	vst.add.f32.msk $0xffff, v5  }
0x34c: {  	[tilespmem:s4+$0x0] =	vst.add.f32.msk $0xffff, v6  }
0x34d: {  	[tilespmem:s0+$0x0] =	vst.add.f32.msk $0xffff, v4  }
0x34e: {  	[tilespmem:s31+$0x0] =	vst.add.f32.msk $0xffff, v1  }
0x34f: {  	[tilespmem:s30+$0x0] =	vst.add.f32.msk $0xffff, v3  }
0x350: {  	[tilespmem:s28+$0x0] =	vst.add.f32.msk $0xffff, v0  }
0x351: {  	[tilespmem:s29+$0x0] =	vst.add.f32.msk $0xffff, v2  }
0x352: {  	s0 =	sld [smem:$0x7E1];
	_ =	sdelay $0x1  }
0x353: {  	s25 =	simm.s32 $0x0  }
0x354: {  	[hbm4b:s0+s25] =	stream.linear.scatter [tilespmem:s16], [sflag:$0x2], $0x4000, $0x38;
	[tilespmem:$0x1C000] =	vst v63  }
0x355: {  	_ =	swait.ge [sflag:s20], $0x4000  }
0x356: {  	[sflag:s20] =	ssyncset.done $0x0  }
0x357: {  	[sflag:s20] =	ssyncadd.s32 $0xFFFFC000  }
0x358: {  	_ =	swait.ge [sflag:s23], $0x4000  }
0x359: {  	s2 =	sld [smem:$0x7E9]  }
0x35a: {  	[sflag:s23] =	ssyncset.done $0x0  }
0x35b: {  	s3 =	simm.s32 $0x0;
	[sflag:s23] =	ssyncadd.s32 $0xFFFFC000  }
0x35c: {  	[tilespmem:s25], [sflag:$0x1] =	stream.linear.gather [hbm4b:s2+s25], $0x4000, $0x38;
	[tilespmem:$0x1C000] =	vst v63  }
0x35d: {  	s0 =	sand.u32 $0x2000, s3;
	s3 =	simm.s32 $0x0;
	s2 =	sand.u32 $0x1C00, s25  }
0x35e: {  	s4 =	sand.u32 $0x380, s3;
	s0 =	sor.u32 s2, s0  }
0x35f: {  	s2 =	sor.u32 s4, s0  }
0x360: {  	v0 =	vld [tilespmem:s2+$0x14070]  }
0x361: {  	v5 =	vld [tilespmem:s2+$0x14000]  }
0x362: {  	v6 =	vld [tilespmem:s2+$0x14010]  }
0x363: {  	v4 =	vld [tilespmem:s2+$0x14020]  }
0x364: {  	v1 =	vld [tilespmem:s2+$0x14030]  }
0x365: {  	v3 =	vld [tilespmem:s2+$0x14040]  }
0x366: {  	s0 =	sor.u32 $0x8070, s2;
	v2 =	vld [tilespmem:s2+$0x14060]  }
0x367: {  	[tilespmem:s0+$0x0] =	vst.add.f32.msk $0xffff, v0  }
0x368: {  	s26 =	simm.s32 $0x0;
	s5 =	sor.u32 $0x8000, s2;
	v0 =	vld [tilespmem:s2+$0x14050]  }
0x369: {  	s4 =	sor.u32 $0x8010, s2;
	s31 =	sor.u32 $0x8030, s2;
	s30 =	sor.u32 $0x8040, s2;
	[tilespmem:s5+$0x0] =	vst.add.f32.msk $0xffff, v5  }
0x36a: {  	s28 =	sor.u32 $0x8050, s2;
	s29 =	sor.u32 $0x8060, s2;
	s0 =	sor.u32 $0x8020, s2;
	[tilespmem:s4+$0x0] =	vst.add.f32.msk $0xffff, v6  }
.LBB2_36:
0x36b: {  	s26 =	sadd.s32 $0x8, s26;
	[tilespmem:s0+$0x0] =	vst.add.f32.msk $0xffff, v4  }
0x36c: {  	s25 =	sadd.s32 $0x400, s25;
	s0 =	sshll.u32 s26, $0x4;
	p0 =	slt.u32 s26, $0x3F8;
	[tilespmem:s31+$0x0] =	vst.add.f32.msk $0xffff, v1  }
0x36d: {  	s2 =	sand.u32 $0x1C00, s25;
	s3 =	sshll.u32 s26, $0x1;
	s0 =	sand.u32 $0x2000, s0;
	[tilespmem:s30+$0x0] =	vst.add.f32.msk $0xffff, v3  }
0x36e: {  	s0 =	sor.u32 s2, s0;
	s2 =	sand.u32 $0x380, s3;
	[tilespmem:s28+$0x0] =	vst.add.f32.msk $0xffff, v0  }
0x36f: {  	s2 =	sor.u32 s2, s0;
	[tilespmem:s29+$0x0] =	vst.add.f32.msk $0xffff, v2  }
0x370: {  	s3 =	sor.u32 $0x8000, s2;
	s4 =	sor.u32 $0x8010, s2;
	s0 =	sor.u32 $0x8020, s2;
	v0 =	vld [tilespmem:s2+$0x14070]  }
0x371: {  	s31 =	sor.u32 $0x8030, s2;
	s30 =	sor.u32 $0x8040, s2;
	s28 =	sor.u32 $0x8050, s2;
	v5 =	vld [tilespmem:s2+$0x14000]  }
0x372: {  	s29 =	sor.u32 $0x8060, s2;
	v6 =	vld [tilespmem:s2+$0x14010]  }
0x373: {  	v4 =	vld [tilespmem:s2+$0x14020]  }
0x374: {  	s5 =	sor.u32 $0x8070, s2;
	v1 =	vld [tilespmem:s2+$0x14030]  }
0x375: {  	[tilespmem:s5+$0x0] =	vst.add.f32.msk $0xffff, v0  }
.Ltmp17:
0x376: {  	v3 =	vld [tilespmem:s2+$0x14040];
	(pc) =	sbr.rel @p0 .LBB2_36-.Ltmp17, $4  }
0x377: {  	v0 =	vld [tilespmem:s2+$0x14050]  }
0x378: {  	v2 =	vld [tilespmem:s2+$0x14060]  }
0x379: {  	[tilespmem:s3+$0x0] =	vst.add.f32.msk $0xffff, v5  }
0x37a: {  	[tilespmem:s4+$0x0] =	vst.add.f32.msk $0xffff, v6  }
0x37b: {  	[tilespmem:s0+$0x0] =	vst.add.f32.msk $0xffff, v4  }
0x37c: {  	[tilespmem:s31+$0x0] =	vst.add.f32.msk $0xffff, v1  }
0x37d: {  	[tilespmem:s30+$0x0] =	vst.add.f32.msk $0xffff, v3  }
0x37e: {  	[tilespmem:s28+$0x0] =	vst.add.f32.msk $0xffff, v0  }
0x37f: {  	[tilespmem:s29+$0x0] =	vst.add.f32.msk $0xffff, v2  }
0x380: {  	s0 =	sld [smem:$0x7E3];
	_ =	sdelay $0x1  }
0x381: {  	s25 =	simm.s32 $0x0  }
0x382: {  	[hbm4b:s0+s25] =	stream.linear.scatter [tilespmem:s17], [sflag:$0x2], $0x4000, $0x38;
	[tilespmem:$0x1C000] =	vst v63  }
0x383: {  	_ =	swait.ge [sflag:s20], $0x4000  }
0x384: {  	[sflag:s20] =	ssyncset.done $0x0  }
0x385: {  	[sflag:s20] =	ssyncadd.s32 $0xFFFFC000  }
0x386: {  	_ =	swait.ge [sflag:s23], $0x4000  }
0x387: {  	s2 =	sld [smem:$0x7EB]  }
0x388: {  	[sflag:s23] =	ssyncset.done $0x0  }
0x389: {  	s3 =	simm.s32 $0x0;
	[sflag:s23] =	ssyncadd.s32 $0xFFFFC000  }
0x38a: {  	[tilespmem:s16], [sflag:$0x1] =	stream.linear.gather [hbm4b:s2+s25], $0x4000, $0x38;
	[tilespmem:$0x1C000] =	vst v63  }
0x38b: {  	s0 =	sand.u32 $0x2000, s3;
	s3 =	simm.s32 $0x0;
	s2 =	sand.u32 $0x1C00, s25  }
0x38c: {  	s4 =	sand.u32 $0x380, s3;
	s0 =	sor.u32 s2, s0  }
0x38d: {  	s2 =	sor.u32 s4, s0  }
0x38e: {  	v0 =	vld [tilespmem:s2+$0x14070]  }
0x38f: {  	v5 =	vld [tilespmem:s2+$0x14000]  }
0x390: {  	v6 =	vld [tilespmem:s2+$0x14010]  }
0x391: {  	v4 =	vld [tilespmem:s2+$0x14020]  }
0x392: {  	v1 =	vld [tilespmem:s2+$0x14030]  }
0x393: {  	v3 =	vld [tilespmem:s2+$0x14040]  }
0x394: {  	s0 =	sor.u32 $0xC070, s2;
	v2 =	vld [tilespmem:s2+$0x14060]  }
0x395: {  	[tilespmem:s0+$0x0] =	vst.add.f32.msk $0xffff, v0  }
0x396: {  	s26 =	simm.s32 $0x0;
	s5 =	sor.u32 $0xC000, s2;
	v0 =	vld [tilespmem:s2+$0x14050]  }
0x397: {  	s4 =	sor.u32 $0xC010, s2;
	s31 =	sor.u32 $0xC030, s2;
	s30 =	sor.u32 $0xC040, s2;
	[tilespmem:s5+$0x0] =	vst.add.f32.msk $0xffff, v5  }
0x398: {  	s28 =	sor.u32 $0xC050, s2;
	s29 =	sor.u32 $0xC060, s2;
	s0 =	sor.u32 $0xC020, s2;
	[tilespmem:s4+$0x0] =	vst.add.f32.msk $0xffff, v6  }
.LBB2_38:
0x399: {  	s26 =	sadd.s32 $0x8, s26;
	[tilespmem:s0+$0x0] =	vst.add.f32.msk $0xffff, v4  }
0x39a: {  	s25 =	sadd.s32 $0x400, s25;
	s0 =	sshll.u32 s26, $0x4;
	p0 =	slt.u32 s26, $0x3F8;
	[tilespmem:s31+$0x0] =	vst.add.f32.msk $0xffff, v1  }
0x39b: {  	s2 =	sand.u32 $0x1C00, s25;
	s3 =	sshll.u32 s26, $0x1;
	s0 =	sand.u32 $0x2000, s0;
	[tilespmem:s30+$0x0] =	vst.add.f32.msk $0xffff, v3  }
0x39c: {  	s0 =	sor.u32 s2, s0;
	s2 =	sand.u32 $0x380, s3;
	[tilespmem:s28+$0x0] =	vst.add.f32.msk $0xffff, v0  }
0x39d: {  	s2 =	sor.u32 s2, s0;
	[tilespmem:s29+$0x0] =	vst.add.f32.msk $0xffff, v2  }
0x39e: {  	s3 =	sor.u32 $0xC000, s2;
	s4 =	sor.u32 $0xC010, s2;
	s0 =	sor.u32 $0xC020, s2;
	v0 =	vld [tilespmem:s2+$0x14070]  }
0x39f: {  	s31 =	sor.u32 $0xC030, s2;
	s30 =	sor.u32 $0xC040, s2;
	s28 =	sor.u32 $0xC050, s2;
	v5 =	vld [tilespmem:s2+$0x14000]  }
0x3a0: {  	s29 =	sor.u32 $0xC060, s2;
	v6 =	vld [tilespmem:s2+$0x14010]  }
0x3a1: {  	v4 =	vld [tilespmem:s2+$0x14020]  }
0x3a2: {  	s5 =	sor.u32 $0xC070, s2;
	v1 =	vld [tilespmem:s2+$0x14030]  }
0x3a3: {  	[tilespmem:s5+$0x0] =	vst.add.f32.msk $0xffff, v0  }
.Ltmp18:
0x3a4: {  	v3 =	vld [tilespmem:s2+$0x14040];
	(pc) =	sbr.rel @p0 .LBB2_38-.Ltmp18, $4  }
0x3a5: {  	v0 =	vld [tilespmem:s2+$0x14050]  }
0x3a6: {  	v2 =	vld [tilespmem:s2+$0x14060]  }
0x3a7: {  	[tilespmem:s3+$0x0] =	vst.add.f32.msk $0xffff, v5  }
0x3a8: {  	[tilespmem:s4+$0x0] =	vst.add.f32.msk $0xffff, v6  }
0x3a9: {  	[tilespmem:s0+$0x0] =	vst.add.f32.msk $0xffff, v4  }
0x3aa: {  	[tilespmem:s31+$0x0] =	vst.add.f32.msk $0xffff, v1  }
0x3ab: {  	[tilespmem:s30+$0x0] =	vst.add.f32.msk $0xffff, v3  }
0x3ac: {  	[tilespmem:s28+$0x0] =	vst.add.f32.msk $0xffff, v0  }
0x3ad: {  	[tilespmem:s29+$0x0] =	vst.add.f32.msk $0xffff, v2  }
0x3ae: {  	s0 =	sld [smem:$0x7E5];
	_ =	sdelay $0x1  }
0x3af: {  	s25 =	simm.s32 $0x0  }
0x3b0: {  	[hbm4b:s0+s25] =	stream.linear.scatter [tilespmem:s21], [sflag:$0x2], $0x4000, $0x38;
	[tilespmem:$0x1C000] =	vst v63  }
0x3b1: {  	_ =	swait.ge [sflag:s20], $0x4000  }
0x3b2: {  	[sflag:s20] =	ssyncset.done $0x0  }
0x3b3: {  	[sflag:s20] =	ssyncadd.s32 $0xFFFFC000  }
0x3b4: {  	_ =	swait.ge [sflag:s23], $0x4000  }
0x3b5: {  	s2 =	sld [smem:$0x7ED]  }
0x3b6: {  	[sflag:s23] =	ssyncset.done $0x0  }
0x3b7: {  	s3 =	simm.s32 $0x0;
	[sflag:s23] =	ssyncadd.s32 $0xFFFFC000  }
0x3b8: {  	[tilespmem:s17], [sflag:$0x1] =	stream.linear.gather [hbm4b:s2+s25], $0x4000, $0x38;
	[tilespmem:$0x1C000] =	vst v63  }
0x3b9: {  	s0 =	sand.u32 $0x2000, s3;
	s3 =	simm.s32 $0x0;
	s2 =	sand.u32 $0x1C00, s25  }
0x3ba: {  	s4 =	sand.u32 $0x380, s3;
	s0 =	sor.u32 s2, s0  }
0x3bb: {  	s2 =	sor.u32 s4, s0  }
0x3bc: {  	v0 =	vld [tilespmem:s2+$0x14070]  }
0x3bd: {  	v5 =	vld [tilespmem:s2+$0x14000]  }
0x3be: {  	v6 =	vld [tilespmem:s2+$0x14010]  }
0x3bf: {  	v4 =	vld [tilespmem:s2+$0x14020]  }
0x3c0: {  	v1 =	vld [tilespmem:s2+$0x14030]  }
0x3c1: {  	v3 =	vld [tilespmem:s2+$0x14040]  }
0x3c2: {  	s0 =	sor.u32 $0x10070, s2;
	v2 =	vld [tilespmem:s2+$0x14060]  }
0x3c3: {  	[tilespmem:s0+$0x0] =	vst.add.f32.msk $0xffff, v0  }
0x3c4: {  	s26 =	simm.s32 $0x0;
	s5 =	sor.u32 $0x10000, s2;
	v0 =	vld [tilespmem:s2+$0x14050]  }
0x3c5: {  	s4 =	sor.u32 $0x10010, s2;
	s31 =	sor.u32 $0x10030, s2;
	s30 =	sor.u32 $0x10040, s2;
	[tilespmem:s5+$0x0] =	vst.add.f32.msk $0xffff, v5  }
0x3c6: {  	s28 =	sor.u32 $0x10050, s2;
	s29 =	sor.u32 $0x10060, s2;
	s0 =	sor.u32 $0x10020, s2;
	[tilespmem:s4+$0x0] =	vst.add.f32.msk $0xffff, v6  }
.LBB2_40:
0x3c7: {  	s26 =	sadd.s32 $0x8, s26;
	[tilespmem:s0+$0x0] =	vst.add.f32.msk $0xffff, v4  }
0x3c8: {  	s25 =	sadd.s32 $0x400, s25;
	s0 =	sshll.u32 s26, $0x4;
	p0 =	slt.u32 s26, $0x3F8;
	[tilespmem:s31+$0x0] =	vst.add.f32.msk $0xffff, v1  }
0x3c9: {  	s2 =	sand.u32 $0x1C00, s25;
	s3 =	sshll.u32 s26, $0x1;
	s0 =	sand.u32 $0x2000, s0;
	[tilespmem:s30+$0x0] =	vst.add.f32.msk $0xffff, v3  }
0x3ca: {  	s0 =	sor.u32 s2, s0;
	s2 =	sand.u32 $0x380, s3;
	[tilespmem:s28+$0x0] =	vst.add.f32.msk $0xffff, v0  }
0x3cb: {  	s2 =	sor.u32 s2, s0;
	[tilespmem:s29+$0x0] =	vst.add.f32.msk $0xffff, v2  }
0x3cc: {  	s3 =	sor.u32 $0x10000, s2;
	s4 =	sor.u32 $0x10010, s2;
	s0 =	sor.u32 $0x10020, s2;
	v0 =	vld [tilespmem:s2+$0x14070]  }
0x3cd: {  	s31 =	sor.u32 $0x10030, s2;
	s30 =	sor.u32 $0x10040, s2;
	s28 =	sor.u32 $0x10050, s2;
	v5 =	vld [tilespmem:s2+$0x14000]  }
0x3ce: {  	s29 =	sor.u32 $0x10060, s2;
	v6 =	vld [tilespmem:s2+$0x14010]  }
0x3cf: {  	v4 =	vld [tilespmem:s2+$0x14020]  }
0x3d0: {  	s5 =	sor.u32 $0x10070, s2;
	v1 =	vld [tilespmem:s2+$0x14030]  }
0x3d1: {  	[tilespmem:s5+$0x0] =	vst.add.f32.msk $0xffff, v0  }
.Ltmp19:
0x3d2: {  	v3 =	vld [tilespmem:s2+$0x14040];
	(pc) =	sbr.rel @p0 .LBB2_40-.Ltmp19, $4  }
0x3d3: {  	v0 =	vld [tilespmem:s2+$0x14050]  }
0x3d4: {  	v2 =	vld [tilespmem:s2+$0x14060]  }
0x3d5: {  	[tilespmem:s3+$0x0] =	vst.add.f32.msk $0xffff, v5  }
0x3d6: {  	[tilespmem:s4+$0x0] =	vst.add.f32.msk $0xffff, v6  }
0x3d7: {  	[tilespmem:s0+$0x0] =	vst.add.f32.msk $0xffff, v4  }
0x3d8: {  	[tilespmem:s31+$0x0] =	vst.add.f32.msk $0xffff, v1  }
0x3d9: {  	[tilespmem:s30+$0x0] =	vst.add.f32.msk $0xffff, v3  }
0x3da: {  	[tilespmem:s28+$0x0] =	vst.add.f32.msk $0xffff, v0  }
0x3db: {  	[tilespmem:s29+$0x0] =	vst.add.f32.msk $0xffff, v2  }
0x3dc: {  	s0 =	sld [smem:$0x7E7];
	_ =	sdelay $0x1  }
0x3dd: {  	s25 =	simm.s32 $0x0  }
0x3de: {  	[hbm4b:s0+s25] =	stream.linear.scatter [tilespmem:s22], [sflag:$0x2], $0x4000, $0x38;
	[tilespmem:$0x1C000] =	vst v63  }
0x3df: {  	_ =	swait.ge [sflag:s18], $0x4000  }
0x3e0: {  	s26 =	sld [smem:$0x7F2]  }
0x3e1: {  	[sflag:s18] =	ssyncset.done $0x0  }
0x3e2: {  	[sflag:s18] =	ssyncadd.s32 $0xFFFFC000  }
0x3e3: {  	[tilespmem:s15], [sflag:$0x3] =	stream.linear.gather [hbm4b:s26+s25], $0x4000, $0x38;
	[tilespmem:$0x1C000] =	vst v63  }
0x3e4: {  	_ =	swait.ge [sflag:s20], $0x4000  }
0x3e5: {  	[sflag:s20] =	ssyncset.done $0x0  }
0x3e6: {  	[sflag:s20] =	ssyncadd.s32 $0xFFFFC000  }
0x3e7: {  	_ =	swait.ge [sflag:s23], $0x4000  }
0x3e8: {  	s2 =	sld [smem:$0x7EF]  }
0x3e9: {  	[sflag:s23] =	ssyncset.done $0x0  }
0x3ea: {  	s3 =	simm.s32 $0x0;
	[sflag:s23] =	ssyncadd.s32 $0xFFFFC000  }
0x3eb: {  	[tilespmem:s21], [sflag:$0x1] =	stream.linear.gather [hbm4b:s2+s25], $0x4000, $0x38;
	[tilespmem:$0x1C000] =	vst v63  }
0x3ec: {  	s0 =	sand.u32 $0x2000, s3;
	s3 =	simm.s32 $0x0;
	s2 =	sand.u32 $0x1C00, s25  }
0x3ed: {  	s4 =	sand.u32 $0x380, s3;
	s0 =	sor.u32 s2, s0  }
0x3ee: {  	s2 =	sor.u32 s4, s0  }
0x3ef: {  	v0 =	vld [tilespmem:s2+$0x18070]  }
0x3f0: {  	v5 =	vld [tilespmem:s2+$0x18000]  }
0x3f1: {  	v6 =	vld [tilespmem:s2+$0x18010]  }
0x3f2: {  	v4 =	vld [tilespmem:s2+$0x18020]  }
0x3f3: {  	v2 =	vld [tilespmem:s2+$0x18030]  }
0x3f4: {  	v3 =	vld [tilespmem:s2+$0x18040]  }
0x3f5: {  	s0 =	sor.u32 $0x70, s2;
	v1 =	vld [tilespmem:s2+$0x18060]  }
0x3f6: {  	[tilespmem:s0+$0x0] =	vst.add.f32.msk $0xffff, v0  }
0x3f7: {  	s26 =	simm.s32 $0x0;
	v0 =	vld [tilespmem:s2+$0x18050]  }
0x3f8: {  	s5 =	sor.u32 $0x10, s2;
	s31 =	sor.u32 $0x30, s2;
	s30 =	sor.u32 $0x40, s2;
	[tilespmem:s2+$0x0] =	vst.add.f32.msk $0xffff, v5  }
0x3f9: {  	s29 =	sor.u32 $0x50, s2;
	s28 =	sor.u32 $0x60, s2;
	s0 =	sor.u32 $0x20, s2;
	[tilespmem:s5+$0x0] =	vst.add.f32.msk $0xffff, v6  }
.LBB2_42:
0x3fa: {  	s26 =	sadd.s32 $0x8, s26;
	[tilespmem:s0+$0x0] =	vst.add.f32.msk $0xffff, v4  }
0x3fb: {  	s25 =	sadd.s32 $0x400, s25;
	s0 =	sshll.u32 s26, $0x4;
	p0 =	slt.u32 s26, $0x3F8;
	[tilespmem:s31+$0x0] =	vst.add.f32.msk $0xffff, v2  }
0x3fc: {  	s2 =	sand.u32 $0x1C00, s25;
	s3 =	sshll.u32 s26, $0x1;
	s0 =	sand.u32 $0x2000, s0;
	[tilespmem:s30+$0x0] =	vst.add.f32.msk $0xffff, v3  }
0x3fd: {  	s0 =	sor.u32 s2, s0;
	s2 =	sand.u32 $0x380, s3;
	[tilespmem:s29+$0x0] =	vst.add.f32.msk $0xffff, v0  }
0x3fe: {  	s2 =	sor.u32 s2, s0;
	[tilespmem:s28+$0x0] =	vst.add.f32.msk $0xffff, v1  }
0x3ff: {  	s3 =	sor.u32 $0x10, s2;
	s0 =	sor.u32 $0x20, s2;
	s31 =	sor.u32 $0x30, s2;
	v0 =	vld [tilespmem:s2+$0x18070]  }
0x400: {  	s30 =	sor.u32 $0x40, s2;
	s29 =	sor.u32 $0x50, s2;
	s28 =	sor.u32 $0x60, s2;
	v5 =	vld [tilespmem:s2+$0x18000]  }
0x401: {  	v6 =	vld [tilespmem:s2+$0x18010]  }
0x402: {  	v4 =	vld [tilespmem:s2+$0x18020]  }
0x403: {  	s4 =	sor.u32 $0x70, s2;
	v2 =	vld [tilespmem:s2+$0x18030]  }
0x404: {  	[tilespmem:s4+$0x0] =	vst.add.f32.msk $0xffff, v0  }
.Ltmp20:
0x405: {  	v3 =	vld [tilespmem:s2+$0x18040];
	(pc) =	sbr.rel @p0 .LBB2_42-.Ltmp20, $4  }
0x406: {  	v0 =	vld [tilespmem:s2+$0x18050]  }
0x407: {  	v1 =	vld [tilespmem:s2+$0x18060]  }
0x408: {  	[tilespmem:s2+$0x0] =	vst.add.f32.msk $0xffff, v5  }
0x409: {  	[tilespmem:s3+$0x0] =	vst.add.f32.msk $0xffff, v6  }
0x40a: {  	[tilespmem:s0+$0x0] =	vst.add.f32.msk $0xffff, v4  }
0x40b: {  	[tilespmem:s31+$0x0] =	vst.add.f32.msk $0xffff, v2  }
0x40c: {  	[tilespmem:s30+$0x0] =	vst.add.f32.msk $0xffff, v3  }
0x40d: {  	[tilespmem:s29+$0x0] =	vst.add.f32.msk $0xffff, v0  }
0x40e: {  	[tilespmem:s28+$0x0] =	vst.add.f32.msk $0xffff, v1  }
0x40f: {  	s0 =	sld [smem:$0x7EA];
	_ =	sdelay $0x1  }
0x410: {  	s25 =	simm.s32 $0x0  }
0x411: {  	[hbm4b:s0+s25] =	stream.linear.scatter [tilespmem:s25], [sflag:$0x2], $0x4000, $0x38;
	[tilespmem:$0x1C000] =	vst v63  }
0x412: {  	_ =	swait.ge [sflag:s20], $0x4000  }
0x413: {  	[sflag:s20] =	ssyncset.done $0x0  }
0x414: {  	[sflag:s20] =	ssyncadd.s32 $0xFFFFC000  }
0x415: {  	_ =	swait.ge [sflag:s23], $0x4000  }
0x416: {  	s2 =	sld [smem:$0x7F4]  }
0x417: {  	[sflag:s23] =	ssyncset.done $0x0  }
0x418: {  	s3 =	simm.s32 $0x0;
	[sflag:s23] =	ssyncadd.s32 $0xFFFFC000  }
0x419: {  	[tilespmem:s22], [sflag:$0x1] =	stream.linear.gather [hbm4b:s2+s25], $0x4000, $0x38;
	[tilespmem:$0x1C000] =	vst v63  }
0x41a: {  	s0 =	sand.u32 $0x2000, s3;
	s3 =	simm.s32 $0x0;
	s2 =	sand.u32 $0x1C00, s25  }
0x41b: {  	s4 =	sand.u32 $0x380, s3;
	s0 =	sor.u32 s2, s0  }
0x41c: {  	s2 =	sor.u32 s4, s0  }
0x41d: {  	v0 =	vld [tilespmem:s2+$0x18070]  }
0x41e: {  	v5 =	vld [tilespmem:s2+$0x18000]  }
0x41f: {  	v6 =	vld [tilespmem:s2+$0x18010]  }
0x420: {  	v4 =	vld [tilespmem:s2+$0x18020]  }
0x421: {  	v1 =	vld [tilespmem:s2+$0x18030]  }
0x422: {  	v3 =	vld [tilespmem:s2+$0x18040]  }
0x423: {  	s0 =	sor.u32 $0x4070, s2;
	v2 =	vld [tilespmem:s2+$0x18060]  }
0x424: {  	[tilespmem:s0+$0x0] =	vst.add.f32.msk $0xffff, v0  }
0x425: {  	s26 =	simm.s32 $0x0;
	s5 =	sor.u32 $0x4000, s2;
	v0 =	vld [tilespmem:s2+$0x18050]  }
0x426: {  	s4 =	sor.u32 $0x4010, s2;
	s31 =	sor.u32 $0x4030, s2;
	s30 =	sor.u32 $0x4040, s2;
	[tilespmem:s5+$0x0] =	vst.add.f32.msk $0xffff, v5  }
0x427: {  	s28 =	sor.u32 $0x4050, s2;
	s29 =	sor.u32 $0x4060, s2;
	s0 =	sor.u32 $0x4020, s2;
	[tilespmem:s4+$0x0] =	vst.add.f32.msk $0xffff, v6  }
.LBB2_44:
0x428: {  	s26 =	sadd.s32 $0x8, s26;
	[tilespmem:s0+$0x0] =	vst.add.f32.msk $0xffff, v4  }
0x429: {  	s25 =	sadd.s32 $0x400, s25;
	s0 =	sshll.u32 s26, $0x4;
	p0 =	slt.u32 s26, $0x3F8;
	[tilespmem:s31+$0x0] =	vst.add.f32.msk $0xffff, v1  }
0x42a: {  	s2 =	sand.u32 $0x1C00, s25;
	s3 =	sshll.u32 s26, $0x1;
	s0 =	sand.u32 $0x2000, s0;
	[tilespmem:s30+$0x0] =	vst.add.f32.msk $0xffff, v3  }
0x42b: {  	s0 =	sor.u32 s2, s0;
	s2 =	sand.u32 $0x380, s3;
	[tilespmem:s28+$0x0] =	vst.add.f32.msk $0xffff, v0  }
0x42c: {  	s2 =	sor.u32 s2, s0;
	[tilespmem:s29+$0x0] =	vst.add.f32.msk $0xffff, v2  }
0x42d: {  	s3 =	sor.u32 $0x4000, s2;
	s4 =	sor.u32 $0x4010, s2;
	s0 =	sor.u32 $0x4020, s2;
	v0 =	vld [tilespmem:s2+$0x18070]  }
0x42e: {  	s31 =	sor.u32 $0x4030, s2;
	s30 =	sor.u32 $0x4040, s2;
	s28 =	sor.u32 $0x4050, s2;
	v5 =	vld [tilespmem:s2+$0x18000]  }
0x42f: {  	s29 =	sor.u32 $0x4060, s2;
	v6 =	vld [tilespmem:s2+$0x18010]  }
0x430: {  	v4 =	vld [tilespmem:s2+$0x18020]  }
0x431: {  	s5 =	sor.u32 $0x4070, s2;
	v1 =	vld [tilespmem:s2+$0x18030]  }
0x432: {  	[tilespmem:s5+$0x0] =	vst.add.f32.msk $0xffff, v0  }
.Ltmp21:
0x433: {  	v3 =	vld [tilespmem:s2+$0x18040];
	(pc) =	sbr.rel @p0 .LBB2_44-.Ltmp21, $4  }
0x434: {  	v0 =	vld [tilespmem:s2+$0x18050]  }
0x435: {  	v2 =	vld [tilespmem:s2+$0x18060]  }
0x436: {  	[tilespmem:s3+$0x0] =	vst.add.f32.msk $0xffff, v5  }
0x437: {  	[tilespmem:s4+$0x0] =	vst.add.f32.msk $0xffff, v6  }
0x438: {  	[tilespmem:s0+$0x0] =	vst.add.f32.msk $0xffff, v4  }
0x439: {  	[tilespmem:s31+$0x0] =	vst.add.f32.msk $0xffff, v1  }
0x43a: {  	[tilespmem:s30+$0x0] =	vst.add.f32.msk $0xffff, v3  }
0x43b: {  	[tilespmem:s28+$0x0] =	vst.add.f32.msk $0xffff, v0  }
0x43c: {  	[tilespmem:s29+$0x0] =	vst.add.f32.msk $0xffff, v2  }
0x43d: {  	s0 =	sld [smem:$0x7EC];
	_ =	sdelay $0x1  }
0x43e: {  	s25 =	simm.s32 $0x0  }
0x43f: {  	[hbm4b:s0+s25] =	stream.linear.scatter [tilespmem:s16], [sflag:$0x2], $0x4000, $0x38;
	[tilespmem:$0x1C000] =	vst v63  }
0x440: {  	_ =	swait.ge [sflag:s20], $0x4000  }
0x441: {  	[sflag:s20] =	ssyncset.done $0x0  }
0x442: {  	[sflag:s20] =	ssyncadd.s32 $0xFFFFC000  }
0x443: {  	_ =	swait.ge [sflag:s23], $0x4000  }
0x444: {  	s2 =	sld [smem:$0x7F6]  }
0x445: {  	[sflag:s23] =	ssyncset.done $0x0  }
0x446: {  	s3 =	simm.s32 $0x0;
	[sflag:s23] =	ssyncadd.s32 $0xFFFFC000  }
0x447: {  	[tilespmem:s25], [sflag:$0x1] =	stream.linear.gather [hbm4b:s2+s25], $0x4000, $0x38;
	[tilespmem:$0x1C000] =	vst v63  }
0x448: {  	s0 =	sand.u32 $0x2000, s3;
	s3 =	simm.s32 $0x0;
	s2 =	sand.u32 $0x1C00, s25  }
0x449: {  	s4 =	sand.u32 $0x380, s3;
	s0 =	sor.u32 s2, s0  }
0x44a: {  	s2 =	sor.u32 s4, s0  }
0x44b: {  	v0 =	vld [tilespmem:s2+$0x18070]  }
0x44c: {  	v5 =	vld [tilespmem:s2+$0x18000]  }
0x44d: {  	v6 =	vld [tilespmem:s2+$0x18010]  }
0x44e: {  	v4 =	vld [tilespmem:s2+$0x18020]  }
0x44f: {  	v1 =	vld [tilespmem:s2+$0x18030]  }
0x450: {  	v3 =	vld [tilespmem:s2+$0x18040]  }
0x451: {  	s0 =	sor.u32 $0x8070, s2;
	v2 =	vld [tilespmem:s2+$0x18060]  }
0x452: {  	[tilespmem:s0+$0x0] =	vst.add.f32.msk $0xffff, v0  }
0x453: {  	s26 =	simm.s32 $0x0;
	s5 =	sor.u32 $0x8000, s2;
	v0 =	vld [tilespmem:s2+$0x18050]  }
0x454: {  	s4 =	sor.u32 $0x8010, s2;
	s31 =	sor.u32 $0x8030, s2;
	s30 =	sor.u32 $0x8040, s2;
	[tilespmem:s5+$0x0] =	vst.add.f32.msk $0xffff, v5  }
0x455: {  	s28 =	sor.u32 $0x8050, s2;
	s29 =	sor.u32 $0x8060, s2;
	s0 =	sor.u32 $0x8020, s2;
	[tilespmem:s4+$0x0] =	vst.add.f32.msk $0xffff, v6  }
.LBB2_46:
0x456: {  	s26 =	sadd.s32 $0x8, s26;
	[tilespmem:s0+$0x0] =	vst.add.f32.msk $0xffff, v4  }
0x457: {  	s25 =	sadd.s32 $0x400, s25;
	s0 =	sshll.u32 s26, $0x4;
	p0 =	slt.u32 s26, $0x3F8;
	[tilespmem:s31+$0x0] =	vst.add.f32.msk $0xffff, v1  }
0x458: {  	s2 =	sand.u32 $0x1C00, s25;
	s3 =	sshll.u32 s26, $0x1;
	s0 =	sand.u32 $0x2000, s0;
	[tilespmem:s30+$0x0] =	vst.add.f32.msk $0xffff, v3  }
0x459: {  	s0 =	sor.u32 s2, s0;
	s2 =	sand.u32 $0x380, s3;
	[tilespmem:s28+$0x0] =	vst.add.f32.msk $0xffff, v0  }
0x45a: {  	s2 =	sor.u32 s2, s0;
	[tilespmem:s29+$0x0] =	vst.add.f32.msk $0xffff, v2  }
0x45b: {  	s3 =	sor.u32 $0x8000, s2;
	s4 =	sor.u32 $0x8010, s2;
	s0 =	sor.u32 $0x8020, s2;
	v0 =	vld [tilespmem:s2+$0x18070]  }
0x45c: {  	s31 =	sor.u32 $0x8030, s2;
	s30 =	sor.u32 $0x8040, s2;
	s28 =	sor.u32 $0x8050, s2;
	v5 =	vld [tilespmem:s2+$0x18000]  }
0x45d: {  	s29 =	sor.u32 $0x8060, s2;
	v6 =	vld [tilespmem:s2+$0x18010]  }
0x45e: {  	v4 =	vld [tilespmem:s2+$0x18020]  }
0x45f: {  	s5 =	sor.u32 $0x8070, s2;
	v1 =	vld [tilespmem:s2+$0x18030]  }
0x460: {  	[tilespmem:s5+$0x0] =	vst.add.f32.msk $0xffff, v0  }
.Ltmp22:
0x461: {  	v3 =	vld [tilespmem:s2+$0x18040];
	(pc) =	sbr.rel @p0 .LBB2_46-.Ltmp22, $4  }
0x462: {  	v0 =	vld [tilespmem:s2+$0x18050]  }
0x463: {  	v2 =	vld [tilespmem:s2+$0x18060]  }
0x464: {  	[tilespmem:s3+$0x0] =	vst.add.f32.msk $0xffff, v5  }
0x465: {  	[tilespmem:s4+$0x0] =	vst.add.f32.msk $0xffff, v6  }
0x466: {  	[tilespmem:s0+$0x0] =	vst.add.f32.msk $0xffff, v4  }
0x467: {  	[tilespmem:s31+$0x0] =	vst.add.f32.msk $0xffff, v1  }
0x468: {  	[tilespmem:s30+$0x0] =	vst.add.f32.msk $0xffff, v3  }
0x469: {  	[tilespmem:s28+$0x0] =	vst.add.f32.msk $0xffff, v0  }
0x46a: {  	[tilespmem:s29+$0x0] =	vst.add.f32.msk $0xffff, v2  }
0x46b: {  	s0 =	sld [smem:$0x7EE];
	_ =	sdelay $0x1  }
0x46c: {  	s25 =	simm.s32 $0x0  }
0x46d: {  	[hbm4b:s0+s25] =	stream.linear.scatter [tilespmem:s17], [sflag:$0x2], $0x4000, $0x38;
	[tilespmem:$0x1C000] =	vst v63  }
0x46e: {  	_ =	swait.ge [sflag:s20], $0x4000  }
0x46f: {  	[sflag:s20] =	ssyncset.done $0x0  }
0x470: {  	[sflag:s20] =	ssyncadd.s32 $0xFFFFC000  }
0x471: {  	_ =	swait.ge [sflag:s23], $0x4000  }
0x472: {  	s2 =	sld [smem:$0x7F8]  }
0x473: {  	[sflag:s23] =	ssyncset.done $0x0  }
0x474: {  	s3 =	simm.s32 $0x0;
	[sflag:s23] =	ssyncadd.s32 $0xFFFFC000  }
0x475: {  	[tilespmem:s16], [sflag:$0x1] =	stream.linear.gather [hbm4b:s2+s25], $0x4000, $0x38;
	[tilespmem:$0x1C000] =	vst v63  }
0x476: {  	s0 =	sand.u32 $0x2000, s3;
	s3 =	simm.s32 $0x0;
	s2 =	sand.u32 $0x1C00, s25  }
0x477: {  	s4 =	sand.u32 $0x380, s3;
	s0 =	sor.u32 s2, s0  }
0x478: {  	s2 =	sor.u32 s4, s0  }
0x479: {  	v0 =	vld [tilespmem:s2+$0x18070]  }
0x47a: {  	v5 =	vld [tilespmem:s2+$0x18000]  }
0x47b: {  	v6 =	vld [tilespmem:s2+$0x18010]  }
0x47c: {  	v4 =	vld [tilespmem:s2+$0x18020]  }
0x47d: {  	v1 =	vld [tilespmem:s2+$0x18030]  }
0x47e: {  	v3 =	vld [tilespmem:s2+$0x18040]  }
0x47f: {  	s0 =	sor.u32 $0xC070, s2;
	v2 =	vld [tilespmem:s2+$0x18060]  }
0x480: {  	[tilespmem:s0+$0x0] =	vst.add.f32.msk $0xffff, v0  }
0x481: {  	s26 =	simm.s32 $0x0;
	s5 =	sor.u32 $0xC000, s2;
	v0 =	vld [tilespmem:s2+$0x18050]  }
0x482: {  	s4 =	sor.u32 $0xC010, s2;
	s31 =	sor.u32 $0xC030, s2;
	s30 =	sor.u32 $0xC040, s2;
	[tilespmem:s5+$0x0] =	vst.add.f32.msk $0xffff, v5  }
0x483: {  	s28 =	sor.u32 $0xC050, s2;
	s29 =	sor.u32 $0xC060, s2;
	s0 =	sor.u32 $0xC020, s2;
	[tilespmem:s4+$0x0] =	vst.add.f32.msk $0xffff, v6  }
.LBB2_48:
0x484: {  	s26 =	sadd.s32 $0x8, s26;
	[tilespmem:s0+$0x0] =	vst.add.f32.msk $0xffff, v4  }
0x485: {  	s25 =	sadd.s32 $0x400, s25;
	s0 =	sshll.u32 s26, $0x4;
	p0 =	slt.u32 s26, $0x3F8;
	[tilespmem:s31+$0x0] =	vst.add.f32.msk $0xffff, v1  }
0x486: {  	s2 =	sand.u32 $0x1C00, s25;
	s3 =	sshll.u32 s26, $0x1;
	s0 =	sand.u32 $0x2000, s0;
	[tilespmem:s30+$0x0] =	vst.add.f32.msk $0xffff, v3  }
0x487: {  	s0 =	sor.u32 s2, s0;
	s2 =	sand.u32 $0x380, s3;
	[tilespmem:s28+$0x0] =	vst.add.f32.msk $0xffff, v0  }
0x488: {  	s2 =	sor.u32 s2, s0;
	[tilespmem:s29+$0x0] =	vst.add.f32.msk $0xffff, v2  }
0x489: {  	s3 =	sor.u32 $0xC000, s2;
	s4 =	sor.u32 $0xC010, s2;
	s0 =	sor.u32 $0xC020, s2;
	v0 =	vld [tilespmem:s2+$0x18070]  }
0x48a: {  	s31 =	sor.u32 $0xC030, s2;
	s30 =	sor.u32 $0xC040, s2;
	s28 =	sor.u32 $0xC050, s2;
	v5 =	vld [tilespmem:s2+$0x18000]  }
0x48b: {  	s29 =	sor.u32 $0xC060, s2;
	v6 =	vld [tilespmem:s2+$0x18010]  }
0x48c: {  	v4 =	vld [tilespmem:s2+$0x18020]  }
0x48d: {  	s5 =	sor.u32 $0xC070, s2;
	v1 =	vld [tilespmem:s2+$0x18030]  }
0x48e: {  	[tilespmem:s5+$0x0] =	vst.add.f32.msk $0xffff, v0  }
.Ltmp23:
0x48f: {  	v3 =	vld [tilespmem:s2+$0x18040];
	(pc) =	sbr.rel @p0 .LBB2_48-.Ltmp23, $4  }
0x490: {  	v0 =	vld [tilespmem:s2+$0x18050]  }
0x491: {  	v2 =	vld [tilespmem:s2+$0x18060]  }
0x492: {  	[tilespmem:s3+$0x0] =	vst.add.f32.msk $0xffff, v5  }
0x493: {  	[tilespmem:s4+$0x0] =	vst.add.f32.msk $0xffff, v6  }
0x494: {  	[tilespmem:s0+$0x0] =	vst.add.f32.msk $0xffff, v4  }
0x495: {  	[tilespmem:s31+$0x0] =	vst.add.f32.msk $0xffff, v1  }
0x496: {  	[tilespmem:s30+$0x0] =	vst.add.f32.msk $0xffff, v3  }
0x497: {  	[tilespmem:s28+$0x0] =	vst.add.f32.msk $0xffff, v0  }
0x498: {  	[tilespmem:s29+$0x0] =	vst.add.f32.msk $0xffff, v2  }
0x499: {  	s0 =	sld [smem:$0x7F0];
	_ =	sdelay $0x1  }
0x49a: {  	s25 =	simm.s32 $0x0  }
0x49b: {  	[hbm4b:s0+s25] =	stream.linear.scatter [tilespmem:s21], [sflag:$0x2], $0x4000, $0x38;
	[tilespmem:$0x1C000] =	vst v63  }
0x49c: {  	_ =	swait.ge [sflag:s18], $0x4000  }
0x49d: {  	s26 =	sld [smem:$0x7F3]  }
0x49e: {  	[sflag:s18] =	ssyncset.done $0x0  }
0x49f: {  	[sflag:s18] =	ssyncadd.s32 $0xFFFFC000  }
0x4a0: {  	[tilespmem:s19], [sflag:$0x3] =	stream.linear.gather [hbm4b:s26+s25], $0x4000, $0x38;
	[tilespmem:$0x1C000] =	vst v63  }
0x4a1: {  	_ =	swait.ge [sflag:s20], $0x4000  }
0x4a2: {  	[sflag:s20] =	ssyncset.done $0x0  }
0x4a3: {  	[sflag:s20] =	ssyncadd.s32 $0xFFFFC000  }
0x4a4: {  	_ =	swait.ge [sflag:s23], $0x4000  }
0x4a5: {  	s2 =	sld [smem:$0x7FA]  }
0x4a6: {  	[sflag:s23] =	ssyncset.done $0x0  }
0x4a7: {  	s3 =	simm.s32 $0x0;
	[sflag:s23] =	ssyncadd.s32 $0xFFFFC000  }
0x4a8: {  	[tilespmem:s17], [sflag:$0x1] =	stream.linear.gather [hbm4b:s2+s25], $0x4000, $0x38;
	[tilespmem:$0x1C000] =	vst v63  }
0x4a9: {  	s0 =	sand.u32 $0x2000, s3;
	s3 =	simm.s32 $0x0;
	s2 =	sand.u32 $0x1C00, s25  }
0x4aa: {  	s4 =	sand.u32 $0x380, s3;
	s0 =	sor.u32 s2, s0  }
0x4ab: {  	s2 =	sor.u32 s4, s0  }
0x4ac: {  	v0 =	vld [tilespmem:s2+$0x14070]  }
0x4ad: {  	v5 =	vld [tilespmem:s2+$0x14000]  }
0x4ae: {  	v6 =	vld [tilespmem:s2+$0x14010]  }
0x4af: {  	v4 =	vld [tilespmem:s2+$0x14020]  }
0x4b0: {  	v1 =	vld [tilespmem:s2+$0x14030]  }
0x4b1: {  	v3 =	vld [tilespmem:s2+$0x14040]  }
0x4b2: {  	s0 =	sor.u32 $0x10070, s2;
	v2 =	vld [tilespmem:s2+$0x14060]  }
0x4b3: {  	[tilespmem:s0+$0x0] =	vst.add.f32.msk $0xffff, v0  }
0x4b4: {  	s26 =	simm.s32 $0x0;
	s5 =	sor.u32 $0x10000, s2;
	v0 =	vld [tilespmem:s2+$0x14050]  }
0x4b5: {  	s4 =	sor.u32 $0x10010, s2;
	s31 =	sor.u32 $0x10030, s2;
	s30 =	sor.u32 $0x10040, s2;
	[tilespmem:s5+$0x0] =	vst.add.f32.msk $0xffff, v5  }
0x4b6: {  	s28 =	sor.u32 $0x10050, s2;
	s29 =	sor.u32 $0x10060, s2;
	s0 =	sor.u32 $0x10020, s2;
	[tilespmem:s4+$0x0] =	vst.add.f32.msk $0xffff, v6  }
.LBB2_50:
0x4b7: {  	s26 =	sadd.s32 $0x8, s26;
	[tilespmem:s0+$0x0] =	vst.add.f32.msk $0xffff, v4  }
0x4b8: {  	s25 =	sadd.s32 $0x400, s25;
	s0 =	sshll.u32 s26, $0x4;
	p0 =	slt.u32 s26, $0x3F8;
	[tilespmem:s31+$0x0] =	vst.add.f32.msk $0xffff, v1  }
0x4b9: {  	s2 =	sand.u32 $0x1C00, s25;
	s3 =	sshll.u32 s26, $0x1;
	s0 =	sand.u32 $0x2000, s0;
	[tilespmem:s30+$0x0] =	vst.add.f32.msk $0xffff, v3  }
0x4ba: {  	s0 =	sor.u32 s2, s0;
	s2 =	sand.u32 $0x380, s3;
	[tilespmem:s28+$0x0] =	vst.add.f32.msk $0xffff, v0  }
0x4bb: {  	s2 =	sor.u32 s2, s0;
	[tilespmem:s29+$0x0] =	vst.add.f32.msk $0xffff, v2  }
0x4bc: {  	s3 =	sor.u32 $0x10000, s2;
	s4 =	sor.u32 $0x10010, s2;
	s0 =	sor.u32 $0x10020, s2;
	v0 =	vld [tilespmem:s2+$0x14070]  }
0x4bd: {  	s31 =	sor.u32 $0x10030, s2;
	s30 =	sor.u32 $0x10040, s2;
	s28 =	sor.u32 $0x10050, s2;
	v5 =	vld [tilespmem:s2+$0x14000]  }
0x4be: {  	s29 =	sor.u32 $0x10060, s2;
	v6 =	vld [tilespmem:s2+$0x14010]  }
0x4bf: {  	v4 =	vld [tilespmem:s2+$0x14020]  }
0x4c0: {  	s5 =	sor.u32 $0x10070, s2;
	v1 =	vld [tilespmem:s2+$0x14030]  }
0x4c1: {  	[tilespmem:s5+$0x0] =	vst.add.f32.msk $0xffff, v0  }
.Ltmp24:
0x4c2: {  	v3 =	vld [tilespmem:s2+$0x14040];
	(pc) =	sbr.rel @p0 .LBB2_50-.Ltmp24, $4  }
0x4c3: {  	v0 =	vld [tilespmem:s2+$0x14050]  }
0x4c4: {  	v2 =	vld [tilespmem:s2+$0x14060]  }
0x4c5: {  	[tilespmem:s3+$0x0] =	vst.add.f32.msk $0xffff, v5  }
0x4c6: {  	[tilespmem:s4+$0x0] =	vst.add.f32.msk $0xffff, v6  }
0x4c7: {  	[tilespmem:s0+$0x0] =	vst.add.f32.msk $0xffff, v4  }
0x4c8: {  	[tilespmem:s31+$0x0] =	vst.add.f32.msk $0xffff, v1  }
0x4c9: {  	[tilespmem:s30+$0x0] =	vst.add.f32.msk $0xffff, v3  }
0x4ca: {  	[tilespmem:s28+$0x0] =	vst.add.f32.msk $0xffff, v0  }
0x4cb: {  	[tilespmem:s29+$0x0] =	vst.add.f32.msk $0xffff, v2  }
0x4cc: {  	s0 =	sld [smem:$0x7F5];
	_ =	sdelay $0x1  }
0x4cd: {  	s25 =	simm.s32 $0x0  }
0x4ce: {  	[hbm4b:s0+s25] =	stream.linear.scatter [tilespmem:s22], [sflag:$0x2], $0x4000, $0x38;
	[tilespmem:$0x1C000] =	vst v63  }
0x4cf: {  	_ =	swait.ge [sflag:s20], $0x4000  }
0x4d0: {  	[sflag:s20] =	ssyncset.done $0x0  }
0x4d1: {  	s3 =	simm.s32 $0x0;
	s2 =	sand.u32 $0x1C00, s25;
	[sflag:s20] =	ssyncadd.s32 $0xFFFFC000  }
0x4d2: {  	s0 =	sand.u32 $0x2000, s3;
	s3 =	simm.s32 $0x0;
	_ =	swait.ge [sflag:s23], $0x4000  }
0x4d3: {  	s0 =	sor.u32 s2, s0;
	s4 =	sand.u32 $0x380, s3;
	[sflag:s23] =	ssyncset.done $0x0  }
0x4d4: {  	s2 =	sor.u32 s4, s0;
	[sflag:s23] =	ssyncadd.s32 $0xFFFFC000  }
0x4d5: {  	[tilespmem:s21], [sflag:$0x1] =	stream.linear.gather [hbm4b:s6+s25], $0x4000, $0x38;
	[tilespmem:$0x1C000] =	vst v63  }
0x4d6: {  	v0 =	vld [tilespmem:s2+$0x14070]  }
0x4d7: {  	v5 =	vld [tilespmem:s2+$0x14000]  }
0x4d8: {  	v6 =	vld [tilespmem:s2+$0x14010]  }
0x4d9: {  	v4 =	vld [tilespmem:s2+$0x14020]  }
0x4da: {  	v2 =	vld [tilespmem:s2+$0x14030]  }
0x4db: {  	v3 =	vld [tilespmem:s2+$0x14040]  }
0x4dc: {  	s0 =	sor.u32 $0x70, s2;
	v1 =	vld [tilespmem:s2+$0x14060]  }
0x4dd: {  	[tilespmem:s0+$0x0] =	vst.add.f32.msk $0xffff, v0  }
0x4de: {  	s26 =	simm.s32 $0x0;
	v0 =	vld [tilespmem:s2+$0x14050]  }
0x4df: {  	s5 =	sor.u32 $0x10, s2;
	s31 =	sor.u32 $0x30, s2;
	s30 =	sor.u32 $0x40, s2;
	[tilespmem:s2+$0x0] =	vst.add.f32.msk $0xffff, v5  }
0x4e0: {  	s29 =	sor.u32 $0x50, s2;
	s28 =	sor.u32 $0x60, s2;
	s0 =	sor.u32 $0x20, s2;
	[tilespmem:s5+$0x0] =	vst.add.f32.msk $0xffff, v6  }
.LBB2_52:
0x4e1: {  	s26 =	sadd.s32 $0x8, s26;
	[tilespmem:s0+$0x0] =	vst.add.f32.msk $0xffff, v4  }
0x4e2: {  	s25 =	sadd.s32 $0x400, s25;
	s0 =	sshll.u32 s26, $0x4;
	p0 =	slt.u32 s26, $0x3F8;
	[tilespmem:s31+$0x0] =	vst.add.f32.msk $0xffff, v2  }
0x4e3: {  	s2 =	sand.u32 $0x1C00, s25;
	s3 =	sshll.u32 s26, $0x1;
	s0 =	sand.u32 $0x2000, s0;
	[tilespmem:s30+$0x0] =	vst.add.f32.msk $0xffff, v3  }
0x4e4: {  	s0 =	sor.u32 s2, s0;
	s2 =	sand.u32 $0x380, s3;
	[tilespmem:s29+$0x0] =	vst.add.f32.msk $0xffff, v0  }
0x4e5: {  	s2 =	sor.u32 s2, s0;
	[tilespmem:s28+$0x0] =	vst.add.f32.msk $0xffff, v1  }
0x4e6: {  	s3 =	sor.u32 $0x10, s2;
	s0 =	sor.u32 $0x20, s2;
	s31 =	sor.u32 $0x30, s2;
	v0 =	vld [tilespmem:s2+$0x14070]  }
0x4e7: {  	s30 =	sor.u32 $0x40, s2;
	s29 =	sor.u32 $0x50, s2;
	s28 =	sor.u32 $0x60, s2;
	v5 =	vld [tilespmem:s2+$0x14000]  }
0x4e8: {  	v6 =	vld [tilespmem:s2+$0x14010]  }
0x4e9: {  	v4 =	vld [tilespmem:s2+$0x14020]  }
0x4ea: {  	s4 =	sor.u32 $0x70, s2;
	v2 =	vld [tilespmem:s2+$0x14030]  }
0x4eb: {  	[tilespmem:s4+$0x0] =	vst.add.f32.msk $0xffff, v0  }
.Ltmp25:
0x4ec: {  	v3 =	vld [tilespmem:s2+$0x14040];
	(pc) =	sbr.rel @p0 .LBB2_52-.Ltmp25, $4  }
0x4ed: {  	v0 =	vld [tilespmem:s2+$0x14050]  }
0x4ee: {  	v1 =	vld [tilespmem:s2+$0x14060]  }
0x4ef: {  	[tilespmem:s2+$0x0] =	vst.add.f32.msk $0xffff, v5  }
0x4f0: {  	[tilespmem:s3+$0x0] =	vst.add.f32.msk $0xffff, v6  }
0x4f1: {  	[tilespmem:s0+$0x0] =	vst.add.f32.msk $0xffff, v4  }
0x4f2: {  	[tilespmem:s31+$0x0] =	vst.add.f32.msk $0xffff, v2  }
0x4f3: {  	[tilespmem:s30+$0x0] =	vst.add.f32.msk $0xffff, v3  }
0x4f4: {  	[tilespmem:s29+$0x0] =	vst.add.f32.msk $0xffff, v0  }
0x4f5: {  	[tilespmem:s28+$0x0] =	vst.add.f32.msk $0xffff, v1  }
0x4f6: {  	s0 =	sld [smem:$0x7F7];
	_ =	sdelay $0x1  }
0x4f7: {  	s25 =	simm.s32 $0x0  }
0x4f8: {  	[hbm4b:s0+s25] =	stream.linear.scatter [tilespmem:s25], [sflag:$0x2], $0x4000, $0x38;
	[tilespmem:$0x1C000] =	vst v63  }
0x4f9: {  	_ =	swait.ge [sflag:s20], $0x4000  }
0x4fa: {  	[sflag:s20] =	ssyncset.done $0x0  }
0x4fb: {  	s3 =	simm.s32 $0x0;
	s2 =	sand.u32 $0x1C00, s25;
	[sflag:s20] =	ssyncadd.s32 $0xFFFFC000  }
0x4fc: {  	s0 =	sand.u32 $0x2000, s3;
	s3 =	simm.s32 $0x0;
	_ =	swait.ge [sflag:s23], $0x4000  }
0x4fd: {  	s0 =	sor.u32 s2, s0;
	s4 =	sand.u32 $0x380, s3;
	[sflag:s23] =	ssyncset.done $0x0  }
0x4fe: {  	s2 =	sor.u32 s4, s0;
	[sflag:s23] =	ssyncadd.s32 $0xFFFFC000  }
0x4ff: {  	[tilespmem:s22], [sflag:$0x1] =	stream.linear.gather [hbm4b:s7+s25], $0x4000, $0x38;
	[tilespmem:$0x1C000] =	vst v63  }
0x500: {  	v0 =	vld [tilespmem:s2+$0x14070]  }
0x501: {  	v5 =	vld [tilespmem:s2+$0x14000]  }
0x502: {  	v6 =	vld [tilespmem:s2+$0x14010]  }
0x503: {  	v4 =	vld [tilespmem:s2+$0x14020]  }
0x504: {  	v1 =	vld [tilespmem:s2+$0x14030]  }
0x505: {  	v3 =	vld [tilespmem:s2+$0x14040]  }
0x506: {  	s0 =	sor.u32 $0x4070, s2;
	v2 =	vld [tilespmem:s2+$0x14060]  }
0x507: {  	[tilespmem:s0+$0x0] =	vst.add.f32.msk $0xffff, v0  }
0x508: {  	s26 =	simm.s32 $0x0;
	s5 =	sor.u32 $0x4000, s2;
	v0 =	vld [tilespmem:s2+$0x14050]  }
0x509: {  	s4 =	sor.u32 $0x4010, s2;
	s31 =	sor.u32 $0x4030, s2;
	s30 =	sor.u32 $0x4040, s2;
	[tilespmem:s5+$0x0] =	vst.add.f32.msk $0xffff, v5  }
0x50a: {  	s28 =	sor.u32 $0x4050, s2;
	s29 =	sor.u32 $0x4060, s2;
	s0 =	sor.u32 $0x4020, s2;
	[tilespmem:s4+$0x0] =	vst.add.f32.msk $0xffff, v6  }
.LBB2_54:
0x50b: {  	s26 =	sadd.s32 $0x8, s26;
	[tilespmem:s0+$0x0] =	vst.add.f32.msk $0xffff, v4  }
0x50c: {  	s25 =	sadd.s32 $0x400, s25;
	s0 =	sshll.u32 s26, $0x4;
	p0 =	slt.u32 s26, $0x3F8;
	[tilespmem:s31+$0x0] =	vst.add.f32.msk $0xffff, v1  }
0x50d: {  	s2 =	sand.u32 $0x1C00, s25;
	s3 =	sshll.u32 s26, $0x1;
	s0 =	sand.u32 $0x2000, s0;
	[tilespmem:s30+$0x0] =	vst.add.f32.msk $0xffff, v3  }
0x50e: {  	s0 =	sor.u32 s2, s0;
	s2 =	sand.u32 $0x380, s3;
	[tilespmem:s28+$0x0] =	vst.add.f32.msk $0xffff, v0  }
0x50f: {  	s2 =	sor.u32 s2, s0;
	[tilespmem:s29+$0x0] =	vst.add.f32.msk $0xffff, v2  }
0x510: {  	s3 =	sor.u32 $0x4000, s2;
	s4 =	sor.u32 $0x4010, s2;
	s0 =	sor.u32 $0x4020, s2;
	v0 =	vld [tilespmem:s2+$0x14070]  }
0x511: {  	s31 =	sor.u32 $0x4030, s2;
	s30 =	sor.u32 $0x4040, s2;
	s28 =	sor.u32 $0x4050, s2;
	v5 =	vld [tilespmem:s2+$0x14000]  }
0x512: {  	s29 =	sor.u32 $0x4060, s2;
	v6 =	vld [tilespmem:s2+$0x14010]  }
0x513: {  	v4 =	vld [tilespmem:s2+$0x14020]  }
0x514: {  	s5 =	sor.u32 $0x4070, s2;
	v1 =	vld [tilespmem:s2+$0x14030]  }
0x515: {  	[tilespmem:s5+$0x0] =	vst.add.f32.msk $0xffff, v0  }
.Ltmp26:
0x516: {  	v3 =	vld [tilespmem:s2+$0x14040];
	(pc) =	sbr.rel @p0 .LBB2_54-.Ltmp26, $4  }
0x517: {  	v0 =	vld [tilespmem:s2+$0x14050]  }
0x518: {  	v2 =	vld [tilespmem:s2+$0x14060]  }
0x519: {  	[tilespmem:s3+$0x0] =	vst.add.f32.msk $0xffff, v5  }
0x51a: {  	[tilespmem:s4+$0x0] =	vst.add.f32.msk $0xffff, v6  }
0x51b: {  	[tilespmem:s0+$0x0] =	vst.add.f32.msk $0xffff, v4  }
0x51c: {  	[tilespmem:s31+$0x0] =	vst.add.f32.msk $0xffff, v1  }
0x51d: {  	[tilespmem:s30+$0x0] =	vst.add.f32.msk $0xffff, v3  }
0x51e: {  	[tilespmem:s28+$0x0] =	vst.add.f32.msk $0xffff, v0  }
0x51f: {  	[tilespmem:s29+$0x0] =	vst.add.f32.msk $0xffff, v2  }
0x520: {  	s0 =	sld [smem:$0x7F9];
	_ =	sdelay $0x1  }
0x521: {  	s25 =	simm.s32 $0x0  }
0x522: {  	[hbm4b:s0+s25] =	stream.linear.scatter [tilespmem:s16], [sflag:$0x2], $0x4000, $0x38;
	[tilespmem:$0x1C000] =	vst v63  }
0x523: {  	_ =	swait.ge [sflag:s20], $0x4000  }
0x524: {  	[sflag:s20] =	ssyncset.done $0x0  }
0x525: {  	s3 =	simm.s32 $0x0;
	s2 =	sand.u32 $0x1C00, s25;
	[sflag:s20] =	ssyncadd.s32 $0xFFFFC000  }
0x526: {  	s0 =	sand.u32 $0x2000, s3;
	s3 =	simm.s32 $0x0;
	_ =	swait.ge [sflag:s23], $0x4000  }
0x527: {  	s0 =	sor.u32 s2, s0;
	s4 =	sand.u32 $0x380, s3;
	[sflag:s23] =	ssyncset.done $0x0  }
0x528: {  	s2 =	sor.u32 s4, s0;
	[sflag:s23] =	ssyncadd.s32 $0xFFFFC000  }
0x529: {  	[tilespmem:s25], [sflag:$0x1] =	stream.linear.gather [hbm4b:s8+s25], $0x4000, $0x38;
	[tilespmem:$0x1C000] =	vst v63  }
0x52a: {  	v0 =	vld [tilespmem:s2+$0x14070]  }
0x52b: {  	v5 =	vld [tilespmem:s2+$0x14000]  }
0x52c: {  	v6 =	vld [tilespmem:s2+$0x14010]  }
0x52d: {  	v4 =	vld [tilespmem:s2+$0x14020]  }
0x52e: {  	v1 =	vld [tilespmem:s2+$0x14030]  }
0x52f: {  	v3 =	vld [tilespmem:s2+$0x14040]  }
0x530: {  	s0 =	sor.u32 $0x8070, s2;
	v2 =	vld [tilespmem:s2+$0x14060]  }
0x531: {  	[tilespmem:s0+$0x0] =	vst.add.f32.msk $0xffff, v0  }
0x532: {  	s26 =	simm.s32 $0x0;
	s5 =	sor.u32 $0x8000, s2;
	v0 =	vld [tilespmem:s2+$0x14050]  }
0x533: {  	s4 =	sor.u32 $0x8010, s2;
	s31 =	sor.u32 $0x8030, s2;
	s30 =	sor.u32 $0x8040, s2;
	[tilespmem:s5+$0x0] =	vst.add.f32.msk $0xffff, v5  }
0x534: {  	s28 =	sor.u32 $0x8050, s2;
	s29 =	sor.u32 $0x8060, s2;
	s0 =	sor.u32 $0x8020, s2;
	[tilespmem:s4+$0x0] =	vst.add.f32.msk $0xffff, v6  }
.LBB2_56:
0x535: {  	s26 =	sadd.s32 $0x8, s26;
	[tilespmem:s0+$0x0] =	vst.add.f32.msk $0xffff, v4  }
0x536: {  	s25 =	sadd.s32 $0x400, s25;
	s0 =	sshll.u32 s26, $0x4;
	p0 =	slt.u32 s26, $0x3F8;
	[tilespmem:s31+$0x0] =	vst.add.f32.msk $0xffff, v1  }
0x537: {  	s2 =	sand.u32 $0x1C00, s25;
	s3 =	sshll.u32 s26, $0x1;
	s0 =	sand.u32 $0x2000, s0;
	[tilespmem:s30+$0x0] =	vst.add.f32.msk $0xffff, v3  }
0x538: {  	s0 =	sor.u32 s2, s0;
	s2 =	sand.u32 $0x380, s3;
	[tilespmem:s28+$0x0] =	vst.add.f32.msk $0xffff, v0  }
0x539: {  	s2 =	sor.u32 s2, s0;
	[tilespmem:s29+$0x0] =	vst.add.f32.msk $0xffff, v2  }
0x53a: {  	s3 =	sor.u32 $0x8000, s2;
	s4 =	sor.u32 $0x8010, s2;
	s0 =	sor.u32 $0x8020, s2;
	v0 =	vld [tilespmem:s2+$0x14070]  }
0x53b: {  	s31 =	sor.u32 $0x8030, s2;
	s30 =	sor.u32 $0x8040, s2;
	s28 =	sor.u32 $0x8050, s2;
	v5 =	vld [tilespmem:s2+$0x14000]  }
0x53c: {  	s29 =	sor.u32 $0x8060, s2;
	v6 =	vld [tilespmem:s2+$0x14010]  }
0x53d: {  	v4 =	vld [tilespmem:s2+$0x14020]  }
0x53e: {  	s5 =	sor.u32 $0x8070, s2;
	v1 =	vld [tilespmem:s2+$0x14030]  }
0x53f: {  	[tilespmem:s5+$0x0] =	vst.add.f32.msk $0xffff, v0  }
.Ltmp27:
0x540: {  	v3 =	vld [tilespmem:s2+$0x14040];
	(pc) =	sbr.rel @p0 .LBB2_56-.Ltmp27, $4  }
0x541: {  	v0 =	vld [tilespmem:s2+$0x14050]  }
0x542: {  	v2 =	vld [tilespmem:s2+$0x14060]  }
0x543: {  	[tilespmem:s3+$0x0] =	vst.add.f32.msk $0xffff, v5  }
0x544: {  	[tilespmem:s4+$0x0] =	vst.add.f32.msk $0xffff, v6  }
0x545: {  	[tilespmem:s0+$0x0] =	vst.add.f32.msk $0xffff, v4  }
0x546: {  	[tilespmem:s31+$0x0] =	vst.add.f32.msk $0xffff, v1  }
0x547: {  	[tilespmem:s30+$0x0] =	vst.add.f32.msk $0xffff, v3  }
0x548: {  	[tilespmem:s28+$0x0] =	vst.add.f32.msk $0xffff, v0  }
0x549: {  	[tilespmem:s29+$0x0] =	vst.add.f32.msk $0xffff, v2  }
0x54a: {  	s0 =	sld [smem:$0x7FB];
	_ =	sdelay $0x1  }
0x54b: {  	s25 =	simm.s32 $0x0  }
0x54c: {  	[hbm4b:s0+s25] =	stream.linear.scatter [tilespmem:s17], [sflag:$0x2], $0x4000, $0x38;
	[tilespmem:$0x1C000] =	vst v63  }
0x54d: {  	_ =	swait.ge [sflag:s18], $0x4000  }
0x54e: {  	[sflag:s18] =	ssyncset.done $0x0  }
0x54f: {  	[sflag:s18] =	ssyncadd.s32 $0xFFFFC000  }
0x550: {  	_ =	swait.ge [sflag:s20], $0x4000  }
0x551: {  	[sflag:s20] =	ssyncset.done $0x0  }
0x552: {  	s3 =	simm.s32 $0x0;
	s2 =	sand.u32 $0x1C00, s25;
	[sflag:s20] =	ssyncadd.s32 $0xFFFFC000  }
0x553: {  	s0 =	sand.u32 $0x2000, s3;
	s3 =	simm.s32 $0x0;
	_ =	swait.ge [sflag:s23], $0x4000  }
0x554: {  	s0 =	sor.u32 s2, s0;
	s4 =	sand.u32 $0x380, s3;
	[sflag:s23] =	ssyncset.done $0x0  }
0x555: {  	s2 =	sor.u32 s4, s0;
	[sflag:s23] =	ssyncadd.s32 $0xFFFFC000  }
0x556: {  	[tilespmem:s16], [sflag:$0x1] =	stream.linear.gather [hbm4b:s9+s25], $0x4000, $0x38;
	[tilespmem:$0x1C000] =	vst v63  }
0x557: {  	v0 =	vld [tilespmem:s2+$0x18070]  }
0x558: {  	v5 =	vld [tilespmem:s2+$0x18000]  }
0x559: {  	v6 =	vld [tilespmem:s2+$0x18010]  }
0x55a: {  	v4 =	vld [tilespmem:s2+$0x18020]  }
0x55b: {  	v1 =	vld [tilespmem:s2+$0x18030]  }
0x55c: {  	v3 =	vld [tilespmem:s2+$0x18040]  }
0x55d: {  	s0 =	sor.u32 $0xC070, s2;
	v2 =	vld [tilespmem:s2+$0x18060]  }
0x55e: {  	[tilespmem:s0+$0x0] =	vst.add.f32.msk $0xffff, v0  }
0x55f: {  	s26 =	simm.s32 $0x0;
	s5 =	sor.u32 $0xC000, s2;
	v0 =	vld [tilespmem:s2+$0x18050]  }
0x560: {  	s4 =	sor.u32 $0xC010, s2;
	s31 =	sor.u32 $0xC030, s2;
	s30 =	sor.u32 $0xC040, s2;
	[tilespmem:s5+$0x0] =	vst.add.f32.msk $0xffff, v5  }
0x561: {  	s28 =	sor.u32 $0xC050, s2;
	s29 =	sor.u32 $0xC060, s2;
	s0 =	sor.u32 $0xC020, s2;
	[tilespmem:s4+$0x0] =	vst.add.f32.msk $0xffff, v6  }
.LBB2_58:
0x562: {  	s26 =	sadd.s32 $0x8, s26;
	[tilespmem:s0+$0x0] =	vst.add.f32.msk $0xffff, v4  }
0x563: {  	s25 =	sadd.s32 $0x400, s25;
	s0 =	sshll.u32 s26, $0x4;
	p0 =	slt.u32 s26, $0x3F8;
	[tilespmem:s31+$0x0] =	vst.add.f32.msk $0xffff, v1  }
0x564: {  	s2 =	sand.u32 $0x1C00, s25;
	s3 =	sshll.u32 s26, $0x1;
	s0 =	sand.u32 $0x2000, s0;
	[tilespmem:s30+$0x0] =	vst.add.f32.msk $0xffff, v3  }
0x565: {  	s0 =	sor.u32 s2, s0;
	s2 =	sand.u32 $0x380, s3;
	[tilespmem:s28+$0x0] =	vst.add.f32.msk $0xffff, v0  }
0x566: {  	s2 =	sor.u32 s2, s0;
	[tilespmem:s29+$0x0] =	vst.add.f32.msk $0xffff, v2  }
0x567: {  	s3 =	sor.u32 $0xC000, s2;
	s4 =	sor.u32 $0xC010, s2;
	s0 =	sor.u32 $0xC020, s2;
	v0 =	vld [tilespmem:s2+$0x18070]  }
0x568: {  	s31 =	sor.u32 $0xC030, s2;
	s30 =	sor.u32 $0xC040, s2;
	s28 =	sor.u32 $0xC050, s2;
	v5 =	vld [tilespmem:s2+$0x18000]  }
0x569: {  	s29 =	sor.u32 $0xC060, s2;
	v6 =	vld [tilespmem:s2+$0x18010]  }
0x56a: {  	v4 =	vld [tilespmem:s2+$0x18020]  }
0x56b: {  	s5 =	sor.u32 $0xC070, s2;
	v1 =	vld [tilespmem:s2+$0x18030]  }
0x56c: {  	[tilespmem:s5+$0x0] =	vst.add.f32.msk $0xffff, v0  }
.Ltmp28:
0x56d: {  	v3 =	vld [tilespmem:s2+$0x18040];
	(pc) =	sbr.rel @p0 .LBB2_58-.Ltmp28, $4  }
0x56e: {  	v0 =	vld [tilespmem:s2+$0x18050]  }
0x56f: {  	v2 =	vld [tilespmem:s2+$0x18060]  }
0x570: {  	[tilespmem:s3+$0x0] =	vst.add.f32.msk $0xffff, v5  }
0x571: {  	[tilespmem:s4+$0x0] =	vst.add.f32.msk $0xffff, v6  }
0x572: {  	[tilespmem:s0+$0x0] =	vst.add.f32.msk $0xffff, v4  }
0x573: {  	[tilespmem:s31+$0x0] =	vst.add.f32.msk $0xffff, v1  }
0x574: {  	[tilespmem:s30+$0x0] =	vst.add.f32.msk $0xffff, v3  }
0x575: {  	[tilespmem:s28+$0x0] =	vst.add.f32.msk $0xffff, v0  }
0x576: {  	s25 =	simm.s32 $0x0;
	[tilespmem:s29+$0x0] =	vst.add.f32.msk $0xffff, v2  }
0x577: {  	[hbm4b:s10+s25] =	stream.linear.scatter [tilespmem:s21], [sflag:$0x2], $0x4000, $0x38;
	[tilespmem:$0x1C000] =	vst v63  }
0x578: {  	_ =	swait.ge [sflag:s20], $0x4000  }
0x579: {  	s3 =	simm.s32 $0x0;
	[sflag:s20] =	ssyncset.done $0x0  }
0x57a: {  	s0 =	sand.u32 $0x2000, s3;
	[sflag:s20] =	ssyncadd.s32 $0xFFFFC000  }
0x57b: {  	s2 =	sand.u32 $0x1C00, s25;
	s3 =	simm.s32 $0x0;
	_ =	swait.ge [sflag:s23], $0x4000  }
0x57c: {  	s0 =	sor.u32 s2, s0;
	s4 =	sand.u32 $0x380, s3;
	[sflag:s23] =	ssyncset.done $0x0  }
0x57d: {  	s2 =	sor.u32 s4, s0;
	[sflag:s23] =	ssyncadd.s32 $0xFFFFC000  }
0x57e: {  	v0 =	vld [tilespmem:s2+$0x18070]  }
0x57f: {  	v5 =	vld [tilespmem:s2+$0x18000]  }
0x580: {  	v6 =	vld [tilespmem:s2+$0x18010]  }
0x581: {  	v4 =	vld [tilespmem:s2+$0x18020]  }
0x582: {  	v1 =	vld [tilespmem:s2+$0x18030]  }
0x583: {  	v3 =	vld [tilespmem:s2+$0x18040]  }
0x584: {  	s0 =	sor.u32 $0x10070, s2;
	v2 =	vld [tilespmem:s2+$0x18060]  }
0x585: {  	[tilespmem:s0+$0x0] =	vst.add.f32.msk $0xffff, v0  }
0x586: {  	s26 =	simm.s32 $0x0;
	s5 =	sor.u32 $0x10000, s2;
	v0 =	vld [tilespmem:s2+$0x18050]  }
0x587: {  	s4 =	sor.u32 $0x10010, s2;
	s31 =	sor.u32 $0x10030, s2;
	s30 =	sor.u32 $0x10040, s2;
	[tilespmem:s5+$0x0] =	vst.add.f32.msk $0xffff, v5  }
0x588: {  	s28 =	sor.u32 $0x10050, s2;
	s29 =	sor.u32 $0x10060, s2;
	s0 =	sor.u32 $0x10020, s2;
	[tilespmem:s4+$0x0] =	vst.add.f32.msk $0xffff, v6  }
.LBB2_60:
0x589: {  	s26 =	sadd.s32 $0x8, s26;
	[tilespmem:s0+$0x0] =	vst.add.f32.msk $0xffff, v4  }
0x58a: {  	s25 =	sadd.s32 $0x400, s25;
	s0 =	sshll.u32 s26, $0x4;
	p0 =	slt.u32 s26, $0x3F8;
	[tilespmem:s31+$0x0] =	vst.add.f32.msk $0xffff, v1  }
0x58b: {  	s2 =	sand.u32 $0x1C00, s25;
	s3 =	sshll.u32 s26, $0x1;
	s0 =	sand.u32 $0x2000, s0;
	[tilespmem:s30+$0x0] =	vst.add.f32.msk $0xffff, v3  }
0x58c: {  	s0 =	sor.u32 s2, s0;
	s2 =	sand.u32 $0x380, s3;
	[tilespmem:s28+$0x0] =	vst.add.f32.msk $0xffff, v0  }
0x58d: {  	s2 =	sor.u32 s2, s0;
	[tilespmem:s29+$0x0] =	vst.add.f32.msk $0xffff, v2  }
0x58e: {  	s3 =	sor.u32 $0x10000, s2;
	s4 =	sor.u32 $0x10010, s2;
	s0 =	sor.u32 $0x10020, s2;
	v0 =	vld [tilespmem:s2+$0x18070]  }
0x58f: {  	s31 =	sor.u32 $0x10030, s2;
	s30 =	sor.u32 $0x10040, s2;
	s28 =	sor.u32 $0x10050, s2;
	v5 =	vld [tilespmem:s2+$0x18000]  }
0x590: {  	s29 =	sor.u32 $0x10060, s2;
	v6 =	vld [tilespmem:s2+$0x18010]  }
0x591: {  	v4 =	vld [tilespmem:s2+$0x18020]  }
0x592: {  	s5 =	sor.u32 $0x10070, s2;
	v1 =	vld [tilespmem:s2+$0x18030]  }
0x593: {  	[tilespmem:s5+$0x0] =	vst.add.f32.msk $0xffff, v0  }
.Ltmp29:
0x594: {  	v3 =	vld [tilespmem:s2+$0x18040];
	(pc) =	sbr.rel @p0 .LBB2_60-.Ltmp29, $4  }
0x595: {  	v0 =	vld [tilespmem:s2+$0x18050]  }
0x596: {  	v2 =	vld [tilespmem:s2+$0x18060]  }
0x597: {  	[tilespmem:s3+$0x0] =	vst.add.f32.msk $0xffff, v5  }
0x598: {  	[tilespmem:s4+$0x0] =	vst.add.f32.msk $0xffff, v6  }
0x599: {  	[tilespmem:s0+$0x0] =	vst.add.f32.msk $0xffff, v4  }
0x59a: {  	[tilespmem:s31+$0x0] =	vst.add.f32.msk $0xffff, v1  }
0x59b: {  	[tilespmem:s30+$0x0] =	vst.add.f32.msk $0xffff, v3  }
0x59c: {  	[tilespmem:s28+$0x0] =	vst.add.f32.msk $0xffff, v0  }
0x59d: {  	s25 =	simm.s32 $0x0;
	[tilespmem:s29+$0x0] =	vst.add.f32.msk $0xffff, v2  }
0x59e: {  	[hbm4b:s11+s25] =	stream.linear.scatter [tilespmem:s22], [sflag:$0x2], $0x4000, $0x38;
	[tilespmem:$0x1C000] =	vst v63  }
0x59f: {  	_ =	swait.ge [sflag:s20], $0x4000  }
0x5a0: {  	s3 =	simm.s32 $0x0;
	[sflag:s20] =	ssyncset.done $0x0  }
0x5a1: {  	s0 =	sand.u32 $0x2000, s3;
	[sflag:s20] =	ssyncadd.s32 $0xFFFFC000  }
0x5a2: {  	s2 =	sand.u32 $0x1C00, s25;
	s3 =	simm.s32 $0x0;
	_ =	swait.ge [sflag:s23], $0x4000  }
0x5a3: {  	s0 =	sor.u32 s2, s0;
	s4 =	sand.u32 $0x380, s3;
	[sflag:s23] =	ssyncset.done $0x0  }
0x5a4: {  	s2 =	sor.u32 s4, s0;
	[sflag:s23] =	ssyncadd.s32 $0xFFFFC000  }
0x5a5: {  	v0 =	vld [tilespmem:s2+$0x18070]  }
0x5a6: {  	v5 =	vld [tilespmem:s2+$0x18000]  }
0x5a7: {  	v6 =	vld [tilespmem:s2+$0x18010]  }
0x5a8: {  	v4 =	vld [tilespmem:s2+$0x18020]  }
0x5a9: {  	v2 =	vld [tilespmem:s2+$0x18030]  }
0x5aa: {  	v3 =	vld [tilespmem:s2+$0x18040]  }
0x5ab: {  	s0 =	sor.u32 $0x70, s2;
	v1 =	vld [tilespmem:s2+$0x18060]  }
0x5ac: {  	[tilespmem:s0+$0x0] =	vst.add.f32.msk $0xffff, v0  }
0x5ad: {  	s26 =	simm.s32 $0x0;
	v0 =	vld [tilespmem:s2+$0x18050]  }
0x5ae: {  	s5 =	sor.u32 $0x10, s2;
	s31 =	sor.u32 $0x30, s2;
	s30 =	sor.u32 $0x40, s2;
	[tilespmem:s2+$0x0] =	vst.add.f32.msk $0xffff, v5  }
0x5af: {  	s29 =	sor.u32 $0x50, s2;
	s28 =	sor.u32 $0x60, s2;
	s0 =	sor.u32 $0x20, s2;
	[tilespmem:s5+$0x0] =	vst.add.f32.msk $0xffff, v6  }
.LBB2_62:
0x5b0: {  	s26 =	sadd.s32 $0x8, s26;
	[tilespmem:s0+$0x0] =	vst.add.f32.msk $0xffff, v4  }
0x5b1: {  	s25 =	sadd.s32 $0x400, s25;
	s0 =	sshll.u32 s26, $0x4;
	p0 =	slt.u32 s26, $0x3F8;
	[tilespmem:s31+$0x0] =	vst.add.f32.msk $0xffff, v2  }
0x5b2: {  	s2 =	sand.u32 $0x1C00, s25;
	s3 =	sshll.u32 s26, $0x1;
	s0 =	sand.u32 $0x2000, s0;
	[tilespmem:s30+$0x0] =	vst.add.f32.msk $0xffff, v3  }
0x5b3: {  	s0 =	sor.u32 s2, s0;
	s2 =	sand.u32 $0x380, s3;
	[tilespmem:s29+$0x0] =	vst.add.f32.msk $0xffff, v0  }
0x5b4: {  	s2 =	sor.u32 s2, s0;
	[tilespmem:s28+$0x0] =	vst.add.f32.msk $0xffff, v1  }
0x5b5: {  	s3 =	sor.u32 $0x10, s2;
	s0 =	sor.u32 $0x20, s2;
	s31 =	sor.u32 $0x30, s2;
	v0 =	vld [tilespmem:s2+$0x18070]  }
0x5b6: {  	s30 =	sor.u32 $0x40, s2;
	s29 =	sor.u32 $0x50, s2;
	s28 =	sor.u32 $0x60, s2;
	v5 =	vld [tilespmem:s2+$0x18000]  }
0x5b7: {  	v6 =	vld [tilespmem:s2+$0x18010]  }
0x5b8: {  	v4 =	vld [tilespmem:s2+$0x18020]  }
0x5b9: {  	s4 =	sor.u32 $0x70, s2;
	v2 =	vld [tilespmem:s2+$0x18030]  }
0x5ba: {  	[tilespmem:s4+$0x0] =	vst.add.f32.msk $0xffff, v0  }
.Ltmp30:
0x5bb: {  	v3 =	vld [tilespmem:s2+$0x18040];
	(pc) =	sbr.rel @p0 .LBB2_62-.Ltmp30, $4  }
0x5bc: {  	v0 =	vld [tilespmem:s2+$0x18050]  }
0x5bd: {  	v1 =	vld [tilespmem:s2+$0x18060]  }
0x5be: {  	[tilespmem:s2+$0x0] =	vst.add.f32.msk $0xffff, v5  }
0x5bf: {  	[tilespmem:s3+$0x0] =	vst.add.f32.msk $0xffff, v6  }
0x5c0: {  	[tilespmem:s0+$0x0] =	vst.add.f32.msk $0xffff, v4  }
0x5c1: {  	[tilespmem:s31+$0x0] =	vst.add.f32.msk $0xffff, v2  }
0x5c2: {  	[tilespmem:s30+$0x0] =	vst.add.f32.msk $0xffff, v3  }
0x5c3: {  	[tilespmem:s29+$0x0] =	vst.add.f32.msk $0xffff, v0  }
0x5c4: {  	s25 =	simm.s32 $0x0;
	[tilespmem:s28+$0x0] =	vst.add.f32.msk $0xffff, v1  }
0x5c5: {  	[hbm4b:s12+s25] =	stream.linear.scatter [tilespmem:s25], [sflag:$0x2], $0x4000, $0x38;
	[tilespmem:$0x1C000] =	vst v63  }
0x5c6: {  	_ =	swait.ge [sflag:s20], $0x4000  }
0x5c7: {  	s3 =	simm.s32 $0x0;
	[sflag:s20] =	ssyncset.done $0x0  }
0x5c8: {  	s0 =	sand.u32 $0x2000, s3;
	[sflag:s20] =	ssyncadd.s32 $0xFFFFC000  }
0x5c9: {  	s2 =	sand.u32 $0x1C00, s25;
	s3 =	simm.s32 $0x0;
	_ =	swait.ge [sflag:s23], $0x4000  }
0x5ca: {  	s0 =	sor.u32 s2, s0;
	s4 =	sand.u32 $0x380, s3;
	[sflag:s23] =	ssyncset.done $0x0  }
0x5cb: {  	s2 =	sor.u32 s4, s0;
	[sflag:s23] =	ssyncadd.s32 $0xFFFFC000  }
0x5cc: {  	v0 =	vld [tilespmem:s2+$0x18070]  }
0x5cd: {  	v5 =	vld [tilespmem:s2+$0x18000]  }
0x5ce: {  	v6 =	vld [tilespmem:s2+$0x18010]  }
0x5cf: {  	v4 =	vld [tilespmem:s2+$0x18020]  }
0x5d0: {  	v1 =	vld [tilespmem:s2+$0x18030]  }
0x5d1: {  	v3 =	vld [tilespmem:s2+$0x18040]  }
0x5d2: {  	s0 =	sor.u32 $0x4070, s2;
	v2 =	vld [tilespmem:s2+$0x18060]  }
0x5d3: {  	[tilespmem:s0+$0x0] =	vst.add.f32.msk $0xffff, v0  }
0x5d4: {  	s26 =	simm.s32 $0x0;
	s5 =	sor.u32 $0x4000, s2;
	v0 =	vld [tilespmem:s2+$0x18050]  }
0x5d5: {  	s4 =	sor.u32 $0x4010, s2;
	s31 =	sor.u32 $0x4030, s2;
	s30 =	sor.u32 $0x4040, s2;
	[tilespmem:s5+$0x0] =	vst.add.f32.msk $0xffff, v5  }
0x5d6: {  	s28 =	sor.u32 $0x4050, s2;
	s29 =	sor.u32 $0x4060, s2;
	s0 =	sor.u32 $0x4020, s2;
	[tilespmem:s4+$0x0] =	vst.add.f32.msk $0xffff, v6  }
.LBB2_64:
0x5d7: {  	s26 =	sadd.s32 $0x8, s26;
	[tilespmem:s0+$0x0] =	vst.add.f32.msk $0xffff, v4  }
0x5d8: {  	s25 =	sadd.s32 $0x400, s25;
	s0 =	sshll.u32 s26, $0x4;
	p0 =	slt.u32 s26, $0x3F8;
	[tilespmem:s31+$0x0] =	vst.add.f32.msk $0xffff, v1  }
0x5d9: {  	s2 =	sand.u32 $0x1C00, s25;
	s3 =	sshll.u32 s26, $0x1;
	s0 =	sand.u32 $0x2000, s0;
	[tilespmem:s30+$0x0] =	vst.add.f32.msk $0xffff, v3  }
0x5da: {  	s0 =	sor.u32 s2, s0;
	s2 =	sand.u32 $0x380, s3;
	[tilespmem:s28+$0x0] =	vst.add.f32.msk $0xffff, v0  }
0x5db: {  	s2 =	sor.u32 s2, s0;
	[tilespmem:s29+$0x0] =	vst.add.f32.msk $0xffff, v2  }
0x5dc: {  	s3 =	sor.u32 $0x4000, s2;
	s4 =	sor.u32 $0x4010, s2;
	s0 =	sor.u32 $0x4020, s2;
	v0 =	vld [tilespmem:s2+$0x18070]  }
0x5dd: {  	s31 =	sor.u32 $0x4030, s2;
	s30 =	sor.u32 $0x4040, s2;
	s28 =	sor.u32 $0x4050, s2;
	v5 =	vld [tilespmem:s2+$0x18000]  }
0x5de: {  	s29 =	sor.u32 $0x4060, s2;
	v6 =	vld [tilespmem:s2+$0x18010]  }
0x5df: {  	v4 =	vld [tilespmem:s2+$0x18020]  }
0x5e0: {  	s5 =	sor.u32 $0x4070, s2;
	v1 =	vld [tilespmem:s2+$0x18030]  }
0x5e1: {  	[tilespmem:s5+$0x0] =	vst.add.f32.msk $0xffff, v0  }
.Ltmp31:
0x5e2: {  	v3 =	vld [tilespmem:s2+$0x18040];
	(pc) =	sbr.rel @p0 .LBB2_64-.Ltmp31, $4  }
0x5e3: {  	v0 =	vld [tilespmem:s2+$0x18050]  }
0x5e4: {  	v2 =	vld [tilespmem:s2+$0x18060]  }
0x5e5: {  	[tilespmem:s3+$0x0] =	vst.add.f32.msk $0xffff, v5  }
0x5e6: {  	[tilespmem:s4+$0x0] =	vst.add.f32.msk $0xffff, v6  }
0x5e7: {  	[tilespmem:s0+$0x0] =	vst.add.f32.msk $0xffff, v4  }
0x5e8: {  	[tilespmem:s31+$0x0] =	vst.add.f32.msk $0xffff, v1  }
0x5e9: {  	[tilespmem:s30+$0x0] =	vst.add.f32.msk $0xffff, v3  }
0x5ea: {  	[tilespmem:s28+$0x0] =	vst.add.f32.msk $0xffff, v0  }
0x5eb: {  	s24 =	sadd.s32 $0x1, s24;
	[tilespmem:s29+$0x0] =	vst.add.f32.msk $0xffff, v2  }
0x5ec: {  	[hbm4b:s13+s1] =	stream.linear.scatter [tilespmem:s16], [sflag:$0x2], $0x4000, $0x38;
	[tilespmem:$0x1C000] =	vst v63  }
0x5ed: {  	p0 =	sne.s32 s24, s14;
	_ =	swait.ge [sflag:s23], $0x4000  }
.Ltmp32:
0x5ee: {  	[sflag:s23] =	ssyncset.done $0x0;
	(pc) =	sbr.rel @p0 .LBB2_1-.Ltmp32, $4  }
0x5ef: {  	[sflag:s23] =	ssyncadd.s32 $0xFFFFC000  }
0x5f0: {  	_ =	swait.ge [sflag:s23], $0x4000  }
0x5f1: {  	[sflag:s23] =	ssyncset.done $0x0  }
0x5f2: {  	[sflag:s23] =	ssyncadd.s32 $0xFFFFC000  }
0x5f3: {  	_ =	sfence.sel $0x180000  }
0x5f4: {  	[bflag:$0x0] =	sbarrier.arrive $0xFFFF  }
0x5f5: {  	_ =	strace $0x90000047  }
0x5f6: {  	s0 =	stileid.u32;
	[bflag:$0x2] =	sbarrier.arrive $0xFFFF  }
0x5f7: {  	p0 =	sne.s32 s0, $0x0;
	s0 =	rddreg [dreg:$0x3]  }
0x5f8: {  	s0 =	sadd.s32 @!p0 $0x100000, s0  }
0x5f9: {  	[sflag:s0] =	ssyncadd.tile.s32 @!p0 $0x1;
	_ =	shalt  }
.Lfunc_end2:
_tile_overlayer_lowered:
.L_overlay_start_2:
0x5fa: {  	(tag) =	ssettag $0x2  }
0x5fb: {  	s0 =	rddreg [dreg:$0x0];
	s2 =	stileid.u32  }
0x5fc: {  	s1 =	rddreg [dreg:$0x1];
	p0 =	sne.s32 s2, $0x0  }
0x5fd: {  	s3 =	rddreg [dreg:$0x2];
	[bflag:$0x3] =	sbarrier.arrive $0xFFFF;
	s2 =	simm.s32 @!p0 $0x1C04  }
0x5fe: {  	[timem:s3], [sflag:s2] =	dma.local @!p0 [hbm:s0], s1  }
0x5ff: {  	s0 =	simm.s32 @!p0 $0x4  }
0x600: {  	_ =	swait.ge @!p0 [sflag:s0], s1  }
0x601: {  	s1 =	ssub.s32 @!p0 $0x0, s1;
	[sflag:s0] =	ssyncset.done @!p0 $0x0  }
0x602: {  	[sflag:s0] =	ssyncadd.s32 @!p0 s1  }
0x603: {  	[bflag:$0x3] =	sbarrier.arrive $0xFFFF  }
0x604: {  	_ =	shalt  }

</sc_bundles>
